<compile_context>
chip_gen: v7x
topology: tpu7x:2x2x1
jax: 0.10.2.dev20260603
libtpu: 0.0.44.dev20260713+nightly
codegen_flags: <defaults>
</compile_context>

<pallas_src>
import jax
import jax.numpy as jnp
from jax import lax
from jax.experimental import pallas as pl
from jax.experimental.pallas import tpu as pltpu
from jax.experimental.pallas import tpu_sc as plsc

B = 2
D_MODEL = 256
N_HEADS = 8
N_LEVELS = 4
N_POINTS = 4
D_PH = D_MODEL // N_HEADS
LEVEL_SHAPES = ((64, 64), (32, 32), (16, 16), (8, 8))
STARTS = (0, 4096, 5120, 5376)
LIN = 5440
LQ = 5440
NCOL = N_HEADS * N_LEVELS * N_POINTS
NTERM = 4 * NCOL

LB = 544

import numpy as _np
_CH_PERM = _np.concatenate([_np.arange(0, 32, 2), _np.arange(1, 32, 2)])


def _prep_body(q_ref, inf_ref, rp_ref, wv_ref, bv_ref, woff_ref, boff_ref,
               wa_ref, ba_ref, val_ref, idx_ref, w_ref):
    b = pl.program_id(0)
    q = q_ref[0]
    inf = inf_ref[0]
    f32 = jnp.float32
    val_ref[0] = (jnp.dot(inf, wv_ref[...], preferred_element_type=f32) + bv_ref[...]).astype(jnp.bfloat16)

    offxy = jnp.dot(q, woff_ref[...], preferred_element_type=f32) + boff_ref[...]
    offx = offxy[:, :NCOL]
    offy = offxy[:, NCOL:]

    logits = jnp.dot(q, wa_ref[...], preferred_element_type=f32) + ba_ref[...]
    lg = logits.reshape(LB, N_HEADS, N_LEVELS * N_POINTS)
    m = jnp.max(lg, axis=-1, keepdims=True)
    e = jnp.exp(lg - m)
    aw = (e / jnp.sum(e, axis=-1, keepdims=True)).reshape(LB, NCOL)

    c1 = lax.broadcasted_iota(jnp.int32, (1, NCOL), 1)
    lc = (c1 // N_POINTS) % N_LEVELS
    hc = c1 // (N_LEVELS * N_POINTS)
    wci = 64 >> lc
    wcf = wci.astype(f32)
    sc = jnp.where(lc == 0, 0, jnp.where(lc == 1, 4096, jnp.where(lc == 2, 5120, 5376)))

    rows8 = lax.broadcasted_iota(jnp.int32, (8, NCOL), 0)
    lcol8 = (lax.broadcasted_iota(jnp.int32, (8, NCOL), 1) // N_POINTS) % N_LEVELS
    sx = (rows8 == 2 * lcol8).astype(f32)
    sy = (rows8 == 2 * lcol8 + 1).astype(f32)
    rp = rp_ref[0]
    refx = jnp.dot(rp, sx, preferred_element_type=f32, precision=jax.lax.Precision.HIGHEST)
    refy = jnp.dot(rp, sy, preferred_element_type=f32, precision=jax.lax.Precision.HIGHEST)

    ix = refx * wcf + offx - 0.5
    iy = refy * wcf + offy - 0.5
    x0 = jnp.floor(ix)
    y0 = jnp.floor(iy)
    fx = ix - x0
    fy = iy - y0

    idx_parts = []
    w_parts = []
    for corner in range(4):
        dx = corner & 1
        dy = corner >> 1
        cx = x0 + dx
        cy = y0 + dy
        wx = fx if dx else 1.0 - fx
        wy = fy if dy else 1.0 - fy
        valid = (cx >= 0) & (cx <= wcf - 1) & (cy >= 0) & (cy <= wcf - 1)
        wgt = aw * wx * wy * jnp.where(valid, 1.0, 0.0)
        xi = jnp.clip(cx, 0.0, wcf - 1).astype(jnp.int32)
        yi = jnp.clip(cy, 0.0, wcf - 1).astype(jnp.int32)
        idx = (b * LIN + sc + yi * wci + xi) * N_HEADS + hc
        idx_parts.append(idx)
        w_parts.append(wgt)
    idx_ref[0] = jnp.concatenate(idx_parts, axis=1)
    w_ref[0] = jnp.concatenate(w_parts, axis=1)


def _prep(query, input_flatten, rp8, wv, bv2, woff_p, boff_p2, wa, ba2):
    nb = LQ // LB
    grid = (B, nb)
    row_spec = lambda n: pl.BlockSpec((1, LB, n), lambda b, i: (b, i, 0))
    full = lambda shape: pl.BlockSpec(shape, lambda b, i: (0,) * len(shape))
    return pl.pallas_call(
        _prep_body,
        grid=grid,
        in_specs=[
            row_spec(D_MODEL),
            row_spec(D_MODEL),
            row_spec(8),
            full((D_MODEL, D_MODEL)),
            full((1, D_MODEL)),
            full((D_MODEL, 2 * NCOL)),
            full((1, 2 * NCOL)),
            full((D_MODEL, NCOL)),
            full((1, NCOL)),
        ],
        out_specs=[
            row_spec(D_MODEL),
            row_spec(NTERM),
            row_spec(NTERM),
        ],
        out_shape=[
            jax.ShapeDtypeStruct((B, LQ, D_MODEL), jnp.bfloat16),
            jax.ShapeDtypeStruct((B, LQ, NTERM), jnp.int32),
            jax.ShapeDtypeStruct((B, LQ, NTERM), jnp.float32),
        ],
    )(query, input_flatten, rp8, wv, bv2, woff_p, boff_p2, wa, ba2)



NC = 2
NS = 16
NW = NC * NS
GROUPS = B * LQ
PER_W = GROUPS // NW
CH = 5
NCHUNK = PER_W // CH


def _sc_body(table_hbm, idx_hbm, w_hbm, out_hbm, idx_v, w_v, data_v, out_v,
             gsem, osem, iosem):
    wid = lax.axis_index("s") * NC + lax.axis_index("c")
    base = wid * PER_W

    def issue_idx(ci, s):
        g0 = base + ci * CH
        pltpu.async_copy(idx_hbm.at[pl.ds(g0 * NTERM, CH * NTERM)], idx_v.at[s],
                         iosem)

    def issue_w(ci, s):
        g0 = base + ci * CH
        pltpu.async_copy(w_hbm.at[pl.ds(g0, CH)], w_v.at[s], iosem)

    def wait_io(s):
        pltpu.make_async_copy(idx_hbm.at[pl.ds(0, CH * NTERM)], idx_v.at[s],
                              iosem).wait()
        pltpu.make_async_copy(w_hbm.at[pl.ds(0, CH)], w_v.at[s], iosem).wait()

    H1 = 3 * NTERM
    H2 = CH * NTERM - H1

    def issue_gathers(s):
        pltpu.async_copy(table_hbm.at[idx_v.at[s, pl.ds(0, H1)]],
                         data_v.at[s, pl.ds(0, H1)], gsem)
        pltpu.async_copy(table_hbm.at[idx_v.at[s, pl.ds(H1, H2)]],
                         data_v.at[s, pl.ds(H1, H2)], gsem)

    def wait_gathers1(s):
        pltpu.make_async_copy(table_hbm.at[idx_v.at[s, pl.ds(0, H1)]],
                              data_v.at[s, pl.ds(0, H1)], gsem).wait()

    def wait_gathers2(s):
        pltpu.make_async_copy(table_hbm.at[idx_v.at[s, pl.ds(H1, H2)]],
                              data_v.at[s, pl.ds(H1, H2)], gsem).wait()

    def drain_out(s):
        pltpu.make_async_copy(out_v.at[s], out_hbm.at[pl.ds(0, CH * N_HEADS)],
                              osem).wait()

    pltpu.sync_copy(idx_hbm.at[pl.ds(base * NTERM, CH * NTERM)], idx_v.at[0])
    pltpu.sync_copy(w_hbm.at[pl.ds(base, CH)], w_v.at[0])
    issue_gathers(0)
    issue_idx(1, 1)
    issue_w(1, 1)

    def chunk_body(ci, carry):
        s = lax.rem(ci, 2)
        g0 = base + ci * CH

        @pl.when(ci + 1 < NCHUNK)
        def _():
            wait_io(1 - s)
            issue_gathers(1 - s)

        wait_gathers1(s)

        @pl.when(ci + 2 < NCHUNK)
        def _():
            issue_idx(ci + 2, s)

        @pl.when(ci >= 2)
        def _():
            drain_out(s)

        def g_h_body(gh, carry2):
            g = gh // N_HEADS
            h = gh % N_HEADS
            acc0 = jnp.zeros((16,), jnp.float32)
            acc1 = jnp.zeros((16,), jnp.float32)
            for corner in range(4):
                w16 = w_v[s, g, pl.ds(corner * NCOL + h * 16, 16)]
                for k in range(16):
                    wv_s = w16[k]
                    row = g * NTERM + corner * NCOL + h * 16 + k
                    d0, d1 = plsc.unpack(data_v[s, row, :],
                                         format=plsc.PackFormat.INTERLEAVED)
                    acc0 = acc0 + wv_s * d0
                    acc1 = acc1 + wv_s * d1
            out_v[s, gh, pl.ds(0, 16)] = acc0
            out_v[s, gh, pl.ds(16, 16)] = acc1
            return carry2

        lax.fori_loop(0, 3 * N_HEADS, g_h_body, 0)
        wait_gathers2(s)
        lax.fori_loop(3 * N_HEADS, CH * N_HEADS, g_h_body, 0)
        pltpu.async_copy(out_v.at[s],
                         out_hbm.at[pl.ds(g0 * N_HEADS, CH * N_HEADS)], osem)

        @pl.when(ci + 2 < NCHUNK)
        def _():
            issue_w(ci + 2, s)

        return carry

    lax.fori_loop(0, NCHUNK, chunk_body, 0)
    drain_out(0)
    drain_out(1)


def _sc_gather(table, idx_flat, w2):
    mesh = plsc.VectorSubcoreMesh(core_axis_name="c", subcore_axis_name="s")
    k = pl.kernel(
        _sc_body,
        out_type=jax.ShapeDtypeStruct((GROUPS * N_HEADS, D_PH), jnp.float32),
        mesh=mesh,
        scratch_types=[
            pltpu.VMEM((2, CH * NTERM), jnp.int32),
            pltpu.VMEM((2, CH, NTERM), jnp.float32),
            pltpu.VMEM((2, CH * NTERM, D_PH), jnp.bfloat16),
            pltpu.VMEM((2, CH * N_HEADS, D_PH), jnp.float32),
            pltpu.SemaphoreType.DMA,
            pltpu.SemaphoreType.DMA,
            pltpu.SemaphoreType.DMA,
        ],
        compiler_params=pltpu.CompilerParams(use_tc_tiling_on_sc=False,
                                             needs_layout_passes=False),
    )
    return k(table, idx_flat, w2)


def _proj_body(x_ref, w_ref, b_ref, o_ref):
    o_ref[...] = (jnp.dot(x_ref[...], w_ref[...],
                          preferred_element_type=jnp.float32) + b_ref[...])


def _out_proj(x, wout, bout2):
    nb = (B * LQ) // LB
    return pl.pallas_call(
        _proj_body,
        grid=(nb,),
        in_specs=[
            pl.BlockSpec((LB, D_MODEL), lambda i: (i, 0)),
            pl.BlockSpec((D_MODEL, D_MODEL), lambda i: (0, 0)),
            pl.BlockSpec((1, D_MODEL), lambda i: (0, 0)),
        ],
        out_specs=pl.BlockSpec((LB, D_MODEL), lambda i: (i, 0)),
        out_shape=jax.ShapeDtypeStruct((B * LQ, D_MODEL), jnp.float32),
    )(x, wout, bout2)


def kernel(query, reference_points, input_flatten, input_spatial_shapes,
           input_level_start_index, Wv, bv, Woff, boff, Wa, ba, Wout, bout):
    del input_spatial_shapes, input_level_start_index
    rp8 = reference_points.reshape(B, LQ, 8)
    woff_p = Woff.reshape(D_MODEL, NCOL, 2).transpose(0, 2, 1).reshape(D_MODEL, 2 * NCOL)
    boff_p = boff.reshape(NCOL, 2).transpose(1, 0).reshape(1, 2 * NCOL)

    value, idx, w = _prep(query, input_flatten, rp8, Wv, bv.reshape(1, -1),
                          woff_p, boff_p, Wa, ba.reshape(1, -1))

    table = value.reshape(B * LIN * N_HEADS, D_PH)
    idx_flat = idx.reshape(GROUPS * NTERM)
    w2 = w.reshape(GROUPS, NTERM)
    sampled = _sc_gather(table, idx_flat, w2)

    ar = jnp.arange(D_MODEL)
    perm = (ar // D_PH) * D_PH + jnp.asarray(_CH_PERM)[ar % D_PH]
    out = _out_proj(sampled.reshape(B * LQ, D_MODEL), Wout[perm], bout.reshape(1, -1))
    return out.reshape(B, LQ, D_MODEL)

# --- scband reference (transcript-rebuilt; emitter-appended) ---
"""Pipeline reference for scband-msdeform-attn-90383291777050 (READ-ONLY COPY).

The authoritative reference and input builder live on the scoring server;
editing this copy changes nothing except your own understanding.
"""

import jax, jax.numpy as jnp
import numpy as np


def _bilinear_grid_sample(im, grid):
    # im: [N, C, H, W]; grid: [N, Hg, Wg, 2] in [-1,1]; bilinear, zeros padding, align_corners=False
    N, C, H, W = im.shape
    x = grid[..., 0]
    y = grid[..., 1]
    ix = ((x + 1.0) * W - 1.0) / 2.0
    iy = ((y + 1.0) * H - 1.0) / 2.0
    ix0 = jnp.floor(ix)
    iy0 = jnp.floor(iy)
    ix1 = ix0 + 1.0
    iy1 = iy0 + 1.0
    wx1 = ix - ix0
    wx0 = 1.0 - wx1
    wy1 = iy - iy0
    wy0 = 1.0 - wy1

    def gather(yy, xx):
        valid = ((xx >= 0.0) & (xx <= W - 1.0) & (yy >= 0.0) & (yy <= H - 1.0)).astype(im.dtype)
        xi = jnp.clip(xx, 0.0, W - 1.0).astype(jnp.int32)
        yi = jnp.clip(yy, 0.0, H - 1.0).astype(jnp.int32)
        vals = jax.vmap(lambda img, yv, xv: img[:, yv, xv])(im, yi, xi)  # [N, C, Hg, Wg]
        return vals * valid[:, None, :, :]

    out = gather(iy0, ix0) * (wy0 * wx0)[:, None]
    out = out + gather(iy0, ix1) * (wy0 * wx1)[:, None]
    out = out + gather(iy1, ix0) * (wy1 * wx0)[:, None]
    out = out + gather(iy1, ix1) * (wy1 * wx1)[:, None]
    return out


def setup_inputs(seed: int = 0):
    key = jax.random.key(seed)
    ks = jax.random.split(key, 12)
    B = 2
    d_model = 256
    shapes = [(64, 64), (32, 32), (16, 16), (8, 8)]
    Lin = sum(h * w for h, w in shapes)  # 5440
    Lq = Lin  # encoder-style deformable self-attention
    inp = {}
    inp["query"] = jax.random.normal(ks[0], (B, Lq, d_model), dtype=jnp.float32)
    inp["reference_points"] = jax.random.uniform(ks[1], (B, Lq, 4, 2), dtype=jnp.float32)
    inp["input_flatten"] = jax.random.normal(ks[2], (B, Lin, d_model), dtype=jnp.float32)
    inp["input_spatial_shapes"] = jnp.array(shapes, dtype=jnp.int32)
    starts = np.concatenate([[0], np.cumsum([h * w for h, w in shapes])[:-1]]).astype(np.int32)
    inp["input_level_start_index"] = jnp.array(starts, dtype=jnp.int32)
    s = 0.02
    inp["Wv"] = jax.random.normal(ks[3], (d_model, d_model), dtype=jnp.float32) * s
    inp["bv"] = jnp.zeros((d_model,), dtype=jnp.float32)
    inp["Woff"] = jax.random.normal(ks[4], (d_model, 8 * 4 * 4 * 2), dtype=jnp.float32) * 0.001
    inp["boff"] = jax.random.normal(ks[5], (8 * 4 * 4 * 2,), dtype=jnp.float32) * 0.5
    inp["Wa"] = jax.random.normal(ks[6], (d_model, 8 * 4 * 4), dtype=jnp.float32) * s
    inp["ba"] = jnp.zeros((8 * 4 * 4,), dtype=jnp.float32)
    inp["Wout"] = jax.random.normal(ks[7], (d_model, d_model), dtype=jnp.float32) * s
    inp["bout"] = jnp.zeros((d_model,), dtype=jnp.float32)
    return inp


def reference(query, reference_points, input_flatten, input_spatial_shapes, input_level_start_index, Wv, bv, Woff, boff, Wa, ba, Wout, bout):
    n_levels = 4
    n_heads = 8
    n_points = 4
    B, Lq, d_model = query.shape
    _, Lin, _ = input_flatten.shape
    d_ph = d_model // n_heads
    level_shapes = [(64, 64), (32, 32), (16, 16), (8, 8)]
    value = (input_flatten @ Wv + bv).reshape(B, Lin, n_heads, d_ph)
    off = (query @ Woff + boff).reshape(B, Lq, n_heads, n_levels, n_points, 2)
    aw = (query @ Wa + ba).reshape(B, Lq, n_heads, n_levels * n_points)
    aw = jax.nn.softmax(aw, axis=-1).reshape(B, Lq, n_heads, n_levels, n_points)
    offset_normalizer = jnp.flip(input_spatial_shapes.astype(jnp.float32), axis=-1)  # [L, 2] (W, H)
    loc = reference_points[:, :, None, :, None, :] + off / offset_normalizer[None, None, None, :, None, :]
    maxH = max(h for h, w in level_shapes)
    maxW = max(w for h, w in level_shapes)
    vp = jnp.zeros((B, n_levels, maxH, maxW, n_heads, d_ph), dtype=value.dtype)
    for lvl in range(n_levels):
        H, W = level_shapes[lvl]
        s0 = input_level_start_index[lvl]
        v_lvl = jax.lax.dynamic_slice_in_dim(value, s0, H * W, axis=1)
        vp = vp.at[:, lvl, :H, :W].set(v_lvl.reshape(B, H, W, n_heads, d_ph))
    vp = jnp.transpose(vp, (0, 1, 4, 5, 2, 3)).reshape(B * n_levels * n_heads, d_ph, maxH, maxW)
    scale = jnp.flip(input_spatial_shapes.astype(jnp.float32), axis=-1)
    padded = jnp.array([maxW, maxH], dtype=jnp.float32)
    loc_scale = (scale / padded)[None, None, None, :, None, :]
    grid = loc * loc_scale * 2.0 - 1.0
    grid = jnp.transpose(grid, (0, 3, 2, 1, 4, 5)).reshape(B * n_levels * n_heads, Lq, n_points, 2)
    sampled = _bilinear_grid_sample(vp, grid)  # [B*L*H, d_ph, Lq, P]
    sampled = sampled.reshape(B, n_levels, n_heads, d_ph, Lq, n_points)
    w = jnp.transpose(aw, (0, 3, 2, 1, 4))[:, :, :, None, :, :]  # [B, L, H, 1, Lq, P]
    out = (sampled * w).sum(axis=(1, 5))  # [B, H, d_ph, Lq]
    out = jnp.transpose(out, (0, 3, 1, 2)).reshape(B, Lq, d_model)
    return out @ Wout + bout

if __name__ == "__main__":
    import jax
    _d = setup_inputs()
    print(jax.jit(kernel)(*tuple(_d.values())))

</pallas_src>

<mosaic_0001>
#map = affine_map<(d0, d1) -> (0, 0)>
#map1 = affine_map<(d0, d1) -> (0)>
module attributes {stable_mosaic.version = 14 : i64} {
  func.func @_sc_body(%arg0: i32, %arg1: i32, %arg2: memref<87040x32xbf16, #tpu.memory_space<hbm>>, %arg3: memref<5570560xi32, #tpu.memory_space<hbm>>, %arg4: memref<10880x512xf32, #tpu.memory_space<hbm>>, %arg5: memref<87040x32xf32, #tpu.memory_space<hbm>>, %arg6: memref<2x2560xi32, #tpu.memory_space<vmem>>, %arg7: memref<2x5x512xf32, #tpu.memory_space<vmem>>, %arg8: memref<2x2560x32xbf16, #tpu.memory_space<vmem>>, %arg9: memref<2x40x32xf32, #tpu.memory_space<vmem>>, %arg10: memref<!tpu.dma_semaphore, #tpu.memory_space<semaphore_mem>>, %arg11: memref<!tpu.dma_semaphore, #tpu.memory_space<semaphore_mem>>, %arg12: memref<!tpu.dma_semaphore, #tpu.memory_space<semaphore_mem>>) attributes {dimension_semantics = [#tpu.dimension_semantics<core_parallel>, #tpu.dimension_semantics<subcore_parallel>], iteration_bounds = array<i64: 2, 16>, scalar_prefetch = 0 : i64, scratch_operands = 7 : i64, tpu.core_type = #tpu.core_type<sc_vector_subcore>, window_params = [{transform_indices = #map}, {transform_indices = #map1}, {transform_indices = #map}, {transform_indices = #map}]} {
    %mul3A = arith.constant 2 : i32
    %mul3A_0 = arith.muli %arg1, %mul3A : i32
    %add3A = arith.addi %mul3A_0, %arg0 : i32
    %mul3A_1 = arith.constant 340 : i32
    %mul3A_2 = arith.muli %add3A, %mul3A_1 : i32
    %mul3A_3 = arith.constant 512 : i32
    %mul3A_4 = arith.muli %mul3A_2, %mul3A_3 : i32
    %run_scoped3A = arith.constant 0 : i32
    "tpu.region"() ({
      %run_scoped3A_91 = tpu.sem_alloc : memref<!tpu.dma_semaphore, #tpu.memory_space<semaphore_mem>>
      %dma_start3A_92 = arith.constant 0 : i32
      %dma_start3A_93 = tpu.memref_slice %arg6[%run_scoped3A, %dma_start3A_92] : memref<2x2560xi32, #tpu.memory_space<vmem>> -> memref<1x2560xi32, #tpu.memory_space<vmem>>
      %dma_start3A_94 = tpu.memref_squeeze %dma_start3A_93 : memref<1x2560xi32, #tpu.memory_space<vmem>> -> memref<2560xi32, #tpu.memory_space<vmem>>
      %dma_start3A_95 = tpu.memref_slice %arg3[%mul3A_4] : memref<5570560xi32, #tpu.memory_space<hbm>> -> memref<2560xi32, #tpu.memory_space<hbm>>
      %dma_start3A_96 = arith.constant 0 : i32
      %dma_start3A_97 = tpu.memref_slice %arg6[%run_scoped3A, %dma_start3A_96] : memref<2x2560xi32, #tpu.memory_space<vmem>> -> memref<1x2560xi32, #tpu.memory_space<vmem>>
      %dma_start3A_98 = tpu.memref_squeeze %dma_start3A_97 : memref<1x2560xi32, #tpu.memory_space<vmem>> -> memref<2560xi32, #tpu.memory_space<vmem>>
      %dma_start3A_99 = tpu.memref_slice %arg3[%mul3A_4] : memref<5570560xi32, #tpu.memory_space<hbm>> -> memref<2560xi32, #tpu.memory_space<hbm>>
      tpu.enqueue_dma source(%dma_start3A_99 : memref<2560xi32, #tpu.memory_space<hbm>>) target(%dma_start3A_98 : memref<2560xi32, #tpu.memory_space<vmem>>) target_semaphore(%run_scoped3A_91 : memref<!tpu.dma_semaphore, #tpu.memory_space<semaphore_mem>>)
      %dma_wait3A_100 = arith.constant 0 : i32
      %dma_wait3A_101 = tpu.memref_slice %arg6[%run_scoped3A, %dma_wait3A_100] : memref<2x2560xi32, #tpu.memory_space<vmem>> -> memref<1x2560xi32, #tpu.memory_space<vmem>>
      %dma_wait3A_102 = tpu.memref_squeeze %dma_wait3A_101 : memref<1x2560xi32, #tpu.memory_space<vmem>> -> memref<2560xi32, #tpu.memory_space<vmem>>
      %dma_wait3A_103 = tpu.memref_slice %arg3[%mul3A_4] : memref<5570560xi32, #tpu.memory_space<hbm>> -> memref<2560xi32, #tpu.memory_space<hbm>>
      %dma_wait3A_104 = arith.constant 0 : i32
      %dma_wait3A_105 = tpu.memref_slice %arg6[%run_scoped3A, %dma_wait3A_104] : memref<2x2560xi32, #tpu.memory_space<vmem>> -> memref<1x2560xi32, #tpu.memory_space<vmem>>
      %dma_wait3A_106 = tpu.memref_squeeze %dma_wait3A_105 : memref<1x2560xi32, #tpu.memory_space<vmem>> -> memref<2560xi32, #tpu.memory_space<vmem>>
      %dma_wait3A_107 = tpu.memref_slice %arg3[%mul3A_4] : memref<5570560xi32, #tpu.memory_space<hbm>> -> memref<2560xi32, #tpu.memory_space<hbm>>
      tpu.wait_dma2 semaphore(%run_scoped3A_91 : memref<!tpu.dma_semaphore, #tpu.memory_space<semaphore_mem>>) src(%dma_wait3A_107 : memref<2560xi32, #tpu.memory_space<hbm>>) dst(%dma_wait3A_106 : memref<2560xi32, #tpu.memory_space<vmem>>)
      tpu.yield
    }) : () -> ()
    %run_scoped3A_5 = arith.constant 0 : i32
    "tpu.region"() ({
      %run_scoped3A_91 = tpu.sem_alloc : memref<!tpu.dma_semaphore, #tpu.memory_space<semaphore_mem>>
      %dma_start3A_92 = arith.constant 0 : i32
      %dma_start3A_93 = arith.constant 0 : i32
      %dma_start3A_94 = tpu.memref_slice %arg7[%run_scoped3A_5, %dma_start3A_92, %dma_start3A_93] : memref<2x5x512xf32, #tpu.memory_space<vmem>> -> memref<1x5x512xf32, #tpu.memory_space<vmem>>
      %dma_start3A_95 = tpu.memref_squeeze %dma_start3A_94 : memref<1x5x512xf32, #tpu.memory_space<vmem>> -> memref<5x512xf32, #tpu.memory_space<vmem>>
      %dma_start3A_96 = arith.constant 0 : i32
      %dma_start3A_97 = tpu.memref_slice %arg4[%mul3A_2, %dma_start3A_96] : memref<10880x512xf32, #tpu.memory_space<hbm>> -> memref<5x512xf32, #tpu.memory_space<hbm>>
      %dma_start3A_98 = arith.constant 0 : i32
      %dma_start3A_99 = arith.constant 0 : i32
      %dma_start3A_100 = tpu.memref_slice %arg7[%run_scoped3A_5, %dma_start3A_98, %dma_start3A_99] : memref<2x5x512xf32, #tpu.memory_space<vmem>> -> memref<1x5x512xf32, #tpu.memory_space<vmem>>
      %dma_start3A_101 = tpu.memref_squeeze %dma_start3A_100 : memref<1x5x512xf32, #tpu.memory_space<vmem>> -> memref<5x512xf32, #tpu.memory_space<vmem>>
      %dma_start3A_102 = arith.constant 0 : i32
      %dma_start3A_103 = tpu.memref_slice %arg4[%mul3A_2, %dma_start3A_102] : memref<10880x512xf32, #tpu.memory_space<hbm>> -> memref<5x512xf32, #tpu.memory_space<hbm>>
      tpu.enqueue_dma source(%dma_start3A_103 : memref<5x512xf32, #tpu.memory_space<hbm>>) target(%dma_start3A_101 : memref<5x512xf32, #tpu.memory_space<vmem>>) target_semaphore(%run_scoped3A_91 : memref<!tpu.dma_semaphore, #tpu.memory_space<semaphore_mem>>)
      %dma_wait3A_104 = arith.constant 0 : i32
      %dma_wait3A_105 = arith.constant 0 : i32
      %dma_wait3A_106 = tpu.memref_slice %arg7[%run_scoped3A_5, %dma_wait3A_104, %dma_wait3A_105] : memref<2x5x512xf32, #tpu.memory_space<vmem>> -> memref<1x5x512xf32, #tpu.memory_space<vmem>>
      %dma_wait3A_107 = tpu.memref_squeeze %dma_wait3A_106 : memref<1x5x512xf32, #tpu.memory_space<vmem>> -> memref<5x512xf32, #tpu.memory_space<vmem>>
      %dma_wait3A_108 = arith.constant 0 : i32
      %dma_wait3A_109 = tpu.memref_slice %arg4[%mul3A_2, %dma_wait3A_108] : memref<10880x512xf32, #tpu.memory_space<hbm>> -> memref<5x512xf32, #tpu.memory_space<hbm>>
      %dma_wait3A_110 = arith.constant 0 : i32
      %dma_wait3A_111 = arith.constant 0 : i32
      %dma_wait3A_112 = tpu.memref_slice %arg7[%run_scoped3A_5, %dma_wait3A_110, %dma_wait3A_111] : memref<2x5x512xf32, #tpu.memory_space<vmem>> -> memref<1x5x512xf32, #tpu.memory_space<vmem>>
      %dma_wait3A_113 = tpu.memref_squeeze %dma_wait3A_112 : memref<1x5x512xf32, #tpu.memory_space<vmem>> -> memref<5x512xf32, #tpu.memory_space<vmem>>
      %dma_wait3A_114 = arith.constant 0 : i32
      %dma_wait3A_115 = tpu.memref_slice %arg4[%mul3A_2, %dma_wait3A_114] : memref<10880x512xf32, #tpu.memory_space<hbm>> -> memref<5x512xf32, #tpu.memory_space<hbm>>
      tpu.wait_dma2 semaphore(%run_scoped3A_91 : memref<!tpu.dma_semaphore, #tpu.memory_space<semaphore_mem>>) src(%dma_wait3A_115 : memref<5x512xf32, #tpu.memory_space<hbm>>) dst(%dma_wait3A_113 : memref<5x512xf32, #tpu.memory_space<vmem>>)
      tpu.yield
    }) : () -> ()
    %dma_start3A = arith.constant 0 : i32
    %dma_start3A_6 = arith.constant 0 : i32
    %dma_start3A_7 = arith.constant 0 : i32
    %dma_start3A_8 = arith.constant 0 : i32
    %dma_start3A_9 = tpu.memref_slice %arg8[%dma_start3A_6, %dma_start3A_7, %dma_start3A_8] : memref<2x2560x32xbf16, #tpu.memory_space<vmem>> -> memref<1x1536x32xbf16, #tpu.memory_space<vmem>>
    %dma_start3A_10 = tpu.memref_squeeze %dma_start3A_9 : memref<1x1536x32xbf16, #tpu.memory_space<vmem>> -> memref<1536x32xbf16, #tpu.memory_space<vmem>>
    %dma_start3A_11 = arith.constant 0 : i32
    %dma_start3A_12 = tpu.memref_slice %arg6[%dma_start3A, %dma_start3A_11] : memref<2x2560xi32, #tpu.memory_space<vmem>> -> memref<1x1536xi32, #tpu.memory_space<vmem>>
    %dma_start3A_13 = tpu.memref_squeeze %dma_start3A_12 : memref<1x1536xi32, #tpu.memory_space<vmem>> -> memref<1536xi32, #tpu.memory_space<vmem>>
    %dma_start3A_14 = arith.constant 0 : i32
    %dma_start3A_15 = arith.constant 0 : i32
    %dma_start3A_16 = tpu.memref_slice %arg2[%dma_start3A_14, %dma_start3A_15] : memref<87040x32xbf16, #tpu.memory_space<hbm>> -> memref<87040x32xbf16, #tpu.memory_space<hbm>>
    tpu.enqueue_indirect_dma source(%dma_start3A_16 : memref<87040x32xbf16, #tpu.memory_space<hbm>>) target(%dma_start3A_10 : memref<1536x32xbf16, #tpu.memory_space<vmem>>) offsets(%dma_start3A_13 : memref<1536xi32, #tpu.memory_space<vmem>>) semaphore(%arg10 : memref<!tpu.dma_semaphore, #tpu.memory_space<semaphore_mem>>)
    %dma_start3A_17 = arith.constant 0 : i32
    %dma_start3A_18 = arith.constant 0 : i32
    %dma_start3A_19 = arith.constant 1536 : i32
    %dma_start3A_20 = arith.constant 0 : i32
    %dma_start3A_21 = tpu.memref_slice %arg8[%dma_start3A_18, %dma_start3A_19, %dma_start3A_20] : memref<2x2560x32xbf16, #tpu.memory_space<vmem>> -> memref<1x1024x32xbf16, #tpu.memory_space<vmem>>
    %dma_start3A_22 = tpu.memref_squeeze %dma_start3A_21 : memref<1x1024x32xbf16, #tpu.memory_space<vmem>> -> memref<1024x32xbf16, #tpu.memory_space<vmem>>
    %dma_start3A_23 = arith.constant 1536 : i32
    %dma_start3A_24 = tpu.memref_slice %arg6[%dma_start3A_17, %dma_start3A_23] : memref<2x2560xi32, #tpu.memory_space<vmem>> -> memref<1x1024xi32, #tpu.memory_space<vmem>>
    %dma_start3A_25 = tpu.memref_squeeze %dma_start3A_24 : memref<1x1024xi32, #tpu.memory_space<vmem>> -> memref<1024xi32, #tpu.memory_space<vmem>>
    %dma_start3A_26 = arith.constant 0 : i32
    %dma_start3A_27 = arith.constant 0 : i32
    %dma_start3A_28 = tpu.memref_slice %arg2[%dma_start3A_26, %dma_start3A_27] : memref<87040x32xbf16, #tpu.memory_space<hbm>> -> memref<87040x32xbf16, #tpu.memory_space<hbm>>
    tpu.enqueue_indirect_dma source(%dma_start3A_28 : memref<87040x32xbf16, #tpu.memory_space<hbm>>) target(%dma_start3A_22 : memref<1024x32xbf16, #tpu.memory_space<vmem>>) offsets(%dma_start3A_25 : memref<1024xi32, #tpu.memory_space<vmem>>) semaphore(%arg10 : memref<!tpu.dma_semaphore, #tpu.memory_space<semaphore_mem>>)
    %add3A_29 = arith.constant 5 : i32
    %add3A_30 = arith.addi %mul3A_2, %add3A_29 : i32
    %mul3A_31 = arith.constant 512 : i32
    %mul3A_32 = arith.muli %add3A_30, %mul3A_31 : i32
    %dma_start3A_33 = arith.constant 1 : i32
    %dma_start3A_34 = arith.constant 0 : i32
    %dma_start3A_35 = tpu.memref_slice %arg6[%dma_start3A_33, %dma_start3A_34] : memref<2x2560xi32, #tpu.memory_space<vmem>> -> memref<1x2560xi32, #tpu.memory_space<vmem>>
    %dma_start3A_36 = tpu.memref_squeeze %dma_start3A_35 : memref<1x2560xi32, #tpu.memory_space<vmem>> -> memref<2560xi32, #tpu.memory_space<vmem>>
    %dma_start3A_37 = tpu.memref_slice %arg3[%mul3A_32] : memref<5570560xi32, #tpu.memory_space<hbm>> -> memref<2560xi32, #tpu.memory_space<hbm>>
    %dma_start3A_38 = arith.constant 0 : i32
    %dma_start3A_39 = tpu.memref_slice %arg6[%dma_start3A_33, %dma_start3A_38] : memref<2x2560xi32, #tpu.memory_space<vmem>> -> memref<1x2560xi32, #tpu.memory_space<vmem>>
    %dma_start3A_40 = tpu.memref_squeeze %dma_start3A_39 : memref<1x2560xi32, #tpu.memory_space<vmem>> -> memref<2560xi32, #tpu.memory_space<vmem>>
    %dma_start3A_41 = tpu.memref_slice %arg3[%mul3A_32] : memref<5570560xi32, #tpu.memory_space<hbm>> -> memref<2560xi32, #tpu.memory_space<hbm>>
    tpu.enqueue_dma source(%dma_start3A_41 : memref<2560xi32, #tpu.memory_space<hbm>>) target(%dma_start3A_40 : memref<2560xi32, #tpu.memory_space<vmem>>) target_semaphore(%arg12 : memref<!tpu.dma_semaphore, #tpu.memory_space<semaphore_mem>>)
    %add3A_42 = arith.constant 5 : i32
    %add3A_43 = arith.addi %mul3A_2, %add3A_42 : i32
    %dma_start3A_44 = arith.constant 1 : i32
    %dma_start3A_45 = arith.constant 0 : i32
    %dma_start3A_46 = arith.constant 0 : i32
    %dma_start3A_47 = tpu.memref_slice %arg7[%dma_start3A_44, %dma_start3A_45, %dma_start3A_46] : memref<2x5x512xf32, #tpu.memory_space<vmem>> -> memref<1x5x512xf32, #tpu.memory_space<vmem>>
    %dma_start3A_48 = tpu.memref_squeeze %dma_start3A_47 : memref<1x5x512xf32, #tpu.memory_space<vmem>> -> memref<5x512xf32, #tpu.memory_space<vmem>>
    %dma_start3A_49 = arith.constant 0 : i32
    %dma_start3A_50 = tpu.memref_slice %arg4[%add3A_43, %dma_start3A_49] : memref<10880x512xf32, #tpu.memory_space<hbm>> -> memref<5x512xf32, #tpu.memory_space<hbm>>
    %dma_start3A_51 = arith.constant 0 : i32
    %dma_start3A_52 = arith.constant 0 : i32
    %dma_start3A_53 = tpu.memref_slice %arg7[%dma_start3A_44, %dma_start3A_51, %dma_start3A_52] : memref<2x5x512xf32, #tpu.memory_space<vmem>> -> memref<1x5x512xf32, #tpu.memory_space<vmem>>
    %dma_start3A_54 = tpu.memref_squeeze %dma_start3A_53 : memref<1x5x512xf32, #tpu.memory_space<vmem>> -> memref<5x512xf32, #tpu.memory_space<vmem>>
    %dma_start3A_55 = arith.constant 0 : i32
    %dma_start3A_56 = tpu.memref_slice %arg4[%add3A_43, %dma_start3A_55] : memref<10880x512xf32, #tpu.memory_space<hbm>> -> memref<5x512xf32, #tpu.memory_space<hbm>>
    tpu.enqueue_dma source(%dma_start3A_56 : memref<5x512xf32, #tpu.memory_space<hbm>>) target(%dma_start3A_54 : memref<5x512xf32, #tpu.memory_space<vmem>>) target_semaphore(%arg12 : memref<!tpu.dma_semaphore, #tpu.memory_space<semaphore_mem>>)
    %scan3A = arith.constant 0 : i32
    %scan3A_57 = arith.constant 0 : i32
    %scan3A_58 = arith.constant 68 : i32
    %scan3A_59 = arith.addi %scan3A_57, %scan3A_58 : i32
    %scan3A_60 = arith.constant 1 : i32
    scf.for %scan3A_91 = %scan3A_57 to %scan3A_59 step %scan3A_60  : i32 {
      %rem3A = arith.constant 2 : i32
      %rem3A_92 = arith.remsi %scan3A_91, %rem3A : i32
      %mul3A_93 = arith.constant 5 : i32
      %mul3A_94 = arith.muli %scan3A_91, %mul3A_93 : i32
      %add3A_95 = arith.addi %mul3A_2, %mul3A_94 : i32
      %add3A_96 = arith.constant 1 : i32
      %add3A_97 = arith.addi %scan3A_91, %add3A_96 : i32
      %lt3A = arith.constant 68 : i32
      %lt3A_98 = arith.cmpi slt, %add3A_97, %lt3A : i32
      %convert_element_type3A = arith.extui %lt3A_98 : i1 to i32
      %cond3A = arith.constant 0 : i32
      %cond3A_99 = arith.cmpi ne, %convert_element_type3A, %cond3A : i32
      scf.if %cond3A_99 {
        %sub3A = arith.constant 1 : i32
        %sub3A_164 = arith.subi %sub3A, %rem3A_92 : i32
        %dma_wait3A_165 = arith.constant 0 : i32
        %dma_wait3A_166 = tpu.memref_slice %arg6[%sub3A_164, %dma_wait3A_165] : memref<2x2560xi32, #tpu.memory_space<vmem>> -> memref<1x2560xi32, #tpu.memory_space<vmem>>
        %dma_wait3A_167 = tpu.memref_squeeze %dma_wait3A_166 : memref<1x2560xi32, #tpu.memory_space<vmem>> -> memref<2560xi32, #tpu.memory_space<vmem>>
        %dma_wait3A_168 = arith.constant 0 : i32
        %dma_wait3A_169 = tpu.memref_slice %arg3[%dma_wait3A_168] : memref<5570560xi32, #tpu.memory_space<hbm>> -> memref<2560xi32, #tpu.memory_space<hbm>>
        %dma_wait3A_170 = arith.constant 0 : i32
        %dma_wait3A_171 = tpu.memref_slice %arg6[%sub3A_164, %dma_wait3A_170] : memref<2x2560xi32, #tpu.memory_space<vmem>> -> memref<1x2560xi32, #tpu.memory_space<vmem>>
        %dma_wait3A_172 = tpu.memref_squeeze %dma_wait3A_171 : memref<1x2560xi32, #tpu.memory_space<vmem>> -> memref<2560xi32, #tpu.memory_space<vmem>>
        %dma_wait3A_173 = arith.constant 0 : i32
        %dma_wait3A_174 = tpu.memref_slice %arg3[%dma_wait3A_173] : memref<5570560xi32, #tpu.memory_space<hbm>> -> memref<2560xi32, #tpu.memory_space<hbm>>
        tpu.wait_dma2 semaphore(%arg12 : memref<!tpu.dma_semaphore, #tpu.memory_space<semaphore_mem>>) src(%dma_wait3A_174 : memref<2560xi32, #tpu.memory_space<hbm>>) dst(%dma_wait3A_172 : memref<2560xi32, #tpu.memory_space<vmem>>)
        %dma_wait3A_175 = arith.constant 0 : i32
        %dma_wait3A_176 = arith.constant 0 : i32
        %dma_wait3A_177 = tpu.memref_slice %arg7[%sub3A_164, %dma_wait3A_175, %dma_wait3A_176] : memref<2x5x512xf32, #tpu.memory_space<vmem>> -> memref<1x5x512xf32, #tpu.memory_space<vmem>>
        %dma_wait3A_178 = tpu.memref_squeeze %dma_wait3A_177 : memref<1x5x512xf32, #tpu.memory_space<vmem>> -> memref<5x512xf32, #tpu.memory_space<vmem>>
        %dma_wait3A_179 = arith.constant 0 : i32
        %dma_wait3A_180 = arith.constant 0 : i32
        %dma_wait3A_181 = tpu.memref_slice %arg4[%dma_wait3A_179, %dma_wait3A_180] : memref<10880x512xf32, #tpu.memory_space<hbm>> -> memref<5x512xf32, #tpu.memory_space<hbm>>
        %dma_wait3A_182 = arith.constant 0 : i32
        %dma_wait3A_183 = arith.constant 0 : i32
        %dma_wait3A_184 = tpu.memref_slice %arg7[%sub3A_164, %dma_wait3A_182, %dma_wait3A_183] : memref<2x5x512xf32, #tpu.memory_space<vmem>> -> memref<1x5x512xf32, #tpu.memory_space<vmem>>
        %dma_wait3A_185 = tpu.memref_squeeze %dma_wait3A_184 : memref<1x5x512xf32, #tpu.memory_space<vmem>> -> memref<5x512xf32, #tpu.memory_space<vmem>>
        %dma_wait3A_186 = arith.constant 0 : i32
        %dma_wait3A_187 = arith.constant 0 : i32
        %dma_wait3A_188 = tpu.memref_slice %arg4[%dma_wait3A_186, %dma_wait3A_187] : memref<10880x512xf32, #tpu.memory_space<hbm>> -> memref<5x512xf32, #tpu.memory_space<hbm>>
        tpu.wait_dma2 semaphore(%arg12 : memref<!tpu.dma_semaphore, #tpu.memory_space<semaphore_mem>>) src(%dma_wait3A_188 : memref<5x512xf32, #tpu.memory_space<hbm>>) dst(%dma_wait3A_185 : memref<5x512xf32, #tpu.memory_space<vmem>>)
        %sub3A_189 = arith.constant 1 : i32
        %sub3A_190 = arith.subi %sub3A_189, %rem3A_92 : i32
        %dma_start3A_191 = arith.constant 0 : i32
        %dma_start3A_192 = arith.constant 0 : i32
        %dma_start3A_193 = tpu.memref_slice %arg8[%sub3A_190, %dma_start3A_191, %dma_start3A_192] : memref<2x2560x32xbf16, #tpu.memory_space<vmem>> -> memref<1x1536x32xbf16, #tpu.memory_space<vmem>>
        %dma_start3A_194 = tpu.memref_squeeze %dma_start3A_193 : memref<1x1536x32xbf16, #tpu.memory_space<vmem>> -> memref<1536x32xbf16, #tpu.memory_space<vmem>>
        %dma_start3A_195 = arith.constant 0 : i32
        %dma_start3A_196 = tpu.memref_slice %arg6[%sub3A_190, %dma_start3A_195] : memref<2x2560xi32, #tpu.memory_space<vmem>> -> memref<1x1536xi32, #tpu.memory_space<vmem>>
        %dma_start3A_197 = tpu.memref_squeeze %dma_start3A_196 : memref<1x1536xi32, #tpu.memory_space<vmem>> -> memref<1536xi32, #tpu.memory_space<vmem>>
        %dma_start3A_198 = arith.constant 0 : i32
        %dma_start3A_199 = arith.constant 0 : i32
        %dma_start3A_200 = tpu.memref_slice %arg2[%dma_start3A_198, %dma_start3A_199] : memref<87040x32xbf16, #tpu.memory_space<hbm>> -> memref<87040x32xbf16, #tpu.memory_space<hbm>>
        tpu.enqueue_indirect_dma source(%dma_start3A_200 : memref<87040x32xbf16, #tpu.memory_space<hbm>>) target(%dma_start3A_194 : memref<1536x32xbf16, #tpu.memory_space<vmem>>) offsets(%dma_start3A_197 : memref<1536xi32, #tpu.memory_space<vmem>>) semaphore(%arg10 : memref<!tpu.dma_semaphore, #tpu.memory_space<semaphore_mem>>)
        %dma_start3A_201 = arith.constant 1536 : i32
        %dma_start3A_202 = arith.constant 0 : i32
        %dma_start3A_203 = tpu.memref_slice %arg8[%sub3A_190, %dma_start3A_201, %dma_start3A_202] : memref<2x2560x32xbf16, #tpu.memory_space<vmem>> -> memref<1x1024x32xbf16, #tpu.memory_space<vmem>>
        %dma_start3A_204 = tpu.memref_squeeze %dma_start3A_203 : memref<1x1024x32xbf16, #tpu.memory_space<vmem>> -> memref<1024x32xbf16, #tpu.memory_space<vmem>>
        %dma_start3A_205 = arith.constant 1536 : i32
        %dma_start3A_206 = tpu.memref_slice %arg6[%sub3A_190, %dma_start3A_205] : memref<2x2560xi32, #tpu.memory_space<vmem>> -> memref<1x1024xi32, #tpu.memory_space<vmem>>
        %dma_start3A_207 = tpu.memref_squeeze %dma_start3A_206 : memref<1x1024xi32, #tpu.memory_space<vmem>> -> memref<1024xi32, #tpu.memory_space<vmem>>
        %dma_start3A_208 = arith.constant 0 : i32
        %dma_start3A_209 = arith.constant 0 : i32
        %dma_start3A_210 = tpu.memref_slice %arg2[%dma_start3A_208, %dma_start3A_209] : memref<87040x32xbf16, #tpu.memory_space<hbm>> -> memref<87040x32xbf16, #tpu.memory_space<hbm>>
        tpu.enqueue_indirect_dma source(%dma_start3A_210 : memref<87040x32xbf16, #tpu.memory_space<hbm>>) target(%dma_start3A_204 : memref<1024x32xbf16, #tpu.memory_space<vmem>>) offsets(%dma_start3A_207 : memref<1024xi32, #tpu.memory_space<vmem>>) semaphore(%arg10 : memref<!tpu.dma_semaphore, #tpu.memory_space<semaphore_mem>>)
      } else {
      }
      %dma_wait3A_100 = arith.constant 0 : i32
      %dma_wait3A_101 = arith.constant 0 : i32
      %dma_wait3A_102 = tpu.memref_slice %arg8[%rem3A_92, %dma_wait3A_100, %dma_wait3A_101] : memref<2x2560x32xbf16, #tpu.memory_space<vmem>> -> memref<1x1536x32xbf16, #tpu.memory_space<vmem>>
      %dma_wait3A_103 = tpu.memref_squeeze %dma_wait3A_102 : memref<1x1536x32xbf16, #tpu.memory_space<vmem>> -> memref<1536x32xbf16, #tpu.memory_space<vmem>>
      %dma_wait3A_104 = arith.constant 0 : i32
      %dma_wait3A_105 = tpu.memref_slice %arg6[%rem3A_92, %dma_wait3A_104] : memref<2x2560xi32, #tpu.memory_space<vmem>> -> memref<1x1536xi32, #tpu.memory_space<vmem>>
      %dma_wait3A_106 = tpu.memref_squeeze %dma_wait3A_105 : memref<1x1536xi32, #tpu.memory_space<vmem>> -> memref<1536xi32, #tpu.memory_space<vmem>>
      %dma_wait3A_107 = arith.constant 0 : i32
      %dma_wait3A_108 = arith.constant 0 : i32
      %dma_wait3A_109 = tpu.memref_slice %arg2[%dma_wait3A_107, %dma_wait3A_108] : memref<87040x32xbf16, #tpu.memory_space<hbm>> -> memref<87040x32xbf16, #tpu.memory_space<hbm>>
      tpu.wait_indirect_dma semaphore(%arg10 : memref<!tpu.dma_semaphore, #tpu.memory_space<semaphore_mem>>) src(%dma_wait3A_109 : memref<87040x32xbf16, #tpu.memory_space<hbm>>) dst(%dma_wait3A_103 : memref<1536x32xbf16, #tpu.memory_space<vmem>>)
      %add3A_110 = arith.constant 2 : i32
      %add3A_111 = arith.addi %scan3A_91, %add3A_110 : i32
      %lt3A_112 = arith.constant 68 : i32
      %lt3A_113 = arith.cmpi slt, %add3A_111, %lt3A_112 : i32
      %convert_element_type3A_114 = arith.extui %lt3A_113 : i1 to i32
      %cond3A_115 = arith.constant 0 : i32
      %cond3A_116 = arith.cmpi ne, %convert_element_type3A_114, %cond3A_115 : i32
      scf.if %cond3A_116 {
        %add3A_164 = arith.constant 2 : i32
        %add3A_165 = arith.addi %scan3A_91, %add3A_164 : i32
        %mul3A_166 = arith.constant 5 : i32
        %mul3A_167 = arith.muli %add3A_165, %mul3A_166 : i32
        %add3A_168 = arith.addi %mul3A_2, %mul3A_167 : i32
        %mul3A_169 = arith.constant 512 : i32
        %mul3A_170 = arith.muli %add3A_168, %mul3A_169 : i32
        %dma_start3A_171 = arith.constant 0 : i32
        %dma_start3A_172 = tpu.memref_slice %arg6[%rem3A_92, %dma_start3A_171] : memref<2x2560xi32, #tpu.memory_space<vmem>> -> memref<1x2560xi32, #tpu.memory_space<vmem>>
        %dma_start3A_173 = tpu.memref_squeeze %dma_start3A_172 : memref<1x2560xi32, #tpu.memory_space<vmem>> -> memref<2560xi32, #tpu.memory_space<vmem>>
        %dma_start3A_174 = tpu.memref_slice %arg3[%mul3A_170] : memref<5570560xi32, #tpu.memory_space<hbm>> -> memref<2560xi32, #tpu.memory_space<hbm>>
        %dma_start3A_175 = arith.constant 0 : i32
        %dma_start3A_176 = tpu.memref_slice %arg6[%rem3A_92, %dma_start3A_175] : memref<2x2560xi32, #tpu.memory_space<vmem>> -> memref<1x2560xi32, #tpu.memory_space<vmem>>
        %dma_start3A_177 = tpu.memref_squeeze %dma_start3A_176 : memref<1x2560xi32, #tpu.memory_space<vmem>> -> memref<2560xi32, #tpu.memory_space<vmem>>
        %dma_start3A_178 = tpu.memref_slice %arg3[%mul3A_170] : memref<5570560xi32, #tpu.memory_space<hbm>> -> memref<2560xi32, #tpu.memory_space<hbm>>
        tpu.enqueue_dma source(%dma_start3A_178 : memref<2560xi32, #tpu.memory_space<hbm>>) target(%dma_start3A_177 : memref<2560xi32, #tpu.memory_space<vmem>>) target_semaphore(%arg12 : memref<!tpu.dma_semaphore, #tpu.memory_space<semaphore_mem>>)
      } else {
      }
      %ge3A = arith.constant 2 : i32
      %ge3A_117 = arith.cmpi sge, %scan3A_91, %ge3A : i32
      %convert_element_type3A_118 = arith.extui %ge3A_117 : i1 to i32
      %cond3A_119 = arith.constant 0 : i32
      %cond3A_120 = arith.cmpi ne, %convert_element_type3A_118, %cond3A_119 : i32
      scf.if %cond3A_120 {
        %dma_wait3A_164 = arith.constant 0 : i32
        %dma_wait3A_165 = arith.constant 0 : i32
        %dma_wait3A_166 = tpu.memref_slice %arg9[%rem3A_92, %dma_wait3A_164, %dma_wait3A_165] : memref<2x40x32xf32, #tpu.memory_space<vmem>> -> memref<1x40x32xf32, #tpu.memory_space<vmem>>
        %dma_wait3A_167 = tpu.memref_squeeze %dma_wait3A_166 : memref<1x40x32xf32, #tpu.memory_space<vmem>> -> memref<40x32xf32, #tpu.memory_space<vmem>>
        %dma_wait3A_168 = arith.constant 0 : i32
        %dma_wait3A_169 = arith.constant 0 : i32
        %dma_wait3A_170 = tpu.memref_slice %arg5[%dma_wait3A_168, %dma_wait3A_169] : memref<87040x32xf32, #tpu.memory_space<hbm>> -> memref<40x32xf32, #tpu.memory_space<hbm>>
        %dma_wait3A_171 = arith.constant 0 : i32
        %dma_wait3A_172 = arith.constant 0 : i32
        %dma_wait3A_173 = tpu.memref_slice %arg5[%dma_wait3A_171, %dma_wait3A_172] : memref<87040x32xf32, #tpu.memory_space<hbm>> -> memref<40x32xf32, #tpu.memory_space<hbm>>
        %dma_wait3A_174 = arith.constant 0 : i32
        %dma_wait3A_175 = arith.constant 0 : i32
        %dma_wait3A_176 = tpu.memref_slice %arg9[%rem3A_92, %dma_wait3A_174, %dma_wait3A_175] : memref<2x40x32xf32, #tpu.memory_space<vmem>> -> memref<1x40x32xf32, #tpu.memory_space<vmem>>
        %dma_wait3A_177 = tpu.memref_squeeze %dma_wait3A_176 : memref<1x40x32xf32, #tpu.memory_space<vmem>> -> memref<40x32xf32, #tpu.memory_space<vmem>>
        tpu.wait_dma2 semaphore(%arg11 : memref<!tpu.dma_semaphore, #tpu.memory_space<semaphore_mem>>) src(%dma_wait3A_177 : memref<40x32xf32, #tpu.memory_space<vmem>>) dst(%dma_wait3A_173 : memref<40x32xf32, #tpu.memory_space<hbm>>)
      } else {
      }
      %scan3A_121 = arith.constant 0 : i32
      %scan3A_122 = arith.constant 0 : i32
      %scan3A_123 = arith.constant 24 : i32
      %scan3A_124 = arith.addi %scan3A_122, %scan3A_123 : i32
      %scan3A_125 = arith.constant 1 : i32
      scf.for %scan3A_164 = %scan3A_122 to %scan3A_124 step %scan3A_125  : i32 {
        %jit3A = arith.constant 8 : i32
        %div3A = arith.divsi %scan3A_164, %jit3A : i32
        %sign3A = arith.constant 0 : i32
        %sign3A_165 = arith.cmpi sgt, %scan3A_164, %sign3A : i32
        %sign3A_166 = arith.extui %sign3A_165 : i1 to i32
        %sign3A_167 = arith.constant 0 : i32
        %sign3A_168 = arith.cmpi slt, %scan3A_164, %sign3A_167 : i32
        %sign3A_169 = arith.extui %sign3A_168 : i1 to i32
        %sign3A_170 = arith.subi %sign3A_166, %sign3A_169 : i32
        %sign3A_171 = arith.constant 0 : i32
        %sign3A_172 = arith.cmpi sgt, %jit3A, %sign3A_171 : i32
        %sign3A_173 = arith.extui %sign3A_172 : i1 to i32
        %sign3A_174 = arith.constant 0 : i32
        %sign3A_175 = arith.cmpi slt, %jit3A, %sign3A_174 : i32
        %sign3A_176 = arith.extui %sign3A_175 : i1 to i32
        %sign3A_177 = arith.subi %sign3A_173, %sign3A_176 : i32
        %ne3A = arith.cmpi ne, %sign3A_170, %sign3A_177 : i32
        %rem3A_178 = arith.remsi %scan3A_164, %jit3A : i32
        %ne3A_179 = arith.constant 0 : i32
        %ne3A_180 = arith.cmpi ne, %rem3A_178, %ne3A_179 : i32
        %and3A = arith.andi %ne3A, %ne3A_180 : i1
        %sub3A = arith.constant 1 : i32
        %sub3A_181 = arith.subi %div3A, %sub3A : i32
        %select_n3A = arith.select %and3A, %sub3A_181, %div3A : i32
        %jit3A_182 = arith.constant 8 : i32
        %eq3A = arith.constant 0 : i32
        %eq3A_183 = arith.cmpi eq, %jit3A_182, %eq3A : i32
        %jit3A_184 = arith.constant 1 : i32
        %select_n3A_185 = arith.select %eq3A_183, %jit3A_184, %jit3A_182 : i32
        %rem3A_186 = arith.remsi %scan3A_164, %select_n3A_185 : i32
        %ne3A_187 = arith.constant 0 : i32
        %ne3A_188 = arith.cmpi ne, %rem3A_186, %ne3A_187 : i32
        %lt3A_189 = arith.constant 0 : i32
        %lt3A_190 = arith.cmpi slt, %rem3A_186, %lt3A_189 : i32
        %lt3A_191 = arith.constant 0 : i32
        %lt3A_192 = arith.cmpi slt, %select_n3A_185, %lt3A_191 : i32
        %ne3A_193 = arith.xori %lt3A_190, %lt3A_192 : i1
        %and3A_194 = arith.andi %ne3A_193, %ne3A_188 : i1
        %add3A_195 = arith.addi %rem3A_186, %select_n3A_185 : i32
        %select_n3A_196 = arith.select %and3A_194, %add3A_195, %rem3A_186 : i32
        %broadcast_in_dim3A = arith.constant 0.000000e+00 : f32
        %broadcast_in_dim3A_197 = vector.broadcast %broadcast_in_dim3A : f32 to vector<16xf32>
        %broadcast_in_dim3A_198 = arith.constant 0.000000e+00 : f32
        %broadcast_in_dim3A_199 = vector.broadcast %broadcast_in_dim3A_198 : f32 to vector<16xf32>
        %mul3A_200 = arith.constant 16 : i32
        %mul3A_201 = arith.muli %select_n3A_196, %mul3A_200 : i32
        %add3A_202 = arith.constant 0 : i32
        %add3A_203 = arith.addi %add3A_202, %mul3A_201 : i32
        %get3A = arith.index_cast %rem3A_92 : i32 to index
        %get3A_204 = arith.index_cast %select_n3A : i32 to index
        %get3A_205 = arith.index_cast %add3A_203 : i32 to index
        %get3A_206 = tpu.vector_load %arg7[%get3A, %get3A_204, %get3A_205] {strides = array<i32>} : memref<2x5x512xf32, #tpu.memory_space<vmem>>, vector<16xf32>,
        %slice3A = vector.extract_strided_slice %get3A_206 {offsets = [0], sizes = [1], strides = [1]} : vector<16xf32> to vector<1xf32>
        %squeeze3A = vector.extract %slice3A[0] : f32 from vector<1xf32>
        %mul3A_207 = arith.constant 512 : i32
        %mul3A_208 = arith.muli %select_n3A, %mul3A_207 : i32
        %add3A_209 = arith.constant 0 : i32
        %add3A_210 = arith.addi %mul3A_208, %add3A_209 : i32
        %mul3A_211 = arith.constant 16 : i32
        %mul3A_212 = arith.muli %select_n3A_196, %mul3A_211 : i32
        %add3A_213 = arith.addi %add3A_210, %mul3A_212 : i32
        %add3A_214 = arith.constant 0 : i32
        %add3A_215 = arith.addi %add3A_213, %add3A_214 : i32
        %get3A_216 = arith.index_cast %rem3A_92 : i32 to index
        %get3A_217 = arith.index_cast %add3A_215 : i32 to index
        %get3A_218 = arith.constant 0 : index
        %get3A_219 = tpu.vector_load %arg8[%get3A_216, %get3A_217, %get3A_218] {strides = array<i32>} : memref<2x2560x32xbf16, #tpu.memory_space<vmem>>, vector<32xbf16>,
        %unpack3A = tpu.unpack_subelements %get3A_219, 0 {pack_format = #tpu.pack_format<interleaved>} : vector<32xbf16> -> vector<16xf32>
        %unpack3A_220 = tpu.unpack_subelements %get3A_219, 1 {pack_format = #tpu.pack_format<interleaved>} : vector<32xbf16> -> vector<16xf32>
        %mul3A_221 = vector.broadcast %squeeze3A : f32 to vector<16xf32>
        %mul3A_222 = arith.mulf %mul3A_221, %unpack3A : vector<16xf32>
        %add3A_223 = arith.addf %broadcast_in_dim3A_197, %mul3A_222 : vector<16xf32>
        %mul3A_224 = vector.broadcast %squeeze3A : f32 to vector<16xf32>
        %mul3A_225 = arith.mulf %mul3A_224, %unpack3A_220 : vector<16xf32>
        %add3A_226 = arith.addf %broadcast_in_dim3A_199, %mul3A_225 : vector<16xf32>
        %slice3A_227 = vector.extract_strided_slice %get3A_206 {offsets = [1], sizes = [1], strides = [1]} : vector<16xf32> to vector<1xf32>
        %squeeze3A_228 = vector.extract %slice3A_227[0] : f32 from vector<1xf32>
        %mul3A_229 = arith.constant 512 : i32
        %mul3A_230 = arith.muli %select_n3A, %mul3A_229 : i32
        %add3A_231 = arith.constant 0 : i32
        %add3A_232 = arith.addi %mul3A_230, %add3A_231 : i32
        %mul3A_233 = arith.constant 16 : i32
        %mul3A_234 = arith.muli %select_n3A_196, %mul3A_233 : i32
        %add3A_235 = arith.addi %add3A_232, %mul3A_234 : i32
        %add3A_236 = arith.constant 1 : i32
        %add3A_237 = arith.addi %add3A_235, %add3A_236 : i32
        %get3A_238 = arith.index_cast %rem3A_92 : i32 to index
        %get3A_239 = arith.index_cast %add3A_237 : i32 to index
        %get3A_240 = arith.constant 0 : index
        %get3A_241 = tpu.vector_load %arg8[%get3A_238, %get3A_239, %get3A_240] {strides = array<i32>} : memref<2x2560x32xbf16, #tpu.memory_space<vmem>>, vector<32xbf16>,
        %unpack3A_242 = tpu.unpack_subelements %get3A_241, 0 {pack_format = #tpu.pack_format<interleaved>} : vector<32xbf16> -> vector<16xf32>
        %unpack3A_243 = tpu.unpack_subelements %get3A_241, 1 {pack_format = #tpu.pack_format<interleaved>} : vector<32xbf16> -> vector<16xf32>
        %mul3A_244 = vector.broadcast %squeeze3A_228 : f32 to vector<16xf32>
        %mul3A_245 = arith.mulf %mul3A_244, %unpack3A_242 : vector<16xf32>
        %add3A_246 = arith.addf %add3A_223, %mul3A_245 : vector<16xf32>
        %mul3A_247 = vector.broadcast %squeeze3A_228 : f32 to vector<16xf32>
        %mul3A_248 = arith.mulf %mul3A_247, %unpack3A_243 : vector<16xf32>
        %add3A_249 = arith.addf %add3A_226, %mul3A_248 : vector<16xf32>
        %slice3A_250 = vector.extract_strided_slice %get3A_206 {offsets = [2], sizes = [1], strides = [1]} : vector<16xf32> to vector<1xf32>
        %squeeze3A_251 = vector.extract %slice3A_250[0] : f32 from vector<1xf32>
        %mul3A_252 = arith.constant 512 : i32
        %mul3A_253 = arith.muli %select_n3A, %mul3A_252 : i32
        %add3A_254 = arith.constant 0 : i32
        %add3A_255 = arith.addi %mul3A_253, %add3A_254 : i32
        %mul3A_256 = arith.constant 16 : i32
        %mul3A_257 = arith.muli %select_n3A_196, %mul3A_256 : i32
        %add3A_258 = arith.addi %add3A_255, %mul3A_257 : i32
        %add3A_259 = arith.constant 2 : i32
        %add3A_260 = arith.addi %add3A_258, %add3A_259 : i32
        %get3A_261 = arith.index_cast %rem3A_92 : i32 to index
        %get3A_262 = arith.index_cast %add3A_260 : i32 to index
        %get3A_263 = arith.constant 0 : index
        %get3A_264 = tpu.vector_load %arg8[%get3A_261, %get3A_262, %get3A_263] {strides = array<i32>} : memref<2x2560x32xbf16, #tpu.memory_space<vmem>>, vector<32xbf16>,
        %unpack3A_265 = tpu.unpack_subelements %get3A_264, 0 {pack_format = #tpu.pack_format<interleaved>} : vector<32xbf16> -> vector<16xf32>
        %unpack3A_266 = tpu.unpack_subelements %get3A_264, 1 {pack_format = #tpu.pack_format<interleaved>} : vector<32xbf16> -> vector<16xf32>
        %mul3A_267 = vector.broadcast %squeeze3A_251 : f32 to vector<16xf32>
        %mul3A_268 = arith.mulf %mul3A_267, %unpack3A_265 : vector<16xf32>
        %add3A_269 = arith.addf %add3A_246, %mul3A_268 : vector<16xf32>
        %mul3A_270 = vector.broadcast %squeeze3A_251 : f32 to vector<16xf32>
        %mul3A_271 = arith.mulf %mul3A_270, %unpack3A_266 : vector<16xf32>
        %add3A_272 = arith.addf %add3A_249, %mul3A_271 : vector<16xf32>
        %slice3A_273 = vector.extract_strided_slice %get3A_206 {offsets = [3], sizes = [1], strides = [1]} : vector<16xf32> to vector<1xf32>
        %squeeze3A_274 = vector.extract %slice3A_273[0] : f32 from vector<1xf32>
        %mul3A_275 = arith.constant 512 : i32
        %mul3A_276 = arith.muli %select_n3A, %mul3A_275 : i32
        %add3A_277 = arith.constant 0 : i32
        %add3A_278 = arith.addi %mul3A_276, %add3A_277 : i32
        %mul3A_279 = arith.constant 16 : i32
        %mul3A_280 = arith.muli %select_n3A_196, %mul3A_279 : i32
        %add3A_281 = arith.addi %add3A_278, %mul3A_280 : i32
        %add3A_282 = arith.constant 3 : i32
        %add3A_283 = arith.addi %add3A_281, %add3A_282 : i32
        %get3A_284 = arith.index_cast %rem3A_92 : i32 to index
        %get3A_285 = arith.index_cast %add3A_283 : i32 to index
        %get3A_286 = arith.constant 0 : index
        %get3A_287 = tpu.vector_load %arg8[%get3A_284, %get3A_285, %get3A_286] {strides = array<i32>} : memref<2x2560x32xbf16, #tpu.memory_space<vmem>>, vector<32xbf16>,
        %unpack3A_288 = tpu.unpack_subelements %get3A_287, 0 {pack_format = #tpu.pack_format<interleaved>} : vector<32xbf16> -> vector<16xf32>
        %unpack3A_289 = tpu.unpack_subelements %get3A_287, 1 {pack_format = #tpu.pack_format<interleaved>} : vector<32xbf16> -> vector<16xf32>
        %mul3A_290 = vector.broadcast %squeeze3A_274 : f32 to vector<16xf32>
        %mul3A_291 = arith.mulf %mul3A_290, %unpack3A_288 : vector<16xf32>
        %add3A_292 = arith.addf %add3A_269, %mul3A_291 : vector<16xf32>
        %mul3A_293 = vector.broadcast %squeeze3A_274 : f32 to vector<16xf32>
        %mul3A_294 = arith.mulf %mul3A_293, %unpack3A_289 : vector<16xf32>
        %add3A_295 = arith.addf %add3A_272, %mul3A_294 : vector<16xf32>
        %slice3A_296 = vector.extract_strided_slice %get3A_206 {offsets = [4], sizes = [1], strides = [1]} : vector<16xf32> to vector<1xf32>
        %squeeze3A_297 = vector.extract %slice3A_296[0] : f32 from vector<1xf32>
        %mul3A_298 = arith.constant 512 : i32
        %mul3A_299 = arith.muli %select_n3A, %mul3A_298 : i32
        %add3A_300 = arith.constant 0 : i32
        %add3A_301 = arith.addi %mul3A_299, %add3A_300 : i32
        %mul3A_302 = arith.constant 16 : i32
        %mul3A_303 = arith.muli %select_n3A_196, %mul3A_302 : i32
        %add3A_304 = arith.addi %add3A_301, %mul3A_303 : i32
        %add3A_305 = arith.constant 4 : i32
        %add3A_306 = arith.addi %add3A_304, %add3A_305 : i32
        %get3A_307 = arith.index_cast %rem3A_92 : i32 to index
        %get3A_308 = arith.index_cast %add3A_306 : i32 to index
        %get3A_309 = arith.constant 0 : index
        %get3A_310 = tpu.vector_load %arg8[%get3A_307, %get3A_308, %get3A_309] {strides = array<i32>} : memref<2x2560x32xbf16, #tpu.memory_space<vmem>>, vector<32xbf16>,
        %unpack3A_311 = tpu.unpack_subelements %get3A_310, 0 {pack_format = #tpu.pack_format<interleaved>} : vector<32xbf16> -> vector<16xf32>
        %unpack3A_312 = tpu.unpack_subelements %get3A_310, 1 {pack_format = #tpu.pack_format<interleaved>} : vector<32xbf16> -> vector<16xf32>
        %mul3A_313 = vector.broadcast %squeeze3A_297 : f32 to vector<16xf32>
        %mul3A_314 = arith.mulf %mul3A_313, %unpack3A_311 : vector<16xf32>
        %add3A_315 = arith.addf %add3A_292, %mul3A_314 : vector<16xf32>
        %mul3A_316 = vector.broadcast %squeeze3A_297 : f32 to vector<16xf32>
        %mul3A_317 = arith.mulf %mul3A_316, %unpack3A_312 : vector<16xf32>
        %add3A_318 = arith.addf %add3A_295, %mul3A_317 : vector<16xf32>
        %slice3A_319 = vector.extract_strided_slice %get3A_206 {offsets = [5], sizes = [1], strides = [1]} : vector<16xf32> to vector<1xf32>
        %squeeze3A_320 = vector.extract %slice3A_319[0] : f32 from vector<1xf32>
        %mul3A_321 = arith.constant 512 : i32
        %mul3A_322 = arith.muli %select_n3A, %mul3A_321 : i32
        %add3A_323 = arith.constant 0 : i32
        %add3A_324 = arith.addi %mul3A_322, %add3A_323 : i32
        %mul3A_325 = arith.constant 16 : i32
        %mul3A_326 = arith.muli %select_n3A_196, %mul3A_325 : i32
        %add3A_327 = arith.addi %add3A_324, %mul3A_326 : i32
        %add3A_328 = arith.constant 5 : i32
        %add3A_329 = arith.addi %add3A_327, %add3A_328 : i32
        %get3A_330 = arith.index_cast %rem3A_92 : i32 to index
        %get3A_331 = arith.index_cast %add3A_329 : i32 to index
        %get3A_332 = arith.constant 0 : index
        %get3A_333 = tpu.vector_load %arg8[%get3A_330, %get3A_331, %get3A_332] {strides = array<i32>} : memref<2x2560x32xbf16, #tpu.memory_space<vmem>>, vector<32xbf16>,
        %unpack3A_334 = tpu.unpack_subelements %get3A_333, 0 {pack_format = #tpu.pack_format<interleaved>} : vector<32xbf16> -> vector<16xf32>
        %unpack3A_335 = tpu.unpack_subelements %get3A_333, 1 {pack_format = #tpu.pack_format<interleaved>} : vector<32xbf16> -> vector<16xf32>
        %mul3A_336 = vector.broadcast %squeeze3A_320 : f32 to vector<16xf32>
        %mul3A_337 = arith.mulf %mul3A_336, %unpack3A_334 : vector<16xf32>
        %add3A_338 = arith.addf %add3A_315, %mul3A_337 : vector<16xf32>
        %mul3A_339 = vector.broadcast %squeeze3A_320 : f32 to vector<16xf32>
        %mul3A_340 = arith.mulf %mul3A_339, %unpack3A_335 : vector<16xf32>
        %add3A_341 = arith.addf %add3A_318, %mul3A_340 : vector<16xf32>
        %slice3A_342 = vector.extract_strided_slice %get3A_206 {offsets = [6], sizes = [1], strides = [1]} : vector<16xf32> to vector<1xf32>
        %squeeze3A_343 = vector.extract %slice3A_342[0] : f32 from vector<1xf32>
        %mul3A_344 = arith.constant 512 : i32
        %mul3A_345 = arith.muli %select_n3A, %mul3A_344 : i32
        %add3A_346 = arith.constant 0 : i32
        %add3A_347 = arith.addi %mul3A_345, %add3A_346 : i32
        %mul3A_348 = arith.constant 16 : i32
        %mul3A_349 = arith.muli %select_n3A_196, %mul3A_348 : i32
        %add3A_350 = arith.addi %add3A_347, %mul3A_349 : i32
        %add3A_351 = arith.constant 6 : i32
        %add3A_352 = arith.addi %add3A_350, %add3A_351 : i32
        %get3A_353 = arith.index_cast %rem3A_92 : i32 to index
        %get3A_354 = arith.index_cast %add3A_352 : i32 to index
        %get3A_355 = arith.constant 0 : index
        %get3A_356 = tpu.vector_load %arg8[%get3A_353, %get3A_354, %get3A_355] {strides = array<i32>} : memref<2x2560x32xbf16, #tpu.memory_space<vmem>>, vector<32xbf16>,
        %unpack3A_357 = tpu.unpack_subelements %get3A_356, 0 {pack_format = #tpu.pack_format<interleaved>} : vector<32xbf16> -> vector<16xf32>
        %unpack3A_358 = tpu.unpack_subelements %get3A_356, 1 {pack_format = #tpu.pack_format<interleaved>} : vector<32xbf16> -> vector<16xf32>
        %mul3A_359 = vector.broadcast %squeeze3A_343 : f32 to vector<16xf32>
        %mul3A_360 = arith.mulf %mul3A_359, %unpack3A_357 : vector<16xf32>
        %add3A_361 = arith.addf %add3A_338, %mul3A_360 : vector<16xf32>
        %mul3A_362 = vector.broadcast %squeeze3A_343 : f32 to vector<16xf32>
        %mul3A_363 = arith.mulf %mul3A_362, %unpack3A_358 : vector<16xf32>
        %add3A_364 = arith.addf %add3A_341, %mul3A_363 : vector<16xf32>
        %slice3A_365 = vector.extract_strided_slice %get3A_206 {offsets = [7], sizes = [1], strides = [1]} : vector<16xf32> to vector<1xf32>
        %squeeze3A_366 = vector.extract %slice3A_365[0] : f32 from vector<1xf32>
        %mul3A_367 = arith.constant 512 : i32
        %mul3A_368 = arith.muli %select_n3A, %mul3A_367 : i32
        %add3A_369 = arith.constant 0 : i32
        %add3A_370 = arith.addi %mul3A_368, %add3A_369 : i32
        %mul3A_371 = arith.constant 16 : i32
        %mul3A_372 = arith.muli %select_n3A_196, %mul3A_371 : i32
        %add3A_373 = arith.addi %add3A_370, %mul3A_372 : i32
        %add3A_374 = arith.constant 7 : i32
        %add3A_375 = arith.addi %add3A_373, %add3A_374 : i32
        %get3A_376 = arith.index_cast %rem3A_92 : i32 to index
        %get3A_377 = arith.index_cast %add3A_375 : i32 to index
        %get3A_378 = arith.constant 0 : index
        %get3A_379 = tpu.vector_load %arg8[%get3A_376, %get3A_377, %get3A_378] {strides = array<i32>} : memref<2x2560x32xbf16, #tpu.memory_space<vmem>>, vector<32xbf16>,
        %unpack3A_380 = tpu.unpack_subelements %get3A_379, 0 {pack_format = #tpu.pack_format<interleaved>} : vector<32xbf16> -> vector<16xf32>
        %unpack3A_381 = tpu.unpack_subelements %get3A_379, 1 {pack_format = #tpu.pack_format<interleaved>} : vector<32xbf16> -> vector<16xf32>
        %mul3A_382 = vector.broadcast %squeeze3A_366 : f32 to vector<16xf32>
        %mul3A_383 = arith.mulf %mul3A_382, %unpack3A_380 : vector<16xf32>
        %add3A_384 = arith.addf %add3A_361, %mul3A_383 : vector<16xf32>
        %mul3A_385 = vector.broadcast %squeeze3A_366 : f32 to vector<16xf32>
        %mul3A_386 = arith.mulf %mul3A_385, %unpack3A_381 : vector<16xf32>
        %add3A_387 = arith.addf %add3A_364, %mul3A_386 : vector<16xf32>
        %slice3A_388 = vector.extract_strided_slice %get3A_206 {offsets = [8], sizes = [1], strides = [1]} : vector<16xf32> to vector<1xf32>
        %squeeze3A_389 = vector.extract %slice3A_388[0] : f32 from vector<1xf32>
        %mul3A_390 = arith.constant 512 : i32
        %mul3A_391 = arith.muli %select_n3A, %mul3A_390 : i32
        %add3A_392 = arith.constant 0 : i32
        %add3A_393 = arith.addi %mul3A_391, %add3A_392 : i32
        %mul3A_394 = arith.constant 16 : i32
        %mul3A_395 = arith.muli %select_n3A_196, %mul3A_394 : i32
        %add3A_396 = arith.addi %add3A_393, %mul3A_395 : i32
        %add3A_397 = arith.constant 8 : i32
        %add3A_398 = arith.addi %add3A_396, %add3A_397 : i32
        %get3A_399 = arith.index_cast %rem3A_92 : i32 to index
        %get3A_400 = arith.index_cast %add3A_398 : i32 to index
        %get3A_401 = arith.constant 0 : index
        %get3A_402 = tpu.vector_load %arg8[%get3A_399, %get3A_400, %get3A_401] {strides = array<i32>} : memref<2x2560x32xbf16, #tpu.memory_space<vmem>>, vector<32xbf16>,
        %unpack3A_403 = tpu.unpack_subelements %get3A_402, 0 {pack_format = #tpu.pack_format<interleaved>} : vector<32xbf16> -> vector<16xf32>
        %unpack3A_404 = tpu.unpack_subelements %get3A_402, 1 {pack_format = #tpu.pack_format<interleaved>} : vector<32xbf16> -> vector<16xf32>
        %mul3A_405 = vector.broadcast %squeeze3A_389 : f32 to vector<16xf32>
        %mul3A_406 = arith.mulf %mul3A_405, %unpack3A_403 : vector<16xf32>
        %add3A_407 = arith.addf %add3A_384, %mul3A_406 : vector<16xf32>
        %mul3A_408 = vector.broadcast %squeeze3A_389 : f32 to vector<16xf32>
        %mul3A_409 = arith.mulf %mul3A_408, %unpack3A_404 : vector<16xf32>
        %add3A_410 = arith.addf %add3A_387, %mul3A_409 : vector<16xf32>
        %slice3A_411 = vector.extract_strided_slice %get3A_206 {offsets = [9], sizes = [1], strides = [1]} : vector<16xf32> to vector<1xf32>
        %squeeze3A_412 = vector.extract %slice3A_411[0] : f32 from vector<1xf32>
        %mul3A_413 = arith.constant 512 : i32
        %mul3A_414 = arith.muli %select_n3A, %mul3A_413 : i32
        %add3A_415 = arith.constant 0 : i32
        %add3A_416 = arith.addi %mul3A_414, %add3A_415 : i32
        %mul3A_417 = arith.constant 16 : i32
        %mul3A_418 = arith.muli %select_n3A_196, %mul3A_417 : i32
        %add3A_419 = arith.addi %add3A_416, %mul3A_418 : i32
        %add3A_420 = arith.constant 9 : i32
        %add3A_421 = arith.addi %add3A_419, %add3A_420 : i32
        %get3A_422 = arith.index_cast %rem3A_92 : i32 to index
        %get3A_423 = arith.index_cast %add3A_421 : i32 to index
        %get3A_424 = arith.constant 0 : index
        %get3A_425 = tpu.vector_load %arg8[%get3A_422, %get3A_423, %get3A_424] {strides = array<i32>} : memref<2x2560x32xbf16, #tpu.memory_space<vmem>>, vector<32xbf16>,
        %unpack3A_426 = tpu.unpack_subelements %get3A_425, 0 {pack_format = #tpu.pack_format<interleaved>} : vector<32xbf16> -> vector<16xf32>
        %unpack3A_427 = tpu.unpack_subelements %get3A_425, 1 {pack_format = #tpu.pack_format<interleaved>} : vector<32xbf16> -> vector<16xf32>
        %mul3A_428 = vector.broadcast %squeeze3A_412 : f32 to vector<16xf32>
        %mul3A_429 = arith.mulf %mul3A_428, %unpack3A_426 : vector<16xf32>
        %add3A_430 = arith.addf %add3A_407, %mul3A_429 : vector<16xf32>
        %mul3A_431 = vector.broadcast %squeeze3A_412 : f32 to vector<16xf32>
        %mul3A_432 = arith.mulf %mul3A_431, %unpack3A_427 : vector<16xf32>
        %add3A_433 = arith.addf %add3A_410, %mul3A_432 : vector<16xf32>
        %slice3A_434 = vector.extract_strided_slice %get3A_206 {offsets = [10], sizes = [1], strides = [1]} : vector<16xf32> to vector<1xf32>
        %squeeze3A_435 = vector.extract %slice3A_434[0] : f32 from vector<1xf32>
        %mul3A_436 = arith.constant 512 : i32
        %mul3A_437 = arith.muli %select_n3A, %mul3A_436 : i32
        %add3A_438 = arith.constant 0 : i32
        %add3A_439 = arith.addi %mul3A_437, %add3A_438 : i32
        %mul3A_440 = arith.constant 16 : i32
        %mul3A_441 = arith.muli %select_n3A_196, %mul3A_440 : i32
        %add3A_442 = arith.addi %add3A_439, %mul3A_441 : i32
        %add3A_443 = arith.constant 10 : i32
        %add3A_444 = arith.addi %add3A_442, %add3A_443 : i32
        %get3A_445 = arith.index_cast %rem3A_92 : i32 to index
        %get3A_446 = arith.index_cast %add3A_444 : i32 to index
        %get3A_447 = arith.constant 0 : index
        %get3A_448 = tpu.vector_load %arg8[%get3A_445, %get3A_446, %get3A_447] {strides = array<i32>} : memref<2x2560x32xbf16, #tpu.memory_space<vmem>>, vector<32xbf16>,
        %unpack3A_449 = tpu.unpack_subelements %get3A_448, 0 {pack_format = #tpu.pack_format<interleaved>} : vector<32xbf16> -> vector<16xf32>
        %unpack3A_450 = tpu.unpack_subelements %get3A_448, 1 {pack_format = #tpu.pack_format<interleaved>} : vector<32xbf16> -> vector<16xf32>
        %mul3A_451 = vector.broadcast %squeeze3A_435 : f32 to vector<16xf32>
        %mul3A_452 = arith.mulf %mul3A_451, %unpack3A_449 : vector<16xf32>
        %add3A_453 = arith.addf %add3A_430, %mul3A_452 : vector<16xf32>
        %mul3A_454 = vector.broadcast %squeeze3A_435 : f32 to vector<16xf32>
        %mul3A_455 = arith.mulf %mul3A_454, %unpack3A_450 : vector<16xf32>
        %add3A_456 = arith.addf %add3A_433, %mul3A_455 : vector<16xf32>
        %slice3A_457 = vector.extract_strided_slice %get3A_206 {offsets = [11], sizes = [1], strides = [1]} : vector<16xf32> to vector<1xf32>
        %squeeze3A_458 = vector.extract %slice3A_457[0] : f32 from vector<1xf32>
        %mul3A_459 = arith.constant 512 : i32
        %mul3A_460 = arith.muli %select_n3A, %mul3A_459 : i32
        %add3A_461 = arith.constant 0 : i32
        %add3A_462 = arith.addi %mul3A_460, %add3A_461 : i32
        %mul3A_463 = arith.constant 16 : i32
        %mul3A_464 = arith.muli %select_n3A_196, %mul3A_463 : i32
        %add3A_465 = arith.addi %add3A_462, %mul3A_464 : i32
        %add3A_466 = arith.constant 11 : i32
        %add3A_467 = arith.addi %add3A_465, %add3A_466 : i32
        %get3A_468 = arith.index_cast %rem3A_92 : i32 to index
        %get3A_469 = arith.index_cast %add3A_467 : i32 to index
        %get3A_470 = arith.constant 0 : index
        %get3A_471 = tpu.vector_load %arg8[%get3A_468, %get3A_469, %get3A_470] {strides = array<i32>} : memref<2x2560x32xbf16, #tpu.memory_space<vmem>>, vector<32xbf16>,
        %unpack3A_472 = tpu.unpack_subelements %get3A_471, 0 {pack_format = #tpu.pack_format<interleaved>} : vector<32xbf16> -> vector<16xf32>
        %unpack3A_473 = tpu.unpack_subelements %get3A_471, 1 {pack_format = #tpu.pack_format<interleaved>} : vector<32xbf16> -> vector<16xf32>
        %mul3A_474 = vector.broadcast %squeeze3A_458 : f32 to vector<16xf32>
        %mul3A_475 = arith.mulf %mul3A_474, %unpack3A_472 : vector<16xf32>
        %add3A_476 = arith.addf %add3A_453, %mul3A_475 : vector<16xf32>
        %mul3A_477 = vector.broadcast %squeeze3A_458 : f32 to vector<16xf32>
        %mul3A_478 = arith.mulf %mul3A_477, %unpack3A_473 : vector<16xf32>
        %add3A_479 = arith.addf %add3A_456, %mul3A_478 : vector<16xf32>
        %slice3A_480 = vector.extract_strided_slice %get3A_206 {offsets = [12], sizes = [1], strides = [1]} : vector<16xf32> to vector<1xf32>
        %squeeze3A_481 = vector.extract %slice3A_480[0] : f32 from vector<1xf32>
        %mul3A_482 = arith.constant 512 : i32
        %mul3A_483 = arith.muli %select_n3A, %mul3A_482 : i32
        %add3A_484 = arith.constant 0 : i32
        %add3A_485 = arith.addi %mul3A_483, %add3A_484 : i32
        %mul3A_486 = arith.constant 16 : i32
        %mul3A_487 = arith.muli %select_n3A_196, %mul3A_486 : i32
        %add3A_488 = arith.addi %add3A_485, %mul3A_487 : i32
        %add3A_489 = arith.constant 12 : i32
        %add3A_490 = arith.addi %add3A_488, %add3A_489 : i32
        %get3A_491 = arith.index_cast %rem3A_92 : i32 to index
        %get3A_492 = arith.index_cast %add3A_490 : i32 to index
        %get3A_493 = arith.constant 0 : index
        %get3A_494 = tpu.vector_load %arg8[%get3A_491, %get3A_492, %get3A_493] {strides = array<i32>} : memref<2x2560x32xbf16, #tpu.memory_space<vmem>>, vector<32xbf16>,
        %unpack3A_495 = tpu.unpack_subelements %get3A_494, 0 {pack_format = #tpu.pack_format<interleaved>} : vector<32xbf16> -> vector<16xf32>
        %unpack3A_496 = tpu.unpack_subelements %get3A_494, 1 {pack_format = #tpu.pack_format<interleaved>} : vector<32xbf16> -> vector<16xf32>
        %mul3A_497 = vector.broadcast %squeeze3A_481 : f32 to vector<16xf32>
        %mul3A_498 = arith.mulf %mul3A_497, %unpack3A_495 : vector<16xf32>
        %add3A_499 = arith.addf %add3A_476, %mul3A_498 : vector<16xf32>
        %mul3A_500 = vector.broadcast %squeeze3A_481 : f32 to vector<16xf32>
        %mul3A_501 = arith.mulf %mul3A_500, %unpack3A_496 : vector<16xf32>
        %add3A_502 = arith.addf %add3A_479, %mul3A_501 : vector<16xf32>
        %slice3A_503 = vector.extract_strided_slice %get3A_206 {offsets = [13], sizes = [1], strides = [1]} : vector<16xf32> to vector<1xf32>
        %squeeze3A_504 = vector.extract %slice3A_503[0] : f32 from vector<1xf32>
        %mul3A_505 = arith.constant 512 : i32
        %mul3A_506 = arith.muli %select_n3A, %mul3A_505 : i32
        %add3A_507 = arith.constant 0 : i32
        %add3A_508 = arith.addi %mul3A_506, %add3A_507 : i32
        %mul3A_509 = arith.constant 16 : i32
        %mul3A_510 = arith.muli %select_n3A_196, %mul3A_509 : i32
        %add3A_511 = arith.addi %add3A_508, %mul3A_510 : i32
        %add3A_512 = arith.constant 13 : i32
        %add3A_513 = arith.addi %add3A_511, %add3A_512 : i32
        %get3A_514 = arith.index_cast %rem3A_92 : i32 to index
        %get3A_515 = arith.index_cast %add3A_513 : i32 to index
        %get3A_516 = arith.constant 0 : index
        %get3A_517 = tpu.vector_load %arg8[%get3A_514, %get3A_515, %get3A_516] {strides = array<i32>} : memref<2x2560x32xbf16, #tpu.memory_space<vmem>>, vector<32xbf16>,
        %unpack3A_518 = tpu.unpack_subelements %get3A_517, 0 {pack_format = #tpu.pack_format<interleaved>} : vector<32xbf16> -> vector<16xf32>
        %unpack3A_519 = tpu.unpack_subelements %get3A_517, 1 {pack_format = #tpu.pack_format<interleaved>} : vector<32xbf16> -> vector<16xf32>
        %mul3A_520 = vector.broadcast %squeeze3A_504 : f32 to vector<16xf32>
        %mul3A_521 = arith.mulf %mul3A_520, %unpack3A_518 : vector<16xf32>
        %add3A_522 = arith.addf %add3A_499, %mul3A_521 : vector<16xf32>
        %mul3A_523 = vector.broadcast %squeeze3A_504 : f32 to vector<16xf32>
        %mul3A_524 = arith.mulf %mul3A_523, %unpack3A_519 : vector<16xf32>
        %add3A_525 = arith.addf %add3A_502, %mul3A_524 : vector<16xf32>
        %slice3A_526 = vector.extract_strided_slice %get3A_206 {offsets = [14], sizes = [1], strides = [1]} : vector<16xf32> to vector<1xf32>
        %squeeze3A_527 = vector.extract %slice3A_526[0] : f32 from vector<1xf32>
        %mul3A_528 = arith.constant 512 : i32
        %mul3A_529 = arith.muli %select_n3A, %mul3A_528 : i32
        %add3A_530 = arith.constant 0 : i32
        %add3A_531 = arith.addi %mul3A_529, %add3A_530 : i32
        %mul3A_532 = arith.constant 16 : i32
        %mul3A_533 = arith.muli %select_n3A_196, %mul3A_532 : i32
        %add3A_534 = arith.addi %add3A_531, %mul3A_533 : i32
        %add3A_535 = arith.constant 14 : i32
        %add3A_536 = arith.addi %add3A_534, %add3A_535 : i32
        %get3A_537 = arith.index_cast %rem3A_92 : i32 to index
        %get3A_538 = arith.index_cast %add3A_536 : i32 to index
        %get3A_539 = arith.constant 0 : index
        %get3A_540 = tpu.vector_load %arg8[%get3A_537, %get3A_538, %get3A_539] {strides = array<i32>} : memref<2x2560x32xbf16, #tpu.memory_space<vmem>>, vector<32xbf16>,
        %unpack3A_541 = tpu.unpack_subelements %get3A_540, 0 {pack_format = #tpu.pack_format<interleaved>} : vector<32xbf16> -> vector<16xf32>
        %unpack3A_542 = tpu.unpack_subelements %get3A_540, 1 {pack_format = #tpu.pack_format<interleaved>} : vector<32xbf16> -> vector<16xf32>
        %mul3A_543 = vector.broadcast %squeeze3A_527 : f32 to vector<16xf32>
        %mul3A_544 = arith.mulf %mul3A_543, %unpack3A_541 : vector<16xf32>
        %add3A_545 = arith.addf %add3A_522, %mul3A_544 : vector<16xf32>
        %mul3A_546 = vector.broadcast %squeeze3A_527 : f32 to vector<16xf32>
        %mul3A_547 = arith.mulf %mul3A_546, %unpack3A_542 : vector<16xf32>
        %add3A_548 = arith.addf %add3A_525, %mul3A_547 : vector<16xf32>
        %slice3A_549 = vector.extract_strided_slice %get3A_206 {offsets = [15], sizes = [1], strides = [1]} : vector<16xf32> to vector<1xf32>
        %squeeze3A_550 = vector.extract %slice3A_549[0] : f32 from vector<1xf32>
        %mul3A_551 = arith.constant 512 : i32
        %mul3A_552 = arith.muli %select_n3A, %mul3A_551 : i32
        %add3A_553 = arith.constant 0 : i32
        %add3A_554 = arith.addi %mul3A_552, %add3A_553 : i32
        %mul3A_555 = arith.constant 16 : i32
        %mul3A_556 = arith.muli %select_n3A_196, %mul3A_555 : i32
        %add3A_557 = arith.addi %add3A_554, %mul3A_556 : i32
        %add3A_558 = arith.constant 15 : i32
        %add3A_559 = arith.addi %add3A_557, %add3A_558 : i32
        %get3A_560 = arith.index_cast %rem3A_92 : i32 to index
        %get3A_561 = arith.index_cast %add3A_559 : i32 to index
        %get3A_562 = arith.constant 0 : index
        %get3A_563 = tpu.vector_load %arg8[%get3A_560, %get3A_561, %get3A_562] {strides = array<i32>} : memref<2x2560x32xbf16, #tpu.memory_space<vmem>>, vector<32xbf16>,
        %unpack3A_564 = tpu.unpack_subelements %get3A_563, 0 {pack_format = #tpu.pack_format<interleaved>} : vector<32xbf16> -> vector<16xf32>
        %unpack3A_565 = tpu.unpack_subelements %get3A_563, 1 {pack_format = #tpu.pack_format<interleaved>} : vector<32xbf16> -> vector<16xf32>
        %mul3A_566 = vector.broadcast %squeeze3A_550 : f32 to vector<16xf32>
        %mul3A_567 = arith.mulf %mul3A_566, %unpack3A_564 : vector<16xf32>
        %add3A_568 = arith.addf %add3A_545, %mul3A_567 : vector<16xf32>
        %mul3A_569 = vector.broadcast %squeeze3A_550 : f32 to vector<16xf32>
        %mul3A_570 = arith.mulf %mul3A_569, %unpack3A_565 : vector<16xf32>
        %add3A_571 = arith.addf %add3A_548, %mul3A_570 : vector<16xf32>
        %mul3A_572 = arith.constant 16 : i32
        %mul3A_573 = arith.muli %select_n3A_196, %mul3A_572 : i32
        %add3A_574 = arith.constant 128 : i32
        %add3A_575 = arith.addi %add3A_574, %mul3A_573 : i32
        %get3A_576 = arith.index_cast %rem3A_92 : i32 to index
        %get3A_577 = arith.index_cast %select_n3A : i32 to index
        %get3A_578 = arith.index_cast %add3A_575 : i32 to index
        %get3A_579 = tpu.vector_load %arg7[%get3A_576, %get3A_577, %get3A_578] {strides = array<i32>} : memref<2x5x512xf32, #tpu.memory_space<vmem>>, vector<16xf32>,
        %slice3A_580 = vector.extract_strided_slice %get3A_579 {offsets = [0], sizes = [1], strides = [1]} : vector<16xf32> to vector<1xf32>
        %squeeze3A_581 = vector.extract %slice3A_580[0] : f32 from vector<1xf32>
        %mul3A_582 = arith.constant 512 : i32
        %mul3A_583 = arith.muli %select_n3A, %mul3A_582 : i32
        %add3A_584 = arith.constant 128 : i32
        %add3A_585 = arith.addi %mul3A_583, %add3A_584 : i32
        %mul3A_586 = arith.constant 16 : i32
        %mul3A_587 = arith.muli %select_n3A_196, %mul3A_586 : i32
        %add3A_588 = arith.addi %add3A_585, %mul3A_587 : i32
        %add3A_589 = arith.constant 0 : i32
        %add3A_590 = arith.addi %add3A_588, %add3A_589 : i32
        %get3A_591 = arith.index_cast %rem3A_92 : i32 to index
        %get3A_592 = arith.index_cast %add3A_590 : i32 to index
        %get3A_593 = arith.constant 0 : index
        %get3A_594 = tpu.vector_load %arg8[%get3A_591, %get3A_592, %get3A_593] {strides = array<i32>} : memref<2x2560x32xbf16, #tpu.memory_space<vmem>>, vector<32xbf16>,
        %unpack3A_595 = tpu.unpack_subelements %get3A_594, 0 {pack_format = #tpu.pack_format<interleaved>} : vector<32xbf16> -> vector<16xf32>
        %unpack3A_596 = tpu.unpack_subelements %get3A_594, 1 {pack_format = #tpu.pack_format<interleaved>} : vector<32xbf16> -> vector<16xf32>
        %mul3A_597 = vector.broadcast %squeeze3A_581 : f32 to vector<16xf32>
        %mul3A_598 = arith.mulf %mul3A_597, %unpack3A_595 : vector<16xf32>
        %add3A_599 = arith.addf %add3A_568, %mul3A_598 : vector<16xf32>
        %mul3A_600 = vector.broadcast %squeeze3A_581 : f32 to vector<16xf32>
        %mul3A_601 = arith.mulf %mul3A_600, %unpack3A_596 : vector<16xf32>
        %add3A_602 = arith.addf %add3A_571, %mul3A_601 : vector<16xf32>
        %slice3A_603 = vector.extract_strided_slice %get3A_579 {offsets = [1], sizes = [1], strides = [1]} : vector<16xf32> to vector<1xf32>
        %squeeze3A_604 = vector.extract %slice3A_603[0] : f32 from vector<1xf32>
        %mul3A_605 = arith.constant 512 : i32
        %mul3A_606 = arith.muli %select_n3A, %mul3A_605 : i32
        %add3A_607 = arith.constant 128 : i32
        %add3A_608 = arith.addi %mul3A_606, %add3A_607 : i32
        %mul3A_609 = arith.constant 16 : i32
        %mul3A_610 = arith.muli %select_n3A_196, %mul3A_609 : i32
        %add3A_611 = arith.addi %add3A_608, %mul3A_610 : i32
        %add3A_612 = arith.constant 1 : i32
        %add3A_613 = arith.addi %add3A_611, %add3A_612 : i32
        %get3A_614 = arith.index_cast %rem3A_92 : i32 to index
        %get3A_615 = arith.index_cast %add3A_613 : i32 to index
        %get3A_616 = arith.constant 0 : index
        %get3A_617 = tpu.vector_load %arg8[%get3A_614, %get3A_615, %get3A_616] {strides = array<i32>} : memref<2x2560x32xbf16, #tpu.memory_space<vmem>>, vector<32xbf16>,
        %unpack3A_618 = tpu.unpack_subelements %get3A_617, 0 {pack_format = #tpu.pack_format<interleaved>} : vector<32xbf16> -> vector<16xf32>
        %unpack3A_619 = tpu.unpack_subelements %get3A_617, 1 {pack_format = #tpu.pack_format<interleaved>} : vector<32xbf16> -> vector<16xf32>
        %mul3A_620 = vector.broadcast %squeeze3A_604 : f32 to vector<16xf32>
        %mul3A_621 = arith.mulf %mul3A_620, %unpack3A_618 : vector<16xf32>
        %add3A_622 = arith.addf %add3A_599, %mul3A_621 : vector<16xf32>
        %mul3A_623 = vector.broadcast %squeeze3A_604 : f32 to vector<16xf32>
        %mul3A_624 = arith.mulf %mul3A_623, %unpack3A_619 : vector<16xf32>
        %add3A_625 = arith.addf %add3A_602, %mul3A_624 : vector<16xf32>
        %slice3A_626 = vector.extract_strided_slice %get3A_579 {offsets = [2], sizes = [1], strides = [1]} : vector<16xf32> to vector<1xf32>
        %squeeze3A_627 = vector.extract %slice3A_626[0] : f32 from vector<1xf32>
        %mul3A_628 = arith.constant 512 : i32
        %mul3A_629 = arith.muli %select_n3A, %mul3A_628 : i32
        %add3A_630 = arith.constant 128 : i32
        %add3A_631 = arith.addi %mul3A_629, %add3A_630 : i32
        %mul3A_632 = arith.constant 16 : i32
        %mul3A_633 = arith.muli %select_n3A_196, %mul3A_632 : i32
        %add3A_634 = arith.addi %add3A_631, %mul3A_633 : i32
        %add3A_635 = arith.constant 2 : i32
        %add3A_636 = arith.addi %add3A_634, %add3A_635 : i32
        %get3A_637 = arith.index_cast %rem3A_92 : i32 to index
        %get3A_638 = arith.index_cast %add3A_636 : i32 to index
        %get3A_639 = arith.constant 0 : index
        %get3A_640 = tpu.vector_load %arg8[%get3A_637, %get3A_638, %get3A_639] {strides = array<i32>} : memref<2x2560x32xbf16, #tpu.memory_space<vmem>>, vector<32xbf16>,
        %unpack3A_641 = tpu.unpack_subelements %get3A_640, 0 {pack_format = #tpu.pack_format<interleaved>} : vector<32xbf16> -> vector<16xf32>
        %unpack3A_642 = tpu.unpack_subelements %get3A_640, 1 {pack_format = #tpu.pack_format<interleaved>} : vector<32xbf16> -> vector<16xf32>
        %mul3A_643 = vector.broadcast %squeeze3A_627 : f32 to vector<16xf32>
        %mul3A_644 = arith.mulf %mul3A_643, %unpack3A_641 : vector<16xf32>
        %add3A_645 = arith.addf %add3A_622, %mul3A_644 : vector<16xf32>
        %mul3A_646 = vector.broadcast %squeeze3A_627 : f32 to vector<16xf32>
        %mul3A_647 = arith.mulf %mul3A_646, %unpack3A_642 : vector<16xf32>
        %add3A_648 = arith.addf %add3A_625, %mul3A_647 : vector<16xf32>
        %slice3A_649 = vector.extract_strided_slice %get3A_579 {offsets = [3], sizes = [1], strides = [1]} : vector<16xf32> to vector<1xf32>
        %squeeze3A_650 = vector.extract %slice3A_649[0] : f32 from vector<1xf32>
        %mul3A_651 = arith.constant 512 : i32
        %mul3A_652 = arith.muli %select_n3A, %mul3A_651 : i32
        %add3A_653 = arith.constant 128 : i32
        %add3A_654 = arith.addi %mul3A_652, %add3A_653 : i32
        %mul3A_655 = arith.constant 16 : i32
        %mul3A_656 = arith.muli %select_n3A_196, %mul3A_655 : i32
        %add3A_657 = arith.addi %add3A_654, %mul3A_656 : i32
        %add3A_658 = arith.constant 3 : i32
        %add3A_659 = arith.addi %add3A_657, %add3A_658 : i32
        %get3A_660 = arith.index_cast %rem3A_92 : i32 to index
        %get3A_661 = arith.index_cast %add3A_659 : i32 to index
        %get3A_662 = arith.constant 0 : index
        %get3A_663 = tpu.vector_load %arg8[%get3A_660, %get3A_661, %get3A_662] {strides = array<i32>} : memref<2x2560x32xbf16, #tpu.memory_space<vmem>>, vector<32xbf16>,
        %unpack3A_664 = tpu.unpack_subelements %get3A_663, 0 {pack_format = #tpu.pack_format<interleaved>} : vector<32xbf16> -> vector<16xf32>
        %unpack3A_665 = tpu.unpack_subelements %get3A_663, 1 {pack_format = #tpu.pack_format<interleaved>} : vector<32xbf16> -> vector<16xf32>
        %mul3A_666 = vector.broadcast %squeeze3A_650 : f32 to vector<16xf32>
        %mul3A_667 = arith.mulf %mul3A_666, %unpack3A_664 : vector<16xf32>
        %add3A_668 = arith.addf %add3A_645, %mul3A_667 : vector<16xf32>
        %mul3A_669 = vector.broadcast %squeeze3A_650 : f32 to vector<16xf32>
        %mul3A_670 = arith.mulf %mul3A_669, %unpack3A_665 : vector<16xf32>
        %add3A_671 = arith.addf %add3A_648, %mul3A_670 : vector<16xf32>
        %slice3A_672 = vector.extract_strided_slice %get3A_579 {offsets = [4], sizes = [1], strides = [1]} : vector<16xf32> to vector<1xf32>
        %squeeze3A_673 = vector.extract %slice3A_672[0] : f32 from vector<1xf32>
        %mul3A_674 = arith.constant 512 : i32
        %mul3A_675 = arith.muli %select_n3A, %mul3A_674 : i32
        %add3A_676 = arith.constant 128 : i32
        %add3A_677 = arith.addi %mul3A_675, %add3A_676 : i32
        %mul3A_678 = arith.constant 16 : i32
        %mul3A_679 = arith.muli %select_n3A_196, %mul3A_678 : i32
        %add3A_680 = arith.addi %add3A_677, %mul3A_679 : i32
        %add3A_681 = arith.constant 4 : i32
        %add3A_682 = arith.addi %add3A_680, %add3A_681 : i32
        %get3A_683 = arith.index_cast %rem3A_92 : i32 to index
        %get3A_684 = arith.index_cast %add3A_682 : i32 to index
        %get3A_685 = arith.constant 0 : index
        %get3A_686 = tpu.vector_load %arg8[%get3A_683, %get3A_684, %get3A_685] {strides = array<i32>} : memref<2x2560x32xbf16, #tpu.memory_space<vmem>>, vector<32xbf16>,
        %unpack3A_687 = tpu.unpack_subelements %get3A_686, 0 {pack_format = #tpu.pack_format<interleaved>} : vector<32xbf16> -> vector<16xf32>
        %unpack3A_688 = tpu.unpack_subelements %get3A_686, 1 {pack_format = #tpu.pack_format<interleaved>} : vector<32xbf16> -> vector<16xf32>
        %mul3A_689 = vector.broadcast %squeeze3A_673 : f32 to vector<16xf32>
        %mul3A_690 = arith.mulf %mul3A_689, %unpack3A_687 : vector<16xf32>
        %add3A_691 = arith.addf %add3A_668, %mul3A_690 : vector<16xf32>
        %mul3A_692 = vector.broadcast %squeeze3A_673 : f32 to vector<16xf32>
        %mul3A_693 = arith.mulf %mul3A_692, %unpack3A_688 : vector<16xf32>
        %add3A_694 = arith.addf %add3A_671, %mul3A_693 : vector<16xf32>
        %slice3A_695 = vector.extract_strided_slice %get3A_579 {offsets = [5], sizes = [1], strides = [1]} : vector<16xf32> to vector<1xf32>
        %squeeze3A_696 = vector.extract %slice3A_695[0] : f32 from vector<1xf32>
        %mul3A_697 = arith.constant 512 : i32
        %mul3A_698 = arith.muli %select_n3A, %mul3A_697 : i32
        %add3A_699 = arith.constant 128 : i32
        %add3A_700 = arith.addi %mul3A_698, %add3A_699 : i32
        %mul3A_701 = arith.constant 16 : i32
        %mul3A_702 = arith.muli %select_n3A_196, %mul3A_701 : i32
        %add3A_703 = arith.addi %add3A_700, %mul3A_702 : i32
        %add3A_704 = arith.constant 5 : i32
        %add3A_705 = arith.addi %add3A_703, %add3A_704 : i32
        %get3A_706 = arith.index_cast %rem3A_92 : i32 to index
        %get3A_707 = arith.index_cast %add3A_705 : i32 to index
        %get3A_708 = arith.constant 0 : index
        %get3A_709 = tpu.vector_load %arg8[%get3A_706, %get3A_707, %get3A_708] {strides = array<i32>} : memref<2x2560x32xbf16, #tpu.memory_space<vmem>>, vector<32xbf16>,
        %unpack3A_710 = tpu.unpack_subelements %get3A_709, 0 {pack_format = #tpu.pack_format<interleaved>} : vector<32xbf16> -> vector<16xf32>
        %unpack3A_711 = tpu.unpack_subelements %get3A_709, 1 {pack_format = #tpu.pack_format<interleaved>} : vector<32xbf16> -> vector<16xf32>
        %mul3A_712 = vector.broadcast %squeeze3A_696 : f32 to vector<16xf32>
        %mul3A_713 = arith.mulf %mul3A_712, %unpack3A_710 : vector<16xf32>
        %add3A_714 = arith.addf %add3A_691, %mul3A_713 : vector<16xf32>
        %mul3A_715 = vector.broadcast %squeeze3A_696 : f32 to vector<16xf32>
        %mul3A_716 = arith.mulf %mul3A_715, %unpack3A_711 : vector<16xf32>
        %add3A_717 = arith.addf %add3A_694, %mul3A_716 : vector<16xf32>
        %slice3A_718 = vector.extract_strided_slice %get3A_579 {offsets = [6], sizes = [1], strides = [1]} : vector<16xf32> to vector<1xf32>
        %squeeze3A_719 = vector.extract %slice3A_718[0] : f32 from vector<1xf32>
        %mul3A_720 = arith.constant 512 : i32
        %mul3A_721 = arith.muli %select_n3A, %mul3A_720 : i32
        %add3A_722 = arith.constant 128 : i32
        %add3A_723 = arith.addi %mul3A_721, %add3A_722 : i32
        %mul3A_724 = arith.constant 16 : i32
        %mul3A_725 = arith.muli %select_n3A_196, %mul3A_724 : i32
        %add3A_726 = arith.addi %add3A_723, %mul3A_725 : i32
        %add3A_727 = arith.constant 6 : i32
        %add3A_728 = arith.addi %add3A_726, %add3A_727 : i32
        %get3A_729 = arith.index_cast %rem3A_92 : i32 to index
        %get3A_730 = arith.index_cast %add3A_728 : i32 to index
        %get3A_731 = arith.constant 0 : index
        %get3A_732 = tpu.vector_load %arg8[%get3A_729, %get3A_730, %get3A_731] {strides = array<i32>} : memref<2x2560x32xbf16, #tpu.memory_space<vmem>>, vector<32xbf16>,
        %unpack3A_733 = tpu.unpack_subelements %get3A_732, 0 {pack_format = #tpu.pack_format<interleaved>} : vector<32xbf16> -> vector<16xf32>
        %unpack3A_734 = tpu.unpack_subelements %get3A_732, 1 {pack_format = #tpu.pack_format<interleaved>} : vector<32xbf16> -> vector<16xf32>
        %mul3A_735 = vector.broadcast %squeeze3A_719 : f32 to vector<16xf32>
        %mul3A_736 = arith.mulf %mul3A_735, %unpack3A_733 : vector<16xf32>
        %add3A_737 = arith.addf %add3A_714, %mul3A_736 : vector<16xf32>
        %mul3A_738 = vector.broadcast %squeeze3A_719 : f32 to vector<16xf32>
        %mul3A_739 = arith.mulf %mul3A_738, %unpack3A_734 : vector<16xf32>
        %add3A_740 = arith.addf %add3A_717, %mul3A_739 : vector<16xf32>
        %slice3A_741 = vector.extract_strided_slice %get3A_579 {offsets = [7], sizes = [1], strides = [1]} : vector<16xf32> to vector<1xf32>
        %squeeze3A_742 = vector.extract %slice3A_741[0] : f32 from vector<1xf32>
        %mul3A_743 = arith.constant 512 : i32
        %mul3A_744 = arith.muli %select_n3A, %mul3A_743 : i32
        %add3A_745 = arith.constant 128 : i32
        %add3A_746 = arith.addi %mul3A_744, %add3A_745 : i32
        %mul3A_747 = arith.constant 16 : i32
        %mul3A_748 = arith.muli %select_n3A_196, %mul3A_747 : i32
        %add3A_749 = arith.addi %add3A_746, %mul3A_748 : i32
        %add3A_750 = arith.constant 7 : i32
        %add3A_751 = arith.addi %add3A_749, %add3A_750 : i32
        %get3A_752 = arith.index_cast %rem3A_92 : i32 to index
        %get3A_753 = arith.index_cast %add3A_751 : i32 to index
        %get3A_754 = arith.constant 0 : index
        %get3A_755 = tpu.vector_load %arg8[%get3A_752, %get3A_753, %get3A_754] {strides = array<i32>} : memref<2x2560x32xbf16, #tpu.memory_space<vmem>>, vector<32xbf16>,
        %unpack3A_756 = tpu.unpack_subelements %get3A_755, 0 {pack_format = #tpu.pack_format<interleaved>} : vector<32xbf16> -> vector<16xf32>
        %unpack3A_757 = tpu.unpack_subelements %get3A_755, 1 {pack_format = #tpu.pack_format<interleaved>} : vector<32xbf16> -> vector<16xf32>
        %mul3A_758 = vector.broadcast %squeeze3A_742 : f32 to vector<16xf32>
        %mul3A_759 = arith.mulf %mul3A_758, %unpack3A_756 : vector<16xf32>
        %add3A_760 = arith.addf %add3A_737, %mul3A_759 : vector<16xf32>
        %mul3A_761 = vector.broadcast %squeeze3A_742 : f32 to vector<16xf32>
        %mul3A_762 = arith.mulf %mul3A_761, %unpack3A_757 : vector<16xf32>
        %add3A_763 = arith.addf %add3A_740, %mul3A_762 : vector<16xf32>
        %slice3A_764 = vector.extract_strided_slice %get3A_579 {offsets = [8], sizes = [1], strides = [1]} : vector<16xf32> to vector<1xf32>
        %squeeze3A_765 = vector.extract %slice3A_764[0] : f32 from vector<1xf32>
        %mul3A_766 = arith.constant 512 : i32
        %mul3A_767 = arith.muli %select_n3A, %mul3A_766 : i32
        %add3A_768 = arith.constant 128 : i32
        %add3A_769 = arith.addi %mul3A_767, %add3A_768 : i32
        %mul3A_770 = arith.constant 16 : i32
        %mul3A_771 = arith.muli %select_n3A_196, %mul3A_770 : i32
        %add3A_772 = arith.addi %add3A_769, %mul3A_771 : i32
        %add3A_773 = arith.constant 8 : i32
        %add3A_774 = arith.addi %add3A_772, %add3A_773 : i32
        %get3A_775 = arith.index_cast %rem3A_92 : i32 to index
        %get3A_776 = arith.index_cast %add3A_774 : i32 to index
        %get3A_777 = arith.constant 0 : index
        %get3A_778 = tpu.vector_load %arg8[%get3A_775, %get3A_776, %get3A_777] {strides = array<i32>} : memref<2x2560x32xbf16, #tpu.memory_space<vmem>>, vector<32xbf16>,
        %unpack3A_779 = tpu.unpack_subelements %get3A_778, 0 {pack_format = #tpu.pack_format<interleaved>} : vector<32xbf16> -> vector<16xf32>
        %unpack3A_780 = tpu.unpack_subelements %get3A_778, 1 {pack_format = #tpu.pack_format<interleaved>} : vector<32xbf16> -> vector<16xf32>
        %mul3A_781 = vector.broadcast %squeeze3A_765 : f32 to vector<16xf32>
        %mul3A_782 = arith.mulf %mul3A_781, %unpack3A_779 : vector<16xf32>
        %add3A_783 = arith.addf %add3A_760, %mul3A_782 : vector<16xf32>
        %mul3A_784 = vector.broadcast %squeeze3A_765 : f32 to vector<16xf32>
        %mul3A_785 = arith.mulf %mul3A_784, %unpack3A_780 : vector<16xf32>
        %add3A_786 = arith.addf %add3A_763, %mul3A_785 : vector<16xf32>
        %slice3A_787 = vector.extract_strided_slice %get3A_579 {offsets = [9], sizes = [1], strides = [1]} : vector<16xf32> to vector<1xf32>
        %squeeze3A_788 = vector.extract %slice3A_787[0] : f32 from vector<1xf32>
        %mul3A_789 = arith.constant 512 : i32
        %mul3A_790 = arith.muli %select_n3A, %mul3A_789 : i32
        %add3A_791 = arith.constant 128 : i32
        %add3A_792 = arith.addi %mul3A_790, %add3A_791 : i32
        %mul3A_793 = arith.constant 16 : i32
        %mul3A_794 = arith.muli %select_n3A_196, %mul3A_793 : i32
        %add3A_795 = arith.addi %add3A_792, %mul3A_794 : i32
        %add3A_796 = arith.constant 9 : i32
        %add3A_797 = arith.addi %add3A_795, %add3A_796 : i32
        %get3A_798 = arith.index_cast %rem3A_92 : i32 to index
        %get3A_799 = arith.index_cast %add3A_797 : i32 to index
        %get3A_800 = arith.constant 0 : index
        %get3A_801 = tpu.vector_load %arg8[%get3A_798, %get3A_799, %get3A_800] {strides = array<i32>} : memref<2x2560x32xbf16, #tpu.memory_space<vmem>>, vector<32xbf16>,
        %unpack3A_802 = tpu.unpack_subelements %get3A_801, 0 {pack_format = #tpu.pack_format<interleaved>} : vector<32xbf16> -> vector<16xf32>
        %unpack3A_803 = tpu.unpack_subelements %get3A_801, 1 {pack_format = #tpu.pack_format<interleaved>} : vector<32xbf16> -> vector<16xf32>
        %mul3A_804 = vector.broadcast %squeeze3A_788 : f32 to vector<16xf32>
        %mul3A_805 = arith.mulf %mul3A_804, %unpack3A_802 : vector<16xf32>
        %add3A_806 = arith.addf %add3A_783, %mul3A_805 : vector<16xf32>
        %mul3A_807 = vector.broadcast %squeeze3A_788 : f32 to vector<16xf32>
        %mul3A_808 = arith.mulf %mul3A_807, %unpack3A_803 : vector<16xf32>
        %add3A_809 = arith.addf %add3A_786, %mul3A_808 : vector<16xf32>
        %slice3A_810 = vector.extract_strided_slice %get3A_579 {offsets = [10], sizes = [1], strides = [1]} : vector<16xf32> to vector<1xf32>
        %squeeze3A_811 = vector.extract %slice3A_810[0] : f32 from vector<1xf32>
        %mul3A_812 = arith.constant 512 : i32
        %mul3A_813 = arith.muli %select_n3A, %mul3A_812 : i32
        %add3A_814 = arith.constant 128 : i32
        %add3A_815 = arith.addi %mul3A_813, %add3A_814 : i32
        %mul3A_816 = arith.constant 16 : i32
        %mul3A_817 = arith.muli %select_n3A_196, %mul3A_816 : i32
        %add3A_818 = arith.addi %add3A_815, %mul3A_817 : i32
        %add3A_819 = arith.constant 10 : i32
        %add3A_820 = arith.addi %add3A_818, %add3A_819 : i32
        %get3A_821 = arith.index_cast %rem3A_92 : i32 to index
        %get3A_822 = arith.index_cast %add3A_820 : i32 to index
        %get3A_823 = arith.constant 0 : index
        %get3A_824 = tpu.vector_load %arg8[%get3A_821, %get3A_822, %get3A_823] {strides = array<i32>} : memref<2x2560x32xbf16, #tpu.memory_space<vmem>>, vector<32xbf16>,
        %unpack3A_825 = tpu.unpack_subelements %get3A_824, 0 {pack_format = #tpu.pack_format<interleaved>} : vector<32xbf16> -> vector<16xf32>
        %unpack3A_826 = tpu.unpack_subelements %get3A_824, 1 {pack_format = #tpu.pack_format<interleaved>} : vector<32xbf16> -> vector<16xf32>
        %mul3A_827 = vector.broadcast %squeeze3A_811 : f32 to vector<16xf32>
        %mul3A_828 = arith.mulf %mul3A_827, %unpack3A_825 : vector<16xf32>
        %add3A_829 = arith.addf %add3A_806, %mul3A_828 : vector<16xf32>
        %mul3A_830 = vector.broadcast %squeeze3A_811 : f32 to vector<16xf32>
        %mul3A_831 = arith.mulf %mul3A_830, %unpack3A_826 : vector<16xf32>
        %add3A_832 = arith.addf %add3A_809, %mul3A_831 : vector<16xf32>
        %slice3A_833 = vector.extract_strided_slice %get3A_579 {offsets = [11], sizes = [1], strides = [1]} : vector<16xf32> to vector<1xf32>
        %squeeze3A_834 = vector.extract %slice3A_833[0] : f32 from vector<1xf32>
        %mul3A_835 = arith.constant 512 : i32
        %mul3A_836 = arith.muli %select_n3A, %mul3A_835 : i32
        %add3A_837 = arith.constant 128 : i32
        %add3A_838 = arith.addi %mul3A_836, %add3A_837 : i32
        %mul3A_839 = arith.constant 16 : i32
        %mul3A_840 = arith.muli %select_n3A_196, %mul3A_839 : i32
        %add3A_841 = arith.addi %add3A_838, %mul3A_840 : i32
        %add3A_842 = arith.constant 11 : i32
        %add3A_843 = arith.addi %add3A_841, %add3A_842 : i32
        %get3A_844 = arith.index_cast %rem3A_92 : i32 to index
        %get3A_845 = arith.index_cast %add3A_843 : i32 to index
        %get3A_846 = arith.constant 0 : index
        %get3A_847 = tpu.vector_load %arg8[%get3A_844, %get3A_845, %get3A_846] {strides = array<i32>} : memref<2x2560x32xbf16, #tpu.memory_space<vmem>>, vector<32xbf16>,
        %unpack3A_848 = tpu.unpack_subelements %get3A_847, 0 {pack_format = #tpu.pack_format<interleaved>} : vector<32xbf16> -> vector<16xf32>
        %unpack3A_849 = tpu.unpack_subelements %get3A_847, 1 {pack_format = #tpu.pack_format<interleaved>} : vector<32xbf16> -> vector<16xf32>
        %mul3A_850 = vector.broadcast %squeeze3A_834 : f32 to vector<16xf32>
        %mul3A_851 = arith.mulf %mul3A_850, %unpack3A_848 : vector<16xf32>
        %add3A_852 = arith.addf %add3A_829, %mul3A_851 : vector<16xf32>
        %mul3A_853 = vector.broadcast %squeeze3A_834 : f32 to vector<16xf32>
        %mul3A_854 = arith.mulf %mul3A_853, %unpack3A_849 : vector<16xf32>
        %add3A_855 = arith.addf %add3A_832, %mul3A_854 : vector<16xf32>
        %slice3A_856 = vector.extract_strided_slice %get3A_579 {offsets = [12], sizes = [1], strides = [1]} : vector<16xf32> to vector<1xf32>
        %squeeze3A_857 = vector.extract %slice3A_856[0] : f32 from vector<1xf32>
        %mul3A_858 = arith.constant 512 : i32
        %mul3A_859 = arith.muli %select_n3A, %mul3A_858 : i32
        %add3A_860 = arith.constant 128 : i32
        %add3A_861 = arith.addi %mul3A_859, %add3A_860 : i32
        %mul3A_862 = arith.constant 16 : i32
        %mul3A_863 = arith.muli %select_n3A_196, %mul3A_862 : i32
        %add3A_864 = arith.addi %add3A_861, %mul3A_863 : i32
        %add3A_865 = arith.constant 12 : i32
        %add3A_866 = arith.addi %add3A_864, %add3A_865 : i32
        %get3A_867 = arith.index_cast %rem3A_92 : i32 to index
        %get3A_868 = arith.index_cast %add3A_866 : i32 to index
        %get3A_869 = arith.constant 0 : index
        %get3A_870 = tpu.vector_load %arg8[%get3A_867, %get3A_868, %get3A_869] {strides = array<i32>} : memref<2x2560x32xbf16, #tpu.memory_space<vmem>>, vector<32xbf16>,
        %unpack3A_871 = tpu.unpack_subelements %get3A_870, 0 {pack_format = #tpu.pack_format<interleaved>} : vector<32xbf16> -> vector<16xf32>
        %unpack3A_872 = tpu.unpack_subelements %get3A_870, 1 {pack_format = #tpu.pack_format<interleaved>} : vector<32xbf16> -> vector<16xf32>
        %mul3A_873 = vector.broadcast %squeeze3A_857 : f32 to vector<16xf32>
        %mul3A_874 = arith.mulf %mul3A_873, %unpack3A_871 : vector<16xf32>
        %add3A_875 = arith.addf %add3A_852, %mul3A_874 : vector<16xf32>
        %mul3A_876 = vector.broadcast %squeeze3A_857 : f32 to vector<16xf32>
        %mul3A_877 = arith.mulf %mul3A_876, %unpack3A_872 : vector<16xf32>
        %add3A_878 = arith.addf %add3A_855, %mul3A_877 : vector<16xf32>
        %slice3A_879 = vector.extract_strided_slice %get3A_579 {offsets = [13], sizes = [1], strides = [1]} : vector<16xf32> to vector<1xf32>
        %squeeze3A_880 = vector.extract %slice3A_879[0] : f32 from vector<1xf32>
        %mul3A_881 = arith.constant 512 : i32
        %mul3A_882 = arith.muli %select_n3A, %mul3A_881 : i32
        %add3A_883 = arith.constant 128 : i32
        %add3A_884 = arith.addi %mul3A_882, %add3A_883 : i32
        %mul3A_885 = arith.constant 16 : i32
        %mul3A_886 = arith.muli %select_n3A_196, %mul3A_885 : i32
        %add3A_887 = arith.addi %add3A_884, %mul3A_886 : i32
        %add3A_888 = arith.constant 13 : i32
        %add3A_889 = arith.addi %add3A_887, %add3A_888 : i32
        %get3A_890 = arith.index_cast %rem3A_92 : i32 to index
        %get3A_891 = arith.index_cast %add3A_889 : i32 to index
        %get3A_892 = arith.constant 0 : index
        %get3A_893 = tpu.vector_load %arg8[%get3A_890, %get3A_891, %get3A_892] {strides = array<i32>} : memref<2x2560x32xbf16, #tpu.memory_space<vmem>>, vector<32xbf16>,
        %unpack3A_894 = tpu.unpack_subelements %get3A_893, 0 {pack_format = #tpu.pack_format<interleaved>} : vector<32xbf16> -> vector<16xf32>
        %unpack3A_895 = tpu.unpack_subelements %get3A_893, 1 {pack_format = #tpu.pack_format<interleaved>} : vector<32xbf16> -> vector<16xf32>
        %mul3A_896 = vector.broadcast %squeeze3A_880 : f32 to vector<16xf32>
        %mul3A_897 = arith.mulf %mul3A_896, %unpack3A_894 : vector<16xf32>
        %add3A_898 = arith.addf %add3A_875, %mul3A_897 : vector<16xf32>
        %mul3A_899 = vector.broadcast %squeeze3A_880 : f32 to vector<16xf32>
        %mul3A_900 = arith.mulf %mul3A_899, %unpack3A_895 : vector<16xf32>
        %add3A_901 = arith.addf %add3A_878, %mul3A_900 : vector<16xf32>
        %slice3A_902 = vector.extract_strided_slice %get3A_579 {offsets = [14], sizes = [1], strides = [1]} : vector<16xf32> to vector<1xf32>
        %squeeze3A_903 = vector.extract %slice3A_902[0] : f32 from vector<1xf32>
        %mul3A_904 = arith.constant 512 : i32
        %mul3A_905 = arith.muli %select_n3A, %mul3A_904 : i32
        %add3A_906 = arith.constant 128 : i32
        %add3A_907 = arith.addi %mul3A_905, %add3A_906 : i32
        %mul3A_908 = arith.constant 16 : i32
        %mul3A_909 = arith.muli %select_n3A_196, %mul3A_908 : i32
        %add3A_910 = arith.addi %add3A_907, %mul3A_909 : i32
        %add3A_911 = arith.constant 14 : i32
        %add3A_912 = arith.addi %add3A_910, %add3A_911 : i32
        %get3A_913 = arith.index_cast %rem3A_92 : i32 to index
        %get3A_914 = arith.index_cast %add3A_912 : i32 to index
        %get3A_915 = arith.constant 0 : index
        %get3A_916 = tpu.vector_load %arg8[%get3A_913, %get3A_914, %get3A_915] {strides = array<i32>} : memref<2x2560x32xbf16, #tpu.memory_space<vmem>>, vector<32xbf16>,
        %unpack3A_917 = tpu.unpack_subelements %get3A_916, 0 {pack_format = #tpu.pack_format<interleaved>} : vector<32xbf16> -> vector<16xf32>
        %unpack3A_918 = tpu.unpack_subelements %get3A_916, 1 {pack_format = #tpu.pack_format<interleaved>} : vector<32xbf16> -> vector<16xf32>
        %mul3A_919 = vector.broadcast %squeeze3A_903 : f32 to vector<16xf32>
        %mul3A_920 = arith.mulf %mul3A_919, %unpack3A_917 : vector<16xf32>
        %add3A_921 = arith.addf %add3A_898, %mul3A_920 : vector<16xf32>
        %mul3A_922 = vector.broadcast %squeeze3A_903 : f32 to vector<16xf32>
        %mul3A_923 = arith.mulf %mul3A_922, %unpack3A_918 : vector<16xf32>
        %add3A_924 = arith.addf %add3A_901, %mul3A_923 : vector<16xf32>
        %slice3A_925 = vector.extract_strided_slice %get3A_579 {offsets = [15], sizes = [1], strides = [1]} : vector<16xf32> to vector<1xf32>
        %squeeze3A_926 = vector.extract %slice3A_925[0] : f32 from vector<1xf32>
        %mul3A_927 = arith.constant 512 : i32
        %mul3A_928 = arith.muli %select_n3A, %mul3A_927 : i32
        %add3A_929 = arith.constant 128 : i32
        %add3A_930 = arith.addi %mul3A_928, %add3A_929 : i32
        %mul3A_931 = arith.constant 16 : i32
        %mul3A_932 = arith.muli %select_n3A_196, %mul3A_931 : i32
        %add3A_933 = arith.addi %add3A_930, %mul3A_932 : i32
        %add3A_934 = arith.constant 15 : i32
        %add3A_935 = arith.addi %add3A_933, %add3A_934 : i32
        %get3A_936 = arith.index_cast %rem3A_92 : i32 to index
        %get3A_937 = arith.index_cast %add3A_935 : i32 to index
        %get3A_938 = arith.constant 0 : index
        %get3A_939 = tpu.vector_load %arg8[%get3A_936, %get3A_937, %get3A_938] {strides = array<i32>} : memref<2x2560x32xbf16, #tpu.memory_space<vmem>>, vector<32xbf16>,
        %unpack3A_940 = tpu.unpack_subelements %get3A_939, 0 {pack_format = #tpu.pack_format<interleaved>} : vector<32xbf16> -> vector<16xf32>
        %unpack3A_941 = tpu.unpack_subelements %get3A_939, 1 {pack_format = #tpu.pack_format<interleaved>} : vector<32xbf16> -> vector<16xf32>
        %mul3A_942 = vector.broadcast %squeeze3A_926 : f32 to vector<16xf32>
        %mul3A_943 = arith.mulf %mul3A_942, %unpack3A_940 : vector<16xf32>
        %add3A_944 = arith.addf %add3A_921, %mul3A_943 : vector<16xf32>
        %mul3A_945 = vector.broadcast %squeeze3A_926 : f32 to vector<16xf32>
        %mul3A_946 = arith.mulf %mul3A_945, %unpack3A_941 : vector<16xf32>
        %add3A_947 = arith.addf %add3A_924, %mul3A_946 : vector<16xf32>
        %mul3A_948 = arith.constant 16 : i32
        %mul3A_949 = arith.muli %select_n3A_196, %mul3A_948 : i32
        %add3A_950 = arith.constant 256 : i32
        %add3A_951 = arith.addi %add3A_950, %mul3A_949 : i32
        %get3A_952 = arith.index_cast %rem3A_92 : i32 to index
        %get3A_953 = arith.index_cast %select_n3A : i32 to index
        %get3A_954 = arith.index_cast %add3A_951 : i32 to index
        %get3A_955 = tpu.vector_load %arg7[%get3A_952, %get3A_953, %get3A_954] {strides = array<i32>} : memref<2x5x512xf32, #tpu.memory_space<vmem>>, vector<16xf32>,
        %slice3A_956 = vector.extract_strided_slice %get3A_955 {offsets = [0], sizes = [1], strides = [1]} : vector<16xf32> to vector<1xf32>
        %squeeze3A_957 = vector.extract %slice3A_956[0] : f32 from vector<1xf32>
        %mul3A_958 = arith.constant 512 : i32
        %mul3A_959 = arith.muli %select_n3A, %mul3A_958 : i32
        %add3A_960 = arith.constant 256 : i32
        %add3A_961 = arith.addi %mul3A_959, %add3A_960 : i32
        %mul3A_962 = arith.constant 16 : i32
        %mul3A_963 = arith.muli %select_n3A_196, %mul3A_962 : i32
        %add3A_964 = arith.addi %add3A_961, %mul3A_963 : i32
        %add3A_965 = arith.constant 0 : i32
        %add3A_966 = arith.addi %add3A_964, %add3A_965 : i32
        %get3A_967 = arith.index_cast %rem3A_92 : i32 to index
        %get3A_968 = arith.index_cast %add3A_966 : i32 to index
        %get3A_969 = arith.constant 0 : index
        %get3A_970 = tpu.vector_load %arg8[%get3A_967, %get3A_968, %get3A_969] {strides = array<i32>} : memref<2x2560x32xbf16, #tpu.memory_space<vmem>>, vector<32xbf16>,
        %unpack3A_971 = tpu.unpack_subelements %get3A_970, 0 {pack_format = #tpu.pack_format<interleaved>} : vector<32xbf16> -> vector<16xf32>
        %unpack3A_972 = tpu.unpack_subelements %get3A_970, 1 {pack_format = #tpu.pack_format<interleaved>} : vector<32xbf16> -> vector<16xf32>
        %mul3A_973 = vector.broadcast %squeeze3A_957 : f32 to vector<16xf32>
        %mul3A_974 = arith.mulf %mul3A_973, %unpack3A_971 : vector<16xf32>
        %add3A_975 = arith.addf %add3A_944, %mul3A_974 : vector<16xf32>
        %mul3A_976 = vector.broadcast %squeeze3A_957 : f32 to vector<16xf32>
        %mul3A_977 = arith.mulf %mul3A_976, %unpack3A_972 : vector<16xf32>
        %add3A_978 = arith.addf %add3A_947, %mul3A_977 : vector<16xf32>
        %slice3A_979 = vector.extract_strided_slice %get3A_955 {offsets = [1], sizes = [1], strides = [1]} : vector<16xf32> to vector<1xf32>
        %squeeze3A_980 = vector.extract %slice3A_979[0] : f32 from vector<1xf32>
        %mul3A_981 = arith.constant 512 : i32
        %mul3A_982 = arith.muli %select_n3A, %mul3A_981 : i32
        %add3A_983 = arith.constant 256 : i32
        %add3A_984 = arith.addi %mul3A_982, %add3A_983 : i32
        %mul3A_985 = arith.constant 16 : i32
        %mul3A_986 = arith.muli %select_n3A_196, %mul3A_985 : i32
        %add3A_987 = arith.addi %add3A_984, %mul3A_986 : i32
        %add3A_988 = arith.constant 1 : i32
        %add3A_989 = arith.addi %add3A_987, %add3A_988 : i32
        %get3A_990 = arith.index_cast %rem3A_92 : i32 to index
        %get3A_991 = arith.index_cast %add3A_989 : i32 to index
        %get3A_992 = arith.constant 0 : index
        %get3A_993 = tpu.vector_load %arg8[%get3A_990, %get3A_991, %get3A_992] {strides = array<i32>} : memref<2x2560x32xbf16, #tpu.memory_space<vmem>>, vector<32xbf16>,
        %unpack3A_994 = tpu.unpack_subelements %get3A_993, 0 {pack_format = #tpu.pack_format<interleaved>} : vector<32xbf16> -> vector<16xf32>
        %unpack3A_995 = tpu.unpack_subelements %get3A_993, 1 {pack_format = #tpu.pack_format<interleaved>} : vector<32xbf16> -> vector<16xf32>
        %mul3A_996 = vector.broadcast %squeeze3A_980 : f32 to vector<16xf32>
        %mul3A_997 = arith.mulf %mul3A_996, %unpack3A_994 : vector<16xf32>
        %add3A_998 = arith.addf %add3A_975, %mul3A_997 : vector<16xf32>
        %mul3A_999 = vector.broadcast %squeeze3A_980 : f32 to vector<16xf32>
        %mul3A_1000 = arith.mulf %mul3A_999, %unpack3A_995 : vector<16xf32>
        %add3A_1001 = arith.addf %add3A_978, %mul3A_1000 : vector<16xf32>
        %slice3A_1002 = vector.extract_strided_slice %get3A_955 {offsets = [2], sizes = [1], strides = [1]} : vector<16xf32> to vector<1xf32>
        %squeeze3A_1003 = vector.extract %slice3A_1002[0] : f32 from vector<1xf32>
        %mul3A_1004 = arith.constant 512 : i32
        %mul3A_1005 = arith.muli %select_n3A, %mul3A_1004 : i32
        %add3A_1006 = arith.constant 256 : i32
        %add3A_1007 = arith.addi %mul3A_1005, %add3A_1006 : i32
        %mul3A_1008 = arith.constant 16 : i32
        %mul3A_1009 = arith.muli %select_n3A_196, %mul3A_1008 : i32
        %add3A_1010 = arith.addi %add3A_1007, %mul3A_1009 : i32
        %add3A_1011 = arith.constant 2 : i32
        %add3A_1012 = arith.addi %add3A_1010, %add3A_1011 : i32
        %get3A_1013 = arith.index_cast %rem3A_92 : i32 to index
        %get3A_1014 = arith.index_cast %add3A_1012 : i32 to index
        %get3A_1015 = arith.constant 0 : index
        %get3A_1016 = tpu.vector_load %arg8[%get3A_1013, %get3A_1014, %get3A_1015] {strides = array<i32>} : memref<2x2560x32xbf16, #tpu.memory_space<vmem>>, vector<32xbf16>,
        %unpack3A_1017 = tpu.unpack_subelements %get3A_1016, 0 {pack_format = #tpu.pack_format<interleaved>} : vector<32xbf16> -> vector<16xf32>
        %unpack3A_1018 = tpu.unpack_subelements %get3A_1016, 1 {pack_format = #tpu.pack_format<interleaved>} : vector<32xbf16> -> vector<16xf32>
        %mul3A_1019 = vector.broadcast %squeeze3A_1003 : f32 to vector<16xf32>
        %mul3A_1020 = arith.mulf %mul3A_1019, %unpack3A_1017 : vector<16xf32>
        %add3A_1021 = arith.addf %add3A_998, %mul3A_1020 : vector<16xf32>
        %mul3A_1022 = vector.broadcast %squeeze3A_1003 : f32 to vector<16xf32>
        %mul3A_1023 = arith.mulf %mul3A_1022, %unpack3A_1018 : vector<16xf32>
        %add3A_1024 = arith.addf %add3A_1001, %mul3A_1023 : vector<16xf32>
        %slice3A_1025 = vector.extract_strided_slice %get3A_955 {offsets = [3], sizes = [1], strides = [1]} : vector<16xf32> to vector<1xf32>
        %squeeze3A_1026 = vector.extract %slice3A_1025[0] : f32 from vector<1xf32>
        %mul3A_1027 = arith.constant 512 : i32
        %mul3A_1028 = arith.muli %select_n3A, %mul3A_1027 : i32
        %add3A_1029 = arith.constant 256 : i32
        %add3A_1030 = arith.addi %mul3A_1028, %add3A_1029 : i32
        %mul3A_1031 = arith.constant 16 : i32
        %mul3A_1032 = arith.muli %select_n3A_196, %mul3A_1031 : i32
        %add3A_1033 = arith.addi %add3A_1030, %mul3A_1032 : i32
        %add3A_1034 = arith.constant 3 : i32
        %add3A_1035 = arith.addi %add3A_1033, %add3A_1034 : i32
        %get3A_1036 = arith.index_cast %rem3A_92 : i32 to index
        %get3A_1037 = arith.index_cast %add3A_1035 : i32 to index
        %get3A_1038 = arith.constant 0 : index
        %get3A_1039 = tpu.vector_load %arg8[%get3A_1036, %get3A_1037, %get3A_1038] {strides = array<i32>} : memref<2x2560x32xbf16, #tpu.memory_space<vmem>>, vector<32xbf16>,
        %unpack3A_1040 = tpu.unpack_subelements %get3A_1039, 0 {pack_format = #tpu.pack_format<interleaved>} : vector<32xbf16> -> vector<16xf32>
        %unpack3A_1041 = tpu.unpack_subelements %get3A_1039, 1 {pack_format = #tpu.pack_format<interleaved>} : vector<32xbf16> -> vector<16xf32>
        %mul3A_1042 = vector.broadcast %squeeze3A_1026 : f32 to vector<16xf32>
        %mul3A_1043 = arith.mulf %mul3A_1042, %unpack3A_1040 : vector<16xf32>
        %add3A_1044 = arith.addf %add3A_1021, %mul3A_1043 : vector<16xf32>
        %mul3A_1045 = vector.broadcast %squeeze3A_1026 : f32 to vector<16xf32>
        %mul3A_1046 = arith.mulf %mul3A_1045, %unpack3A_1041 : vector<16xf32>
        %add3A_1047 = arith.addf %add3A_1024, %mul3A_1046 : vector<16xf32>
        %slice3A_1048 = vector.extract_strided_slice %get3A_955 {offsets = [4], sizes = [1], strides = [1]} : vector<16xf32> to vector<1xf32>
        %squeeze3A_1049 = vector.extract %slice3A_1048[0] : f32 from vector<1xf32>
        %mul3A_1050 = arith.constant 512 : i32
        %mul3A_1051 = arith.muli %select_n3A, %mul3A_1050 : i32
        %add3A_1052 = arith.constant 256 : i32
        %add3A_1053 = arith.addi %mul3A_1051, %add3A_1052 : i32
        %mul3A_1054 = arith.constant 16 : i32
        %mul3A_1055 = arith.muli %select_n3A_196, %mul3A_1054 : i32
        %add3A_1056 = arith.addi %add3A_1053, %mul3A_1055 : i32
        %add3A_1057 = arith.constant 4 : i32
        %add3A_1058 = arith.addi %add3A_1056, %add3A_1057 : i32
        %get3A_1059 = arith.index_cast %rem3A_92 : i32 to index
        %get3A_1060 = arith.index_cast %add3A_1058 : i32 to index
        %get3A_1061 = arith.constant 0 : index
        %get3A_1062 = tpu.vector_load %arg8[%get3A_1059, %get3A_1060, %get3A_1061] {strides = array<i32>} : memref<2x2560x32xbf16, #tpu.memory_space<vmem>>, vector<32xbf16>,
        %unpack3A_1063 = tpu.unpack_subelements %get3A_1062, 0 {pack_format = #tpu.pack_format<interleaved>} : vector<32xbf16> -> vector<16xf32>
        %unpack3A_1064 = tpu.unpack_subelements %get3A_1062, 1 {pack_format = #tpu.pack_format<interleaved>} : vector<32xbf16> -> vector<16xf32>
        %mul3A_1065 = vector.broadcast %squeeze3A_1049 : f32 to vector<16xf32>
        %mul3A_1066 = arith.mulf %mul3A_1065, %unpack3A_1063 : vector<16xf32>
        %add3A_1067 = arith.addf %add3A_1044, %mul3A_1066 : vector<16xf32>
        %mul3A_1068 = vector.broadcast %squeeze3A_1049 : f32 to vector<16xf32>
        %mul3A_1069 = arith.mulf %mul3A_1068, %unpack3A_1064 : vector<16xf32>
        %add3A_1070 = arith.addf %add3A_1047, %mul3A_1069 : vector<16xf32>
        %slice3A_1071 = vector.extract_strided_slice %get3A_955 {offsets = [5], sizes = [1], strides = [1]} : vector<16xf32> to vector<1xf32>
        %squeeze3A_1072 = vector.extract %slice3A_1071[0] : f32 from vector<1xf32>
        %mul3A_1073 = arith.constant 512 : i32
        %mul3A_1074 = arith.muli %select_n3A, %mul3A_1073 : i32
        %add3A_1075 = arith.constant 256 : i32
        %add3A_1076 = arith.addi %mul3A_1074, %add3A_1075 : i32
        %mul3A_1077 = arith.constant 16 : i32
        %mul3A_1078 = arith.muli %select_n3A_196, %mul3A_1077 : i32
        %add3A_1079 = arith.addi %add3A_1076, %mul3A_1078 : i32
        %add3A_1080 = arith.constant 5 : i32
        %add3A_1081 = arith.addi %add3A_1079, %add3A_1080 : i32
        %get3A_1082 = arith.index_cast %rem3A_92 : i32 to index
        %get3A_1083 = arith.index_cast %add3A_1081 : i32 to index
        %get3A_1084 = arith.constant 0 : index
        %get3A_1085 = tpu.vector_load %arg8[%get3A_1082, %get3A_1083, %get3A_1084] {strides = array<i32>} : memref<2x2560x32xbf16, #tpu.memory_space<vmem>>, vector<32xbf16>,
        %unpack3A_1086 = tpu.unpack_subelements %get3A_1085, 0 {pack_format = #tpu.pack_format<interleaved>} : vector<32xbf16> -> vector<16xf32>
        %unpack3A_1087 = tpu.unpack_subelements %get3A_1085, 1 {pack_format = #tpu.pack_format<interleaved>} : vector<32xbf16> -> vector<16xf32>
        %mul3A_1088 = vector.broadcast %squeeze3A_1072 : f32 to vector<16xf32>
        %mul3A_1089 = arith.mulf %mul3A_1088, %unpack3A_1086 : vector<16xf32>
        %add3A_1090 = arith.addf %add3A_1067, %mul3A_1089 : vector<16xf32>
        %mul3A_1091 = vector.broadcast %squeeze3A_1072 : f32 to vector<16xf32>
        %mul3A_1092 = arith.mulf %mul3A_1091, %unpack3A_1087 : vector<16xf32>
        %add3A_1093 = arith.addf %add3A_1070, %mul3A_1092 : vector<16xf32>
        %slice3A_1094 = vector.extract_strided_slice %get3A_955 {offsets = [6], sizes = [1], strides = [1]} : vector<16xf32> to vector<1xf32>
        %squeeze3A_1095 = vector.extract %slice3A_1094[0] : f32 from vector<1xf32>
        %mul3A_1096 = arith.constant 512 : i32
        %mul3A_1097 = arith.muli %select_n3A, %mul3A_1096 : i32
        %add3A_1098 = arith.constant 256 : i32
        %add3A_1099 = arith.addi %mul3A_1097, %add3A_1098 : i32
        %mul3A_1100 = arith.constant 16 : i32
        %mul3A_1101 = arith.muli %select_n3A_196, %mul3A_1100 : i32
        %add3A_1102 = arith.addi %add3A_1099, %mul3A_1101 : i32
        %add3A_1103 = arith.constant 6 : i32
        %add3A_1104 = arith.addi %add3A_1102, %add3A_1103 : i32
        %get3A_1105 = arith.index_cast %rem3A_92 : i32 to index
        %get3A_1106 = arith.index_cast %add3A_1104 : i32 to index
        %get3A_1107 = arith.constant 0 : index
        %get3A_1108 = tpu.vector_load %arg8[%get3A_1105, %get3A_1106, %get3A_1107] {strides = array<i32>} : memref<2x2560x32xbf16, #tpu.memory_space<vmem>>, vector<32xbf16>,
        %unpack3A_1109 = tpu.unpack_subelements %get3A_1108, 0 {pack_format = #tpu.pack_format<interleaved>} : vector<32xbf16> -> vector<16xf32>
        %unpack3A_1110 = tpu.unpack_subelements %get3A_1108, 1 {pack_format = #tpu.pack_format<interleaved>} : vector<32xbf16> -> vector<16xf32>
        %mul3A_1111 = vector.broadcast %squeeze3A_1095 : f32 to vector<16xf32>
        %mul3A_1112 = arith.mulf %mul3A_1111, %unpack3A_1109 : vector<16xf32>
        %add3A_1113 = arith.addf %add3A_1090, %mul3A_1112 : vector<16xf32>
        %mul3A_1114 = vector.broadcast %squeeze3A_1095 : f32 to vector<16xf32>
        %mul3A_1115 = arith.mulf %mul3A_1114, %unpack3A_1110 : vector<16xf32>
        %add3A_1116 = arith.addf %add3A_1093, %mul3A_1115 : vector<16xf32>
        %slice3A_1117 = vector.extract_strided_slice %get3A_955 {offsets = [7], sizes = [1], strides = [1]} : vector<16xf32> to vector<1xf32>
        %squeeze3A_1118 = vector.extract %slice3A_1117[0] : f32 from vector<1xf32>
        %mul3A_1119 = arith.constant 512 : i32
        %mul3A_1120 = arith.muli %select_n3A, %mul3A_1119 : i32
        %add3A_1121 = arith.constant 256 : i32
        %add3A_1122 = arith.addi %mul3A_1120, %add3A_1121 : i32
        %mul3A_1123 = arith.constant 16 : i32
        %mul3A_1124 = arith.muli %select_n3A_196, %mul3A_1123 : i32
        %add3A_1125 = arith.addi %add3A_1122, %mul3A_1124 : i32
        %add3A_1126 = arith.constant 7 : i32
        %add3A_1127 = arith.addi %add3A_1125, %add3A_1126 : i32
        %get3A_1128 = arith.index_cast %rem3A_92 : i32 to index
        %get3A_1129 = arith.index_cast %add3A_1127 : i32 to index
        %get3A_1130 = arith.constant 0 : index
        %get3A_1131 = tpu.vector_load %arg8[%get3A_1128, %get3A_1129, %get3A_1130] {strides = array<i32>} : memref<2x2560x32xbf16, #tpu.memory_space<vmem>>, vector<32xbf16>,
        %unpack3A_1132 = tpu.unpack_subelements %get3A_1131, 0 {pack_format = #tpu.pack_format<interleaved>} : vector<32xbf16> -> vector<16xf32>
        %unpack3A_1133 = tpu.unpack_subelements %get3A_1131, 1 {pack_format = #tpu.pack_format<interleaved>} : vector<32xbf16> -> vector<16xf32>
        %mul3A_1134 = vector.broadcast %squeeze3A_1118 : f32 to vector<16xf32>
        %mul3A_1135 = arith.mulf %mul3A_1134, %unpack3A_1132 : vector<16xf32>
        %add3A_1136 = arith.addf %add3A_1113, %mul3A_1135 : vector<16xf32>
        %mul3A_1137 = vector.broadcast %squeeze3A_1118 : f32 to vector<16xf32>
        %mul3A_1138 = arith.mulf %mul3A_1137, %unpack3A_1133 : vector<16xf32>
        %add3A_1139 = arith.addf %add3A_1116, %mul3A_1138 : vector<16xf32>
        %slice3A_1140 = vector.extract_strided_slice %get3A_955 {offsets = [8], sizes = [1], strides = [1]} : vector<16xf32> to vector<1xf32>
        %squeeze3A_1141 = vector.extract %slice3A_1140[0] : f32 from vector<1xf32>
        %mul3A_1142 = arith.constant 512 : i32
        %mul3A_1143 = arith.muli %select_n3A, %mul3A_1142 : i32
        %add3A_1144 = arith.constant 256 : i32
        %add3A_1145 = arith.addi %mul3A_1143, %add3A_1144 : i32
        %mul3A_1146 = arith.constant 16 : i32
        %mul3A_1147 = arith.muli %select_n3A_196, %mul3A_1146 : i32
        %add3A_1148 = arith.addi %add3A_1145, %mul3A_1147 : i32
        %add3A_1149 = arith.constant 8 : i32
        %add3A_1150 = arith.addi %add3A_1148, %add3A_1149 : i32
        %get3A_1151 = arith.index_cast %rem3A_92 : i32 to index
        %get3A_1152 = arith.index_cast %add3A_1150 : i32 to index
        %get3A_1153 = arith.constant 0 : index
        %get3A_1154 = tpu.vector_load %arg8[%get3A_1151, %get3A_1152, %get3A_1153] {strides = array<i32>} : memref<2x2560x32xbf16, #tpu.memory_space<vmem>>, vector<32xbf16>,
        %unpack3A_1155 = tpu.unpack_subelements %get3A_1154, 0 {pack_format = #tpu.pack_format<interleaved>} : vector<32xbf16> -> vector<16xf32>
        %unpack3A_1156 = tpu.unpack_subelements %get3A_1154, 1 {pack_format = #tpu.pack_format<interleaved>} : vector<32xbf16> -> vector<16xf32>
        %mul3A_1157 = vector.broadcast %squeeze3A_1141 : f32 to vector<16xf32>
        %mul3A_1158 = arith.mulf %mul3A_1157, %unpack3A_1155 : vector<16xf32>
        %add3A_1159 = arith.addf %add3A_1136, %mul3A_1158 : vector<16xf32>
        %mul3A_1160 = vector.broadcast %squeeze3A_1141 : f32 to vector<16xf32>
        %mul3A_1161 = arith.mulf %mul3A_1160, %unpack3A_1156 : vector<16xf32>
        %add3A_1162 = arith.addf %add3A_1139, %mul3A_1161 : vector<16xf32>
        %slice3A_1163 = vector.extract_strided_slice %get3A_955 {offsets = [9], sizes = [1], strides = [1]} : vector<16xf32> to vector<1xf32>
        %squeeze3A_1164 = vector.extract %slice3A_1163[0] : f32 from vector<1xf32>
        %mul3A_1165 = arith.constant 512 : i32
        %mul3A_1166 = arith.muli %select_n3A, %mul3A_1165 : i32
        %add3A_1167 = arith.constant 256 : i32
        %add3A_1168 = arith.addi %mul3A_1166, %add3A_1167 : i32
        %mul3A_1169 = arith.constant 16 : i32
        %mul3A_1170 = arith.muli %select_n3A_196, %mul3A_1169 : i32
        %add3A_1171 = arith.addi %add3A_1168, %mul3A_1170 : i32
        %add3A_1172 = arith.constant 9 : i32
        %add3A_1173 = arith.addi %add3A_1171, %add3A_1172 : i32
        %get3A_1174 = arith.index_cast %rem3A_92 : i32 to index
        %get3A_1175 = arith.index_cast %add3A_1173 : i32 to index
        %get3A_1176 = arith.constant 0 : index
        %get3A_1177 = tpu.vector_load %arg8[%get3A_1174, %get3A_1175, %get3A_1176] {strides = array<i32>} : memref<2x2560x32xbf16, #tpu.memory_space<vmem>>, vector<32xbf16>,
        %unpack3A_1178 = tpu.unpack_subelements %get3A_1177, 0 {pack_format = #tpu.pack_format<interleaved>} : vector<32xbf16> -> vector<16xf32>
        %unpack3A_1179 = tpu.unpack_subelements %get3A_1177, 1 {pack_format = #tpu.pack_format<interleaved>} : vector<32xbf16> -> vector<16xf32>
        %mul3A_1180 = vector.broadcast %squeeze3A_1164 : f32 to vector<16xf32>
        %mul3A_1181 = arith.mulf %mul3A_1180, %unpack3A_1178 : vector<16xf32>
        %add3A_1182 = arith.addf %add3A_1159, %mul3A_1181 : vector<16xf32>
        %mul3A_1183 = vector.broadcast %squeeze3A_1164 : f32 to vector<16xf32>
        %mul3A_1184 = arith.mulf %mul3A_1183, %unpack3A_1179 : vector<16xf32>
        %add3A_1185 = arith.addf %add3A_1162, %mul3A_1184 : vector<16xf32>
        %slice3A_1186 = vector.extract_strided_slice %get3A_955 {offsets = [10], sizes = [1], strides = [1]} : vector<16xf32> to vector<1xf32>
        %squeeze3A_1187 = vector.extract %slice3A_1186[0] : f32 from vector<1xf32>
        %mul3A_1188 = arith.constant 512 : i32
        %mul3A_1189 = arith.muli %select_n3A, %mul3A_1188 : i32
        %add3A_1190 = arith.constant 256 : i32
        %add3A_1191 = arith.addi %mul3A_1189, %add3A_1190 : i32
        %mul3A_1192 = arith.constant 16 : i32
        %mul3A_1193 = arith.muli %select_n3A_196, %mul3A_1192 : i32
        %add3A_1194 = arith.addi %add3A_1191, %mul3A_1193 : i32
        %add3A_1195 = arith.constant 10 : i32
        %add3A_1196 = arith.addi %add3A_1194, %add3A_1195 : i32
        %get3A_1197 = arith.index_cast %rem3A_92 : i32 to index
        %get3A_1198 = arith.index_cast %add3A_1196 : i32 to index
        %get3A_1199 = arith.constant 0 : index
        %get3A_1200 = tpu.vector_load %arg8[%get3A_1197, %get3A_1198, %get3A_1199] {strides = array<i32>} : memref<2x2560x32xbf16, #tpu.memory_space<vmem>>, vector<32xbf16>,
        %unpack3A_1201 = tpu.unpack_subelements %get3A_1200, 0 {pack_format = #tpu.pack_format<interleaved>} : vector<32xbf16> -> vector<16xf32>
        %unpack3A_1202 = tpu.unpack_subelements %get3A_1200, 1 {pack_format = #tpu.pack_format<interleaved>} : vector<32xbf16> -> vector<16xf32>
        %mul3A_1203 = vector.broadcast %squeeze3A_1187 : f32 to vector<16xf32>
        %mul3A_1204 = arith.mulf %mul3A_1203, %unpack3A_1201 : vector<16xf32>
        %add3A_1205 = arith.addf %add3A_1182, %mul3A_1204 : vector<16xf32>
        %mul3A_1206 = vector.broadcast %squeeze3A_1187 : f32 to vector<16xf32>
        %mul3A_1207 = arith.mulf %mul3A_1206, %unpack3A_1202 : vector<16xf32>
        %add3A_1208 = arith.addf %add3A_1185, %mul3A_1207 : vector<16xf32>
        %slice3A_1209 = vector.extract_strided_slice %get3A_955 {offsets = [11], sizes = [1], strides = [1]} : vector<16xf32> to vector<1xf32>
        %squeeze3A_1210 = vector.extract %slice3A_1209[0] : f32 from vector<1xf32>
        %mul3A_1211 = arith.constant 512 : i32
        %mul3A_1212 = arith.muli %select_n3A, %mul3A_1211 : i32
        %add3A_1213 = arith.constant 256 : i32
        %add3A_1214 = arith.addi %mul3A_1212, %add3A_1213 : i32
        %mul3A_1215 = arith.constant 16 : i32
        %mul3A_1216 = arith.muli %select_n3A_196, %mul3A_1215 : i32
        %add3A_1217 = arith.addi %add3A_1214, %mul3A_1216 : i32
        %add3A_1218 = arith.constant 11 : i32
        %add3A_1219 = arith.addi %add3A_1217, %add3A_1218 : i32
        %get3A_1220 = arith.index_cast %rem3A_92 : i32 to index
        %get3A_1221 = arith.index_cast %add3A_1219 : i32 to index
        %get3A_1222 = arith.constant 0 : index
        %get3A_1223 = tpu.vector_load %arg8[%get3A_1220, %get3A_1221, %get3A_1222] {strides = array<i32>} : memref<2x2560x32xbf16, #tpu.memory_space<vmem>>, vector<32xbf16>,
        %unpack3A_1224 = tpu.unpack_subelements %get3A_1223, 0 {pack_format = #tpu.pack_format<interleaved>} : vector<32xbf16> -> vector<16xf32>
        %unpack3A_1225 = tpu.unpack_subelements %get3A_1223, 1 {pack_format = #tpu.pack_format<interleaved>} : vector<32xbf16> -> vector<16xf32>
        %mul3A_1226 = vector.broadcast %squeeze3A_1210 : f32 to vector<16xf32>
        %mul3A_1227 = arith.mulf %mul3A_1226, %unpack3A_1224 : vector<16xf32>
        %add3A_1228 = arith.addf %add3A_1205, %mul3A_1227 : vector<16xf32>
        %mul3A_1229 = vector.broadcast %squeeze3A_1210 : f32 to vector<16xf32>
        %mul3A_1230 = arith.mulf %mul3A_1229, %unpack3A_1225 : vector<16xf32>
        %add3A_1231 = arith.addf %add3A_1208, %mul3A_1230 : vector<16xf32>
        %slice3A_1232 = vector.extract_strided_slice %get3A_955 {offsets = [12], sizes = [1], strides = [1]} : vector<16xf32> to vector<1xf32>
        %squeeze3A_1233 = vector.extract %slice3A_1232[0] : f32 from vector<1xf32>
        %mul3A_1234 = arith.constant 512 : i32
        %mul3A_1235 = arith.muli %select_n3A, %mul3A_1234 : i32
        %add3A_1236 = arith.constant 256 : i32
        %add3A_1237 = arith.addi %mul3A_1235, %add3A_1236 : i32
        %mul3A_1238 = arith.constant 16 : i32
        %mul3A_1239 = arith.muli %select_n3A_196, %mul3A_1238 : i32
        %add3A_1240 = arith.addi %add3A_1237, %mul3A_1239 : i32
        %add3A_1241 = arith.constant 12 : i32
        %add3A_1242 = arith.addi %add3A_1240, %add3A_1241 : i32
        %get3A_1243 = arith.index_cast %rem3A_92 : i32 to index
        %get3A_1244 = arith.index_cast %add3A_1242 : i32 to index
        %get3A_1245 = arith.constant 0 : index
        %get3A_1246 = tpu.vector_load %arg8[%get3A_1243, %get3A_1244, %get3A_1245] {strides = array<i32>} : memref<2x2560x32xbf16, #tpu.memory_space<vmem>>, vector<32xbf16>,
        %unpack3A_1247 = tpu.unpack_subelements %get3A_1246, 0 {pack_format = #tpu.pack_format<interleaved>} : vector<32xbf16> -> vector<16xf32>
        %unpack3A_1248 = tpu.unpack_subelements %get3A_1246, 1 {pack_format = #tpu.pack_format<interleaved>} : vector<32xbf16> -> vector<16xf32>
        %mul3A_1249 = vector.broadcast %squeeze3A_1233 : f32 to vector<16xf32>
        %mul3A_1250 = arith.mulf %mul3A_1249, %unpack3A_1247 : vector<16xf32>
        %add3A_1251 = arith.addf %add3A_1228, %mul3A_1250 : vector<16xf32>
        %mul3A_1252 = vector.broadcast %squeeze3A_1233 : f32 to vector<16xf32>
        %mul3A_1253 = arith.mulf %mul3A_1252, %unpack3A_1248 : vector<16xf32>
        %add3A_1254 = arith.addf %add3A_1231, %mul3A_1253 : vector<16xf32>
        %slice3A_1255 = vector.extract_strided_slice %get3A_955 {offsets = [13], sizes = [1], strides = [1]} : vector<16xf32> to vector<1xf32>
        %squeeze3A_1256 = vector.extract %slice3A_1255[0] : f32 from vector<1xf32>
        %mul3A_1257 = arith.constant 512 : i32
        %mul3A_1258 = arith.muli %select_n3A, %mul3A_1257 : i32
        %add3A_1259 = arith.constant 256 : i32
        %add3A_1260 = arith.addi %mul3A_1258, %add3A_1259 : i32
        %mul3A_1261 = arith.constant 16 : i32
        %mul3A_1262 = arith.muli %select_n3A_196, %mul3A_1261 : i32
        %add3A_1263 = arith.addi %add3A_1260, %mul3A_1262 : i32
        %add3A_1264 = arith.constant 13 : i32
        %add3A_1265 = arith.addi %add3A_1263, %add3A_1264 : i32
        %get3A_1266 = arith.index_cast %rem3A_92 : i32 to index
        %get3A_1267 = arith.index_cast %add3A_1265 : i32 to index
        %get3A_1268 = arith.constant 0 : index
        %get3A_1269 = tpu.vector_load %arg8[%get3A_1266, %get3A_1267, %get3A_1268] {strides = array<i32>} : memref<2x2560x32xbf16, #tpu.memory_space<vmem>>, vector<32xbf16>,
        %unpack3A_1270 = tpu.unpack_subelements %get3A_1269, 0 {pack_format = #tpu.pack_format<interleaved>} : vector<32xbf16> -> vector<16xf32>
        %unpack3A_1271 = tpu.unpack_subelements %get3A_1269, 1 {pack_format = #tpu.pack_format<interleaved>} : vector<32xbf16> -> vector<16xf32>
        %mul3A_1272 = vector.broadcast %squeeze3A_1256 : f32 to vector<16xf32>
        %mul3A_1273 = arith.mulf %mul3A_1272, %unpack3A_1270 : vector<16xf32>
        %add3A_1274 = arith.addf %add3A_1251, %mul3A_1273 : vector<16xf32>
        %mul3A_1275 = vector.broadcast %squeeze3A_1256 : f32 to vector<16xf32>
        %mul3A_1276 = arith.mulf %mul3A_1275, %unpack3A_1271 : vector<16xf32>
        %add3A_1277 = arith.addf %add3A_1254, %mul3A_1276 : vector<16xf32>
        %slice3A_1278 = vector.extract_strided_slice %get3A_955 {offsets = [14], sizes = [1], strides = [1]} : vector<16xf32> to vector<1xf32>
        %squeeze3A_1279 = vector.extract %slice3A_1278[0] : f32 from vector<1xf32>
        %mul3A_1280 = arith.constant 512 : i32
        %mul3A_1281 = arith.muli %select_n3A, %mul3A_1280 : i32
        %add3A_1282 = arith.constant 256 : i32
        %add3A_1283 = arith.addi %mul3A_1281, %add3A_1282 : i32
        %mul3A_1284 = arith.constant 16 : i32
        %mul3A_1285 = arith.muli %select_n3A_196, %mul3A_1284 : i32
        %add3A_1286 = arith.addi %add3A_1283, %mul3A_1285 : i32
        %add3A_1287 = arith.constant 14 : i32
        %add3A_1288 = arith.addi %add3A_1286, %add3A_1287 : i32
        %get3A_1289 = arith.index_cast %rem3A_92 : i32 to index
        %get3A_1290 = arith.index_cast %add3A_1288 : i32 to index
        %get3A_1291 = arith.constant 0 : index
        %get3A_1292 = tpu.vector_load %arg8[%get3A_1289, %get3A_1290, %get3A_1291] {strides = array<i32>} : memref<2x2560x32xbf16, #tpu.memory_space<vmem>>, vector<32xbf16>,
        %unpack3A_1293 = tpu.unpack_subelements %get3A_1292, 0 {pack_format = #tpu.pack_format<interleaved>} : vector<32xbf16> -> vector<16xf32>
        %unpack3A_1294 = tpu.unpack_subelements %get3A_1292, 1 {pack_format = #tpu.pack_format<interleaved>} : vector<32xbf16> -> vector<16xf32>
        %mul3A_1295 = vector.broadcast %squeeze3A_1279 : f32 to vector<16xf32>
        %mul3A_1296 = arith.mulf %mul3A_1295, %unpack3A_1293 : vector<16xf32>
        %add3A_1297 = arith.addf %add3A_1274, %mul3A_1296 : vector<16xf32>
        %mul3A_1298 = vector.broadcast %squeeze3A_1279 : f32 to vector<16xf32>
        %mul3A_1299 = arith.mulf %mul3A_1298, %unpack3A_1294 : vector<16xf32>
        %add3A_1300 = arith.addf %add3A_1277, %mul3A_1299 : vector<16xf32>
        %slice3A_1301 = vector.extract_strided_slice %get3A_955 {offsets = [15], sizes = [1], strides = [1]} : vector<16xf32> to vector<1xf32>
        %squeeze3A_1302 = vector.extract %slice3A_1301[0] : f32 from vector<1xf32>
        %mul3A_1303 = arith.constant 512 : i32
        %mul3A_1304 = arith.muli %select_n3A, %mul3A_1303 : i32
        %add3A_1305 = arith.constant 256 : i32
        %add3A_1306 = arith.addi %mul3A_1304, %add3A_1305 : i32
        %mul3A_1307 = arith.constant 16 : i32
        %mul3A_1308 = arith.muli %select_n3A_196, %mul3A_1307 : i32
        %add3A_1309 = arith.addi %add3A_1306, %mul3A_1308 : i32
        %add3A_1310 = arith.constant 15 : i32
        %add3A_1311 = arith.addi %add3A_1309, %add3A_1310 : i32
        %get3A_1312 = arith.index_cast %rem3A_92 : i32 to index
        %get3A_1313 = arith.index_cast %add3A_1311 : i32 to index
        %get3A_1314 = arith.constant 0 : index
        %get3A_1315 = tpu.vector_load %arg8[%get3A_1312, %get3A_1313, %get3A_1314] {strides = array<i32>} : memref<2x2560x32xbf16, #tpu.memory_space<vmem>>, vector<32xbf16>,
        %unpack3A_1316 = tpu.unpack_subelements %get3A_1315, 0 {pack_format = #tpu.pack_format<interleaved>} : vector<32xbf16> -> vector<16xf32>
        %unpack3A_1317 = tpu.unpack_subelements %get3A_1315, 1 {pack_format = #tpu.pack_format<interleaved>} : vector<32xbf16> -> vector<16xf32>
        %mul3A_1318 = vector.broadcast %squeeze3A_1302 : f32 to vector<16xf32>
        %mul3A_1319 = arith.mulf %mul3A_1318, %unpack3A_1316 : vector<16xf32>
        %add3A_1320 = arith.addf %add3A_1297, %mul3A_1319 : vector<16xf32>
        %mul3A_1321 = vector.broadcast %squeeze3A_1302 : f32 to vector<16xf32>
        %mul3A_1322 = arith.mulf %mul3A_1321, %unpack3A_1317 : vector<16xf32>
        %add3A_1323 = arith.addf %add3A_1300, %mul3A_1322 : vector<16xf32>
        %mul3A_1324 = arith.constant 16 : i32
        %mul3A_1325 = arith.muli %select_n3A_196, %mul3A_1324 : i32
        %add3A_1326 = arith.constant 384 : i32
        %add3A_1327 = arith.addi %add3A_1326, %mul3A_1325 : i32
        %get3A_1328 = arith.index_cast %rem3A_92 : i32 to index
        %get3A_1329 = arith.index_cast %select_n3A : i32 to index
        %get3A_1330 = arith.index_cast %add3A_1327 : i32 to index
        %get3A_1331 = tpu.vector_load %arg7[%get3A_1328, %get3A_1329, %get3A_1330] {strides = array<i32>} : memref<2x5x512xf32, #tpu.memory_space<vmem>>, vector<16xf32>,
        %slice3A_1332 = vector.extract_strided_slice %get3A_1331 {offsets = [0], sizes = [1], strides = [1]} : vector<16xf32> to vector<1xf32>
        %squeeze3A_1333 = vector.extract %slice3A_1332[0] : f32 from vector<1xf32>
        %mul3A_1334 = arith.constant 512 : i32
        %mul3A_1335 = arith.muli %select_n3A, %mul3A_1334 : i32
        %add3A_1336 = arith.constant 384 : i32
        %add3A_1337 = arith.addi %mul3A_1335, %add3A_1336 : i32
        %mul3A_1338 = arith.constant 16 : i32
        %mul3A_1339 = arith.muli %select_n3A_196, %mul3A_1338 : i32
        %add3A_1340 = arith.addi %add3A_1337, %mul3A_1339 : i32
        %add3A_1341 = arith.constant 0 : i32
        %add3A_1342 = arith.addi %add3A_1340, %add3A_1341 : i32
        %get3A_1343 = arith.index_cast %rem3A_92 : i32 to index
        %get3A_1344 = arith.index_cast %add3A_1342 : i32 to index
        %get3A_1345 = arith.constant 0 : index
        %get3A_1346 = tpu.vector_load %arg8[%get3A_1343, %get3A_1344, %get3A_1345] {strides = array<i32>} : memref<2x2560x32xbf16, #tpu.memory_space<vmem>>, vector<32xbf16>,
        %unpack3A_1347 = tpu.unpack_subelements %get3A_1346, 0 {pack_format = #tpu.pack_format<interleaved>} : vector<32xbf16> -> vector<16xf32>
        %unpack3A_1348 = tpu.unpack_subelements %get3A_1346, 1 {pack_format = #tpu.pack_format<interleaved>} : vector<32xbf16> -> vector<16xf32>
        %mul3A_1349 = vector.broadcast %squeeze3A_1333 : f32 to vector<16xf32>
        %mul3A_1350 = arith.mulf %mul3A_1349, %unpack3A_1347 : vector<16xf32>
        %add3A_1351 = arith.addf %add3A_1320, %mul3A_1350 : vector<16xf32>
        %mul3A_1352 = vector.broadcast %squeeze3A_1333 : f32 to vector<16xf32>
        %mul3A_1353 = arith.mulf %mul3A_1352, %unpack3A_1348 : vector<16xf32>
        %add3A_1354 = arith.addf %add3A_1323, %mul3A_1353 : vector<16xf32>
        %slice3A_1355 = vector.extract_strided_slice %get3A_1331 {offsets = [1], sizes = [1], strides = [1]} : vector<16xf32> to vector<1xf32>
        %squeeze3A_1356 = vector.extract %slice3A_1355[0] : f32 from vector<1xf32>
        %mul3A_1357 = arith.constant 512 : i32
        %mul3A_1358 = arith.muli %select_n3A, %mul3A_1357 : i32
        %add3A_1359 = arith.constant 384 : i32
        %add3A_1360 = arith.addi %mul3A_1358, %add3A_1359 : i32
        %mul3A_1361 = arith.constant 16 : i32
        %mul3A_1362 = arith.muli %select_n3A_196, %mul3A_1361 : i32
        %add3A_1363 = arith.addi %add3A_1360, %mul3A_1362 : i32
        %add3A_1364 = arith.constant 1 : i32
        %add3A_1365 = arith.addi %add3A_1363, %add3A_1364 : i32
        %get3A_1366 = arith.index_cast %rem3A_92 : i32 to index
        %get3A_1367 = arith.index_cast %add3A_1365 : i32 to index
        %get3A_1368 = arith.constant 0 : index
        %get3A_1369 = tpu.vector_load %arg8[%get3A_1366, %get3A_1367, %get3A_1368] {strides = array<i32>} : memref<2x2560x32xbf16, #tpu.memory_space<vmem>>, vector<32xbf16>,
        %unpack3A_1370 = tpu.unpack_subelements %get3A_1369, 0 {pack_format = #tpu.pack_format<interleaved>} : vector<32xbf16> -> vector<16xf32>
        %unpack3A_1371 = tpu.unpack_subelements %get3A_1369, 1 {pack_format = #tpu.pack_format<interleaved>} : vector<32xbf16> -> vector<16xf32>
        %mul3A_1372 = vector.broadcast %squeeze3A_1356 : f32 to vector<16xf32>
        %mul3A_1373 = arith.mulf %mul3A_1372, %unpack3A_1370 : vector<16xf32>
        %add3A_1374 = arith.addf %add3A_1351, %mul3A_1373 : vector<16xf32>
        %mul3A_1375 = vector.broadcast %squeeze3A_1356 : f32 to vector<16xf32>
        %mul3A_1376 = arith.mulf %mul3A_1375, %unpack3A_1371 : vector<16xf32>
        %add3A_1377 = arith.addf %add3A_1354, %mul3A_1376 : vector<16xf32>
        %slice3A_1378 = vector.extract_strided_slice %get3A_1331 {offsets = [2], sizes = [1], strides = [1]} : vector<16xf32> to vector<1xf32>
        %squeeze3A_1379 = vector.extract %slice3A_1378[0] : f32 from vector<1xf32>
        %mul3A_1380 = arith.constant 512 : i32
        %mul3A_1381 = arith.muli %select_n3A, %mul3A_1380 : i32
        %add3A_1382 = arith.constant 384 : i32
        %add3A_1383 = arith.addi %mul3A_1381, %add3A_1382 : i32
        %mul3A_1384 = arith.constant 16 : i32
        %mul3A_1385 = arith.muli %select_n3A_196, %mul3A_1384 : i32
        %add3A_1386 = arith.addi %add3A_1383, %mul3A_1385 : i32
        %add3A_1387 = arith.constant 2 : i32
        %add3A_1388 = arith.addi %add3A_1386, %add3A_1387 : i32
        %get3A_1389 = arith.index_cast %rem3A_92 : i32 to index
        %get3A_1390 = arith.index_cast %add3A_1388 : i32 to index
        %get3A_1391 = arith.constant 0 : index
        %get3A_1392 = tpu.vector_load %arg8[%get3A_1389, %get3A_1390, %get3A_1391] {strides = array<i32>} : memref<2x2560x32xbf16, #tpu.memory_space<vmem>>, vector<32xbf16>,
        %unpack3A_1393 = tpu.unpack_subelements %get3A_1392, 0 {pack_format = #tpu.pack_format<interleaved>} : vector<32xbf16> -> vector<16xf32>
        %unpack3A_1394 = tpu.unpack_subelements %get3A_1392, 1 {pack_format = #tpu.pack_format<interleaved>} : vector<32xbf16> -> vector<16xf32>
        %mul3A_1395 = vector.broadcast %squeeze3A_1379 : f32 to vector<16xf32>
        %mul3A_1396 = arith.mulf %mul3A_1395, %unpack3A_1393 : vector<16xf32>
        %add3A_1397 = arith.addf %add3A_1374, %mul3A_1396 : vector<16xf32>
        %mul3A_1398 = vector.broadcast %squeeze3A_1379 : f32 to vector<16xf32>
        %mul3A_1399 = arith.mulf %mul3A_1398, %unpack3A_1394 : vector<16xf32>
        %add3A_1400 = arith.addf %add3A_1377, %mul3A_1399 : vector<16xf32>
        %slice3A_1401 = vector.extract_strided_slice %get3A_1331 {offsets = [3], sizes = [1], strides = [1]} : vector<16xf32> to vector<1xf32>
        %squeeze3A_1402 = vector.extract %slice3A_1401[0] : f32 from vector<1xf32>
        %mul3A_1403 = arith.constant 512 : i32
        %mul3A_1404 = arith.muli %select_n3A, %mul3A_1403 : i32
        %add3A_1405 = arith.constant 384 : i32
        %add3A_1406 = arith.addi %mul3A_1404, %add3A_1405 : i32
        %mul3A_1407 = arith.constant 16 : i32
        %mul3A_1408 = arith.muli %select_n3A_196, %mul3A_1407 : i32
        %add3A_1409 = arith.addi %add3A_1406, %mul3A_1408 : i32
        %add3A_1410 = arith.constant 3 : i32
        %add3A_1411 = arith.addi %add3A_1409, %add3A_1410 : i32
        %get3A_1412 = arith.index_cast %rem3A_92 : i32 to index
        %get3A_1413 = arith.index_cast %add3A_1411 : i32 to index
        %get3A_1414 = arith.constant 0 : index
        %get3A_1415 = tpu.vector_load %arg8[%get3A_1412, %get3A_1413, %get3A_1414] {strides = array<i32>} : memref<2x2560x32xbf16, #tpu.memory_space<vmem>>, vector<32xbf16>,
        %unpack3A_1416 = tpu.unpack_subelements %get3A_1415, 0 {pack_format = #tpu.pack_format<interleaved>} : vector<32xbf16> -> vector<16xf32>
        %unpack3A_1417 = tpu.unpack_subelements %get3A_1415, 1 {pack_format = #tpu.pack_format<interleaved>} : vector<32xbf16> -> vector<16xf32>
        %mul3A_1418 = vector.broadcast %squeeze3A_1402 : f32 to vector<16xf32>
        %mul3A_1419 = arith.mulf %mul3A_1418, %unpack3A_1416 : vector<16xf32>
        %add3A_1420 = arith.addf %add3A_1397, %mul3A_1419 : vector<16xf32>
        %mul3A_1421 = vector.broadcast %squeeze3A_1402 : f32 to vector<16xf32>
        %mul3A_1422 = arith.mulf %mul3A_1421, %unpack3A_1417 : vector<16xf32>
        %add3A_1423 = arith.addf %add3A_1400, %mul3A_1422 : vector<16xf32>
        %slice3A_1424 = vector.extract_strided_slice %get3A_1331 {offsets = [4], sizes = [1], strides = [1]} : vector<16xf32> to vector<1xf32>
        %squeeze3A_1425 = vector.extract %slice3A_1424[0] : f32 from vector<1xf32>
        %mul3A_1426 = arith.constant 512 : i32
        %mul3A_1427 = arith.muli %select_n3A, %mul3A_1426 : i32
        %add3A_1428 = arith.constant 384 : i32
        %add3A_1429 = arith.addi %mul3A_1427, %add3A_1428 : i32
        %mul3A_1430 = arith.constant 16 : i32
        %mul3A_1431 = arith.muli %select_n3A_196, %mul3A_1430 : i32
        %add3A_1432 = arith.addi %add3A_1429, %mul3A_1431 : i32
        %add3A_1433 = arith.constant 4 : i32
        %add3A_1434 = arith.addi %add3A_1432, %add3A_1433 : i32
        %get3A_1435 = arith.index_cast %rem3A_92 : i32 to index
        %get3A_1436 = arith.index_cast %add3A_1434 : i32 to index
        %get3A_1437 = arith.constant 0 : index
        %get3A_1438 = tpu.vector_load %arg8[%get3A_1435, %get3A_1436, %get3A_1437] {strides = array<i32>} : memref<2x2560x32xbf16, #tpu.memory_space<vmem>>, vector<32xbf16>,
        %unpack3A_1439 = tpu.unpack_subelements %get3A_1438, 0 {pack_format = #tpu.pack_format<interleaved>} : vector<32xbf16> -> vector<16xf32>
        %unpack3A_1440 = tpu.unpack_subelements %get3A_1438, 1 {pack_format = #tpu.pack_format<interleaved>} : vector<32xbf16> -> vector<16xf32>
        %mul3A_1441 = vector.broadcast %squeeze3A_1425 : f32 to vector<16xf32>
        %mul3A_1442 = arith.mulf %mul3A_1441, %unpack3A_1439 : vector<16xf32>
        %add3A_1443 = arith.addf %add3A_1420, %mul3A_1442 : vector<16xf32>
        %mul3A_1444 = vector.broadcast %squeeze3A_1425 : f32 to vector<16xf32>
        %mul3A_1445 = arith.mulf %mul3A_1444, %unpack3A_1440 : vector<16xf32>
        %add3A_1446 = arith.addf %add3A_1423, %mul3A_1445 : vector<16xf32>
        %slice3A_1447 = vector.extract_strided_slice %get3A_1331 {offsets = [5], sizes = [1], strides = [1]} : vector<16xf32> to vector<1xf32>
        %squeeze3A_1448 = vector.extract %slice3A_1447[0] : f32 from vector<1xf32>
        %mul3A_1449 = arith.constant 512 : i32
        %mul3A_1450 = arith.muli %select_n3A, %mul3A_1449 : i32
        %add3A_1451 = arith.constant 384 : i32
        %add3A_1452 = arith.addi %mul3A_1450, %add3A_1451 : i32
        %mul3A_1453 = arith.constant 16 : i32
        %mul3A_1454 = arith.muli %select_n3A_196, %mul3A_1453 : i32
        %add3A_1455 = arith.addi %add3A_1452, %mul3A_1454 : i32
        %add3A_1456 = arith.constant 5 : i32
        %add3A_1457 = arith.addi %add3A_1455, %add3A_1456 : i32
        %get3A_1458 = arith.index_cast %rem3A_92 : i32 to index
        %get3A_1459 = arith.index_cast %add3A_1457 : i32 to index
        %get3A_1460 = arith.constant 0 : index
        %get3A_1461 = tpu.vector_load %arg8[%get3A_1458, %get3A_1459, %get3A_1460] {strides = array<i32>} : memref<2x2560x32xbf16, #tpu.memory_space<vmem>>, vector<32xbf16>,
        %unpack3A_1462 = tpu.unpack_subelements %get3A_1461, 0 {pack_format = #tpu.pack_format<interleaved>} : vector<32xbf16> -> vector<16xf32>
        %unpack3A_1463 = tpu.unpack_subelements %get3A_1461, 1 {pack_format = #tpu.pack_format<interleaved>} : vector<32xbf16> -> vector<16xf32>
        %mul3A_1464 = vector.broadcast %squeeze3A_1448 : f32 to vector<16xf32>
        %mul3A_1465 = arith.mulf %mul3A_1464, %unpack3A_1462 : vector<16xf32>
        %add3A_1466 = arith.addf %add3A_1443, %mul3A_1465 : vector<16xf32>
        %mul3A_1467 = vector.broadcast %squeeze3A_1448 : f32 to vector<16xf32>
        %mul3A_1468 = arith.mulf %mul3A_1467, %unpack3A_1463 : vector<16xf32>
        %add3A_1469 = arith.addf %add3A_1446, %mul3A_1468 : vector<16xf32>
        %slice3A_1470 = vector.extract_strided_slice %get3A_1331 {offsets = [6], sizes = [1], strides = [1]} : vector<16xf32> to vector<1xf32>
        %squeeze3A_1471 = vector.extract %slice3A_1470[0] : f32 from vector<1xf32>
        %mul3A_1472 = arith.constant 512 : i32
        %mul3A_1473 = arith.muli %select_n3A, %mul3A_1472 : i32
        %add3A_1474 = arith.constant 384 : i32
        %add3A_1475 = arith.addi %mul3A_1473, %add3A_1474 : i32
        %mul3A_1476 = arith.constant 16 : i32
        %mul3A_1477 = arith.muli %select_n3A_196, %mul3A_1476 : i32
        %add3A_1478 = arith.addi %add3A_1475, %mul3A_1477 : i32
        %add3A_1479 = arith.constant 6 : i32
        %add3A_1480 = arith.addi %add3A_1478, %add3A_1479 : i32
        %get3A_1481 = arith.index_cast %rem3A_92 : i32 to index
        %get3A_1482 = arith.index_cast %add3A_1480 : i32 to index
        %get3A_1483 = arith.constant 0 : index
        %get3A_1484 = tpu.vector_load %arg8[%get3A_1481, %get3A_1482, %get3A_1483] {strides = array<i32>} : memref<2x2560x32xbf16, #tpu.memory_space<vmem>>, vector<32xbf16>,
        %unpack3A_1485 = tpu.unpack_subelements %get3A_1484, 0 {pack_format = #tpu.pack_format<interleaved>} : vector<32xbf16> -> vector<16xf32>
        %unpack3A_1486 = tpu.unpack_subelements %get3A_1484, 1 {pack_format = #tpu.pack_format<interleaved>} : vector<32xbf16> -> vector<16xf32>
        %mul3A_1487 = vector.broadcast %squeeze3A_1471 : f32 to vector<16xf32>
        %mul3A_1488 = arith.mulf %mul3A_1487, %unpack3A_1485 : vector<16xf32>
        %add3A_1489 = arith.addf %add3A_1466, %mul3A_1488 : vector<16xf32>
        %mul3A_1490 = vector.broadcast %squeeze3A_1471 : f32 to vector<16xf32>
        %mul3A_1491 = arith.mulf %mul3A_1490, %unpack3A_1486 : vector<16xf32>
        %add3A_1492 = arith.addf %add3A_1469, %mul3A_1491 : vector<16xf32>
        %slice3A_1493 = vector.extract_strided_slice %get3A_1331 {offsets = [7], sizes = [1], strides = [1]} : vector<16xf32> to vector<1xf32>
        %squeeze3A_1494 = vector.extract %slice3A_1493[0] : f32 from vector<1xf32>
        %mul3A_1495 = arith.constant 512 : i32
        %mul3A_1496 = arith.muli %select_n3A, %mul3A_1495 : i32
        %add3A_1497 = arith.constant 384 : i32
        %add3A_1498 = arith.addi %mul3A_1496, %add3A_1497 : i32
        %mul3A_1499 = arith.constant 16 : i32
        %mul3A_1500 = arith.muli %select_n3A_196, %mul3A_1499 : i32
        %add3A_1501 = arith.addi %add3A_1498, %mul3A_1500 : i32
        %add3A_1502 = arith.constant 7 : i32
        %add3A_1503 = arith.addi %add3A_1501, %add3A_1502 : i32
        %get3A_1504 = arith.index_cast %rem3A_92 : i32 to index
        %get3A_1505 = arith.index_cast %add3A_1503 : i32 to index
        %get3A_1506 = arith.constant 0 : index
        %get3A_1507 = tpu.vector_load %arg8[%get3A_1504, %get3A_1505, %get3A_1506] {strides = array<i32>} : memref<2x2560x32xbf16, #tpu.memory_space<vmem>>, vector<32xbf16>,
        %unpack3A_1508 = tpu.unpack_subelements %get3A_1507, 0 {pack_format = #tpu.pack_format<interleaved>} : vector<32xbf16> -> vector<16xf32>
        %unpack3A_1509 = tpu.unpack_subelements %get3A_1507, 1 {pack_format = #tpu.pack_format<interleaved>} : vector<32xbf16> -> vector<16xf32>
        %mul3A_1510 = vector.broadcast %squeeze3A_1494 : f32 to vector<16xf32>
        %mul3A_1511 = arith.mulf %mul3A_1510, %unpack3A_1508 : vector<16xf32>
        %add3A_1512 = arith.addf %add3A_1489, %mul3A_1511 : vector<16xf32>
        %mul3A_1513 = vector.broadcast %squeeze3A_1494 : f32 to vector<16xf32>
        %mul3A_1514 = arith.mulf %mul3A_1513, %unpack3A_1509 : vector<16xf32>
        %add3A_1515 = arith.addf %add3A_1492, %mul3A_1514 : vector<16xf32>
        %slice3A_1516 = vector.extract_strided_slice %get3A_1331 {offsets = [8], sizes = [1], strides = [1]} : vector<16xf32> to vector<1xf32>
        %squeeze3A_1517 = vector.extract %slice3A_1516[0] : f32 from vector<1xf32>
        %mul3A_1518 = arith.constant 512 : i32
        %mul3A_1519 = arith.muli %select_n3A, %mul3A_1518 : i32
        %add3A_1520 = arith.constant 384 : i32
        %add3A_1521 = arith.addi %mul3A_1519, %add3A_1520 : i32
        %mul3A_1522 = arith.constant 16 : i32
        %mul3A_1523 = arith.muli %select_n3A_196, %mul3A_1522 : i32
        %add3A_1524 = arith.addi %add3A_1521, %mul3A_1523 : i32
        %add3A_1525 = arith.constant 8 : i32
        %add3A_1526 = arith.addi %add3A_1524, %add3A_1525 : i32
        %get3A_1527 = arith.index_cast %rem3A_92 : i32 to index
        %get3A_1528 = arith.index_cast %add3A_1526 : i32 to index
        %get3A_1529 = arith.constant 0 : index
        %get3A_1530 = tpu.vector_load %arg8[%get3A_1527, %get3A_1528, %get3A_1529] {strides = array<i32>} : memref<2x2560x32xbf16, #tpu.memory_space<vmem>>, vector<32xbf16>,
        %unpack3A_1531 = tpu.unpack_subelements %get3A_1530, 0 {pack_format = #tpu.pack_format<interleaved>} : vector<32xbf16> -> vector<16xf32>
        %unpack3A_1532 = tpu.unpack_subelements %get3A_1530, 1 {pack_format = #tpu.pack_format<interleaved>} : vector<32xbf16> -> vector<16xf32>
        %mul3A_1533 = vector.broadcast %squeeze3A_1517 : f32 to vector<16xf32>
        %mul3A_1534 = arith.mulf %mul3A_1533, %unpack3A_1531 : vector<16xf32>
        %add3A_1535 = arith.addf %add3A_1512, %mul3A_1534 : vector<16xf32>
        %mul3A_1536 = vector.broadcast %squeeze3A_1517 : f32 to vector<16xf32>
        %mul3A_1537 = arith.mulf %mul3A_1536, %unpack3A_1532 : vector<16xf32>
        %add3A_1538 = arith.addf %add3A_1515, %mul3A_1537 : vector<16xf32>
        %slice3A_1539 = vector.extract_strided_slice %get3A_1331 {offsets = [9], sizes = [1], strides = [1]} : vector<16xf32> to vector<1xf32>
        %squeeze3A_1540 = vector.extract %slice3A_1539[0] : f32 from vector<1xf32>
        %mul3A_1541 = arith.constant 512 : i32
        %mul3A_1542 = arith.muli %select_n3A, %mul3A_1541 : i32
        %add3A_1543 = arith.constant 384 : i32
        %add3A_1544 = arith.addi %mul3A_1542, %add3A_1543 : i32
        %mul3A_1545 = arith.constant 16 : i32
        %mul3A_1546 = arith.muli %select_n3A_196, %mul3A_1545 : i32
        %add3A_1547 = arith.addi %add3A_1544, %mul3A_1546 : i32
        %add3A_1548 = arith.constant 9 : i32
        %add3A_1549 = arith.addi %add3A_1547, %add3A_1548 : i32
        %get3A_1550 = arith.index_cast %rem3A_92 : i32 to index
        %get3A_1551 = arith.index_cast %add3A_1549 : i32 to index
        %get3A_1552 = arith.constant 0 : index
        %get3A_1553 = tpu.vector_load %arg8[%get3A_1550, %get3A_1551, %get3A_1552] {strides = array<i32>} : memref<2x2560x32xbf16, #tpu.memory_space<vmem>>, vector<32xbf16>,
        %unpack3A_1554 = tpu.unpack_subelements %get3A_1553, 0 {pack_format = #tpu.pack_format<interleaved>} : vector<32xbf16> -> vector<16xf32>
        %unpack3A_1555 = tpu.unpack_subelements %get3A_1553, 1 {pack_format = #tpu.pack_format<interleaved>} : vector<32xbf16> -> vector<16xf32>
        %mul3A_1556 = vector.broadcast %squeeze3A_1540 : f32 to vector<16xf32>
        %mul3A_1557 = arith.mulf %mul3A_1556, %unpack3A_1554 : vector<16xf32>
        %add3A_1558 = arith.addf %add3A_1535, %mul3A_1557 : vector<16xf32>
        %mul3A_1559 = vector.broadcast %squeeze3A_1540 : f32 to vector<16xf32>
        %mul3A_1560 = arith.mulf %mul3A_1559, %unpack3A_1555 : vector<16xf32>
        %add3A_1561 = arith.addf %add3A_1538, %mul3A_1560 : vector<16xf32>
        %slice3A_1562 = vector.extract_strided_slice %get3A_1331 {offsets = [10], sizes = [1], strides = [1]} : vector<16xf32> to vector<1xf32>
        %squeeze3A_1563 = vector.extract %slice3A_1562[0] : f32 from vector<1xf32>
        %mul3A_1564 = arith.constant 512 : i32
        %mul3A_1565 = arith.muli %select_n3A, %mul3A_1564 : i32
        %add3A_1566 = arith.constant 384 : i32
        %add3A_1567 = arith.addi %mul3A_1565, %add3A_1566 : i32
        %mul3A_1568 = arith.constant 16 : i32
        %mul3A_1569 = arith.muli %select_n3A_196, %mul3A_1568 : i32
        %add3A_1570 = arith.addi %add3A_1567, %mul3A_1569 : i32
        %add3A_1571 = arith.constant 10 : i32
        %add3A_1572 = arith.addi %add3A_1570, %add3A_1571 : i32
        %get3A_1573 = arith.index_cast %rem3A_92 : i32 to index
        %get3A_1574 = arith.index_cast %add3A_1572 : i32 to index
        %get3A_1575 = arith.constant 0 : index
        %get3A_1576 = tpu.vector_load %arg8[%get3A_1573, %get3A_1574, %get3A_1575] {strides = array<i32>} : memref<2x2560x32xbf16, #tpu.memory_space<vmem>>, vector<32xbf16>,
        %unpack3A_1577 = tpu.unpack_subelements %get3A_1576, 0 {pack_format = #tpu.pack_format<interleaved>} : vector<32xbf16> -> vector<16xf32>
        %unpack3A_1578 = tpu.unpack_subelements %get3A_1576, 1 {pack_format = #tpu.pack_format<interleaved>} : vector<32xbf16> -> vector<16xf32>
        %mul3A_1579 = vector.broadcast %squeeze3A_1563 : f32 to vector<16xf32>
        %mul3A_1580 = arith.mulf %mul3A_1579, %unpack3A_1577 : vector<16xf32>
        %add3A_1581 = arith.addf %add3A_1558, %mul3A_1580 : vector<16xf32>
        %mul3A_1582 = vector.broadcast %squeeze3A_1563 : f32 to vector<16xf32>
        %mul3A_1583 = arith.mulf %mul3A_1582, %unpack3A_1578 : vector<16xf32>
        %add3A_1584 = arith.addf %add3A_1561, %mul3A_1583 : vector<16xf32>
        %slice3A_1585 = vector.extract_strided_slice %get3A_1331 {offsets = [11], sizes = [1], strides = [1]} : vector<16xf32> to vector<1xf32>
        %squeeze3A_1586 = vector.extract %slice3A_1585[0] : f32 from vector<1xf32>
        %mul3A_1587 = arith.constant 512 : i32
        %mul3A_1588 = arith.muli %select_n3A, %mul3A_1587 : i32
        %add3A_1589 = arith.constant 384 : i32
        %add3A_1590 = arith.addi %mul3A_1588, %add3A_1589 : i32
        %mul3A_1591 = arith.constant 16 : i32
        %mul3A_1592 = arith.muli %select_n3A_196, %mul3A_1591 : i32
        %add3A_1593 = arith.addi %add3A_1590, %mul3A_1592 : i32
        %add3A_1594 = arith.constant 11 : i32
        %add3A_1595 = arith.addi %add3A_1593, %add3A_1594 : i32
        %get3A_1596 = arith.index_cast %rem3A_92 : i32 to index
        %get3A_1597 = arith.index_cast %add3A_1595 : i32 to index
        %get3A_1598 = arith.constant 0 : index
        %get3A_1599 = tpu.vector_load %arg8[%get3A_1596, %get3A_1597, %get3A_1598] {strides = array<i32>} : memref<2x2560x32xbf16, #tpu.memory_space<vmem>>, vector<32xbf16>,
        %unpack3A_1600 = tpu.unpack_subelements %get3A_1599, 0 {pack_format = #tpu.pack_format<interleaved>} : vector<32xbf16> -> vector<16xf32>
        %unpack3A_1601 = tpu.unpack_subelements %get3A_1599, 1 {pack_format = #tpu.pack_format<interleaved>} : vector<32xbf16> -> vector<16xf32>
        %mul3A_1602 = vector.broadcast %squeeze3A_1586 : f32 to vector<16xf32>
        %mul3A_1603 = arith.mulf %mul3A_1602, %unpack3A_1600 : vector<16xf32>
        %add3A_1604 = arith.addf %add3A_1581, %mul3A_1603 : vector<16xf32>
        %mul3A_1605 = vector.broadcast %squeeze3A_1586 : f32 to vector<16xf32>
        %mul3A_1606 = arith.mulf %mul3A_1605, %unpack3A_1601 : vector<16xf32>
        %add3A_1607 = arith.addf %add3A_1584, %mul3A_1606 : vector<16xf32>
        %slice3A_1608 = vector.extract_strided_slice %get3A_1331 {offsets = [12], sizes = [1], strides = [1]} : vector<16xf32> to vector<1xf32>
        %squeeze3A_1609 = vector.extract %slice3A_1608[0] : f32 from vector<1xf32>
        %mul3A_1610 = arith.constant 512 : i32
        %mul3A_1611 = arith.muli %select_n3A, %mul3A_1610 : i32
        %add3A_1612 = arith.constant 384 : i32
        %add3A_1613 = arith.addi %mul3A_1611, %add3A_1612 : i32
        %mul3A_1614 = arith.constant 16 : i32
        %mul3A_1615 = arith.muli %select_n3A_196, %mul3A_1614 : i32
        %add3A_1616 = arith.addi %add3A_1613, %mul3A_1615 : i32
        %add3A_1617 = arith.constant 12 : i32
        %add3A_1618 = arith.addi %add3A_1616, %add3A_1617 : i32
        %get3A_1619 = arith.index_cast %rem3A_92 : i32 to index
        %get3A_1620 = arith.index_cast %add3A_1618 : i32 to index
        %get3A_1621 = arith.constant 0 : index
        %get3A_1622 = tpu.vector_load %arg8[%get3A_1619, %get3A_1620, %get3A_1621] {strides = array<i32>} : memref<2x2560x32xbf16, #tpu.memory_space<vmem>>, vector<32xbf16>,
        %unpack3A_1623 = tpu.unpack_subelements %get3A_1622, 0 {pack_format = #tpu.pack_format<interleaved>} : vector<32xbf16> -> vector<16xf32>
        %unpack3A_1624 = tpu.unpack_subelements %get3A_1622, 1 {pack_format = #tpu.pack_format<interleaved>} : vector<32xbf16> -> vector<16xf32>
        %mul3A_1625 = vector.broadcast %squeeze3A_1609 : f32 to vector<16xf32>
        %mul3A_1626 = arith.mulf %mul3A_1625, %unpack3A_1623 : vector<16xf32>
        %add3A_1627 = arith.addf %add3A_1604, %mul3A_1626 : vector<16xf32>
        %mul3A_1628 = vector.broadcast %squeeze3A_1609 : f32 to vector<16xf32>
        %mul3A_1629 = arith.mulf %mul3A_1628, %unpack3A_1624 : vector<16xf32>
        %add3A_1630 = arith.addf %add3A_1607, %mul3A_1629 : vector<16xf32>
        %slice3A_1631 = vector.extract_strided_slice %get3A_1331 {offsets = [13], sizes = [1], strides = [1]} : vector<16xf32> to vector<1xf32>
        %squeeze3A_1632 = vector.extract %slice3A_1631[0] : f32 from vector<1xf32>
        %mul3A_1633 = arith.constant 512 : i32
        %mul3A_1634 = arith.muli %select_n3A, %mul3A_1633 : i32
        %add3A_1635 = arith.constant 384 : i32
        %add3A_1636 = arith.addi %mul3A_1634, %add3A_1635 : i32
        %mul3A_1637 = arith.constant 16 : i32
        %mul3A_1638 = arith.muli %select_n3A_196, %mul3A_1637 : i32
        %add3A_1639 = arith.addi %add3A_1636, %mul3A_1638 : i32
        %add3A_1640 = arith.constant 13 : i32
        %add3A_1641 = arith.addi %add3A_1639, %add3A_1640 : i32
        %get3A_1642 = arith.index_cast %rem3A_92 : i32 to index
        %get3A_1643 = arith.index_cast %add3A_1641 : i32 to index
        %get3A_1644 = arith.constant 0 : index
        %get3A_1645 = tpu.vector_load %arg8[%get3A_1642, %get3A_1643, %get3A_1644] {strides = array<i32>} : memref<2x2560x32xbf16, #tpu.memory_space<vmem>>, vector<32xbf16>,
        %unpack3A_1646 = tpu.unpack_subelements %get3A_1645, 0 {pack_format = #tpu.pack_format<interleaved>} : vector<32xbf16> -> vector<16xf32>
        %unpack3A_1647 = tpu.unpack_subelements %get3A_1645, 1 {pack_format = #tpu.pack_format<interleaved>} : vector<32xbf16> -> vector<16xf32>
        %mul3A_1648 = vector.broadcast %squeeze3A_1632 : f32 to vector<16xf32>
        %mul3A_1649 = arith.mulf %mul3A_1648, %unpack3A_1646 : vector<16xf32>
        %add3A_1650 = arith.addf %add3A_1627, %mul3A_1649 : vector<16xf32>
        %mul3A_1651 = vector.broadcast %squeeze3A_1632 : f32 to vector<16xf32>
        %mul3A_1652 = arith.mulf %mul3A_1651, %unpack3A_1647 : vector<16xf32>
        %add3A_1653 = arith.addf %add3A_1630, %mul3A_1652 : vector<16xf32>
        %slice3A_1654 = vector.extract_strided_slice %get3A_1331 {offsets = [14], sizes = [1], strides = [1]} : vector<16xf32> to vector<1xf32>
        %squeeze3A_1655 = vector.extract %slice3A_1654[0] : f32 from vector<1xf32>
        %mul3A_1656 = arith.constant 512 : i32
        %mul3A_1657 = arith.muli %select_n3A, %mul3A_1656 : i32
        %add3A_1658 = arith.constant 384 : i32
        %add3A_1659 = arith.addi %mul3A_1657, %add3A_1658 : i32
        %mul3A_1660 = arith.constant 16 : i32
        %mul3A_1661 = arith.muli %select_n3A_196, %mul3A_1660 : i32
        %add3A_1662 = arith.addi %add3A_1659, %mul3A_1661 : i32
        %add3A_1663 = arith.constant 14 : i32
        %add3A_1664 = arith.addi %add3A_1662, %add3A_1663 : i32
        %get3A_1665 = arith.index_cast %rem3A_92 : i32 to index
        %get3A_1666 = arith.index_cast %add3A_1664 : i32 to index
        %get3A_1667 = arith.constant 0 : index
        %get3A_1668 = tpu.vector_load %arg8[%get3A_1665, %get3A_1666, %get3A_1667] {strides = array<i32>} : memref<2x2560x32xbf16, #tpu.memory_space<vmem>>, vector<32xbf16>,
        %unpack3A_1669 = tpu.unpack_subelements %get3A_1668, 0 {pack_format = #tpu.pack_format<interleaved>} : vector<32xbf16> -> vector<16xf32>
        %unpack3A_1670 = tpu.unpack_subelements %get3A_1668, 1 {pack_format = #tpu.pack_format<interleaved>} : vector<32xbf16> -> vector<16xf32>
        %mul3A_1671 = vector.broadcast %squeeze3A_1655 : f32 to vector<16xf32>
        %mul3A_1672 = arith.mulf %mul3A_1671, %unpack3A_1669 : vector<16xf32>
        %add3A_1673 = arith.addf %add3A_1650, %mul3A_1672 : vector<16xf32>
        %mul3A_1674 = vector.broadcast %squeeze3A_1655 : f32 to vector<16xf32>
        %mul3A_1675 = arith.mulf %mul3A_1674, %unpack3A_1670 : vector<16xf32>
        %add3A_1676 = arith.addf %add3A_1653, %mul3A_1675 : vector<16xf32>
        %slice3A_1677 = vector.extract_strided_slice %get3A_1331 {offsets = [15], sizes = [1], strides = [1]} : vector<16xf32> to vector<1xf32>
        %squeeze3A_1678 = vector.extract %slice3A_1677[0] : f32 from vector<1xf32>
        %mul3A_1679 = arith.constant 512 : i32
        %mul3A_1680 = arith.muli %select_n3A, %mul3A_1679 : i32
        %add3A_1681 = arith.constant 384 : i32
        %add3A_1682 = arith.addi %mul3A_1680, %add3A_1681 : i32
        %mul3A_1683 = arith.constant 16 : i32
        %mul3A_1684 = arith.muli %select_n3A_196, %mul3A_1683 : i32
        %add3A_1685 = arith.addi %add3A_1682, %mul3A_1684 : i32
        %add3A_1686 = arith.constant 15 : i32
        %add3A_1687 = arith.addi %add3A_1685, %add3A_1686 : i32
        %get3A_1688 = arith.index_cast %rem3A_92 : i32 to index
        %get3A_1689 = arith.index_cast %add3A_1687 : i32 to index
        %get3A_1690 = arith.constant 0 : index
        %get3A_1691 = tpu.vector_load %arg8[%get3A_1688, %get3A_1689, %get3A_1690] {strides = array<i32>} : memref<2x2560x32xbf16, #tpu.memory_space<vmem>>, vector<32xbf16>,
        %unpack3A_1692 = tpu.unpack_subelements %get3A_1691, 0 {pack_format = #tpu.pack_format<interleaved>} : vector<32xbf16> -> vector<16xf32>
        %unpack3A_1693 = tpu.unpack_subelements %get3A_1691, 1 {pack_format = #tpu.pack_format<interleaved>} : vector<32xbf16> -> vector<16xf32>
        %mul3A_1694 = vector.broadcast %squeeze3A_1678 : f32 to vector<16xf32>
        %mul3A_1695 = arith.mulf %mul3A_1694, %unpack3A_1692 : vector<16xf32>
        %add3A_1696 = arith.addf %add3A_1673, %mul3A_1695 : vector<16xf32>
        %mul3A_1697 = vector.broadcast %squeeze3A_1678 : f32 to vector<16xf32>
        %mul3A_1698 = arith.mulf %mul3A_1697, %unpack3A_1693 : vector<16xf32>
        %add3A_1699 = arith.addf %add3A_1676, %mul3A_1698 : vector<16xf32>
        %swap3A = arith.index_cast %rem3A_92 : i32 to index
        %swap3A_1700 = arith.index_cast %scan3A_164 : i32 to index
        %swap3A_1701 = arith.constant 0 : index
        %swap3A_1702 = tpu.vector_load %arg9[%swap3A, %swap3A_1700, %swap3A_1701] {strides = array<i32>} : memref<2x40x32xf32, #tpu.memory_space<vmem>>, vector<16xf32>,
        tpu.vector_store %arg9[%swap3A, %swap3A_1700, %swap3A_1701], %add3A_1696 {strides = array<i32>} : memref<2x40x32xf32, #tpu.memory_space<vmem>>, vector<16xf32>,
        %swap3A_1703 = arith.index_cast %rem3A_92 : i32 to index
        %swap3A_1704 = arith.index_cast %scan3A_164 : i32 to index
        %swap3A_1705 = arith.constant 16 : index
        %swap3A_1706 = tpu.vector_load %arg9[%swap3A_1703, %swap3A_1704, %swap3A_1705] {strides = array<i32>} : memref<2x40x32xf32, #tpu.memory_space<vmem>>, vector<16xf32>,
        tpu.vector_store %arg9[%swap3A_1703, %swap3A_1704, %swap3A_1705], %add3A_1699 {strides = array<i32>} : memref<2x40x32xf32, #tpu.memory_space<vmem>>, vector<16xf32>,
      }
      %scan3A_126 = arith.constant 24 : i32
      %dma_wait3A_127 = arith.constant 1536 : i32
      %dma_wait3A_128 = arith.constant 0 : i32
      %dma_wait3A_129 = tpu.memref_slice %arg8[%rem3A_92, %dma_wait3A_127, %dma_wait3A_128] : memref<2x2560x32xbf16, #tpu.memory_space<vmem>> -> memref<1x1024x32xbf16, #tpu.memory_space<vmem>>
      %dma_wait3A_130 = tpu.memref_squeeze %dma_wait3A_129 : memref<1x1024x32xbf16, #tpu.memory_space<vmem>> -> memref<1024x32xbf16, #tpu.memory_space<vmem>>
      %dma_wait3A_131 = arith.constant 1536 : i32
      %dma_wait3A_132 = tpu.memref_slice %arg6[%rem3A_92, %dma_wait3A_131] : memref<2x2560xi32, #tpu.memory_space<vmem>> -> memref<1x1024xi32, #tpu.memory_space<vmem>>
      %dma_wait3A_133 = tpu.memref_squeeze %dma_wait3A_132 : memref<1x1024xi32, #tpu.memory_space<vmem>> -> memref<1024xi32, #tpu.memory_space<vmem>>
      %dma_wait3A_134 = arith.constant 0 : i32
      %dma_wait3A_135 = arith.constant 0 : i32
      %dma_wait3A_136 = tpu.memref_slice %arg2[%dma_wait3A_134, %dma_wait3A_135] : memref<87040x32xbf16, #tpu.memory_space<hbm>> -> memref<87040x32xbf16, #tpu.memory_space<hbm>>
      tpu.wait_indirect_dma semaphore(%arg10 : memref<!tpu.dma_semaphore, #tpu.memory_space<semaphore_mem>>) src(%dma_wait3A_136 : memref<87040x32xbf16, #tpu.memory_space<hbm>>) dst(%dma_wait3A_130 : memref<1024x32xbf16, #tpu.memory_space<vmem>>)
      %scan3A_137 = arith.constant 0 : i32
      %scan3A_138 = arith.constant 24 : i32
      %scan3A_139 = arith.constant 16 : i32
      %scan3A_140 = arith.addi %scan3A_138, %scan3A_139 : i32
      %scan3A_141 = arith.constant 1 : i32
      scf.for %scan3A_164 = %scan3A_138 to %scan3A_140 step %scan3A_141  : i32 {
        %jit3A = arith.constant 8 : i32
        %div3A = arith.divsi %scan3A_164, %jit3A : i32
        %sign3A = arith.constant 0 : i32
        %sign3A_165 = arith.cmpi sgt, %scan3A_164, %sign3A : i32
        %sign3A_166 = arith.extui %sign3A_165 : i1 to i32
        %sign3A_167 = arith.constant 0 : i32
        %sign3A_168 = arith.cmpi slt, %scan3A_164, %sign3A_167 : i32
        %sign3A_169 = arith.extui %sign3A_168 : i1 to i32
        %sign3A_170 = arith.subi %sign3A_166, %sign3A_169 : i32
        %sign3A_171 = arith.constant 0 : i32
        %sign3A_172 = arith.cmpi sgt, %jit3A, %sign3A_171 : i32
        %sign3A_173 = arith.extui %sign3A_172 : i1 to i32
        %sign3A_174 = arith.constant 0 : i32
        %sign3A_175 = arith.cmpi slt, %jit3A, %sign3A_174 : i32
        %sign3A_176 = arith.extui %sign3A_175 : i1 to i32
        %sign3A_177 = arith.subi %sign3A_173, %sign3A_176 : i32
        %ne3A = arith.cmpi ne, %sign3A_170, %sign3A_177 : i32
        %rem3A_178 = arith.remsi %scan3A_164, %jit3A : i32
        %ne3A_179 = arith.constant 0 : i32
        %ne3A_180 = arith.cmpi ne, %rem3A_178, %ne3A_179 : i32
        %and3A = arith.andi %ne3A, %ne3A_180 : i1
        %sub3A = arith.constant 1 : i32
        %sub3A_181 = arith.subi %div3A, %sub3A : i32
        %select_n3A = arith.select %and3A, %sub3A_181, %div3A : i32
        %jit3A_182 = arith.constant 8 : i32
        %eq3A = arith.constant 0 : i32
        %eq3A_183 = arith.cmpi eq, %jit3A_182, %eq3A : i32
        %jit3A_184 = arith.constant 1 : i32
        %select_n3A_185 = arith.select %eq3A_183, %jit3A_184, %jit3A_182 : i32
        %rem3A_186 = arith.remsi %scan3A_164, %select_n3A_185 : i32
        %ne3A_187 = arith.constant 0 : i32
        %ne3A_188 = arith.cmpi ne, %rem3A_186, %ne3A_187 : i32
        %lt3A_189 = arith.constant 0 : i32
        %lt3A_190 = arith.cmpi slt, %rem3A_186, %lt3A_189 : i32
        %lt3A_191 = arith.constant 0 : i32
        %lt3A_192 = arith.cmpi slt, %select_n3A_185, %lt3A_191 : i32
        %ne3A_193 = arith.xori %lt3A_190, %lt3A_192 : i1
        %and3A_194 = arith.andi %ne3A_193, %ne3A_188 : i1
        %add3A_195 = arith.addi %rem3A_186, %select_n3A_185 : i32
        %select_n3A_196 = arith.select %and3A_194, %add3A_195, %rem3A_186 : i32
        %broadcast_in_dim3A = arith.constant 0.000000e+00 : f32
        %broadcast_in_dim3A_197 = vector.broadcast %broadcast_in_dim3A : f32 to vector<16xf32>
        %broadcast_in_dim3A_198 = arith.constant 0.000000e+00 : f32
        %broadcast_in_dim3A_199 = vector.broadcast %broadcast_in_dim3A_198 : f32 to vector<16xf32>
        %mul3A_200 = arith.constant 16 : i32
        %mul3A_201 = arith.muli %select_n3A_196, %mul3A_200 : i32
        %add3A_202 = arith.constant 0 : i32
        %add3A_203 = arith.addi %add3A_202, %mul3A_201 : i32
        %get3A = arith.index_cast %rem3A_92 : i32 to index
        %get3A_204 = arith.index_cast %select_n3A : i32 to index
        %get3A_205 = arith.index_cast %add3A_203 : i32 to index
        %get3A_206 = tpu.vector_load %arg7[%get3A, %get3A_204, %get3A_205] {strides = array<i32>} : memref<2x5x512xf32, #tpu.memory_space<vmem>>, vector<16xf32>,
        %slice3A = vector.extract_strided_slice %get3A_206 {offsets = [0], sizes = [1], strides = [1]} : vector<16xf32> to vector<1xf32>
        %squeeze3A = vector.extract %slice3A[0] : f32 from vector<1xf32>
        %mul3A_207 = arith.constant 512 : i32
        %mul3A_208 = arith.muli %select_n3A, %mul3A_207 : i32
        %add3A_209 = arith.constant 0 : i32
        %add3A_210 = arith.addi %mul3A_208, %add3A_209 : i32
        %mul3A_211 = arith.constant 16 : i32
        %mul3A_212 = arith.muli %select_n3A_196, %mul3A_211 : i32
        %add3A_213 = arith.addi %add3A_210, %mul3A_212 : i32
        %add3A_214 = arith.constant 0 : i32
        %add3A_215 = arith.addi %add3A_213, %add3A_214 : i32
        %get3A_216 = arith.index_cast %rem3A_92 : i32 to index
        %get3A_217 = arith.index_cast %add3A_215 : i32 to index
        %get3A_218 = arith.constant 0 : index
        %get3A_219 = tpu.vector_load %arg8[%get3A_216, %get3A_217, %get3A_218] {strides = array<i32>} : memref<2x2560x32xbf16, #tpu.memory_space<vmem>>, vector<32xbf16>,
        %unpack3A = tpu.unpack_subelements %get3A_219, 0 {pack_format = #tpu.pack_format<interleaved>} : vector<32xbf16> -> vector<16xf32>
        %unpack3A_220 = tpu.unpack_subelements %get3A_219, 1 {pack_format = #tpu.pack_format<interleaved>} : vector<32xbf16> -> vector<16xf32>
        %mul3A_221 = vector.broadcast %squeeze3A : f32 to vector<16xf32>
        %mul3A_222 = arith.mulf %mul3A_221, %unpack3A : vector<16xf32>
        %add3A_223 = arith.addf %broadcast_in_dim3A_197, %mul3A_222 : vector<16xf32>
        %mul3A_224 = vector.broadcast %squeeze3A : f32 to vector<16xf32>
        %mul3A_225 = arith.mulf %mul3A_224, %unpack3A_220 : vector<16xf32>
        %add3A_226 = arith.addf %broadcast_in_dim3A_199, %mul3A_225 : vector<16xf32>
        %slice3A_227 = vector.extract_strided_slice %get3A_206 {offsets = [1], sizes = [1], strides = [1]} : vector<16xf32> to vector<1xf32>
        %squeeze3A_228 = vector.extract %slice3A_227[0] : f32 from vector<1xf32>
        %mul3A_229 = arith.constant 512 : i32
        %mul3A_230 = arith.muli %select_n3A, %mul3A_229 : i32
        %add3A_231 = arith.constant 0 : i32
        %add3A_232 = arith.addi %mul3A_230, %add3A_231 : i32
        %mul3A_233 = arith.constant 16 : i32
        %mul3A_234 = arith.muli %select_n3A_196, %mul3A_233 : i32
        %add3A_235 = arith.addi %add3A_232, %mul3A_234 : i32
        %add3A_236 = arith.constant 1 : i32
        %add3A_237 = arith.addi %add3A_235, %add3A_236 : i32
        %get3A_238 = arith.index_cast %rem3A_92 : i32 to index
        %get3A_239 = arith.index_cast %add3A_237 : i32 to index
        %get3A_240 = arith.constant 0 : index
        %get3A_241 = tpu.vector_load %arg8[%get3A_238, %get3A_239, %get3A_240] {strides = array<i32>} : memref<2x2560x32xbf16, #tpu.memory_space<vmem>>, vector<32xbf16>,
        %unpack3A_242 = tpu.unpack_subelements %get3A_241, 0 {pack_format = #tpu.pack_format<interleaved>} : vector<32xbf16> -> vector<16xf32>
        %unpack3A_243 = tpu.unpack_subelements %get3A_241, 1 {pack_format = #tpu.pack_format<interleaved>} : vector<32xbf16> -> vector<16xf32>
        %mul3A_244 = vector.broadcast %squeeze3A_228 : f32 to vector<16xf32>
        %mul3A_245 = arith.mulf %mul3A_244, %unpack3A_242 : vector<16xf32>
        %add3A_246 = arith.addf %add3A_223, %mul3A_245 : vector<16xf32>
        %mul3A_247 = vector.broadcast %squeeze3A_228 : f32 to vector<16xf32>
        %mul3A_248 = arith.mulf %mul3A_247, %unpack3A_243 : vector<16xf32>
        %add3A_249 = arith.addf %add3A_226, %mul3A_248 : vector<16xf32>
        %slice3A_250 = vector.extract_strided_slice %get3A_206 {offsets = [2], sizes = [1], strides = [1]} : vector<16xf32> to vector<1xf32>
        %squeeze3A_251 = vector.extract %slice3A_250[0] : f32 from vector<1xf32>
        %mul3A_252 = arith.constant 512 : i32
        %mul3A_253 = arith.muli %select_n3A, %mul3A_252 : i32
        %add3A_254 = arith.constant 0 : i32
        %add3A_255 = arith.addi %mul3A_253, %add3A_254 : i32
        %mul3A_256 = arith.constant 16 : i32
        %mul3A_257 = arith.muli %select_n3A_196, %mul3A_256 : i32
        %add3A_258 = arith.addi %add3A_255, %mul3A_257 : i32
        %add3A_259 = arith.constant 2 : i32
        %add3A_260 = arith.addi %add3A_258, %add3A_259 : i32
        %get3A_261 = arith.index_cast %rem3A_92 : i32 to index
        %get3A_262 = arith.index_cast %add3A_260 : i32 to index
        %get3A_263 = arith.constant 0 : index
        %get3A_264 = tpu.vector_load %arg8[%get3A_261, %get3A_262, %get3A_263] {strides = array<i32>} : memref<2x2560x32xbf16, #tpu.memory_space<vmem>>, vector<32xbf16>,
        %unpack3A_265 = tpu.unpack_subelements %get3A_264, 0 {pack_format = #tpu.pack_format<interleaved>} : vector<32xbf16> -> vector<16xf32>
        %unpack3A_266 = tpu.unpack_subelements %get3A_264, 1 {pack_format = #tpu.pack_format<interleaved>} : vector<32xbf16> -> vector<16xf32>
        %mul3A_267 = vector.broadcast %squeeze3A_251 : f32 to vector<16xf32>
        %mul3A_268 = arith.mulf %mul3A_267, %unpack3A_265 : vector<16xf32>
        %add3A_269 = arith.addf %add3A_246, %mul3A_268 : vector<16xf32>
        %mul3A_270 = vector.broadcast %squeeze3A_251 : f32 to vector<16xf32>
        %mul3A_271 = arith.mulf %mul3A_270, %unpack3A_266 : vector<16xf32>
        %add3A_272 = arith.addf %add3A_249, %mul3A_271 : vector<16xf32>
        %slice3A_273 = vector.extract_strided_slice %get3A_206 {offsets = [3], sizes = [1], strides = [1]} : vector<16xf32> to vector<1xf32>
        %squeeze3A_274 = vector.extract %slice3A_273[0] : f32 from vector<1xf32>
        %mul3A_275 = arith.constant 512 : i32
        %mul3A_276 = arith.muli %select_n3A, %mul3A_275 : i32
        %add3A_277 = arith.constant 0 : i32
        %add3A_278 = arith.addi %mul3A_276, %add3A_277 : i32
        %mul3A_279 = arith.constant 16 : i32
        %mul3A_280 = arith.muli %select_n3A_196, %mul3A_279 : i32
        %add3A_281 = arith.addi %add3A_278, %mul3A_280 : i32
        %add3A_282 = arith.constant 3 : i32
        %add3A_283 = arith.addi %add3A_281, %add3A_282 : i32
        %get3A_284 = arith.index_cast %rem3A_92 : i32 to index
        %get3A_285 = arith.index_cast %add3A_283 : i32 to index
        %get3A_286 = arith.constant 0 : index
        %get3A_287 = tpu.vector_load %arg8[%get3A_284, %get3A_285, %get3A_286] {strides = array<i32>} : memref<2x2560x32xbf16, #tpu.memory_space<vmem>>, vector<32xbf16>,
        %unpack3A_288 = tpu.unpack_subelements %get3A_287, 0 {pack_format = #tpu.pack_format<interleaved>} : vector<32xbf16> -> vector<16xf32>
        %unpack3A_289 = tpu.unpack_subelements %get3A_287, 1 {pack_format = #tpu.pack_format<interleaved>} : vector<32xbf16> -> vector<16xf32>
        %mul3A_290 = vector.broadcast %squeeze3A_274 : f32 to vector<16xf32>
        %mul3A_291 = arith.mulf %mul3A_290, %unpack3A_288 : vector<16xf32>
        %add3A_292 = arith.addf %add3A_269, %mul3A_291 : vector<16xf32>
        %mul3A_293 = vector.broadcast %squeeze3A_274 : f32 to vector<16xf32>
        %mul3A_294 = arith.mulf %mul3A_293, %unpack3A_289 : vector<16xf32>
        %add3A_295 = arith.addf %add3A_272, %mul3A_294 : vector<16xf32>
        %slice3A_296 = vector.extract_strided_slice %get3A_206 {offsets = [4], sizes = [1], strides = [1]} : vector<16xf32> to vector<1xf32>
        %squeeze3A_297 = vector.extract %slice3A_296[0] : f32 from vector<1xf32>
        %mul3A_298 = arith.constant 512 : i32
        %mul3A_299 = arith.muli %select_n3A, %mul3A_298 : i32
        %add3A_300 = arith.constant 0 : i32
        %add3A_301 = arith.addi %mul3A_299, %add3A_300 : i32
        %mul3A_302 = arith.constant 16 : i32
        %mul3A_303 = arith.muli %select_n3A_196, %mul3A_302 : i32
        %add3A_304 = arith.addi %add3A_301, %mul3A_303 : i32
        %add3A_305 = arith.constant 4 : i32
        %add3A_306 = arith.addi %add3A_304, %add3A_305 : i32
        %get3A_307 = arith.index_cast %rem3A_92 : i32 to index
        %get3A_308 = arith.index_cast %add3A_306 : i32 to index
        %get3A_309 = arith.constant 0 : index
        %get3A_310 = tpu.vector_load %arg8[%get3A_307, %get3A_308, %get3A_309] {strides = array<i32>} : memref<2x2560x32xbf16, #tpu.memory_space<vmem>>, vector<32xbf16>,
        %unpack3A_311 = tpu.unpack_subelements %get3A_310, 0 {pack_format = #tpu.pack_format<interleaved>} : vector<32xbf16> -> vector<16xf32>
        %unpack3A_312 = tpu.unpack_subelements %get3A_310, 1 {pack_format = #tpu.pack_format<interleaved>} : vector<32xbf16> -> vector<16xf32>
        %mul3A_313 = vector.broadcast %squeeze3A_297 : f32 to vector<16xf32>
        %mul3A_314 = arith.mulf %mul3A_313, %unpack3A_311 : vector<16xf32>
        %add3A_315 = arith.addf %add3A_292, %mul3A_314 : vector<16xf32>
        %mul3A_316 = vector.broadcast %squeeze3A_297 : f32 to vector<16xf32>
        %mul3A_317 = arith.mulf %mul3A_316, %unpack3A_312 : vector<16xf32>
        %add3A_318 = arith.addf %add3A_295, %mul3A_317 : vector<16xf32>
        %slice3A_319 = vector.extract_strided_slice %get3A_206 {offsets = [5], sizes = [1], strides = [1]} : vector<16xf32> to vector<1xf32>
        %squeeze3A_320 = vector.extract %slice3A_319[0] : f32 from vector<1xf32>
        %mul3A_321 = arith.constant 512 : i32
        %mul3A_322 = arith.muli %select_n3A, %mul3A_321 : i32
        %add3A_323 = arith.constant 0 : i32
        %add3A_324 = arith.addi %mul3A_322, %add3A_323 : i32
        %mul3A_325 = arith.constant 16 : i32
        %mul3A_326 = arith.muli %select_n3A_196, %mul3A_325 : i32
        %add3A_327 = arith.addi %add3A_324, %mul3A_326 : i32
        %add3A_328 = arith.constant 5 : i32
        %add3A_329 = arith.addi %add3A_327, %add3A_328 : i32
        %get3A_330 = arith.index_cast %rem3A_92 : i32 to index
        %get3A_331 = arith.index_cast %add3A_329 : i32 to index
        %get3A_332 = arith.constant 0 : index
        %get3A_333 = tpu.vector_load %arg8[%get3A_330, %get3A_331, %get3A_332] {strides = array<i32>} : memref<2x2560x32xbf16, #tpu.memory_space<vmem>>, vector<32xbf16>,
        %unpack3A_334 = tpu.unpack_subelements %get3A_333, 0 {pack_format = #tpu.pack_format<interleaved>} : vector<32xbf16> -> vector<16xf32>
        %unpack3A_335 = tpu.unpack_subelements %get3A_333, 1 {pack_format = #tpu.pack_format<interleaved>} : vector<32xbf16> -> vector<16xf32>
        %mul3A_336 = vector.broadcast %squeeze3A_320 : f32 to vector<16xf32>
        %mul3A_337 = arith.mulf %mul3A_336, %unpack3A_334 : vector<16xf32>
        %add3A_338 = arith.addf %add3A_315, %mul3A_337 : vector<16xf32>
        %mul3A_339 = vector.broadcast %squeeze3A_320 : f32 to vector<16xf32>
        %mul3A_340 = arith.mulf %mul3A_339, %unpack3A_335 : vector<16xf32>
        %add3A_341 = arith.addf %add3A_318, %mul3A_340 : vector<16xf32>
        %slice3A_342 = vector.extract_strided_slice %get3A_206 {offsets = [6], sizes = [1], strides = [1]} : vector<16xf32> to vector<1xf32>
        %squeeze3A_343 = vector.extract %slice3A_342[0] : f32 from vector<1xf32>
        %mul3A_344 = arith.constant 512 : i32
        %mul3A_345 = arith.muli %select_n3A, %mul3A_344 : i32
        %add3A_346 = arith.constant 0 : i32
        %add3A_347 = arith.addi %mul3A_345, %add3A_346 : i32
        %mul3A_348 = arith.constant 16 : i32
        %mul3A_349 = arith.muli %select_n3A_196, %mul3A_348 : i32
        %add3A_350 = arith.addi %add3A_347, %mul3A_349 : i32
        %add3A_351 = arith.constant 6 : i32
        %add3A_352 = arith.addi %add3A_350, %add3A_351 : i32
        %get3A_353 = arith.index_cast %rem3A_92 : i32 to index
        %get3A_354 = arith.index_cast %add3A_352 : i32 to index
        %get3A_355 = arith.constant 0 : index
        %get3A_356 = tpu.vector_load %arg8[%get3A_353, %get3A_354, %get3A_355] {strides = array<i32>} : memref<2x2560x32xbf16, #tpu.memory_space<vmem>>, vector<32xbf16>,
        %unpack3A_357 = tpu.unpack_subelements %get3A_356, 0 {pack_format = #tpu.pack_format<interleaved>} : vector<32xbf16> -> vector<16xf32>
        %unpack3A_358 = tpu.unpack_subelements %get3A_356, 1 {pack_format = #tpu.pack_format<interleaved>} : vector<32xbf16> -> vector<16xf32>
        %mul3A_359 = vector.broadcast %squeeze3A_343 : f32 to vector<16xf32>
        %mul3A_360 = arith.mulf %mul3A_359, %unpack3A_357 : vector<16xf32>
        %add3A_361 = arith.addf %add3A_338, %mul3A_360 : vector<16xf32>
        %mul3A_362 = vector.broadcast %squeeze3A_343 : f32 to vector<16xf32>
        %mul3A_363 = arith.mulf %mul3A_362, %unpack3A_358 : vector<16xf32>
        %add3A_364 = arith.addf %add3A_341, %mul3A_363 : vector<16xf32>
        %slice3A_365 = vector.extract_strided_slice %get3A_206 {offsets = [7], sizes = [1], strides = [1]} : vector<16xf32> to vector<1xf32>
        %squeeze3A_366 = vector.extract %slice3A_365[0] : f32 from vector<1xf32>
        %mul3A_367 = arith.constant 512 : i32
        %mul3A_368 = arith.muli %select_n3A, %mul3A_367 : i32
        %add3A_369 = arith.constant 0 : i32
        %add3A_370 = arith.addi %mul3A_368, %add3A_369 : i32
        %mul3A_371 = arith.constant 16 : i32
        %mul3A_372 = arith.muli %select_n3A_196, %mul3A_371 : i32
        %add3A_373 = arith.addi %add3A_370, %mul3A_372 : i32
        %add3A_374 = arith.constant 7 : i32
        %add3A_375 = arith.addi %add3A_373, %add3A_374 : i32
        %get3A_376 = arith.index_cast %rem3A_92 : i32 to index
        %get3A_377 = arith.index_cast %add3A_375 : i32 to index
        %get3A_378 = arith.constant 0 : index
        %get3A_379 = tpu.vector_load %arg8[%get3A_376, %get3A_377, %get3A_378] {strides = array<i32>} : memref<2x2560x32xbf16, #tpu.memory_space<vmem>>, vector<32xbf16>,
        %unpack3A_380 = tpu.unpack_subelements %get3A_379, 0 {pack_format = #tpu.pack_format<interleaved>} : vector<32xbf16> -> vector<16xf32>
        %unpack3A_381 = tpu.unpack_subelements %get3A_379, 1 {pack_format = #tpu.pack_format<interleaved>} : vector<32xbf16> -> vector<16xf32>
        %mul3A_382 = vector.broadcast %squeeze3A_366 : f32 to vector<16xf32>
        %mul3A_383 = arith.mulf %mul3A_382, %unpack3A_380 : vector<16xf32>
        %add3A_384 = arith.addf %add3A_361, %mul3A_383 : vector<16xf32>
        %mul3A_385 = vector.broadcast %squeeze3A_366 : f32 to vector<16xf32>
        %mul3A_386 = arith.mulf %mul3A_385, %unpack3A_381 : vector<16xf32>
        %add3A_387 = arith.addf %add3A_364, %mul3A_386 : vector<16xf32>
        %slice3A_388 = vector.extract_strided_slice %get3A_206 {offsets = [8], sizes = [1], strides = [1]} : vector<16xf32> to vector<1xf32>
        %squeeze3A_389 = vector.extract %slice3A_388[0] : f32 from vector<1xf32>
        %mul3A_390 = arith.constant 512 : i32
        %mul3A_391 = arith.muli %select_n3A, %mul3A_390 : i32
        %add3A_392 = arith.constant 0 : i32
        %add3A_393 = arith.addi %mul3A_391, %add3A_392 : i32
        %mul3A_394 = arith.constant 16 : i32
        %mul3A_395 = arith.muli %select_n3A_196, %mul3A_394 : i32
        %add3A_396 = arith.addi %add3A_393, %mul3A_395 : i32
        %add3A_397 = arith.constant 8 : i32
        %add3A_398 = arith.addi %add3A_396, %add3A_397 : i32
        %get3A_399 = arith.index_cast %rem3A_92 : i32 to index
        %get3A_400 = arith.index_cast %add3A_398 : i32 to index
        %get3A_401 = arith.constant 0 : index
        %get3A_402 = tpu.vector_load %arg8[%get3A_399, %get3A_400, %get3A_401] {strides = array<i32>} : memref<2x2560x32xbf16, #tpu.memory_space<vmem>>, vector<32xbf16>,
        %unpack3A_403 = tpu.unpack_subelements %get3A_402, 0 {pack_format = #tpu.pack_format<interleaved>} : vector<32xbf16> -> vector<16xf32>
        %unpack3A_404 = tpu.unpack_subelements %get3A_402, 1 {pack_format = #tpu.pack_format<interleaved>} : vector<32xbf16> -> vector<16xf32>
        %mul3A_405 = vector.broadcast %squeeze3A_389 : f32 to vector<16xf32>
        %mul3A_406 = arith.mulf %mul3A_405, %unpack3A_403 : vector<16xf32>
        %add3A_407 = arith.addf %add3A_384, %mul3A_406 : vector<16xf32>
        %mul3A_408 = vector.broadcast %squeeze3A_389 : f32 to vector<16xf32>
        %mul3A_409 = arith.mulf %mul3A_408, %unpack3A_404 : vector<16xf32>
        %add3A_410 = arith.addf %add3A_387, %mul3A_409 : vector<16xf32>
        %slice3A_411 = vector.extract_strided_slice %get3A_206 {offsets = [9], sizes = [1], strides = [1]} : vector<16xf32> to vector<1xf32>
        %squeeze3A_412 = vector.extract %slice3A_411[0] : f32 from vector<1xf32>
        %mul3A_413 = arith.constant 512 : i32
        %mul3A_414 = arith.muli %select_n3A, %mul3A_413 : i32
        %add3A_415 = arith.constant 0 : i32
        %add3A_416 = arith.addi %mul3A_414, %add3A_415 : i32
        %mul3A_417 = arith.constant 16 : i32
        %mul3A_418 = arith.muli %select_n3A_196, %mul3A_417 : i32
        %add3A_419 = arith.addi %add3A_416, %mul3A_418 : i32
        %add3A_420 = arith.constant 9 : i32
        %add3A_421 = arith.addi %add3A_419, %add3A_420 : i32
        %get3A_422 = arith.index_cast %rem3A_92 : i32 to index
        %get3A_423 = arith.index_cast %add3A_421 : i32 to index
        %get3A_424 = arith.constant 0 : index
        %get3A_425 = tpu.vector_load %arg8[%get3A_422, %get3A_423, %get3A_424] {strides = array<i32>} : memref<2x2560x32xbf16, #tpu.memory_space<vmem>>, vector<32xbf16>,
        %unpack3A_426 = tpu.unpack_subelements %get3A_425, 0 {pack_format = #tpu.pack_format<interleaved>} : vector<32xbf16> -> vector<16xf32>
        %unpack3A_427 = tpu.unpack_subelements %get3A_425, 1 {pack_format = #tpu.pack_format<interleaved>} : vector<32xbf16> -> vector<16xf32>
        %mul3A_428 = vector.broadcast %squeeze3A_412 : f32 to vector<16xf32>
        %mul3A_429 = arith.mulf %mul3A_428, %unpack3A_426 : vector<16xf32>
        %add3A_430 = arith.addf %add3A_407, %mul3A_429 : vector<16xf32>
        %mul3A_431 = vector.broadcast %squeeze3A_412 : f32 to vector<16xf32>
        %mul3A_432 = arith.mulf %mul3A_431, %unpack3A_427 : vector<16xf32>
        %add3A_433 = arith.addf %add3A_410, %mul3A_432 : vector<16xf32>
        %slice3A_434 = vector.extract_strided_slice %get3A_206 {offsets = [10], sizes = [1], strides = [1]} : vector<16xf32> to vector<1xf32>
        %squeeze3A_435 = vector.extract %slice3A_434[0] : f32 from vector<1xf32>
        %mul3A_436 = arith.constant 512 : i32
        %mul3A_437 = arith.muli %select_n3A, %mul3A_436 : i32
        %add3A_438 = arith.constant 0 : i32
        %add3A_439 = arith.addi %mul3A_437, %add3A_438 : i32
        %mul3A_440 = arith.constant 16 : i32
        %mul3A_441 = arith.muli %select_n3A_196, %mul3A_440 : i32
        %add3A_442 = arith.addi %add3A_439, %mul3A_441 : i32
        %add3A_443 = arith.constant 10 : i32
        %add3A_444 = arith.addi %add3A_442, %add3A_443 : i32
        %get3A_445 = arith.index_cast %rem3A_92 : i32 to index
        %get3A_446 = arith.index_cast %add3A_444 : i32 to index
        %get3A_447 = arith.constant 0 : index
        %get3A_448 = tpu.vector_load %arg8[%get3A_445, %get3A_446, %get3A_447] {strides = array<i32>} : memref<2x2560x32xbf16, #tpu.memory_space<vmem>>, vector<32xbf16>,
        %unpack3A_449 = tpu.unpack_subelements %get3A_448, 0 {pack_format = #tpu.pack_format<interleaved>} : vector<32xbf16> -> vector<16xf32>
        %unpack3A_450 = tpu.unpack_subelements %get3A_448, 1 {pack_format = #tpu.pack_format<interleaved>} : vector<32xbf16> -> vector<16xf32>
        %mul3A_451 = vector.broadcast %squeeze3A_435 : f32 to vector<16xf32>
        %mul3A_452 = arith.mulf %mul3A_451, %unpack3A_449 : vector<16xf32>
        %add3A_453 = arith.addf %add3A_430, %mul3A_452 : vector<16xf32>
        %mul3A_454 = vector.broadcast %squeeze3A_435 : f32 to vector<16xf32>
        %mul3A_455 = arith.mulf %mul3A_454, %unpack3A_450 : vector<16xf32>
        %add3A_456 = arith.addf %add3A_433, %mul3A_455 : vector<16xf32>
        %slice3A_457 = vector.extract_strided_slice %get3A_206 {offsets = [11], sizes = [1], strides = [1]} : vector<16xf32> to vector<1xf32>
        %squeeze3A_458 = vector.extract %slice3A_457[0] : f32 from vector<1xf32>
        %mul3A_459 = arith.constant 512 : i32
        %mul3A_460 = arith.muli %select_n3A, %mul3A_459 : i32
        %add3A_461 = arith.constant 0 : i32
        %add3A_462 = arith.addi %mul3A_460, %add3A_461 : i32
        %mul3A_463 = arith.constant 16 : i32
        %mul3A_464 = arith.muli %select_n3A_196, %mul3A_463 : i32
        %add3A_465 = arith.addi %add3A_462, %mul3A_464 : i32
        %add3A_466 = arith.constant 11 : i32
        %add3A_467 = arith.addi %add3A_465, %add3A_466 : i32
        %get3A_468 = arith.index_cast %rem3A_92 : i32 to index
        %get3A_469 = arith.index_cast %add3A_467 : i32 to index
        %get3A_470 = arith.constant 0 : index
        %get3A_471 = tpu.vector_load %arg8[%get3A_468, %get3A_469, %get3A_470] {strides = array<i32>} : memref<2x2560x32xbf16, #tpu.memory_space<vmem>>, vector<32xbf16>,
        %unpack3A_472 = tpu.unpack_subelements %get3A_471, 0 {pack_format = #tpu.pack_format<interleaved>} : vector<32xbf16> -> vector<16xf32>
        %unpack3A_473 = tpu.unpack_subelements %get3A_471, 1 {pack_format = #tpu.pack_format<interleaved>} : vector<32xbf16> -> vector<16xf32>
        %mul3A_474 = vector.broadcast %squeeze3A_458 : f32 to vector<16xf32>
        %mul3A_475 = arith.mulf %mul3A_474, %unpack3A_472 : vector<16xf32>
        %add3A_476 = arith.addf %add3A_453, %mul3A_475 : vector<16xf32>
        %mul3A_477 = vector.broadcast %squeeze3A_458 : f32 to vector<16xf32>
        %mul3A_478 = arith.mulf %mul3A_477, %unpack3A_473 : vector<16xf32>
        %add3A_479 = arith.addf %add3A_456, %mul3A_478 : vector<16xf32>
        %slice3A_480 = vector.extract_strided_slice %get3A_206 {offsets = [12], sizes = [1], strides = [1]} : vector<16xf32> to vector<1xf32>
        %squeeze3A_481 = vector.extract %slice3A_480[0] : f32 from vector<1xf32>
        %mul3A_482 = arith.constant 512 : i32
        %mul3A_483 = arith.muli %select_n3A, %mul3A_482 : i32
        %add3A_484 = arith.constant 0 : i32
        %add3A_485 = arith.addi %mul3A_483, %add3A_484 : i32
        %mul3A_486 = arith.constant 16 : i32
        %mul3A_487 = arith.muli %select_n3A_196, %mul3A_486 : i32
        %add3A_488 = arith.addi %add3A_485, %mul3A_487 : i32
        %add3A_489 = arith.constant 12 : i32
        %add3A_490 = arith.addi %add3A_488, %add3A_489 : i32
        %get3A_491 = arith.index_cast %rem3A_92 : i32 to index
        %get3A_492 = arith.index_cast %add3A_490 : i32 to index
        %get3A_493 = arith.constant 0 : index
        %get3A_494 = tpu.vector_load %arg8[%get3A_491, %get3A_492, %get3A_493] {strides = array<i32>} : memref<2x2560x32xbf16, #tpu.memory_space<vmem>>, vector<32xbf16>,
        %unpack3A_495 = tpu.unpack_subelements %get3A_494, 0 {pack_format = #tpu.pack_format<interleaved>} : vector<32xbf16> -> vector<16xf32>
        %unpack3A_496 = tpu.unpack_subelements %get3A_494, 1 {pack_format = #tpu.pack_format<interleaved>} : vector<32xbf16> -> vector<16xf32>
        %mul3A_497 = vector.broadcast %squeeze3A_481 : f32 to vector<16xf32>
        %mul3A_498 = arith.mulf %mul3A_497, %unpack3A_495 : vector<16xf32>
        %add3A_499 = arith.addf %add3A_476, %mul3A_498 : vector<16xf32>
        %mul3A_500 = vector.broadcast %squeeze3A_481 : f32 to vector<16xf32>
        %mul3A_501 = arith.mulf %mul3A_500, %unpack3A_496 : vector<16xf32>
        %add3A_502 = arith.addf %add3A_479, %mul3A_501 : vector<16xf32>
        %slice3A_503 = vector.extract_strided_slice %get3A_206 {offsets = [13], sizes = [1], strides = [1]} : vector<16xf32> to vector<1xf32>
        %squeeze3A_504 = vector.extract %slice3A_503[0] : f32 from vector<1xf32>
        %mul3A_505 = arith.constant 512 : i32
        %mul3A_506 = arith.muli %select_n3A, %mul3A_505 : i32
        %add3A_507 = arith.constant 0 : i32
        %add3A_508 = arith.addi %mul3A_506, %add3A_507 : i32
        %mul3A_509 = arith.constant 16 : i32
        %mul3A_510 = arith.muli %select_n3A_196, %mul3A_509 : i32
        %add3A_511 = arith.addi %add3A_508, %mul3A_510 : i32
        %add3A_512 = arith.constant 13 : i32
        %add3A_513 = arith.addi %add3A_511, %add3A_512 : i32
        %get3A_514 = arith.index_cast %rem3A_92 : i32 to index
        %get3A_515 = arith.index_cast %add3A_513 : i32 to index
        %get3A_516 = arith.constant 0 : index
        %get3A_517 = tpu.vector_load %arg8[%get3A_514, %get3A_515, %get3A_516] {strides = array<i32>} : memref<2x2560x32xbf16, #tpu.memory_space<vmem>>, vector<32xbf16>,
        %unpack3A_518 = tpu.unpack_subelements %get3A_517, 0 {pack_format = #tpu.pack_format<interleaved>} : vector<32xbf16> -> vector<16xf32>
        %unpack3A_519 = tpu.unpack_subelements %get3A_517, 1 {pack_format = #tpu.pack_format<interleaved>} : vector<32xbf16> -> vector<16xf32>
        %mul3A_520 = vector.broadcast %squeeze3A_504 : f32 to vector<16xf32>
        %mul3A_521 = arith.mulf %mul3A_520, %unpack3A_518 : vector<16xf32>
        %add3A_522 = arith.addf %add3A_499, %mul3A_521 : vector<16xf32>
        %mul3A_523 = vector.broadcast %squeeze3A_504 : f32 to vector<16xf32>
        %mul3A_524 = arith.mulf %mul3A_523, %unpack3A_519 : vector<16xf32>
        %add3A_525 = arith.addf %add3A_502, %mul3A_524 : vector<16xf32>
        %slice3A_526 = vector.extract_strided_slice %get3A_206 {offsets = [14], sizes = [1], strides = [1]} : vector<16xf32> to vector<1xf32>
        %squeeze3A_527 = vector.extract %slice3A_526[0] : f32 from vector<1xf32>
        %mul3A_528 = arith.constant 512 : i32
        %mul3A_529 = arith.muli %select_n3A, %mul3A_528 : i32
        %add3A_530 = arith.constant 0 : i32
        %add3A_531 = arith.addi %mul3A_529, %add3A_530 : i32
        %mul3A_532 = arith.constant 16 : i32
        %mul3A_533 = arith.muli %select_n3A_196, %mul3A_532 : i32
        %add3A_534 = arith.addi %add3A_531, %mul3A_533 : i32
        %add3A_535 = arith.constant 14 : i32
        %add3A_536 = arith.addi %add3A_534, %add3A_535 : i32
        %get3A_537 = arith.index_cast %rem3A_92 : i32 to index
        %get3A_538 = arith.index_cast %add3A_536 : i32 to index
        %get3A_539 = arith.constant 0 : index
        %get3A_540 = tpu.vector_load %arg8[%get3A_537, %get3A_538, %get3A_539] {strides = array<i32>} : memref<2x2560x32xbf16, #tpu.memory_space<vmem>>, vector<32xbf16>,
        %unpack3A_541 = tpu.unpack_subelements %get3A_540, 0 {pack_format = #tpu.pack_format<interleaved>} : vector<32xbf16> -> vector<16xf32>
        %unpack3A_542 = tpu.unpack_subelements %get3A_540, 1 {pack_format = #tpu.pack_format<interleaved>} : vector<32xbf16> -> vector<16xf32>
        %mul3A_543 = vector.broadcast %squeeze3A_527 : f32 to vector<16xf32>
        %mul3A_544 = arith.mulf %mul3A_543, %unpack3A_541 : vector<16xf32>
        %add3A_545 = arith.addf %add3A_522, %mul3A_544 : vector<16xf32>
        %mul3A_546 = vector.broadcast %squeeze3A_527 : f32 to vector<16xf32>
        %mul3A_547 = arith.mulf %mul3A_546, %unpack3A_542 : vector<16xf32>
        %add3A_548 = arith.addf %add3A_525, %mul3A_547 : vector<16xf32>
        %slice3A_549 = vector.extract_strided_slice %get3A_206 {offsets = [15], sizes = [1], strides = [1]} : vector<16xf32> to vector<1xf32>
        %squeeze3A_550 = vector.extract %slice3A_549[0] : f32 from vector<1xf32>
        %mul3A_551 = arith.constant 512 : i32
        %mul3A_552 = arith.muli %select_n3A, %mul3A_551 : i32
        %add3A_553 = arith.constant 0 : i32
        %add3A_554 = arith.addi %mul3A_552, %add3A_553 : i32
        %mul3A_555 = arith.constant 16 : i32
        %mul3A_556 = arith.muli %select_n3A_196, %mul3A_555 : i32
        %add3A_557 = arith.addi %add3A_554, %mul3A_556 : i32
        %add3A_558 = arith.constant 15 : i32
        %add3A_559 = arith.addi %add3A_557, %add3A_558 : i32
        %get3A_560 = arith.index_cast %rem3A_92 : i32 to index
        %get3A_561 = arith.index_cast %add3A_559 : i32 to index
        %get3A_562 = arith.constant 0 : index
        %get3A_563 = tpu.vector_load %arg8[%get3A_560, %get3A_561, %get3A_562] {strides = array<i32>} : memref<2x2560x32xbf16, #tpu.memory_space<vmem>>, vector<32xbf16>,
        %unpack3A_564 = tpu.unpack_subelements %get3A_563, 0 {pack_format = #tpu.pack_format<interleaved>} : vector<32xbf16> -> vector<16xf32>
        %unpack3A_565 = tpu.unpack_subelements %get3A_563, 1 {pack_format = #tpu.pack_format<interleaved>} : vector<32xbf16> -> vector<16xf32>
        %mul3A_566 = vector.broadcast %squeeze3A_550 : f32 to vector<16xf32>
        %mul3A_567 = arith.mulf %mul3A_566, %unpack3A_564 : vector<16xf32>
        %add3A_568 = arith.addf %add3A_545, %mul3A_567 : vector<16xf32>
        %mul3A_569 = vector.broadcast %squeeze3A_550 : f32 to vector<16xf32>
        %mul3A_570 = arith.mulf %mul3A_569, %unpack3A_565 : vector<16xf32>
        %add3A_571 = arith.addf %add3A_548, %mul3A_570 : vector<16xf32>
        %mul3A_572 = arith.constant 16 : i32
        %mul3A_573 = arith.muli %select_n3A_196, %mul3A_572 : i32
        %add3A_574 = arith.constant 128 : i32
        %add3A_575 = arith.addi %add3A_574, %mul3A_573 : i32
        %get3A_576 = arith.index_cast %rem3A_92 : i32 to index
        %get3A_577 = arith.index_cast %select_n3A : i32 to index
        %get3A_578 = arith.index_cast %add3A_575 : i32 to index
        %get3A_579 = tpu.vector_load %arg7[%get3A_576, %get3A_577, %get3A_578] {strides = array<i32>} : memref<2x5x512xf32, #tpu.memory_space<vmem>>, vector<16xf32>,
        %slice3A_580 = vector.extract_strided_slice %get3A_579 {offsets = [0], sizes = [1], strides = [1]} : vector<16xf32> to vector<1xf32>
        %squeeze3A_581 = vector.extract %slice3A_580[0] : f32 from vector<1xf32>
        %mul3A_582 = arith.constant 512 : i32
        %mul3A_583 = arith.muli %select_n3A, %mul3A_582 : i32
        %add3A_584 = arith.constant 128 : i32
        %add3A_585 = arith.addi %mul3A_583, %add3A_584 : i32
        %mul3A_586 = arith.constant 16 : i32
        %mul3A_587 = arith.muli %select_n3A_196, %mul3A_586 : i32
        %add3A_588 = arith.addi %add3A_585, %mul3A_587 : i32
        %add3A_589 = arith.constant 0 : i32
        %add3A_590 = arith.addi %add3A_588, %add3A_589 : i32
        %get3A_591 = arith.index_cast %rem3A_92 : i32 to index
        %get3A_592 = arith.index_cast %add3A_590 : i32 to index
        %get3A_593 = arith.constant 0 : index
        %get3A_594 = tpu.vector_load %arg8[%get3A_591, %get3A_592, %get3A_593] {strides = array<i32>} : memref<2x2560x32xbf16, #tpu.memory_space<vmem>>, vector<32xbf16>,
        %unpack3A_595 = tpu.unpack_subelements %get3A_594, 0 {pack_format = #tpu.pack_format<interleaved>} : vector<32xbf16> -> vector<16xf32>
        %unpack3A_596 = tpu.unpack_subelements %get3A_594, 1 {pack_format = #tpu.pack_format<interleaved>} : vector<32xbf16> -> vector<16xf32>
        %mul3A_597 = vector.broadcast %squeeze3A_581 : f32 to vector<16xf32>
        %mul3A_598 = arith.mulf %mul3A_597, %unpack3A_595 : vector<16xf32>
        %add3A_599 = arith.addf %add3A_568, %mul3A_598 : vector<16xf32>
        %mul3A_600 = vector.broadcast %squeeze3A_581 : f32 to vector<16xf32>
        %mul3A_601 = arith.mulf %mul3A_600, %unpack3A_596 : vector<16xf32>
        %add3A_602 = arith.addf %add3A_571, %mul3A_601 : vector<16xf32>
        %slice3A_603 = vector.extract_strided_slice %get3A_579 {offsets = [1], sizes = [1], strides = [1]} : vector<16xf32> to vector<1xf32>
        %squeeze3A_604 = vector.extract %slice3A_603[0] : f32 from vector<1xf32>
        %mul3A_605 = arith.constant 512 : i32
        %mul3A_606 = arith.muli %select_n3A, %mul3A_605 : i32
        %add3A_607 = arith.constant 128 : i32
        %add3A_608 = arith.addi %mul3A_606, %add3A_607 : i32
        %mul3A_609 = arith.constant 16 : i32
        %mul3A_610 = arith.muli %select_n3A_196, %mul3A_609 : i32
        %add3A_611 = arith.addi %add3A_608, %mul3A_610 : i32
        %add3A_612 = arith.constant 1 : i32
        %add3A_613 = arith.addi %add3A_611, %add3A_612 : i32
        %get3A_614 = arith.index_cast %rem3A_92 : i32 to index
        %get3A_615 = arith.index_cast %add3A_613 : i32 to index
        %get3A_616 = arith.constant 0 : index
        %get3A_617 = tpu.vector_load %arg8[%get3A_614, %get3A_615, %get3A_616] {strides = array<i32>} : memref<2x2560x32xbf16, #tpu.memory_space<vmem>>, vector<32xbf16>,
        %unpack3A_618 = tpu.unpack_subelements %get3A_617, 0 {pack_format = #tpu.pack_format<interleaved>} : vector<32xbf16> -> vector<16xf32>
        %unpack3A_619 = tpu.unpack_subelements %get3A_617, 1 {pack_format = #tpu.pack_format<interleaved>} : vector<32xbf16> -> vector<16xf32>
        %mul3A_620 = vector.broadcast %squeeze3A_604 : f32 to vector<16xf32>
        %mul3A_621 = arith.mulf %mul3A_620, %unpack3A_618 : vector<16xf32>
        %add3A_622 = arith.addf %add3A_599, %mul3A_621 : vector<16xf32>
        %mul3A_623 = vector.broadcast %squeeze3A_604 : f32 to vector<16xf32>
        %mul3A_624 = arith.mulf %mul3A_623, %unpack3A_619 : vector<16xf32>
        %add3A_625 = arith.addf %add3A_602, %mul3A_624 : vector<16xf32>
        %slice3A_626 = vector.extract_strided_slice %get3A_579 {offsets = [2], sizes = [1], strides = [1]} : vector<16xf32> to vector<1xf32>
        %squeeze3A_627 = vector.extract %slice3A_626[0] : f32 from vector<1xf32>
        %mul3A_628 = arith.constant 512 : i32
        %mul3A_629 = arith.muli %select_n3A, %mul3A_628 : i32
        %add3A_630 = arith.constant 128 : i32
        %add3A_631 = arith.addi %mul3A_629, %add3A_630 : i32
        %mul3A_632 = arith.constant 16 : i32
        %mul3A_633 = arith.muli %select_n3A_196, %mul3A_632 : i32
        %add3A_634 = arith.addi %add3A_631, %mul3A_633 : i32
        %add3A_635 = arith.constant 2 : i32
        %add3A_636 = arith.addi %add3A_634, %add3A_635 : i32
        %get3A_637 = arith.index_cast %rem3A_92 : i32 to index
        %get3A_638 = arith.index_cast %add3A_636 : i32 to index
        %get3A_639 = arith.constant 0 : index
        %get3A_640 = tpu.vector_load %arg8[%get3A_637, %get3A_638, %get3A_639] {strides = array<i32>} : memref<2x2560x32xbf16, #tpu.memory_space<vmem>>, vector<32xbf16>,
        %unpack3A_641 = tpu.unpack_subelements %get3A_640, 0 {pack_format = #tpu.pack_format<interleaved>} : vector<32xbf16> -> vector<16xf32>
        %unpack3A_642 = tpu.unpack_subelements %get3A_640, 1 {pack_format = #tpu.pack_format<interleaved>} : vector<32xbf16> -> vector<16xf32>
        %mul3A_643 = vector.broadcast %squeeze3A_627 : f32 to vector<16xf32>
        %mul3A_644 = arith.mulf %mul3A_643, %unpack3A_641 : vector<16xf32>
        %add3A_645 = arith.addf %add3A_622, %mul3A_644 : vector<16xf32>
        %mul3A_646 = vector.broadcast %squeeze3A_627 : f32 to vector<16xf32>
        %mul3A_647 = arith.mulf %mul3A_646, %unpack3A_642 : vector<16xf32>
        %add3A_648 = arith.addf %add3A_625, %mul3A_647 : vector<16xf32>
        %slice3A_649 = vector.extract_strided_slice %get3A_579 {offsets = [3], sizes = [1], strides = [1]} : vector<16xf32> to vector<1xf32>
        %squeeze3A_650 = vector.extract %slice3A_649[0] : f32 from vector<1xf32>
        %mul3A_651 = arith.constant 512 : i32
        %mul3A_652 = arith.muli %select_n3A, %mul3A_651 : i32
        %add3A_653 = arith.constant 128 : i32
        %add3A_654 = arith.addi %mul3A_652, %add3A_653 : i32
        %mul3A_655 = arith.constant 16 : i32
        %mul3A_656 = arith.muli %select_n3A_196, %mul3A_655 : i32
        %add3A_657 = arith.addi %add3A_654, %mul3A_656 : i32
        %add3A_658 = arith.constant 3 : i32
        %add3A_659 = arith.addi %add3A_657, %add3A_658 : i32
        %get3A_660 = arith.index_cast %rem3A_92 : i32 to index
        %get3A_661 = arith.index_cast %add3A_659 : i32 to index
        %get3A_662 = arith.constant 0 : index
        %get3A_663 = tpu.vector_load %arg8[%get3A_660, %get3A_661, %get3A_662] {strides = array<i32>} : memref<2x2560x32xbf16, #tpu.memory_space<vmem>>, vector<32xbf16>,
        %unpack3A_664 = tpu.unpack_subelements %get3A_663, 0 {pack_format = #tpu.pack_format<interleaved>} : vector<32xbf16> -> vector<16xf32>
        %unpack3A_665 = tpu.unpack_subelements %get3A_663, 1 {pack_format = #tpu.pack_format<interleaved>} : vector<32xbf16> -> vector<16xf32>
        %mul3A_666 = vector.broadcast %squeeze3A_650 : f32 to vector<16xf32>
        %mul3A_667 = arith.mulf %mul3A_666, %unpack3A_664 : vector<16xf32>
        %add3A_668 = arith.addf %add3A_645, %mul3A_667 : vector<16xf32>
        %mul3A_669 = vector.broadcast %squeeze3A_650 : f32 to vector<16xf32>
        %mul3A_670 = arith.mulf %mul3A_669, %unpack3A_665 : vector<16xf32>
        %add3A_671 = arith.addf %add3A_648, %mul3A_670 : vector<16xf32>
        %slice3A_672 = vector.extract_strided_slice %get3A_579 {offsets = [4], sizes = [1], strides = [1]} : vector<16xf32> to vector<1xf32>
        %squeeze3A_673 = vector.extract %slice3A_672[0] : f32 from vector<1xf32>
        %mul3A_674 = arith.constant 512 : i32
        %mul3A_675 = arith.muli %select_n3A, %mul3A_674 : i32
        %add3A_676 = arith.constant 128 : i32
        %add3A_677 = arith.addi %mul3A_675, %add3A_676 : i32
        %mul3A_678 = arith.constant 16 : i32
        %mul3A_679 = arith.muli %select_n3A_196, %mul3A_678 : i32
        %add3A_680 = arith.addi %add3A_677, %mul3A_679 : i32
        %add3A_681 = arith.constant 4 : i32
        %add3A_682 = arith.addi %add3A_680, %add3A_681 : i32
        %get3A_683 = arith.index_cast %rem3A_92 : i32 to index
        %get3A_684 = arith.index_cast %add3A_682 : i32 to index
        %get3A_685 = arith.constant 0 : index
        %get3A_686 = tpu.vector_load %arg8[%get3A_683, %get3A_684, %get3A_685] {strides = array<i32>} : memref<2x2560x32xbf16, #tpu.memory_space<vmem>>, vector<32xbf16>,
        %unpack3A_687 = tpu.unpack_subelements %get3A_686, 0 {pack_format = #tpu.pack_format<interleaved>} : vector<32xbf16> -> vector<16xf32>
        %unpack3A_688 = tpu.unpack_subelements %get3A_686, 1 {pack_format = #tpu.pack_format<interleaved>} : vector<32xbf16> -> vector<16xf32>
        %mul3A_689 = vector.broadcast %squeeze3A_673 : f32 to vector<16xf32>
        %mul3A_690 = arith.mulf %mul3A_689, %unpack3A_687 : vector<16xf32>
        %add3A_691 = arith.addf %add3A_668, %mul3A_690 : vector<16xf32>
        %mul3A_692 = vector.broadcast %squeeze3A_673 : f32 to vector<16xf32>
        %mul3A_693 = arith.mulf %mul3A_692, %unpack3A_688 : vector<16xf32>
        %add3A_694 = arith.addf %add3A_671, %mul3A_693 : vector<16xf32>
        %slice3A_695 = vector.extract_strided_slice %get3A_579 {offsets = [5], sizes = [1], strides = [1]} : vector<16xf32> to vector<1xf32>
        %squeeze3A_696 = vector.extract %slice3A_695[0] : f32 from vector<1xf32>
        %mul3A_697 = arith.constant 512 : i32
        %mul3A_698 = arith.muli %select_n3A, %mul3A_697 : i32
        %add3A_699 = arith.constant 128 : i32
        %add3A_700 = arith.addi %mul3A_698, %add3A_699 : i32
        %mul3A_701 = arith.constant 16 : i32
        %mul3A_702 = arith.muli %select_n3A_196, %mul3A_701 : i32
        %add3A_703 = arith.addi %add3A_700, %mul3A_702 : i32
        %add3A_704 = arith.constant 5 : i32
        %add3A_705 = arith.addi %add3A_703, %add3A_704 : i32
        %get3A_706 = arith.index_cast %rem3A_92 : i32 to index
        %get3A_707 = arith.index_cast %add3A_705 : i32 to index
        %get3A_708 = arith.constant 0 : index
        %get3A_709 = tpu.vector_load %arg8[%get3A_706, %get3A_707, %get3A_708] {strides = array<i32>} : memref<2x2560x32xbf16, #tpu.memory_space<vmem>>, vector<32xbf16>,
        %unpack3A_710 = tpu.unpack_subelements %get3A_709, 0 {pack_format = #tpu.pack_format<interleaved>} : vector<32xbf16> -> vector<16xf32>
        %unpack3A_711 = tpu.unpack_subelements %get3A_709, 1 {pack_format = #tpu.pack_format<interleaved>} : vector<32xbf16> -> vector<16xf32>
        %mul3A_712 = vector.broadcast %squeeze3A_696 : f32 to vector<16xf32>
        %mul3A_713 = arith.mulf %mul3A_712, %unpack3A_710 : vector<16xf32>
        %add3A_714 = arith.addf %add3A_691, %mul3A_713 : vector<16xf32>
        %mul3A_715 = vector.broadcast %squeeze3A_696 : f32 to vector<16xf32>
        %mul3A_716 = arith.mulf %mul3A_715, %unpack3A_711 : vector<16xf32>
        %add3A_717 = arith.addf %add3A_694, %mul3A_716 : vector<16xf32>
        %slice3A_718 = vector.extract_strided_slice %get3A_579 {offsets = [6], sizes = [1], strides = [1]} : vector<16xf32> to vector<1xf32>
        %squeeze3A_719 = vector.extract %slice3A_718[0] : f32 from vector<1xf32>
        %mul3A_720 = arith.constant 512 : i32
        %mul3A_721 = arith.muli %select_n3A, %mul3A_720 : i32
        %add3A_722 = arith.constant 128 : i32
        %add3A_723 = arith.addi %mul3A_721, %add3A_722 : i32
        %mul3A_724 = arith.constant 16 : i32
        %mul3A_725 = arith.muli %select_n3A_196, %mul3A_724 : i32
        %add3A_726 = arith.addi %add3A_723, %mul3A_725 : i32
        %add3A_727 = arith.constant 6 : i32
        %add3A_728 = arith.addi %add3A_726, %add3A_727 : i32
        %get3A_729 = arith.index_cast %rem3A_92 : i32 to index
        %get3A_730 = arith.index_cast %add3A_728 : i32 to index
        %get3A_731 = arith.constant 0 : index
        %get3A_732 = tpu.vector_load %arg8[%get3A_729, %get3A_730, %get3A_731] {strides = array<i32>} : memref<2x2560x32xbf16, #tpu.memory_space<vmem>>, vector<32xbf16>,
        %unpack3A_733 = tpu.unpack_subelements %get3A_732, 0 {pack_format = #tpu.pack_format<interleaved>} : vector<32xbf16> -> vector<16xf32>
        %unpack3A_734 = tpu.unpack_subelements %get3A_732, 1 {pack_format = #tpu.pack_format<interleaved>} : vector<32xbf16> -> vector<16xf32>
        %mul3A_735 = vector.broadcast %squeeze3A_719 : f32 to vector<16xf32>
        %mul3A_736 = arith.mulf %mul3A_735, %unpack3A_733 : vector<16xf32>
        %add3A_737 = arith.addf %add3A_714, %mul3A_736 : vector<16xf32>
        %mul3A_738 = vector.broadcast %squeeze3A_719 : f32 to vector<16xf32>
        %mul3A_739 = arith.mulf %mul3A_738, %unpack3A_734 : vector<16xf32>
        %add3A_740 = arith.addf %add3A_717, %mul3A_739 : vector<16xf32>
        %slice3A_741 = vector.extract_strided_slice %get3A_579 {offsets = [7], sizes = [1], strides = [1]} : vector<16xf32> to vector<1xf32>
        %squeeze3A_742 = vector.extract %slice3A_741[0] : f32 from vector<1xf32>
        %mul3A_743 = arith.constant 512 : i32
        %mul3A_744 = arith.muli %select_n3A, %mul3A_743 : i32
        %add3A_745 = arith.constant 128 : i32
        %add3A_746 = arith.addi %mul3A_744, %add3A_745 : i32
        %mul3A_747 = arith.constant 16 : i32
        %mul3A_748 = arith.muli %select_n3A_196, %mul3A_747 : i32
        %add3A_749 = arith.addi %add3A_746, %mul3A_748 : i32
        %add3A_750 = arith.constant 7 : i32
        %add3A_751 = arith.addi %add3A_749, %add3A_750 : i32
        %get3A_752 = arith.index_cast %rem3A_92 : i32 to index
        %get3A_753 = arith.index_cast %add3A_751 : i32 to index
        %get3A_754 = arith.constant 0 : index
        %get3A_755 = tpu.vector_load %arg8[%get3A_752, %get3A_753, %get3A_754] {strides = array<i32>} : memref<2x2560x32xbf16, #tpu.memory_space<vmem>>, vector<32xbf16>,
        %unpack3A_756 = tpu.unpack_subelements %get3A_755, 0 {pack_format = #tpu.pack_format<interleaved>} : vector<32xbf16> -> vector<16xf32>
        %unpack3A_757 = tpu.unpack_subelements %get3A_755, 1 {pack_format = #tpu.pack_format<interleaved>} : vector<32xbf16> -> vector<16xf32>
        %mul3A_758 = vector.broadcast %squeeze3A_742 : f32 to vector<16xf32>
        %mul3A_759 = arith.mulf %mul3A_758, %unpack3A_756 : vector<16xf32>
        %add3A_760 = arith.addf %add3A_737, %mul3A_759 : vector<16xf32>
        %mul3A_761 = vector.broadcast %squeeze3A_742 : f32 to vector<16xf32>
        %mul3A_762 = arith.mulf %mul3A_761, %unpack3A_757 : vector<16xf32>
        %add3A_763 = arith.addf %add3A_740, %mul3A_762 : vector<16xf32>
        %slice3A_764 = vector.extract_strided_slice %get3A_579 {offsets = [8], sizes = [1], strides = [1]} : vector<16xf32> to vector<1xf32>
        %squeeze3A_765 = vector.extract %slice3A_764[0] : f32 from vector<1xf32>
        %mul3A_766 = arith.constant 512 : i32
        %mul3A_767 = arith.muli %select_n3A, %mul3A_766 : i32
        %add3A_768 = arith.constant 128 : i32
        %add3A_769 = arith.addi %mul3A_767, %add3A_768 : i32
        %mul3A_770 = arith.constant 16 : i32
        %mul3A_771 = arith.muli %select_n3A_196, %mul3A_770 : i32
        %add3A_772 = arith.addi %add3A_769, %mul3A_771 : i32
        %add3A_773 = arith.constant 8 : i32
        %add3A_774 = arith.addi %add3A_772, %add3A_773 : i32
        %get3A_775 = arith.index_cast %rem3A_92 : i32 to index
        %get3A_776 = arith.index_cast %add3A_774 : i32 to index
        %get3A_777 = arith.constant 0 : index
        %get3A_778 = tpu.vector_load %arg8[%get3A_775, %get3A_776, %get3A_777] {strides = array<i32>} : memref<2x2560x32xbf16, #tpu.memory_space<vmem>>, vector<32xbf16>,
        %unpack3A_779 = tpu.unpack_subelements %get3A_778, 0 {pack_format = #tpu.pack_format<interleaved>} : vector<32xbf16> -> vector<16xf32>
        %unpack3A_780 = tpu.unpack_subelements %get3A_778, 1 {pack_format = #tpu.pack_format<interleaved>} : vector<32xbf16> -> vector<16xf32>
        %mul3A_781 = vector.broadcast %squeeze3A_765 : f32 to vector<16xf32>
        %mul3A_782 = arith.mulf %mul3A_781, %unpack3A_779 : vector<16xf32>
        %add3A_783 = arith.addf %add3A_760, %mul3A_782 : vector<16xf32>
        %mul3A_784 = vector.broadcast %squeeze3A_765 : f32 to vector<16xf32>
        %mul3A_785 = arith.mulf %mul3A_784, %unpack3A_780 : vector<16xf32>
        %add3A_786 = arith.addf %add3A_763, %mul3A_785 : vector<16xf32>
        %slice3A_787 = vector.extract_strided_slice %get3A_579 {offsets = [9], sizes = [1], strides = [1]} : vector<16xf32> to vector<1xf32>
        %squeeze3A_788 = vector.extract %slice3A_787[0] : f32 from vector<1xf32>
        %mul3A_789 = arith.constant 512 : i32
        %mul3A_790 = arith.muli %select_n3A, %mul3A_789 : i32
        %add3A_791 = arith.constant 128 : i32
        %add3A_792 = arith.addi %mul3A_790, %add3A_791 : i32
        %mul3A_793 = arith.constant 16 : i32
        %mul3A_794 = arith.muli %select_n3A_196, %mul3A_793 : i32
        %add3A_795 = arith.addi %add3A_792, %mul3A_794 : i32
        %add3A_796 = arith.constant 9 : i32
        %add3A_797 = arith.addi %add3A_795, %add3A_796 : i32
        %get3A_798 = arith.index_cast %rem3A_92 : i32 to index
        %get3A_799 = arith.index_cast %add3A_797 : i32 to index
        %get3A_800 = arith.constant 0 : index
        %get3A_801 = tpu.vector_load %arg8[%get3A_798, %get3A_799, %get3A_800] {strides = array<i32>} : memref<2x2560x32xbf16, #tpu.memory_space<vmem>>, vector<32xbf16>,
        %unpack3A_802 = tpu.unpack_subelements %get3A_801, 0 {pack_format = #tpu.pack_format<interleaved>} : vector<32xbf16> -> vector<16xf32>
        %unpack3A_803 = tpu.unpack_subelements %get3A_801, 1 {pack_format = #tpu.pack_format<interleaved>} : vector<32xbf16> -> vector<16xf32>
        %mul3A_804 = vector.broadcast %squeeze3A_788 : f32 to vector<16xf32>
        %mul3A_805 = arith.mulf %mul3A_804, %unpack3A_802 : vector<16xf32>
        %add3A_806 = arith.addf %add3A_783, %mul3A_805 : vector<16xf32>
        %mul3A_807 = vector.broadcast %squeeze3A_788 : f32 to vector<16xf32>
        %mul3A_808 = arith.mulf %mul3A_807, %unpack3A_803 : vector<16xf32>
        %add3A_809 = arith.addf %add3A_786, %mul3A_808 : vector<16xf32>
        %slice3A_810 = vector.extract_strided_slice %get3A_579 {offsets = [10], sizes = [1], strides = [1]} : vector<16xf32> to vector<1xf32>
        %squeeze3A_811 = vector.extract %slice3A_810[0] : f32 from vector<1xf32>
        %mul3A_812 = arith.constant 512 : i32
        %mul3A_813 = arith.muli %select_n3A, %mul3A_812 : i32
        %add3A_814 = arith.constant 128 : i32
        %add3A_815 = arith.addi %mul3A_813, %add3A_814 : i32
        %mul3A_816 = arith.constant 16 : i32
        %mul3A_817 = arith.muli %select_n3A_196, %mul3A_816 : i32
        %add3A_818 = arith.addi %add3A_815, %mul3A_817 : i32
        %add3A_819 = arith.constant 10 : i32
        %add3A_820 = arith.addi %add3A_818, %add3A_819 : i32
        %get3A_821 = arith.index_cast %rem3A_92 : i32 to index
        %get3A_822 = arith.index_cast %add3A_820 : i32 to index
        %get3A_823 = arith.constant 0 : index
        %get3A_824 = tpu.vector_load %arg8[%get3A_821, %get3A_822, %get3A_823] {strides = array<i32>} : memref<2x2560x32xbf16, #tpu.memory_space<vmem>>, vector<32xbf16>,
        %unpack3A_825 = tpu.unpack_subelements %get3A_824, 0 {pack_format = #tpu.pack_format<interleaved>} : vector<32xbf16> -> vector<16xf32>
        %unpack3A_826 = tpu.unpack_subelements %get3A_824, 1 {pack_format = #tpu.pack_format<interleaved>} : vector<32xbf16> -> vector<16xf32>
        %mul3A_827 = vector.broadcast %squeeze3A_811 : f32 to vector<16xf32>
        %mul3A_828 = arith.mulf %mul3A_827, %unpack3A_825 : vector<16xf32>
        %add3A_829 = arith.addf %add3A_806, %mul3A_828 : vector<16xf32>
        %mul3A_830 = vector.broadcast %squeeze3A_811 : f32 to vector<16xf32>
        %mul3A_831 = arith.mulf %mul3A_830, %unpack3A_826 : vector<16xf32>
        %add3A_832 = arith.addf %add3A_809, %mul3A_831 : vector<16xf32>
        %slice3A_833 = vector.extract_strided_slice %get3A_579 {offsets = [11], sizes = [1], strides = [1]} : vector<16xf32> to vector<1xf32>
        %squeeze3A_834 = vector.extract %slice3A_833[0] : f32 from vector<1xf32>
        %mul3A_835 = arith.constant 512 : i32
        %mul3A_836 = arith.muli %select_n3A, %mul3A_835 : i32
        %add3A_837 = arith.constant 128 : i32
        %add3A_838 = arith.addi %mul3A_836, %add3A_837 : i32
        %mul3A_839 = arith.constant 16 : i32
        %mul3A_840 = arith.muli %select_n3A_196, %mul3A_839 : i32
        %add3A_841 = arith.addi %add3A_838, %mul3A_840 : i32
        %add3A_842 = arith.constant 11 : i32
        %add3A_843 = arith.addi %add3A_841, %add3A_842 : i32
        %get3A_844 = arith.index_cast %rem3A_92 : i32 to index
        %get3A_845 = arith.index_cast %add3A_843 : i32 to index
        %get3A_846 = arith.constant 0 : index
        %get3A_847 = tpu.vector_load %arg8[%get3A_844, %get3A_845, %get3A_846] {strides = array<i32>} : memref<2x2560x32xbf16, #tpu.memory_space<vmem>>, vector<32xbf16>,
        %unpack3A_848 = tpu.unpack_subelements %get3A_847, 0 {pack_format = #tpu.pack_format<interleaved>} : vector<32xbf16> -> vector<16xf32>
        %unpack3A_849 = tpu.unpack_subelements %get3A_847, 1 {pack_format = #tpu.pack_format<interleaved>} : vector<32xbf16> -> vector<16xf32>
        %mul3A_850 = vector.broadcast %squeeze3A_834 : f32 to vector<16xf32>
        %mul3A_851 = arith.mulf %mul3A_850, %unpack3A_848 : vector<16xf32>
        %add3A_852 = arith.addf %add3A_829, %mul3A_851 : vector<16xf32>
        %mul3A_853 = vector.broadcast %squeeze3A_834 : f32 to vector<16xf32>
        %mul3A_854 = arith.mulf %mul3A_853, %unpack3A_849 : vector<16xf32>
        %add3A_855 = arith.addf %add3A_832, %mul3A_854 : vector<16xf32>
        %slice3A_856 = vector.extract_strided_slice %get3A_579 {offsets = [12], sizes = [1], strides = [1]} : vector<16xf32> to vector<1xf32>
        %squeeze3A_857 = vector.extract %slice3A_856[0] : f32 from vector<1xf32>
        %mul3A_858 = arith.constant 512 : i32
        %mul3A_859 = arith.muli %select_n3A, %mul3A_858 : i32
        %add3A_860 = arith.constant 128 : i32
        %add3A_861 = arith.addi %mul3A_859, %add3A_860 : i32
        %mul3A_862 = arith.constant 16 : i32
        %mul3A_863 = arith.muli %select_n3A_196, %mul3A_862 : i32
        %add3A_864 = arith.addi %add3A_861, %mul3A_863 : i32
        %add3A_865 = arith.constant 12 : i32
        %add3A_866 = arith.addi %add3A_864, %add3A_865 : i32
        %get3A_867 = arith.index_cast %rem3A_92 : i32 to index
        %get3A_868 = arith.index_cast %add3A_866 : i32 to index
        %get3A_869 = arith.constant 0 : index
        %get3A_870 = tpu.vector_load %arg8[%get3A_867, %get3A_868, %get3A_869] {strides = array<i32>} : memref<2x2560x32xbf16, #tpu.memory_space<vmem>>, vector<32xbf16>,
        %unpack3A_871 = tpu.unpack_subelements %get3A_870, 0 {pack_format = #tpu.pack_format<interleaved>} : vector<32xbf16> -> vector<16xf32>
        %unpack3A_872 = tpu.unpack_subelements %get3A_870, 1 {pack_format = #tpu.pack_format<interleaved>} : vector<32xbf16> -> vector<16xf32>
        %mul3A_873 = vector.broadcast %squeeze3A_857 : f32 to vector<16xf32>
        %mul3A_874 = arith.mulf %mul3A_873, %unpack3A_871 : vector<16xf32>
        %add3A_875 = arith.addf %add3A_852, %mul3A_874 : vector<16xf32>
        %mul3A_876 = vector.broadcast %squeeze3A_857 : f32 to vector<16xf32>
        %mul3A_877 = arith.mulf %mul3A_876, %unpack3A_872 : vector<16xf32>
        %add3A_878 = arith.addf %add3A_855, %mul3A_877 : vector<16xf32>
        %slice3A_879 = vector.extract_strided_slice %get3A_579 {offsets = [13], sizes = [1], strides = [1]} : vector<16xf32> to vector<1xf32>
        %squeeze3A_880 = vector.extract %slice3A_879[0] : f32 from vector<1xf32>
        %mul3A_881 = arith.constant 512 : i32
        %mul3A_882 = arith.muli %select_n3A, %mul3A_881 : i32
        %add3A_883 = arith.constant 128 : i32
        %add3A_884 = arith.addi %mul3A_882, %add3A_883 : i32
        %mul3A_885 = arith.constant 16 : i32
        %mul3A_886 = arith.muli %select_n3A_196, %mul3A_885 : i32
        %add3A_887 = arith.addi %add3A_884, %mul3A_886 : i32
        %add3A_888 = arith.constant 13 : i32
        %add3A_889 = arith.addi %add3A_887, %add3A_888 : i32
        %get3A_890 = arith.index_cast %rem3A_92 : i32 to index
        %get3A_891 = arith.index_cast %add3A_889 : i32 to index
        %get3A_892 = arith.constant 0 : index
        %get3A_893 = tpu.vector_load %arg8[%get3A_890, %get3A_891, %get3A_892] {strides = array<i32>} : memref<2x2560x32xbf16, #tpu.memory_space<vmem>>, vector<32xbf16>,
        %unpack3A_894 = tpu.unpack_subelements %get3A_893, 0 {pack_format = #tpu.pack_format<interleaved>} : vector<32xbf16> -> vector<16xf32>
        %unpack3A_895 = tpu.unpack_subelements %get3A_893, 1 {pack_format = #tpu.pack_format<interleaved>} : vector<32xbf16> -> vector<16xf32>
        %mul3A_896 = vector.broadcast %squeeze3A_880 : f32 to vector<16xf32>
        %mul3A_897 = arith.mulf %mul3A_896, %unpack3A_894 : vector<16xf32>
        %add3A_898 = arith.addf %add3A_875, %mul3A_897 : vector<16xf32>
        %mul3A_899 = vector.broadcast %squeeze3A_880 : f32 to vector<16xf32>
        %mul3A_900 = arith.mulf %mul3A_899, %unpack3A_895 : vector<16xf32>
        %add3A_901 = arith.addf %add3A_878, %mul3A_900 : vector<16xf32>
        %slice3A_902 = vector.extract_strided_slice %get3A_579 {offsets = [14], sizes = [1], strides = [1]} : vector<16xf32> to vector<1xf32>
        %squeeze3A_903 = vector.extract %slice3A_902[0] : f32 from vector<1xf32>
        %mul3A_904 = arith.constant 512 : i32
        %mul3A_905 = arith.muli %select_n3A, %mul3A_904 : i32
        %add3A_906 = arith.constant 128 : i32
        %add3A_907 = arith.addi %mul3A_905, %add3A_906 : i32
        %mul3A_908 = arith.constant 16 : i32
        %mul3A_909 = arith.muli %select_n3A_196, %mul3A_908 : i32
        %add3A_910 = arith.addi %add3A_907, %mul3A_909 : i32
        %add3A_911 = arith.constant 14 : i32
        %add3A_912 = arith.addi %add3A_910, %add3A_911 : i32
        %get3A_913 = arith.index_cast %rem3A_92 : i32 to index
        %get3A_914 = arith.index_cast %add3A_912 : i32 to index
        %get3A_915 = arith.constant 0 : index
        %get3A_916 = tpu.vector_load %arg8[%get3A_913, %get3A_914, %get3A_915] {strides = array<i32>} : memref<2x2560x32xbf16, #tpu.memory_space<vmem>>, vector<32xbf16>,
        %unpack3A_917 = tpu.unpack_subelements %get3A_916, 0 {pack_format = #tpu.pack_format<interleaved>} : vector<32xbf16> -> vector<16xf32>
        %unpack3A_918 = tpu.unpack_subelements %get3A_916, 1 {pack_format = #tpu.pack_format<interleaved>} : vector<32xbf16> -> vector<16xf32>
        %mul3A_919 = vector.broadcast %squeeze3A_903 : f32 to vector<16xf32>
        %mul3A_920 = arith.mulf %mul3A_919, %unpack3A_917 : vector<16xf32>
        %add3A_921 = arith.addf %add3A_898, %mul3A_920 : vector<16xf32>
        %mul3A_922 = vector.broadcast %squeeze3A_903 : f32 to vector<16xf32>
        %mul3A_923 = arith.mulf %mul3A_922, %unpack3A_918 : vector<16xf32>
        %add3A_924 = arith.addf %add3A_901, %mul3A_923 : vector<16xf32>
        %slice3A_925 = vector.extract_strided_slice %get3A_579 {offsets = [15], sizes = [1], strides = [1]} : vector<16xf32> to vector<1xf32>
        %squeeze3A_926 = vector.extract %slice3A_925[0] : f32 from vector<1xf32>
        %mul3A_927 = arith.constant 512 : i32
        %mul3A_928 = arith.muli %select_n3A, %mul3A_927 : i32
        %add3A_929 = arith.constant 128 : i32
        %add3A_930 = arith.addi %mul3A_928, %add3A_929 : i32
        %mul3A_931 = arith.constant 16 : i32
        %mul3A_932 = arith.muli %select_n3A_196, %mul3A_931 : i32
        %add3A_933 = arith.addi %add3A_930, %mul3A_932 : i32
        %add3A_934 = arith.constant 15 : i32
        %add3A_935 = arith.addi %add3A_933, %add3A_934 : i32
        %get3A_936 = arith.index_cast %rem3A_92 : i32 to index
        %get3A_937 = arith.index_cast %add3A_935 : i32 to index
        %get3A_938 = arith.constant 0 : index
        %get3A_939 = tpu.vector_load %arg8[%get3A_936, %get3A_937, %get3A_938] {strides = array<i32>} : memref<2x2560x32xbf16, #tpu.memory_space<vmem>>, vector<32xbf16>,
        %unpack3A_940 = tpu.unpack_subelements %get3A_939, 0 {pack_format = #tpu.pack_format<interleaved>} : vector<32xbf16> -> vector<16xf32>
        %unpack3A_941 = tpu.unpack_subelements %get3A_939, 1 {pack_format = #tpu.pack_format<interleaved>} : vector<32xbf16> -> vector<16xf32>
        %mul3A_942 = vector.broadcast %squeeze3A_926 : f32 to vector<16xf32>
        %mul3A_943 = arith.mulf %mul3A_942, %unpack3A_940 : vector<16xf32>
        %add3A_944 = arith.addf %add3A_921, %mul3A_943 : vector<16xf32>
        %mul3A_945 = vector.broadcast %squeeze3A_926 : f32 to vector<16xf32>
        %mul3A_946 = arith.mulf %mul3A_945, %unpack3A_941 : vector<16xf32>
        %add3A_947 = arith.addf %add3A_924, %mul3A_946 : vector<16xf32>
        %mul3A_948 = arith.constant 16 : i32
        %mul3A_949 = arith.muli %select_n3A_196, %mul3A_948 : i32
        %add3A_950 = arith.constant 256 : i32
        %add3A_951 = arith.addi %add3A_950, %mul3A_949 : i32
        %get3A_952 = arith.index_cast %rem3A_92 : i32 to index
        %get3A_953 = arith.index_cast %select_n3A : i32 to index
        %get3A_954 = arith.index_cast %add3A_951 : i32 to index
        %get3A_955 = tpu.vector_load %arg7[%get3A_952, %get3A_953, %get3A_954] {strides = array<i32>} : memref<2x5x512xf32, #tpu.memory_space<vmem>>, vector<16xf32>,
        %slice3A_956 = vector.extract_strided_slice %get3A_955 {offsets = [0], sizes = [1], strides = [1]} : vector<16xf32> to vector<1xf32>
        %squeeze3A_957 = vector.extract %slice3A_956[0] : f32 from vector<1xf32>
        %mul3A_958 = arith.constant 512 : i32
        %mul3A_959 = arith.muli %select_n3A, %mul3A_958 : i32
        %add3A_960 = arith.constant 256 : i32
        %add3A_961 = arith.addi %mul3A_959, %add3A_960 : i32
        %mul3A_962 = arith.constant 16 : i32
        %mul3A_963 = arith.muli %select_n3A_196, %mul3A_962 : i32
        %add3A_964 = arith.addi %add3A_961, %mul3A_963 : i32
        %add3A_965 = arith.constant 0 : i32
        %add3A_966 = arith.addi %add3A_964, %add3A_965 : i32
        %get3A_967 = arith.index_cast %rem3A_92 : i32 to index
        %get3A_968 = arith.index_cast %add3A_966 : i32 to index
        %get3A_969 = arith.constant 0 : index
        %get3A_970 = tpu.vector_load %arg8[%get3A_967, %get3A_968, %get3A_969] {strides = array<i32>} : memref<2x2560x32xbf16, #tpu.memory_space<vmem>>, vector<32xbf16>,
        %unpack3A_971 = tpu.unpack_subelements %get3A_970, 0 {pack_format = #tpu.pack_format<interleaved>} : vector<32xbf16> -> vector<16xf32>
        %unpack3A_972 = tpu.unpack_subelements %get3A_970, 1 {pack_format = #tpu.pack_format<interleaved>} : vector<32xbf16> -> vector<16xf32>
        %mul3A_973 = vector.broadcast %squeeze3A_957 : f32 to vector<16xf32>
        %mul3A_974 = arith.mulf %mul3A_973, %unpack3A_971 : vector<16xf32>
        %add3A_975 = arith.addf %add3A_944, %mul3A_974 : vector<16xf32>
        %mul3A_976 = vector.broadcast %squeeze3A_957 : f32 to vector<16xf32>
        %mul3A_977 = arith.mulf %mul3A_976, %unpack3A_972 : vector<16xf32>
        %add3A_978 = arith.addf %add3A_947, %mul3A_977 : vector<16xf32>
        %slice3A_979 = vector.extract_strided_slice %get3A_955 {offsets = [1], sizes = [1], strides = [1]} : vector<16xf32> to vector<1xf32>
        %squeeze3A_980 = vector.extract %slice3A_979[0] : f32 from vector<1xf32>
        %mul3A_981 = arith.constant 512 : i32
        %mul3A_982 = arith.muli %select_n3A, %mul3A_981 : i32
        %add3A_983 = arith.constant 256 : i32
        %add3A_984 = arith.addi %mul3A_982, %add3A_983 : i32
        %mul3A_985 = arith.constant 16 : i32
        %mul3A_986 = arith.muli %select_n3A_196, %mul3A_985 : i32
        %add3A_987 = arith.addi %add3A_984, %mul3A_986 : i32
        %add3A_988 = arith.constant 1 : i32
        %add3A_989 = arith.addi %add3A_987, %add3A_988 : i32
        %get3A_990 = arith.index_cast %rem3A_92 : i32 to index
        %get3A_991 = arith.index_cast %add3A_989 : i32 to index
        %get3A_992 = arith.constant 0 : index
        %get3A_993 = tpu.vector_load %arg8[%get3A_990, %get3A_991, %get3A_992] {strides = array<i32>} : memref<2x2560x32xbf16, #tpu.memory_space<vmem>>, vector<32xbf16>,
        %unpack3A_994 = tpu.unpack_subelements %get3A_993, 0 {pack_format = #tpu.pack_format<interleaved>} : vector<32xbf16> -> vector<16xf32>
        %unpack3A_995 = tpu.unpack_subelements %get3A_993, 1 {pack_format = #tpu.pack_format<interleaved>} : vector<32xbf16> -> vector<16xf32>
        %mul3A_996 = vector.broadcast %squeeze3A_980 : f32 to vector<16xf32>
        %mul3A_997 = arith.mulf %mul3A_996, %unpack3A_994 : vector<16xf32>
        %add3A_998 = arith.addf %add3A_975, %mul3A_997 : vector<16xf32>
        %mul3A_999 = vector.broadcast %squeeze3A_980 : f32 to vector<16xf32>
        %mul3A_1000 = arith.mulf %mul3A_999, %unpack3A_995 : vector<16xf32>
        %add3A_1001 = arith.addf %add3A_978, %mul3A_1000 : vector<16xf32>
        %slice3A_1002 = vector.extract_strided_slice %get3A_955 {offsets = [2], sizes = [1], strides = [1]} : vector<16xf32> to vector<1xf32>
        %squeeze3A_1003 = vector.extract %slice3A_1002[0] : f32 from vector<1xf32>
        %mul3A_1004 = arith.constant 512 : i32
        %mul3A_1005 = arith.muli %select_n3A, %mul3A_1004 : i32
        %add3A_1006 = arith.constant 256 : i32
        %add3A_1007 = arith.addi %mul3A_1005, %add3A_1006 : i32
        %mul3A_1008 = arith.constant 16 : i32
        %mul3A_1009 = arith.muli %select_n3A_196, %mul3A_1008 : i32
        %add3A_1010 = arith.addi %add3A_1007, %mul3A_1009 : i32
        %add3A_1011 = arith.constant 2 : i32
        %add3A_1012 = arith.addi %add3A_1010, %add3A_1011 : i32
        %get3A_1013 = arith.index_cast %rem3A_92 : i32 to index
        %get3A_1014 = arith.index_cast %add3A_1012 : i32 to index
        %get3A_1015 = arith.constant 0 : index
        %get3A_1016 = tpu.vector_load %arg8[%get3A_1013, %get3A_1014, %get3A_1015] {strides = array<i32>} : memref<2x2560x32xbf16, #tpu.memory_space<vmem>>, vector<32xbf16>,
        %unpack3A_1017 = tpu.unpack_subelements %get3A_1016, 0 {pack_format = #tpu.pack_format<interleaved>} : vector<32xbf16> -> vector<16xf32>
        %unpack3A_1018 = tpu.unpack_subelements %get3A_1016, 1 {pack_format = #tpu.pack_format<interleaved>} : vector<32xbf16> -> vector<16xf32>
        %mul3A_1019 = vector.broadcast %squeeze3A_1003 : f32 to vector<16xf32>
        %mul3A_1020 = arith.mulf %mul3A_1019, %unpack3A_1017 : vector<16xf32>
        %add3A_1021 = arith.addf %add3A_998, %mul3A_1020 : vector<16xf32>
        %mul3A_1022 = vector.broadcast %squeeze3A_1003 : f32 to vector<16xf32>
        %mul3A_1023 = arith.mulf %mul3A_1022, %unpack3A_1018 : vector<16xf32>
        %add3A_1024 = arith.addf %add3A_1001, %mul3A_1023 : vector<16xf32>
        %slice3A_1025 = vector.extract_strided_slice %get3A_955 {offsets = [3], sizes = [1], strides = [1]} : vector<16xf32> to vector<1xf32>
        %squeeze3A_1026 = vector.extract %slice3A_1025[0] : f32 from vector<1xf32>
        %mul3A_1027 = arith.constant 512 : i32
        %mul3A_1028 = arith.muli %select_n3A, %mul3A_1027 : i32
        %add3A_1029 = arith.constant 256 : i32
        %add3A_1030 = arith.addi %mul3A_1028, %add3A_1029 : i32
        %mul3A_1031 = arith.constant 16 : i32
        %mul3A_1032 = arith.muli %select_n3A_196, %mul3A_1031 : i32
        %add3A_1033 = arith.addi %add3A_1030, %mul3A_1032 : i32
        %add3A_1034 = arith.constant 3 : i32
        %add3A_1035 = arith.addi %add3A_1033, %add3A_1034 : i32
        %get3A_1036 = arith.index_cast %rem3A_92 : i32 to index
        %get3A_1037 = arith.index_cast %add3A_1035 : i32 to index
        %get3A_1038 = arith.constant 0 : index
        %get3A_1039 = tpu.vector_load %arg8[%get3A_1036, %get3A_1037, %get3A_1038] {strides = array<i32>} : memref<2x2560x32xbf16, #tpu.memory_space<vmem>>, vector<32xbf16>,
        %unpack3A_1040 = tpu.unpack_subelements %get3A_1039, 0 {pack_format = #tpu.pack_format<interleaved>} : vector<32xbf16> -> vector<16xf32>
        %unpack3A_1041 = tpu.unpack_subelements %get3A_1039, 1 {pack_format = #tpu.pack_format<interleaved>} : vector<32xbf16> -> vector<16xf32>
        %mul3A_1042 = vector.broadcast %squeeze3A_1026 : f32 to vector<16xf32>
        %mul3A_1043 = arith.mulf %mul3A_1042, %unpack3A_1040 : vector<16xf32>
        %add3A_1044 = arith.addf %add3A_1021, %mul3A_1043 : vector<16xf32>
        %mul3A_1045 = vector.broadcast %squeeze3A_1026 : f32 to vector<16xf32>
        %mul3A_1046 = arith.mulf %mul3A_1045, %unpack3A_1041 : vector<16xf32>
        %add3A_1047 = arith.addf %add3A_1024, %mul3A_1046 : vector<16xf32>
        %slice3A_1048 = vector.extract_strided_slice %get3A_955 {offsets = [4], sizes = [1], strides = [1]} : vector<16xf32> to vector<1xf32>
        %squeeze3A_1049 = vector.extract %slice3A_1048[0] : f32 from vector<1xf32>
        %mul3A_1050 = arith.constant 512 : i32
        %mul3A_1051 = arith.muli %select_n3A, %mul3A_1050 : i32
        %add3A_1052 = arith.constant 256 : i32
        %add3A_1053 = arith.addi %mul3A_1051, %add3A_1052 : i32
        %mul3A_1054 = arith.constant 16 : i32
        %mul3A_1055 = arith.muli %select_n3A_196, %mul3A_1054 : i32
        %add3A_1056 = arith.addi %add3A_1053, %mul3A_1055 : i32
        %add3A_1057 = arith.constant 4 : i32
        %add3A_1058 = arith.addi %add3A_1056, %add3A_1057 : i32
        %get3A_1059 = arith.index_cast %rem3A_92 : i32 to index
        %get3A_1060 = arith.index_cast %add3A_1058 : i32 to index
        %get3A_1061 = arith.constant 0 : index
        %get3A_1062 = tpu.vector_load %arg8[%get3A_1059, %get3A_1060, %get3A_1061] {strides = array<i32>} : memref<2x2560x32xbf16, #tpu.memory_space<vmem>>, vector<32xbf16>,
        %unpack3A_1063 = tpu.unpack_subelements %get3A_1062, 0 {pack_format = #tpu.pack_format<interleaved>} : vector<32xbf16> -> vector<16xf32>
        %unpack3A_1064 = tpu.unpack_subelements %get3A_1062, 1 {pack_format = #tpu.pack_format<interleaved>} : vector<32xbf16> -> vector<16xf32>
        %mul3A_1065 = vector.broadcast %squeeze3A_1049 : f32 to vector<16xf32>
        %mul3A_1066 = arith.mulf %mul3A_1065, %unpack3A_1063 : vector<16xf32>
        %add3A_1067 = arith.addf %add3A_1044, %mul3A_1066 : vector<16xf32>
        %mul3A_1068 = vector.broadcast %squeeze3A_1049 : f32 to vector<16xf32>
        %mul3A_1069 = arith.mulf %mul3A_1068, %unpack3A_1064 : vector<16xf32>
        %add3A_1070 = arith.addf %add3A_1047, %mul3A_1069 : vector<16xf32>
        %slice3A_1071 = vector.extract_strided_slice %get3A_955 {offsets = [5], sizes = [1], strides = [1]} : vector<16xf32> to vector<1xf32>
        %squeeze3A_1072 = vector.extract %slice3A_1071[0] : f32 from vector<1xf32>
        %mul3A_1073 = arith.constant 512 : i32
        %mul3A_1074 = arith.muli %select_n3A, %mul3A_1073 : i32
        %add3A_1075 = arith.constant 256 : i32
        %add3A_1076 = arith.addi %mul3A_1074, %add3A_1075 : i32
        %mul3A_1077 = arith.constant 16 : i32
        %mul3A_1078 = arith.muli %select_n3A_196, %mul3A_1077 : i32
        %add3A_1079 = arith.addi %add3A_1076, %mul3A_1078 : i32
        %add3A_1080 = arith.constant 5 : i32
        %add3A_1081 = arith.addi %add3A_1079, %add3A_1080 : i32
        %get3A_1082 = arith.index_cast %rem3A_92 : i32 to index
        %get3A_1083 = arith.index_cast %add3A_1081 : i32 to index
        %get3A_1084 = arith.constant 0 : index
        %get3A_1085 = tpu.vector_load %arg8[%get3A_1082, %get3A_1083, %get3A_1084] {strides = array<i32>} : memref<2x2560x32xbf16, #tpu.memory_space<vmem>>, vector<32xbf16>,
        %unpack3A_1086 = tpu.unpack_subelements %get3A_1085, 0 {pack_format = #tpu.pack_format<interleaved>} : vector<32xbf16> -> vector<16xf32>
        %unpack3A_1087 = tpu.unpack_subelements %get3A_1085, 1 {pack_format = #tpu.pack_format<interleaved>} : vector<32xbf16> -> vector<16xf32>
        %mul3A_1088 = vector.broadcast %squeeze3A_1072 : f32 to vector<16xf32>
        %mul3A_1089 = arith.mulf %mul3A_1088, %unpack3A_1086 : vector<16xf32>
        %add3A_1090 = arith.addf %add3A_1067, %mul3A_1089 : vector<16xf32>
        %mul3A_1091 = vector.broadcast %squeeze3A_1072 : f32 to vector<16xf32>
        %mul3A_1092 = arith.mulf %mul3A_1091, %unpack3A_1087 : vector<16xf32>
        %add3A_1093 = arith.addf %add3A_1070, %mul3A_1092 : vector<16xf32>
        %slice3A_1094 = vector.extract_strided_slice %get3A_955 {offsets = [6], sizes = [1], strides = [1]} : vector<16xf32> to vector<1xf32>
        %squeeze3A_1095 = vector.extract %slice3A_1094[0] : f32 from vector<1xf32>
        %mul3A_1096 = arith.constant 512 : i32
        %mul3A_1097 = arith.muli %select_n3A, %mul3A_1096 : i32
        %add3A_1098 = arith.constant 256 : i32
        %add3A_1099 = arith.addi %mul3A_1097, %add3A_1098 : i32
        %mul3A_1100 = arith.constant 16 : i32
        %mul3A_1101 = arith.muli %select_n3A_196, %mul3A_1100 : i32
        %add3A_1102 = arith.addi %add3A_1099, %mul3A_1101 : i32
        %add3A_1103 = arith.constant 6 : i32
        %add3A_1104 = arith.addi %add3A_1102, %add3A_1103 : i32
        %get3A_1105 = arith.index_cast %rem3A_92 : i32 to index
        %get3A_1106 = arith.index_cast %add3A_1104 : i32 to index
        %get3A_1107 = arith.constant 0 : index
        %get3A_1108 = tpu.vector_load %arg8[%get3A_1105, %get3A_1106, %get3A_1107] {strides = array<i32>} : memref<2x2560x32xbf16, #tpu.memory_space<vmem>>, vector<32xbf16>,
        %unpack3A_1109 = tpu.unpack_subelements %get3A_1108, 0 {pack_format = #tpu.pack_format<interleaved>} : vector<32xbf16> -> vector<16xf32>
        %unpack3A_1110 = tpu.unpack_subelements %get3A_1108, 1 {pack_format = #tpu.pack_format<interleaved>} : vector<32xbf16> -> vector<16xf32>
        %mul3A_1111 = vector.broadcast %squeeze3A_1095 : f32 to vector<16xf32>
        %mul3A_1112 = arith.mulf %mul3A_1111, %unpack3A_1109 : vector<16xf32>
        %add3A_1113 = arith.addf %add3A_1090, %mul3A_1112 : vector<16xf32>
        %mul3A_1114 = vector.broadcast %squeeze3A_1095 : f32 to vector<16xf32>
        %mul3A_1115 = arith.mulf %mul3A_1114, %unpack3A_1110 : vector<16xf32>
        %add3A_1116 = arith.addf %add3A_1093, %mul3A_1115 : vector<16xf32>
        %slice3A_1117 = vector.extract_strided_slice %get3A_955 {offsets = [7], sizes = [1], strides = [1]} : vector<16xf32> to vector<1xf32>
        %squeeze3A_1118 = vector.extract %slice3A_1117[0] : f32 from vector<1xf32>
        %mul3A_1119 = arith.constant 512 : i32
        %mul3A_1120 = arith.muli %select_n3A, %mul3A_1119 : i32
        %add3A_1121 = arith.constant 256 : i32
        %add3A_1122 = arith.addi %mul3A_1120, %add3A_1121 : i32
        %mul3A_1123 = arith.constant 16 : i32
        %mul3A_1124 = arith.muli %select_n3A_196, %mul3A_1123 : i32
        %add3A_1125 = arith.addi %add3A_1122, %mul3A_1124 : i32
        %add3A_1126 = arith.constant 7 : i32
        %add3A_1127 = arith.addi %add3A_1125, %add3A_1126 : i32
        %get3A_1128 = arith.index_cast %rem3A_92 : i32 to index
        %get3A_1129 = arith.index_cast %add3A_1127 : i32 to index
        %get3A_1130 = arith.constant 0 : index
        %get3A_1131 = tpu.vector_load %arg8[%get3A_1128, %get3A_1129, %get3A_1130] {strides = array<i32>} : memref<2x2560x32xbf16, #tpu.memory_space<vmem>>, vector<32xbf16>,
        %unpack3A_1132 = tpu.unpack_subelements %get3A_1131, 0 {pack_format = #tpu.pack_format<interleaved>} : vector<32xbf16> -> vector<16xf32>
        %unpack3A_1133 = tpu.unpack_subelements %get3A_1131, 1 {pack_format = #tpu.pack_format<interleaved>} : vector<32xbf16> -> vector<16xf32>
        %mul3A_1134 = vector.broadcast %squeeze3A_1118 : f32 to vector<16xf32>
        %mul3A_1135 = arith.mulf %mul3A_1134, %unpack3A_1132 : vector<16xf32>
        %add3A_1136 = arith.addf %add3A_1113, %mul3A_1135 : vector<16xf32>
        %mul3A_1137 = vector.broadcast %squeeze3A_1118 : f32 to vector<16xf32>
        %mul3A_1138 = arith.mulf %mul3A_1137, %unpack3A_1133 : vector<16xf32>
        %add3A_1139 = arith.addf %add3A_1116, %mul3A_1138 : vector<16xf32>
        %slice3A_1140 = vector.extract_strided_slice %get3A_955 {offsets = [8], sizes = [1], strides = [1]} : vector<16xf32> to vector<1xf32>
        %squeeze3A_1141 = vector.extract %slice3A_1140[0] : f32 from vector<1xf32>
        %mul3A_1142 = arith.constant 512 : i32
        %mul3A_1143 = arith.muli %select_n3A, %mul3A_1142 : i32
        %add3A_1144 = arith.constant 256 : i32
        %add3A_1145 = arith.addi %mul3A_1143, %add3A_1144 : i32
        %mul3A_1146 = arith.constant 16 : i32
        %mul3A_1147 = arith.muli %select_n3A_196, %mul3A_1146 : i32
        %add3A_1148 = arith.addi %add3A_1145, %mul3A_1147 : i32
        %add3A_1149 = arith.constant 8 : i32
        %add3A_1150 = arith.addi %add3A_1148, %add3A_1149 : i32
        %get3A_1151 = arith.index_cast %rem3A_92 : i32 to index
        %get3A_1152 = arith.index_cast %add3A_1150 : i32 to index
        %get3A_1153 = arith.constant 0 : index
        %get3A_1154 = tpu.vector_load %arg8[%get3A_1151, %get3A_1152, %get3A_1153] {strides = array<i32>} : memref<2x2560x32xbf16, #tpu.memory_space<vmem>>, vector<32xbf16>,
        %unpack3A_1155 = tpu.unpack_subelements %get3A_1154, 0 {pack_format = #tpu.pack_format<interleaved>} : vector<32xbf16> -> vector<16xf32>
        %unpack3A_1156 = tpu.unpack_subelements %get3A_1154, 1 {pack_format = #tpu.pack_format<interleaved>} : vector<32xbf16> -> vector<16xf32>
        %mul3A_1157 = vector.broadcast %squeeze3A_1141 : f32 to vector<16xf32>
        %mul3A_1158 = arith.mulf %mul3A_1157, %unpack3A_1155 : vector<16xf32>
        %add3A_1159 = arith.addf %add3A_1136, %mul3A_1158 : vector<16xf32>
        %mul3A_1160 = vector.broadcast %squeeze3A_1141 : f32 to vector<16xf32>
        %mul3A_1161 = arith.mulf %mul3A_1160, %unpack3A_1156 : vector<16xf32>
        %add3A_1162 = arith.addf %add3A_1139, %mul3A_1161 : vector<16xf32>
        %slice3A_1163 = vector.extract_strided_slice %get3A_955 {offsets = [9], sizes = [1], strides = [1]} : vector<16xf32> to vector<1xf32>
        %squeeze3A_1164 = vector.extract %slice3A_1163[0] : f32 from vector<1xf32>
        %mul3A_1165 = arith.constant 512 : i32
        %mul3A_1166 = arith.muli %select_n3A, %mul3A_1165 : i32
        %add3A_1167 = arith.constant 256 : i32
        %add3A_1168 = arith.addi %mul3A_1166, %add3A_1167 : i32
        %mul3A_1169 = arith.constant 16 : i32
        %mul3A_1170 = arith.muli %select_n3A_196, %mul3A_1169 : i32
        %add3A_1171 = arith.addi %add3A_1168, %mul3A_1170 : i32
        %add3A_1172 = arith.constant 9 : i32
        %add3A_1173 = arith.addi %add3A_1171, %add3A_1172 : i32
        %get3A_1174 = arith.index_cast %rem3A_92 : i32 to index
        %get3A_1175 = arith.index_cast %add3A_1173 : i32 to index
        %get3A_1176 = arith.constant 0 : index
        %get3A_1177 = tpu.vector_load %arg8[%get3A_1174, %get3A_1175, %get3A_1176] {strides = array<i32>} : memref<2x2560x32xbf16, #tpu.memory_space<vmem>>, vector<32xbf16>,
        %unpack3A_1178 = tpu.unpack_subelements %get3A_1177, 0 {pack_format = #tpu.pack_format<interleaved>} : vector<32xbf16> -> vector<16xf32>
        %unpack3A_1179 = tpu.unpack_subelements %get3A_1177, 1 {pack_format = #tpu.pack_format<interleaved>} : vector<32xbf16> -> vector<16xf32>
        %mul3A_1180 = vector.broadcast %squeeze3A_1164 : f32 to vector<16xf32>
        %mul3A_1181 = arith.mulf %mul3A_1180, %unpack3A_1178 : vector<16xf32>
        %add3A_1182 = arith.addf %add3A_1159, %mul3A_1181 : vector<16xf32>
        %mul3A_1183 = vector.broadcast %squeeze3A_1164 : f32 to vector<16xf32>
        %mul3A_1184 = arith.mulf %mul3A_1183, %unpack3A_1179 : vector<16xf32>
        %add3A_1185 = arith.addf %add3A_1162, %mul3A_1184 : vector<16xf32>
        %slice3A_1186 = vector.extract_strided_slice %get3A_955 {offsets = [10], sizes = [1], strides = [1]} : vector<16xf32> to vector<1xf32>
        %squeeze3A_1187 = vector.extract %slice3A_1186[0] : f32 from vector<1xf32>
        %mul3A_1188 = arith.constant 512 : i32
        %mul3A_1189 = arith.muli %select_n3A, %mul3A_1188 : i32
        %add3A_1190 = arith.constant 256 : i32
        %add3A_1191 = arith.addi %mul3A_1189, %add3A_1190 : i32
        %mul3A_1192 = arith.constant 16 : i32
        %mul3A_1193 = arith.muli %select_n3A_196, %mul3A_1192 : i32
        %add3A_1194 = arith.addi %add3A_1191, %mul3A_1193 : i32
        %add3A_1195 = arith.constant 10 : i32
        %add3A_1196 = arith.addi %add3A_1194, %add3A_1195 : i32
        %get3A_1197 = arith.index_cast %rem3A_92 : i32 to index
        %get3A_1198 = arith.index_cast %add3A_1196 : i32 to index
        %get3A_1199 = arith.constant 0 : index
        %get3A_1200 = tpu.vector_load %arg8[%get3A_1197, %get3A_1198, %get3A_1199] {strides = array<i32>} : memref<2x2560x32xbf16, #tpu.memory_space<vmem>>, vector<32xbf16>,
        %unpack3A_1201 = tpu.unpack_subelements %get3A_1200, 0 {pack_format = #tpu.pack_format<interleaved>} : vector<32xbf16> -> vector<16xf32>
        %unpack3A_1202 = tpu.unpack_subelements %get3A_1200, 1 {pack_format = #tpu.pack_format<interleaved>} : vector<32xbf16> -> vector<16xf32>
        %mul3A_1203 = vector.broadcast %squeeze3A_1187 : f32 to vector<16xf32>
        %mul3A_1204 = arith.mulf %mul3A_1203, %unpack3A_1201 : vector<16xf32>
        %add3A_1205 = arith.addf %add3A_1182, %mul3A_1204 : vector<16xf32>
        %mul3A_1206 = vector.broadcast %squeeze3A_1187 : f32 to vector<16xf32>
        %mul3A_1207 = arith.mulf %mul3A_1206, %unpack3A_1202 : vector<16xf32>
        %add3A_1208 = arith.addf %add3A_1185, %mul3A_1207 : vector<16xf32>
        %slice3A_1209 = vector.extract_strided_slice %get3A_955 {offsets = [11], sizes = [1], strides = [1]} : vector<16xf32> to vector<1xf32>
        %squeeze3A_1210 = vector.extract %slice3A_1209[0] : f32 from vector<1xf32>
        %mul3A_1211 = arith.constant 512 : i32
        %mul3A_1212 = arith.muli %select_n3A, %mul3A_1211 : i32
        %add3A_1213 = arith.constant 256 : i32
        %add3A_1214 = arith.addi %mul3A_1212, %add3A_1213 : i32
        %mul3A_1215 = arith.constant 16 : i32
        %mul3A_1216 = arith.muli %select_n3A_196, %mul3A_1215 : i32
        %add3A_1217 = arith.addi %add3A_1214, %mul3A_1216 : i32
        %add3A_1218 = arith.constant 11 : i32
        %add3A_1219 = arith.addi %add3A_1217, %add3A_1218 : i32
        %get3A_1220 = arith.index_cast %rem3A_92 : i32 to index
        %get3A_1221 = arith.index_cast %add3A_1219 : i32 to index
        %get3A_1222 = arith.constant 0 : index
        %get3A_1223 = tpu.vector_load %arg8[%get3A_1220, %get3A_1221, %get3A_1222] {strides = array<i32>} : memref<2x2560x32xbf16, #tpu.memory_space<vmem>>, vector<32xbf16>,
        %unpack3A_1224 = tpu.unpack_subelements %get3A_1223, 0 {pack_format = #tpu.pack_format<interleaved>} : vector<32xbf16> -> vector<16xf32>
        %unpack3A_1225 = tpu.unpack_subelements %get3A_1223, 1 {pack_format = #tpu.pack_format<interleaved>} : vector<32xbf16> -> vector<16xf32>
        %mul3A_1226 = vector.broadcast %squeeze3A_1210 : f32 to vector<16xf32>
        %mul3A_1227 = arith.mulf %mul3A_1226, %unpack3A_1224 : vector<16xf32>
        %add3A_1228 = arith.addf %add3A_1205, %mul3A_1227 : vector<16xf32>
        %mul3A_1229 = vector.broadcast %squeeze3A_1210 : f32 to vector<16xf32>
        %mul3A_1230 = arith.mulf %mul3A_1229, %unpack3A_1225 : vector<16xf32>
        %add3A_1231 = arith.addf %add3A_1208, %mul3A_1230 : vector<16xf32>
        %slice3A_1232 = vector.extract_strided_slice %get3A_955 {offsets = [12], sizes = [1], strides = [1]} : vector<16xf32> to vector<1xf32>
        %squeeze3A_1233 = vector.extract %slice3A_1232[0] : f32 from vector<1xf32>
        %mul3A_1234 = arith.constant 512 : i32
        %mul3A_1235 = arith.muli %select_n3A, %mul3A_1234 : i32
        %add3A_1236 = arith.constant 256 : i32
        %add3A_1237 = arith.addi %mul3A_1235, %add3A_1236 : i32
        %mul3A_1238 = arith.constant 16 : i32
        %mul3A_1239 = arith.muli %select_n3A_196, %mul3A_1238 : i32
        %add3A_1240 = arith.addi %add3A_1237, %mul3A_1239 : i32
        %add3A_1241 = arith.constant 12 : i32
        %add3A_1242 = arith.addi %add3A_1240, %add3A_1241 : i32
        %get3A_1243 = arith.index_cast %rem3A_92 : i32 to index
        %get3A_1244 = arith.index_cast %add3A_1242 : i32 to index
        %get3A_1245 = arith.constant 0 : index
        %get3A_1246 = tpu.vector_load %arg8[%get3A_1243, %get3A_1244, %get3A_1245] {strides = array<i32>} : memref<2x2560x32xbf16, #tpu.memory_space<vmem>>, vector<32xbf16>,
        %unpack3A_1247 = tpu.unpack_subelements %get3A_1246, 0 {pack_format = #tpu.pack_format<interleaved>} : vector<32xbf16> -> vector<16xf32>
        %unpack3A_1248 = tpu.unpack_subelements %get3A_1246, 1 {pack_format = #tpu.pack_format<interleaved>} : vector<32xbf16> -> vector<16xf32>
        %mul3A_1249 = vector.broadcast %squeeze3A_1233 : f32 to vector<16xf32>
        %mul3A_1250 = arith.mulf %mul3A_1249, %unpack3A_1247 : vector<16xf32>
        %add3A_1251 = arith.addf %add3A_1228, %mul3A_1250 : vector<16xf32>
        %mul3A_1252 = vector.broadcast %squeeze3A_1233 : f32 to vector<16xf32>
        %mul3A_1253 = arith.mulf %mul3A_1252, %unpack3A_1248 : vector<16xf32>
        %add3A_1254 = arith.addf %add3A_1231, %mul3A_1253 : vector<16xf32>
        %slice3A_1255 = vector.extract_strided_slice %get3A_955 {offsets = [13], sizes = [1], strides = [1]} : vector<16xf32> to vector<1xf32>
        %squeeze3A_1256 = vector.extract %slice3A_1255[0] : f32 from vector<1xf32>
        %mul3A_1257 = arith.constant 512 : i32
        %mul3A_1258 = arith.muli %select_n3A, %mul3A_1257 : i32
        %add3A_1259 = arith.constant 256 : i32
        %add3A_1260 = arith.addi %mul3A_1258, %add3A_1259 : i32
        %mul3A_1261 = arith.constant 16 : i32
        %mul3A_1262 = arith.muli %select_n3A_196, %mul3A_1261 : i32
        %add3A_1263 = arith.addi %add3A_1260, %mul3A_1262 : i32
        %add3A_1264 = arith.constant 13 : i32
        %add3A_1265 = arith.addi %add3A_1263, %add3A_1264 : i32
        %get3A_1266 = arith.index_cast %rem3A_92 : i32 to index
        %get3A_1267 = arith.index_cast %add3A_1265 : i32 to index
        %get3A_1268 = arith.constant 0 : index
        %get3A_1269 = tpu.vector_load %arg8[%get3A_1266, %get3A_1267, %get3A_1268] {strides = array<i32>} : memref<2x2560x32xbf16, #tpu.memory_space<vmem>>, vector<32xbf16>,
        %unpack3A_1270 = tpu.unpack_subelements %get3A_1269, 0 {pack_format = #tpu.pack_format<interleaved>} : vector<32xbf16> -> vector<16xf32>
        %unpack3A_1271 = tpu.unpack_subelements %get3A_1269, 1 {pack_format = #tpu.pack_format<interleaved>} : vector<32xbf16> -> vector<16xf32>
        %mul3A_1272 = vector.broadcast %squeeze3A_1256 : f32 to vector<16xf32>
        %mul3A_1273 = arith.mulf %mul3A_1272, %unpack3A_1270 : vector<16xf32>
        %add3A_1274 = arith.addf %add3A_1251, %mul3A_1273 : vector<16xf32>
        %mul3A_1275 = vector.broadcast %squeeze3A_1256 : f32 to vector<16xf32>
        %mul3A_1276 = arith.mulf %mul3A_1275, %unpack3A_1271 : vector<16xf32>
        %add3A_1277 = arith.addf %add3A_1254, %mul3A_1276 : vector<16xf32>
        %slice3A_1278 = vector.extract_strided_slice %get3A_955 {offsets = [14], sizes = [1], strides = [1]} : vector<16xf32> to vector<1xf32>
        %squeeze3A_1279 = vector.extract %slice3A_1278[0] : f32 from vector<1xf32>
        %mul3A_1280 = arith.constant 512 : i32
        %mul3A_1281 = arith.muli %select_n3A, %mul3A_1280 : i32
        %add3A_1282 = arith.constant 256 : i32
        %add3A_1283 = arith.addi %mul3A_1281, %add3A_1282 : i32
        %mul3A_1284 = arith.constant 16 : i32
        %mul3A_1285 = arith.muli %select_n3A_196, %mul3A_1284 : i32
        %add3A_1286 = arith.addi %add3A_1283, %mul3A_1285 : i32
        %add3A_1287 = arith.constant 14 : i32
        %add3A_1288 = arith.addi %add3A_1286, %add3A_1287 : i32
        %get3A_1289 = arith.index_cast %rem3A_92 : i32 to index
        %get3A_1290 = arith.index_cast %add3A_1288 : i32 to index
        %get3A_1291 = arith.constant 0 : index
        %get3A_1292 = tpu.vector_load %arg8[%get3A_1289, %get3A_1290, %get3A_1291] {strides = array<i32>} : memref<2x2560x32xbf16, #tpu.memory_space<vmem>>, vector<32xbf16>,
        %unpack3A_1293 = tpu.unpack_subelements %get3A_1292, 0 {pack_format = #tpu.pack_format<interleaved>} : vector<32xbf16> -> vector<16xf32>
        %unpack3A_1294 = tpu.unpack_subelements %get3A_1292, 1 {pack_format = #tpu.pack_format<interleaved>} : vector<32xbf16> -> vector<16xf32>
        %mul3A_1295 = vector.broadcast %squeeze3A_1279 : f32 to vector<16xf32>
        %mul3A_1296 = arith.mulf %mul3A_1295, %unpack3A_1293 : vector<16xf32>
        %add3A_1297 = arith.addf %add3A_1274, %mul3A_1296 : vector<16xf32>
        %mul3A_1298 = vector.broadcast %squeeze3A_1279 : f32 to vector<16xf32>
        %mul3A_1299 = arith.mulf %mul3A_1298, %unpack3A_1294 : vector<16xf32>
        %add3A_1300 = arith.addf %add3A_1277, %mul3A_1299 : vector<16xf32>
        %slice3A_1301 = vector.extract_strided_slice %get3A_955 {offsets = [15], sizes = [1], strides = [1]} : vector<16xf32> to vector<1xf32>
        %squeeze3A_1302 = vector.extract %slice3A_1301[0] : f32 from vector<1xf32>
        %mul3A_1303 = arith.constant 512 : i32
        %mul3A_1304 = arith.muli %select_n3A, %mul3A_1303 : i32
        %add3A_1305 = arith.constant 256 : i32
        %add3A_1306 = arith.addi %mul3A_1304, %add3A_1305 : i32
        %mul3A_1307 = arith.constant 16 : i32
        %mul3A_1308 = arith.muli %select_n3A_196, %mul3A_1307 : i32
        %add3A_1309 = arith.addi %add3A_1306, %mul3A_1308 : i32
        %add3A_1310 = arith.constant 15 : i32
        %add3A_1311 = arith.addi %add3A_1309, %add3A_1310 : i32
        %get3A_1312 = arith.index_cast %rem3A_92 : i32 to index
        %get3A_1313 = arith.index_cast %add3A_1311 : i32 to index
        %get3A_1314 = arith.constant 0 : index
        %get3A_1315 = tpu.vector_load %arg8[%get3A_1312, %get3A_1313, %get3A_1314] {strides = array<i32>} : memref<2x2560x32xbf16, #tpu.memory_space<vmem>>, vector<32xbf16>,
        %unpack3A_1316 = tpu.unpack_subelements %get3A_1315, 0 {pack_format = #tpu.pack_format<interleaved>} : vector<32xbf16> -> vector<16xf32>
        %unpack3A_1317 = tpu.unpack_subelements %get3A_1315, 1 {pack_format = #tpu.pack_format<interleaved>} : vector<32xbf16> -> vector<16xf32>
        %mul3A_1318 = vector.broadcast %squeeze3A_1302 : f32 to vector<16xf32>
        %mul3A_1319 = arith.mulf %mul3A_1318, %unpack3A_1316 : vector<16xf32>
        %add3A_1320 = arith.addf %add3A_1297, %mul3A_1319 : vector<16xf32>
        %mul3A_1321 = vector.broadcast %squeeze3A_1302 : f32 to vector<16xf32>
        %mul3A_1322 = arith.mulf %mul3A_1321, %unpack3A_1317 : vector<16xf32>
        %add3A_1323 = arith.addf %add3A_1300, %mul3A_1322 : vector<16xf32>
        %mul3A_1324 = arith.constant 16 : i32
        %mul3A_1325 = arith.muli %select_n3A_196, %mul3A_1324 : i32
        %add3A_1326 = arith.constant 384 : i32
        %add3A_1327 = arith.addi %add3A_1326, %mul3A_1325 : i32
        %get3A_1328 = arith.index_cast %rem3A_92 : i32 to index
        %get3A_1329 = arith.index_cast %select_n3A : i32 to index
        %get3A_1330 = arith.index_cast %add3A_1327 : i32 to index
        %get3A_1331 = tpu.vector_load %arg7[%get3A_1328, %get3A_1329, %get3A_1330] {strides = array<i32>} : memref<2x5x512xf32, #tpu.memory_space<vmem>>, vector<16xf32>,
        %slice3A_1332 = vector.extract_strided_slice %get3A_1331 {offsets = [0], sizes = [1], strides = [1]} : vector<16xf32> to vector<1xf32>
        %squeeze3A_1333 = vector.extract %slice3A_1332[0] : f32 from vector<1xf32>
        %mul3A_1334 = arith.constant 512 : i32
        %mul3A_1335 = arith.muli %select_n3A, %mul3A_1334 : i32
        %add3A_1336 = arith.constant 384 : i32
        %add3A_1337 = arith.addi %mul3A_1335, %add3A_1336 : i32
        %mul3A_1338 = arith.constant 16 : i32
        %mul3A_1339 = arith.muli %select_n3A_196, %mul3A_1338 : i32
        %add3A_1340 = arith.addi %add3A_1337, %mul3A_1339 : i32
        %add3A_1341 = arith.constant 0 : i32
        %add3A_1342 = arith.addi %add3A_1340, %add3A_1341 : i32
        %get3A_1343 = arith.index_cast %rem3A_92 : i32 to index
        %get3A_1344 = arith.index_cast %add3A_1342 : i32 to index
        %get3A_1345 = arith.constant 0 : index
        %get3A_1346 = tpu.vector_load %arg8[%get3A_1343, %get3A_1344, %get3A_1345] {strides = array<i32>} : memref<2x2560x32xbf16, #tpu.memory_space<vmem>>, vector<32xbf16>,
        %unpack3A_1347 = tpu.unpack_subelements %get3A_1346, 0 {pack_format = #tpu.pack_format<interleaved>} : vector<32xbf16> -> vector<16xf32>
        %unpack3A_1348 = tpu.unpack_subelements %get3A_1346, 1 {pack_format = #tpu.pack_format<interleaved>} : vector<32xbf16> -> vector<16xf32>
        %mul3A_1349 = vector.broadcast %squeeze3A_1333 : f32 to vector<16xf32>
        %mul3A_1350 = arith.mulf %mul3A_1349, %unpack3A_1347 : vector<16xf32>
        %add3A_1351 = arith.addf %add3A_1320, %mul3A_1350 : vector<16xf32>
        %mul3A_1352 = vector.broadcast %squeeze3A_1333 : f32 to vector<16xf32>
        %mul3A_1353 = arith.mulf %mul3A_1352, %unpack3A_1348 : vector<16xf32>
        %add3A_1354 = arith.addf %add3A_1323, %mul3A_1353 : vector<16xf32>
        %slice3A_1355 = vector.extract_strided_slice %get3A_1331 {offsets = [1], sizes = [1], strides = [1]} : vector<16xf32> to vector<1xf32>
        %squeeze3A_1356 = vector.extract %slice3A_1355[0] : f32 from vector<1xf32>
        %mul3A_1357 = arith.constant 512 : i32
        %mul3A_1358 = arith.muli %select_n3A, %mul3A_1357 : i32
        %add3A_1359 = arith.constant 384 : i32
        %add3A_1360 = arith.addi %mul3A_1358, %add3A_1359 : i32
        %mul3A_1361 = arith.constant 16 : i32
        %mul3A_1362 = arith.muli %select_n3A_196, %mul3A_1361 : i32
        %add3A_1363 = arith.addi %add3A_1360, %mul3A_1362 : i32
        %add3A_1364 = arith.constant 1 : i32
        %add3A_1365 = arith.addi %add3A_1363, %add3A_1364 : i32
        %get3A_1366 = arith.index_cast %rem3A_92 : i32 to index
        %get3A_1367 = arith.index_cast %add3A_1365 : i32 to index
        %get3A_1368 = arith.constant 0 : index
        %get3A_1369 = tpu.vector_load %arg8[%get3A_1366, %get3A_1367, %get3A_1368] {strides = array<i32>} : memref<2x2560x32xbf16, #tpu.memory_space<vmem>>, vector<32xbf16>,
        %unpack3A_1370 = tpu.unpack_subelements %get3A_1369, 0 {pack_format = #tpu.pack_format<interleaved>} : vector<32xbf16> -> vector<16xf32>
        %unpack3A_1371 = tpu.unpack_subelements %get3A_1369, 1 {pack_format = #tpu.pack_format<interleaved>} : vector<32xbf16> -> vector<16xf32>
        %mul3A_1372 = vector.broadcast %squeeze3A_1356 : f32 to vector<16xf32>
        %mul3A_1373 = arith.mulf %mul3A_1372, %unpack3A_1370 : vector<16xf32>
        %add3A_1374 = arith.addf %add3A_1351, %mul3A_1373 : vector<16xf32>
        %mul3A_1375 = vector.broadcast %squeeze3A_1356 : f32 to vector<16xf32>
        %mul3A_1376 = arith.mulf %mul3A_1375, %unpack3A_1371 : vector<16xf32>
        %add3A_1377 = arith.addf %add3A_1354, %mul3A_1376 : vector<16xf32>
        %slice3A_1378 = vector.extract_strided_slice %get3A_1331 {offsets = [2], sizes = [1], strides = [1]} : vector<16xf32> to vector<1xf32>
        %squeeze3A_1379 = vector.extract %slice3A_1378[0] : f32 from vector<1xf32>
        %mul3A_1380 = arith.constant 512 : i32
        %mul3A_1381 = arith.muli %select_n3A, %mul3A_1380 : i32
        %add3A_1382 = arith.constant 384 : i32
        %add3A_1383 = arith.addi %mul3A_1381, %add3A_1382 : i32
        %mul3A_1384 = arith.constant 16 : i32
        %mul3A_1385 = arith.muli %select_n3A_196, %mul3A_1384 : i32
        %add3A_1386 = arith.addi %add3A_1383, %mul3A_1385 : i32
        %add3A_1387 = arith.constant 2 : i32
        %add3A_1388 = arith.addi %add3A_1386, %add3A_1387 : i32
        %get3A_1389 = arith.index_cast %rem3A_92 : i32 to index
        %get3A_1390 = arith.index_cast %add3A_1388 : i32 to index
        %get3A_1391 = arith.constant 0 : index
        %get3A_1392 = tpu.vector_load %arg8[%get3A_1389, %get3A_1390, %get3A_1391] {strides = array<i32>} : memref<2x2560x32xbf16, #tpu.memory_space<vmem>>, vector<32xbf16>,
        %unpack3A_1393 = tpu.unpack_subelements %get3A_1392, 0 {pack_format = #tpu.pack_format<interleaved>} : vector<32xbf16> -> vector<16xf32>
        %unpack3A_1394 = tpu.unpack_subelements %get3A_1392, 1 {pack_format = #tpu.pack_format<interleaved>} : vector<32xbf16> -> vector<16xf32>
        %mul3A_1395 = vector.broadcast %squeeze3A_1379 : f32 to vector<16xf32>
        %mul3A_1396 = arith.mulf %mul3A_1395, %unpack3A_1393 : vector<16xf32>
        %add3A_1397 = arith.addf %add3A_1374, %mul3A_1396 : vector<16xf32>
        %mul3A_1398 = vector.broadcast %squeeze3A_1379 : f32 to vector<16xf32>
        %mul3A_1399 = arith.mulf %mul3A_1398, %unpack3A_1394 : vector<16xf32>
        %add3A_1400 = arith.addf %add3A_1377, %mul3A_1399 : vector<16xf32>
        %slice3A_1401 = vector.extract_strided_slice %get3A_1331 {offsets = [3], sizes = [1], strides = [1]} : vector<16xf32> to vector<1xf32>
        %squeeze3A_1402 = vector.extract %slice3A_1401[0] : f32 from vector<1xf32>
        %mul3A_1403 = arith.constant 512 : i32
        %mul3A_1404 = arith.muli %select_n3A, %mul3A_1403 : i32
        %add3A_1405 = arith.constant 384 : i32
        %add3A_1406 = arith.addi %mul3A_1404, %add3A_1405 : i32
        %mul3A_1407 = arith.constant 16 : i32
        %mul3A_1408 = arith.muli %select_n3A_196, %mul3A_1407 : i32
        %add3A_1409 = arith.addi %add3A_1406, %mul3A_1408 : i32
        %add3A_1410 = arith.constant 3 : i32
        %add3A_1411 = arith.addi %add3A_1409, %add3A_1410 : i32
        %get3A_1412 = arith.index_cast %rem3A_92 : i32 to index
        %get3A_1413 = arith.index_cast %add3A_1411 : i32 to index
        %get3A_1414 = arith.constant 0 : index
        %get3A_1415 = tpu.vector_load %arg8[%get3A_1412, %get3A_1413, %get3A_1414] {strides = array<i32>} : memref<2x2560x32xbf16, #tpu.memory_space<vmem>>, vector<32xbf16>,
        %unpack3A_1416 = tpu.unpack_subelements %get3A_1415, 0 {pack_format = #tpu.pack_format<interleaved>} : vector<32xbf16> -> vector<16xf32>
        %unpack3A_1417 = tpu.unpack_subelements %get3A_1415, 1 {pack_format = #tpu.pack_format<interleaved>} : vector<32xbf16> -> vector<16xf32>
        %mul3A_1418 = vector.broadcast %squeeze3A_1402 : f32 to vector<16xf32>
        %mul3A_1419 = arith.mulf %mul3A_1418, %unpack3A_1416 : vector<16xf32>
        %add3A_1420 = arith.addf %add3A_1397, %mul3A_1419 : vector<16xf32>
        %mul3A_1421 = vector.broadcast %squeeze3A_1402 : f32 to vector<16xf32>
        %mul3A_1422 = arith.mulf %mul3A_1421, %unpack3A_1417 : vector<16xf32>
        %add3A_1423 = arith.addf %add3A_1400, %mul3A_1422 : vector<16xf32>
        %slice3A_1424 = vector.extract_strided_slice %get3A_1331 {offsets = [4], sizes = [1], strides = [1]} : vector<16xf32> to vector<1xf32>
        %squeeze3A_1425 = vector.extract %slice3A_1424[0] : f32 from vector<1xf32>
        %mul3A_1426 = arith.constant 512 : i32
        %mul3A_1427 = arith.muli %select_n3A, %mul3A_1426 : i32
        %add3A_1428 = arith.constant 384 : i32
        %add3A_1429 = arith.addi %mul3A_1427, %add3A_1428 : i32
        %mul3A_1430 = arith.constant 16 : i32
        %mul3A_1431 = arith.muli %select_n3A_196, %mul3A_1430 : i32
        %add3A_1432 = arith.addi %add3A_1429, %mul3A_1431 : i32
        %add3A_1433 = arith.constant 4 : i32
        %add3A_1434 = arith.addi %add3A_1432, %add3A_1433 : i32
        %get3A_1435 = arith.index_cast %rem3A_92 : i32 to index
        %get3A_1436 = arith.index_cast %add3A_1434 : i32 to index
        %get3A_1437 = arith.constant 0 : index
        %get3A_1438 = tpu.vector_load %arg8[%get3A_1435, %get3A_1436, %get3A_1437] {strides = array<i32>} : memref<2x2560x32xbf16, #tpu.memory_space<vmem>>, vector<32xbf16>,
        %unpack3A_1439 = tpu.unpack_subelements %get3A_1438, 0 {pack_format = #tpu.pack_format<interleaved>} : vector<32xbf16> -> vector<16xf32>
        %unpack3A_1440 = tpu.unpack_subelements %get3A_1438, 1 {pack_format = #tpu.pack_format<interleaved>} : vector<32xbf16> -> vector<16xf32>
        %mul3A_1441 = vector.broadcast %squeeze3A_1425 : f32 to vector<16xf32>
        %mul3A_1442 = arith.mulf %mul3A_1441, %unpack3A_1439 : vector<16xf32>
        %add3A_1443 = arith.addf %add3A_1420, %mul3A_1442 : vector<16xf32>
        %mul3A_1444 = vector.broadcast %squeeze3A_1425 : f32 to vector<16xf32>
        %mul3A_1445 = arith.mulf %mul3A_1444, %unpack3A_1440 : vector<16xf32>
        %add3A_1446 = arith.addf %add3A_1423, %mul3A_1445 : vector<16xf32>
        %slice3A_1447 = vector.extract_strided_slice %get3A_1331 {offsets = [5], sizes = [1], strides = [1]} : vector<16xf32> to vector<1xf32>
        %squeeze3A_1448 = vector.extract %slice3A_1447[0] : f32 from vector<1xf32>
        %mul3A_1449 = arith.constant 512 : i32
        %mul3A_1450 = arith.muli %select_n3A, %mul3A_1449 : i32
        %add3A_1451 = arith.constant 384 : i32
        %add3A_1452 = arith.addi %mul3A_1450, %add3A_1451 : i32
        %mul3A_1453 = arith.constant 16 : i32
        %mul3A_1454 = arith.muli %select_n3A_196, %mul3A_1453 : i32
        %add3A_1455 = arith.addi %add3A_1452, %mul3A_1454 : i32
        %add3A_1456 = arith.constant 5 : i32
        %add3A_1457 = arith.addi %add3A_1455, %add3A_1456 : i32
        %get3A_1458 = arith.index_cast %rem3A_92 : i32 to index
        %get3A_1459 = arith.index_cast %add3A_1457 : i32 to index
        %get3A_1460 = arith.constant 0 : index
        %get3A_1461 = tpu.vector_load %arg8[%get3A_1458, %get3A_1459, %get3A_1460] {strides = array<i32>} : memref<2x2560x32xbf16, #tpu.memory_space<vmem>>, vector<32xbf16>,
        %unpack3A_1462 = tpu.unpack_subelements %get3A_1461, 0 {pack_format = #tpu.pack_format<interleaved>} : vector<32xbf16> -> vector<16xf32>
        %unpack3A_1463 = tpu.unpack_subelements %get3A_1461, 1 {pack_format = #tpu.pack_format<interleaved>} : vector<32xbf16> -> vector<16xf32>
        %mul3A_1464 = vector.broadcast %squeeze3A_1448 : f32 to vector<16xf32>
        %mul3A_1465 = arith.mulf %mul3A_1464, %unpack3A_1462 : vector<16xf32>
        %add3A_1466 = arith.addf %add3A_1443, %mul3A_1465 : vector<16xf32>
        %mul3A_1467 = vector.broadcast %squeeze3A_1448 : f32 to vector<16xf32>
        %mul3A_1468 = arith.mulf %mul3A_1467, %unpack3A_1463 : vector<16xf32>
        %add3A_1469 = arith.addf %add3A_1446, %mul3A_1468 : vector<16xf32>
        %slice3A_1470 = vector.extract_strided_slice %get3A_1331 {offsets = [6], sizes = [1], strides = [1]} : vector<16xf32> to vector<1xf32>
        %squeeze3A_1471 = vector.extract %slice3A_1470[0] : f32 from vector<1xf32>
        %mul3A_1472 = arith.constant 512 : i32
        %mul3A_1473 = arith.muli %select_n3A, %mul3A_1472 : i32
        %add3A_1474 = arith.constant 384 : i32
        %add3A_1475 = arith.addi %mul3A_1473, %add3A_1474 : i32
        %mul3A_1476 = arith.constant 16 : i32
        %mul3A_1477 = arith.muli %select_n3A_196, %mul3A_1476 : i32
        %add3A_1478 = arith.addi %add3A_1475, %mul3A_1477 : i32
        %add3A_1479 = arith.constant 6 : i32
        %add3A_1480 = arith.addi %add3A_1478, %add3A_1479 : i32
        %get3A_1481 = arith.index_cast %rem3A_92 : i32 to index
        %get3A_1482 = arith.index_cast %add3A_1480 : i32 to index
        %get3A_1483 = arith.constant 0 : index
        %get3A_1484 = tpu.vector_load %arg8[%get3A_1481, %get3A_1482, %get3A_1483] {strides = array<i32>} : memref<2x2560x32xbf16, #tpu.memory_space<vmem>>, vector<32xbf16>,
        %unpack3A_1485 = tpu.unpack_subelements %get3A_1484, 0 {pack_format = #tpu.pack_format<interleaved>} : vector<32xbf16> -> vector<16xf32>
        %unpack3A_1486 = tpu.unpack_subelements %get3A_1484, 1 {pack_format = #tpu.pack_format<interleaved>} : vector<32xbf16> -> vector<16xf32>
        %mul3A_1487 = vector.broadcast %squeeze3A_1471 : f32 to vector<16xf32>
        %mul3A_1488 = arith.mulf %mul3A_1487, %unpack3A_1485 : vector<16xf32>
        %add3A_1489 = arith.addf %add3A_1466, %mul3A_1488 : vector<16xf32>
        %mul3A_1490 = vector.broadcast %squeeze3A_1471 : f32 to vector<16xf32>
        %mul3A_1491 = arith.mulf %mul3A_1490, %unpack3A_1486 : vector<16xf32>
        %add3A_1492 = arith.addf %add3A_1469, %mul3A_1491 : vector<16xf32>
        %slice3A_1493 = vector.extract_strided_slice %get3A_1331 {offsets = [7], sizes = [1], strides = [1]} : vector<16xf32> to vector<1xf32>
        %squeeze3A_1494 = vector.extract %slice3A_1493[0] : f32 from vector<1xf32>
        %mul3A_1495 = arith.constant 512 : i32
        %mul3A_1496 = arith.muli %select_n3A, %mul3A_1495 : i32
        %add3A_1497 = arith.constant 384 : i32
        %add3A_1498 = arith.addi %mul3A_1496, %add3A_1497 : i32
        %mul3A_1499 = arith.constant 16 : i32
        %mul3A_1500 = arith.muli %select_n3A_196, %mul3A_1499 : i32
        %add3A_1501 = arith.addi %add3A_1498, %mul3A_1500 : i32
        %add3A_1502 = arith.constant 7 : i32
        %add3A_1503 = arith.addi %add3A_1501, %add3A_1502 : i32
        %get3A_1504 = arith.index_cast %rem3A_92 : i32 to index
        %get3A_1505 = arith.index_cast %add3A_1503 : i32 to index
        %get3A_1506 = arith.constant 0 : index
        %get3A_1507 = tpu.vector_load %arg8[%get3A_1504, %get3A_1505, %get3A_1506] {strides = array<i32>} : memref<2x2560x32xbf16, #tpu.memory_space<vmem>>, vector<32xbf16>,
        %unpack3A_1508 = tpu.unpack_subelements %get3A_1507, 0 {pack_format = #tpu.pack_format<interleaved>} : vector<32xbf16> -> vector<16xf32>
        %unpack3A_1509 = tpu.unpack_subelements %get3A_1507, 1 {pack_format = #tpu.pack_format<interleaved>} : vector<32xbf16> -> vector<16xf32>
        %mul3A_1510 = vector.broadcast %squeeze3A_1494 : f32 to vector<16xf32>
        %mul3A_1511 = arith.mulf %mul3A_1510, %unpack3A_1508 : vector<16xf32>
        %add3A_1512 = arith.addf %add3A_1489, %mul3A_1511 : vector<16xf32>
        %mul3A_1513 = vector.broadcast %squeeze3A_1494 : f32 to vector<16xf32>
        %mul3A_1514 = arith.mulf %mul3A_1513, %unpack3A_1509 : vector<16xf32>
        %add3A_1515 = arith.addf %add3A_1492, %mul3A_1514 : vector<16xf32>
        %slice3A_1516 = vector.extract_strided_slice %get3A_1331 {offsets = [8], sizes = [1], strides = [1]} : vector<16xf32> to vector<1xf32>
        %squeeze3A_1517 = vector.extract %slice3A_1516[0] : f32 from vector<1xf32>
        %mul3A_1518 = arith.constant 512 : i32
        %mul3A_1519 = arith.muli %select_n3A, %mul3A_1518 : i32
        %add3A_1520 = arith.constant 384 : i32
        %add3A_1521 = arith.addi %mul3A_1519, %add3A_1520 : i32
        %mul3A_1522 = arith.constant 16 : i32
        %mul3A_1523 = arith.muli %select_n3A_196, %mul3A_1522 : i32
        %add3A_1524 = arith.addi %add3A_1521, %mul3A_1523 : i32
        %add3A_1525 = arith.constant 8 : i32
        %add3A_1526 = arith.addi %add3A_1524, %add3A_1525 : i32
        %get3A_1527 = arith.index_cast %rem3A_92 : i32 to index
        %get3A_1528 = arith.index_cast %add3A_1526 : i32 to index
        %get3A_1529 = arith.constant 0 : index
        %get3A_1530 = tpu.vector_load %arg8[%get3A_1527, %get3A_1528, %get3A_1529] {strides = array<i32>} : memref<2x2560x32xbf16, #tpu.memory_space<vmem>>, vector<32xbf16>,
        %unpack3A_1531 = tpu.unpack_subelements %get3A_1530, 0 {pack_format = #tpu.pack_format<interleaved>} : vector<32xbf16> -> vector<16xf32>
        %unpack3A_1532 = tpu.unpack_subelements %get3A_1530, 1 {pack_format = #tpu.pack_format<interleaved>} : vector<32xbf16> -> vector<16xf32>
        %mul3A_1533 = vector.broadcast %squeeze3A_1517 : f32 to vector<16xf32>
        %mul3A_1534 = arith.mulf %mul3A_1533, %unpack3A_1531 : vector<16xf32>
        %add3A_1535 = arith.addf %add3A_1512, %mul3A_1534 : vector<16xf32>
        %mul3A_1536 = vector.broadcast %squeeze3A_1517 : f32 to vector<16xf32>
        %mul3A_1537 = arith.mulf %mul3A_1536, %unpack3A_1532 : vector<16xf32>
        %add3A_1538 = arith.addf %add3A_1515, %mul3A_1537 : vector<16xf32>
        %slice3A_1539 = vector.extract_strided_slice %get3A_1331 {offsets = [9], sizes = [1], strides = [1]} : vector<16xf32> to vector<1xf32>
        %squeeze3A_1540 = vector.extract %slice3A_1539[0] : f32 from vector<1xf32>
        %mul3A_1541 = arith.constant 512 : i32
        %mul3A_1542 = arith.muli %select_n3A, %mul3A_1541 : i32
        %add3A_1543 = arith.constant 384 : i32
        %add3A_1544 = arith.addi %mul3A_1542, %add3A_1543 : i32
        %mul3A_1545 = arith.constant 16 : i32
        %mul3A_1546 = arith.muli %select_n3A_196, %mul3A_1545 : i32
        %add3A_1547 = arith.addi %add3A_1544, %mul3A_1546 : i32
        %add3A_1548 = arith.constant 9 : i32
        %add3A_1549 = arith.addi %add3A_1547, %add3A_1548 : i32
        %get3A_1550 = arith.index_cast %rem3A_92 : i32 to index
        %get3A_1551 = arith.index_cast %add3A_1549 : i32 to index
        %get3A_1552 = arith.constant 0 : index
        %get3A_1553 = tpu.vector_load %arg8[%get3A_1550, %get3A_1551, %get3A_1552] {strides = array<i32>} : memref<2x2560x32xbf16, #tpu.memory_space<vmem>>, vector<32xbf16>,
        %unpack3A_1554 = tpu.unpack_subelements %get3A_1553, 0 {pack_format = #tpu.pack_format<interleaved>} : vector<32xbf16> -> vector<16xf32>
        %unpack3A_1555 = tpu.unpack_subelements %get3A_1553, 1 {pack_format = #tpu.pack_format<interleaved>} : vector<32xbf16> -> vector<16xf32>
        %mul3A_1556 = vector.broadcast %squeeze3A_1540 : f32 to vector<16xf32>
        %mul3A_1557 = arith.mulf %mul3A_1556, %unpack3A_1554 : vector<16xf32>
        %add3A_1558 = arith.addf %add3A_1535, %mul3A_1557 : vector<16xf32>
        %mul3A_1559 = vector.broadcast %squeeze3A_1540 : f32 to vector<16xf32>
        %mul3A_1560 = arith.mulf %mul3A_1559, %unpack3A_1555 : vector<16xf32>
        %add3A_1561 = arith.addf %add3A_1538, %mul3A_1560 : vector<16xf32>
        %slice3A_1562 = vector.extract_strided_slice %get3A_1331 {offsets = [10], sizes = [1], strides = [1]} : vector<16xf32> to vector<1xf32>
        %squeeze3A_1563 = vector.extract %slice3A_1562[0] : f32 from vector<1xf32>
        %mul3A_1564 = arith.constant 512 : i32
        %mul3A_1565 = arith.muli %select_n3A, %mul3A_1564 : i32
        %add3A_1566 = arith.constant 384 : i32
        %add3A_1567 = arith.addi %mul3A_1565, %add3A_1566 : i32
        %mul3A_1568 = arith.constant 16 : i32
        %mul3A_1569 = arith.muli %select_n3A_196, %mul3A_1568 : i32
        %add3A_1570 = arith.addi %add3A_1567, %mul3A_1569 : i32
        %add3A_1571 = arith.constant 10 : i32
        %add3A_1572 = arith.addi %add3A_1570, %add3A_1571 : i32
        %get3A_1573 = arith.index_cast %rem3A_92 : i32 to index
        %get3A_1574 = arith.index_cast %add3A_1572 : i32 to index
        %get3A_1575 = arith.constant 0 : index
        %get3A_1576 = tpu.vector_load %arg8[%get3A_1573, %get3A_1574, %get3A_1575] {strides = array<i32>} : memref<2x2560x32xbf16, #tpu.memory_space<vmem>>, vector<32xbf16>,
        %unpack3A_1577 = tpu.unpack_subelements %get3A_1576, 0 {pack_format = #tpu.pack_format<interleaved>} : vector<32xbf16> -> vector<16xf32>
        %unpack3A_1578 = tpu.unpack_subelements %get3A_1576, 1 {pack_format = #tpu.pack_format<interleaved>} : vector<32xbf16> -> vector<16xf32>
        %mul3A_1579 = vector.broadcast %squeeze3A_1563 : f32 to vector<16xf32>
        %mul3A_1580 = arith.mulf %mul3A_1579, %unpack3A_1577 : vector<16xf32>
        %add3A_1581 = arith.addf %add3A_1558, %mul3A_1580 : vector<16xf32>
        %mul3A_1582 = vector.broadcast %squeeze3A_1563 : f32 to vector<16xf32>
        %mul3A_1583 = arith.mulf %mul3A_1582, %unpack3A_1578 : vector<16xf32>
        %add3A_1584 = arith.addf %add3A_1561, %mul3A_1583 : vector<16xf32>
        %slice3A_1585 = vector.extract_strided_slice %get3A_1331 {offsets = [11], sizes = [1], strides = [1]} : vector<16xf32> to vector<1xf32>
        %squeeze3A_1586 = vector.extract %slice3A_1585[0] : f32 from vector<1xf32>
        %mul3A_1587 = arith.constant 512 : i32
        %mul3A_1588 = arith.muli %select_n3A, %mul3A_1587 : i32
        %add3A_1589 = arith.constant 384 : i32
        %add3A_1590 = arith.addi %mul3A_1588, %add3A_1589 : i32
        %mul3A_1591 = arith.constant 16 : i32
        %mul3A_1592 = arith.muli %select_n3A_196, %mul3A_1591 : i32
        %add3A_1593 = arith.addi %add3A_1590, %mul3A_1592 : i32
        %add3A_1594 = arith.constant 11 : i32
        %add3A_1595 = arith.addi %add3A_1593, %add3A_1594 : i32
        %get3A_1596 = arith.index_cast %rem3A_92 : i32 to index
        %get3A_1597 = arith.index_cast %add3A_1595 : i32 to index
        %get3A_1598 = arith.constant 0 : index
        %get3A_1599 = tpu.vector_load %arg8[%get3A_1596, %get3A_1597, %get3A_1598] {strides = array<i32>} : memref<2x2560x32xbf16, #tpu.memory_space<vmem>>, vector<32xbf16>,
        %unpack3A_1600 = tpu.unpack_subelements %get3A_1599, 0 {pack_format = #tpu.pack_format<interleaved>} : vector<32xbf16> -> vector<16xf32>
        %unpack3A_1601 = tpu.unpack_subelements %get3A_1599, 1 {pack_format = #tpu.pack_format<interleaved>} : vector<32xbf16> -> vector<16xf32>
        %mul3A_1602 = vector.broadcast %squeeze3A_1586 : f32 to vector<16xf32>
        %mul3A_1603 = arith.mulf %mul3A_1602, %unpack3A_1600 : vector<16xf32>
        %add3A_1604 = arith.addf %add3A_1581, %mul3A_1603 : vector<16xf32>
        %mul3A_1605 = vector.broadcast %squeeze3A_1586 : f32 to vector<16xf32>
        %mul3A_1606 = arith.mulf %mul3A_1605, %unpack3A_1601 : vector<16xf32>
        %add3A_1607 = arith.addf %add3A_1584, %mul3A_1606 : vector<16xf32>
        %slice3A_1608 = vector.extract_strided_slice %get3A_1331 {offsets = [12], sizes = [1], strides = [1]} : vector<16xf32> to vector<1xf32>
        %squeeze3A_1609 = vector.extract %slice3A_1608[0] : f32 from vector<1xf32>
        %mul3A_1610 = arith.constant 512 : i32
        %mul3A_1611 = arith.muli %select_n3A, %mul3A_1610 : i32
        %add3A_1612 = arith.constant 384 : i32
        %add3A_1613 = arith.addi %mul3A_1611, %add3A_1612 : i32
        %mul3A_1614 = arith.constant 16 : i32
        %mul3A_1615 = arith.muli %select_n3A_196, %mul3A_1614 : i32
        %add3A_1616 = arith.addi %add3A_1613, %mul3A_1615 : i32
        %add3A_1617 = arith.constant 12 : i32
        %add3A_1618 = arith.addi %add3A_1616, %add3A_1617 : i32
        %get3A_1619 = arith.index_cast %rem3A_92 : i32 to index
        %get3A_1620 = arith.index_cast %add3A_1618 : i32 to index
        %get3A_1621 = arith.constant 0 : index
        %get3A_1622 = tpu.vector_load %arg8[%get3A_1619, %get3A_1620, %get3A_1621] {strides = array<i32>} : memref<2x2560x32xbf16, #tpu.memory_space<vmem>>, vector<32xbf16>,
        %unpack3A_1623 = tpu.unpack_subelements %get3A_1622, 0 {pack_format = #tpu.pack_format<interleaved>} : vector<32xbf16> -> vector<16xf32>
        %unpack3A_1624 = tpu.unpack_subelements %get3A_1622, 1 {pack_format = #tpu.pack_format<interleaved>} : vector<32xbf16> -> vector<16xf32>
        %mul3A_1625 = vector.broadcast %squeeze3A_1609 : f32 to vector<16xf32>
        %mul3A_1626 = arith.mulf %mul3A_1625, %unpack3A_1623 : vector<16xf32>
        %add3A_1627 = arith.addf %add3A_1604, %mul3A_1626 : vector<16xf32>
        %mul3A_1628 = vector.broadcast %squeeze3A_1609 : f32 to vector<16xf32>
        %mul3A_1629 = arith.mulf %mul3A_1628, %unpack3A_1624 : vector<16xf32>
        %add3A_1630 = arith.addf %add3A_1607, %mul3A_1629 : vector<16xf32>
        %slice3A_1631 = vector.extract_strided_slice %get3A_1331 {offsets = [13], sizes = [1], strides = [1]} : vector<16xf32> to vector<1xf32>
        %squeeze3A_1632 = vector.extract %slice3A_1631[0] : f32 from vector<1xf32>
        %mul3A_1633 = arith.constant 512 : i32
        %mul3A_1634 = arith.muli %select_n3A, %mul3A_1633 : i32
        %add3A_1635 = arith.constant 384 : i32
        %add3A_1636 = arith.addi %mul3A_1634, %add3A_1635 : i32
        %mul3A_1637 = arith.constant 16 : i32
        %mul3A_1638 = arith.muli %select_n3A_196, %mul3A_1637 : i32
        %add3A_1639 = arith.addi %add3A_1636, %mul3A_1638 : i32
        %add3A_1640 = arith.constant 13 : i32
        %add3A_1641 = arith.addi %add3A_1639, %add3A_1640 : i32
        %get3A_1642 = arith.index_cast %rem3A_92 : i32 to index
        %get3A_1643 = arith.index_cast %add3A_1641 : i32 to index
        %get3A_1644 = arith.constant 0 : index
        %get3A_1645 = tpu.vector_load %arg8[%get3A_1642, %get3A_1643, %get3A_1644] {strides = array<i32>} : memref<2x2560x32xbf16, #tpu.memory_space<vmem>>, vector<32xbf16>,
        %unpack3A_1646 = tpu.unpack_subelements %get3A_1645, 0 {pack_format = #tpu.pack_format<interleaved>} : vector<32xbf16> -> vector<16xf32>
        %unpack3A_1647 = tpu.unpack_subelements %get3A_1645, 1 {pack_format = #tpu.pack_format<interleaved>} : vector<32xbf16> -> vector<16xf32>
        %mul3A_1648 = vector.broadcast %squeeze3A_1632 : f32 to vector<16xf32>
        %mul3A_1649 = arith.mulf %mul3A_1648, %unpack3A_1646 : vector<16xf32>
        %add3A_1650 = arith.addf %add3A_1627, %mul3A_1649 : vector<16xf32>
        %mul3A_1651 = vector.broadcast %squeeze3A_1632 : f32 to vector<16xf32>
        %mul3A_1652 = arith.mulf %mul3A_1651, %unpack3A_1647 : vector<16xf32>
        %add3A_1653 = arith.addf %add3A_1630, %mul3A_1652 : vector<16xf32>
        %slice3A_1654 = vector.extract_strided_slice %get3A_1331 {offsets = [14], sizes = [1], strides = [1]} : vector<16xf32> to vector<1xf32>
        %squeeze3A_1655 = vector.extract %slice3A_1654[0] : f32 from vector<1xf32>
        %mul3A_1656 = arith.constant 512 : i32
        %mul3A_1657 = arith.muli %select_n3A, %mul3A_1656 : i32
        %add3A_1658 = arith.constant 384 : i32
        %add3A_1659 = arith.addi %mul3A_1657, %add3A_1658 : i32
        %mul3A_1660 = arith.constant 16 : i32
        %mul3A_1661 = arith.muli %select_n3A_196, %mul3A_1660 : i32
        %add3A_1662 = arith.addi %add3A_1659, %mul3A_1661 : i32
        %add3A_1663 = arith.constant 14 : i32
        %add3A_1664 = arith.addi %add3A_1662, %add3A_1663 : i32
        %get3A_1665 = arith.index_cast %rem3A_92 : i32 to index
        %get3A_1666 = arith.index_cast %add3A_1664 : i32 to index
        %get3A_1667 = arith.constant 0 : index
        %get3A_1668 = tpu.vector_load %arg8[%get3A_1665, %get3A_1666, %get3A_1667] {strides = array<i32>} : memref<2x2560x32xbf16, #tpu.memory_space<vmem>>, vector<32xbf16>,
        %unpack3A_1669 = tpu.unpack_subelements %get3A_1668, 0 {pack_format = #tpu.pack_format<interleaved>} : vector<32xbf16> -> vector<16xf32>
        %unpack3A_1670 = tpu.unpack_subelements %get3A_1668, 1 {pack_format = #tpu.pack_format<interleaved>} : vector<32xbf16> -> vector<16xf32>
        %mul3A_1671 = vector.broadcast %squeeze3A_1655 : f32 to vector<16xf32>
        %mul3A_1672 = arith.mulf %mul3A_1671, %unpack3A_1669 : vector<16xf32>
        %add3A_1673 = arith.addf %add3A_1650, %mul3A_1672 : vector<16xf32>
        %mul3A_1674 = vector.broadcast %squeeze3A_1655 : f32 to vector<16xf32>
        %mul3A_1675 = arith.mulf %mul3A_1674, %unpack3A_1670 : vector<16xf32>
        %add3A_1676 = arith.addf %add3A_1653, %mul3A_1675 : vector<16xf32>
        %slice3A_1677 = vector.extract_strided_slice %get3A_1331 {offsets = [15], sizes = [1], strides = [1]} : vector<16xf32> to vector<1xf32>
        %squeeze3A_1678 = vector.extract %slice3A_1677[0] : f32 from vector<1xf32>
        %mul3A_1679 = arith.constant 512 : i32
        %mul3A_1680 = arith.muli %select_n3A, %mul3A_1679 : i32
        %add3A_1681 = arith.constant 384 : i32
        %add3A_1682 = arith.addi %mul3A_1680, %add3A_1681 : i32
        %mul3A_1683 = arith.constant 16 : i32
        %mul3A_1684 = arith.muli %select_n3A_196, %mul3A_1683 : i32
        %add3A_1685 = arith.addi %add3A_1682, %mul3A_1684 : i32
        %add3A_1686 = arith.constant 15 : i32
        %add3A_1687 = arith.addi %add3A_1685, %add3A_1686 : i32
        %get3A_1688 = arith.index_cast %rem3A_92 : i32 to index
        %get3A_1689 = arith.index_cast %add3A_1687 : i32 to index
        %get3A_1690 = arith.constant 0 : index
        %get3A_1691 = tpu.vector_load %arg8[%get3A_1688, %get3A_1689, %get3A_1690] {strides = array<i32>} : memref<2x2560x32xbf16, #tpu.memory_space<vmem>>, vector<32xbf16>,
        %unpack3A_1692 = tpu.unpack_subelements %get3A_1691, 0 {pack_format = #tpu.pack_format<interleaved>} : vector<32xbf16> -> vector<16xf32>
        %unpack3A_1693 = tpu.unpack_subelements %get3A_1691, 1 {pack_format = #tpu.pack_format<interleaved>} : vector<32xbf16> -> vector<16xf32>
        %mul3A_1694 = vector.broadcast %squeeze3A_1678 : f32 to vector<16xf32>
        %mul3A_1695 = arith.mulf %mul3A_1694, %unpack3A_1692 : vector<16xf32>
        %add3A_1696 = arith.addf %add3A_1673, %mul3A_1695 : vector<16xf32>
        %mul3A_1697 = vector.broadcast %squeeze3A_1678 : f32 to vector<16xf32>
        %mul3A_1698 = arith.mulf %mul3A_1697, %unpack3A_1693 : vector<16xf32>
        %add3A_1699 = arith.addf %add3A_1676, %mul3A_1698 : vector<16xf32>
        %swap3A = arith.index_cast %rem3A_92 : i32 to index
        %swap3A_1700 = arith.index_cast %scan3A_164 : i32 to index
        %swap3A_1701 = arith.constant 0 : index
        %swap3A_1702 = tpu.vector_load %arg9[%swap3A, %swap3A_1700, %swap3A_1701] {strides = array<i32>} : memref<2x40x32xf32, #tpu.memory_space<vmem>>, vector<16xf32>,
        tpu.vector_store %arg9[%swap3A, %swap3A_1700, %swap3A_1701], %add3A_1696 {strides = array<i32>} : memref<2x40x32xf32, #tpu.memory_space<vmem>>, vector<16xf32>,
        %swap3A_1703 = arith.index_cast %rem3A_92 : i32 to index
        %swap3A_1704 = arith.index_cast %scan3A_164 : i32 to index
        %swap3A_1705 = arith.constant 16 : index
        %swap3A_1706 = tpu.vector_load %arg9[%swap3A_1703, %swap3A_1704, %swap3A_1705] {strides = array<i32>} : memref<2x40x32xf32, #tpu.memory_space<vmem>>, vector<16xf32>,
        tpu.vector_store %arg9[%swap3A_1703, %swap3A_1704, %swap3A_1705], %add3A_1699 {strides = array<i32>} : memref<2x40x32xf32, #tpu.memory_space<vmem>>, vector<16xf32>,
      }
      %scan3A_142 = arith.constant 16 : i32
      %mul3A_143 = arith.constant 8 : i32
      %mul3A_144 = arith.muli %add3A_95, %mul3A_143 : i32
      %dma_start3A_145 = arith.constant 0 : i32
      %dma_start3A_146 = arith.constant 0 : i32
      %dma_start3A_147 = tpu.memref_slice %arg9[%rem3A_92, %dma_start3A_145, %dma_start3A_146] : memref<2x40x32xf32, #tpu.memory_space<vmem>> -> memref<1x40x32xf32, #tpu.memory_space<vmem>>
      %dma_start3A_148 = tpu.memref_squeeze %dma_start3A_147 : memref<1x40x32xf32, #tpu.memory_space<vmem>> -> memref<40x32xf32, #tpu.memory_space<vmem>>
      %dma_start3A_149 = arith.constant 0 : i32
      %dma_start3A_150 = tpu.memref_slice %arg5[%mul3A_144, %dma_start3A_149] : memref<87040x32xf32, #tpu.memory_space<hbm>> -> memref<40x32xf32, #tpu.memory_space<hbm>>
      %dma_start3A_151 = arith.constant 0 : i32
      %dma_start3A_152 = tpu.memref_slice %arg5[%mul3A_144, %dma_start3A_151] : memref<87040x32xf32, #tpu.memory_space<hbm>> -> memref<40x32xf32, #tpu.memory_space<hbm>>
      %dma_start3A_153 = arith.constant 0 : i32
      %dma_start3A_154 = arith.constant 0 : i32
      %dma_start3A_155 = tpu.memref_slice %arg9[%rem3A_92, %dma_start3A_153, %dma_start3A_154] : memref<2x40x32xf32, #tpu.memory_space<vmem>> -> memref<1x40x32xf32, #tpu.memory_space<vmem>>
      %dma_start3A_156 = tpu.memref_squeeze %dma_start3A_155 : memref<1x40x32xf32, #tpu.memory_space<vmem>> -> memref<40x32xf32, #tpu.memory_space<vmem>>
      tpu.enqueue_dma source(%dma_start3A_156 : memref<40x32xf32, #tpu.memory_space<vmem>>) target(%dma_start3A_152 : memref<40x32xf32, #tpu.memory_space<hbm>>) target_semaphore(%arg11 : memref<!tpu.dma_semaphore, #tpu.memory_space<semaphore_mem>>)
      %add3A_157 = arith.constant 2 : i32
      %add3A_158 = arith.addi %scan3A_91, %add3A_157 : i32
      %lt3A_159 = arith.constant 68 : i32
      %lt3A_160 = arith.cmpi slt, %add3A_158, %lt3A_159 : i32
      %convert_element_type3A_161 = arith.extui %lt3A_160 : i1 to i32
      %cond3A_162 = arith.constant 0 : i32
      %cond3A_163 = arith.cmpi ne, %convert_element_type3A_161, %cond3A_162 : i32
      scf.if %cond3A_163 {
        %add3A_164 = arith.constant 2 : i32
        %add3A_165 = arith.addi %scan3A_91, %add3A_164 : i32
        %mul3A_166 = arith.constant 5 : i32
        %mul3A_167 = arith.muli %add3A_165, %mul3A_166 : i32
        %add3A_168 = arith.addi %mul3A_2, %mul3A_167 : i32
        %dma_start3A_169 = arith.constant 0 : i32
        %dma_start3A_170 = arith.constant 0 : i32
        %dma_start3A_171 = tpu.memref_slice %arg7[%rem3A_92, %dma_start3A_169, %dma_start3A_170] : memref<2x5x512xf32, #tpu.memory_space<vmem>> -> memref<1x5x512xf32, #tpu.memory_space<vmem>>
        %dma_start3A_172 = tpu.memref_squeeze %dma_start3A_171 : memref<1x5x512xf32, #tpu.memory_space<vmem>> -> memref<5x512xf32, #tpu.memory_space<vmem>>
        %dma_start3A_173 = arith.constant 0 : i32
        %dma_start3A_174 = tpu.memref_slice %arg4[%add3A_168, %dma_start3A_173] : memref<10880x512xf32, #tpu.memory_space<hbm>> -> memref<5x512xf32, #tpu.memory_space<hbm>>
        %dma_start3A_175 = arith.constant 0 : i32
        %dma_start3A_176 = arith.constant 0 : i32
        %dma_start3A_177 = tpu.memref_slice %arg7[%rem3A_92, %dma_start3A_175, %dma_start3A_176] : memref<2x5x512xf32, #tpu.memory_space<vmem>> -> memref<1x5x512xf32, #tpu.memory_space<vmem>>
        %dma_start3A_178 = tpu.memref_squeeze %dma_start3A_177 : memref<1x5x512xf32, #tpu.memory_space<vmem>> -> memref<5x512xf32, #tpu.memory_space<vmem>>
        %dma_start3A_179 = arith.constant 0 : i32
        %dma_start3A_180 = tpu.memref_slice %arg4[%add3A_168, %dma_start3A_179] : memref<10880x512xf32, #tpu.memory_space<hbm>> -> memref<5x512xf32, #tpu.memory_space<hbm>>
        tpu.enqueue_dma source(%dma_start3A_180 : memref<5x512xf32, #tpu.memory_space<hbm>>) target(%dma_start3A_178 : memref<5x512xf32, #tpu.memory_space<vmem>>) target_semaphore(%arg12 : memref<!tpu.dma_semaphore, #tpu.memory_space<semaphore_mem>>)
      } else {
      }
    }
    %scan3A_61 = arith.constant 68 : i32
    %dma_wait3A = arith.constant 0 : i32
    %dma_wait3A_62 = arith.constant 0 : i32
    %dma_wait3A_63 = arith.constant 0 : i32
    %dma_wait3A_64 = tpu.memref_slice %arg9[%dma_wait3A, %dma_wait3A_62, %dma_wait3A_63] : memref<2x40x32xf32, #tpu.memory_space<vmem>> -> memref<1x40x32xf32, #tpu.memory_space<vmem>>
    %dma_wait3A_65 = tpu.memref_squeeze %dma_wait3A_64 : memref<1x40x32xf32, #tpu.memory_space<vmem>> -> memref<40x32xf32, #tpu.memory_space<vmem>>
    %dma_wait3A_66 = arith.constant 0 : i32
    %dma_wait3A_67 = arith.constant 0 : i32
    %dma_wait3A_68 = tpu.memref_slice %arg5[%dma_wait3A_66, %dma_wait3A_67] : memref<87040x32xf32, #tpu.memory_space<hbm>> -> memref<40x32xf32, #tpu.memory_space<hbm>>
    %dma_wait3A_69 = arith.constant 0 : i32
    %dma_wait3A_70 = arith.constant 0 : i32
    %dma_wait3A_71 = tpu.memref_slice %arg5[%dma_wait3A_69, %dma_wait3A_70] : memref<87040x32xf32, #tpu.memory_space<hbm>> -> memref<40x32xf32, #tpu.memory_space<hbm>>
    %dma_wait3A_72 = arith.constant 0 : i32
    %dma_wait3A_73 = arith.constant 0 : i32
    %dma_wait3A_74 = tpu.memref_slice %arg9[%dma_wait3A, %dma_wait3A_72, %dma_wait3A_73] : memref<2x40x32xf32, #tpu.memory_space<vmem>> -> memref<1x40x32xf32, #tpu.memory_space<vmem>>
    %dma_wait3A_75 = tpu.memref_squeeze %dma_wait3A_74 : memref<1x40x32xf32, #tpu.memory_space<vmem>> -> memref<40x32xf32, #tpu.memory_space<vmem>>
    tpu.wait_dma2 semaphore(%arg11 : memref<!tpu.dma_semaphore, #tpu.memory_space<semaphore_mem>>) src(%dma_wait3A_75 : memref<40x32xf32, #tpu.memory_space<vmem>>) dst(%dma_wait3A_71 : memref<40x32xf32, #tpu.memory_space<hbm>>)
    %dma_wait3A_76 = arith.constant 1 : i32
    %dma_wait3A_77 = arith.constant 0 : i32
    %dma_wait3A_78 = arith.constant 0 : i32
    %dma_wait3A_79 = tpu.memref_slice %arg9[%dma_wait3A_76, %dma_wait3A_77, %dma_wait3A_78] : memref<2x40x32xf32, #tpu.memory_space<vmem>> -> memref<1x40x32xf32, #tpu.memory_space<vmem>>
    %dma_wait3A_80 = tpu.memref_squeeze %dma_wait3A_79 : memref<1x40x32xf32, #tpu.memory_space<vmem>> -> memref<40x32xf32, #tpu.memory_space<vmem>>
    %dma_wait3A_81 = arith.constant 0 : i32
    %dma_wait3A_82 = arith.constant 0 : i32
    %dma_wait3A_83 = tpu.memref_slice %arg5[%dma_wait3A_81, %dma_wait3A_82] : memref<87040x32xf32, #tpu.memory_space<hbm>> -> memref<40x32xf32, #tpu.memory_space<hbm>>
    %dma_wait3A_84 = arith.constant 0 : i32
    %dma_wait3A_85 = arith.constant 0 : i32
    %dma_wait3A_86 = tpu.memref_slice %arg5[%dma_wait3A_84, %dma_wait3A_85] : memref<87040x32xf32, #tpu.memory_space<hbm>> -> memref<40x32xf32, #tpu.memory_space<hbm>>
    %dma_wait3A_87 = arith.constant 0 : i32
    %dma_wait3A_88 = arith.constant 0 : i32
    %dma_wait3A_89 = tpu.memref_slice %arg9[%dma_wait3A_76, %dma_wait3A_87, %dma_wait3A_88] : memref<2x40x32xf32, #tpu.memory_space<vmem>> -> memref<1x40x32xf32, #tpu.memory_space<vmem>>
    %dma_wait3A_90 = tpu.memref_squeeze %dma_wait3A_89 : memref<1x40x32xf32, #tpu.memory_space<vmem>> -> memref<40x32xf32, #tpu.memory_space<vmem>>
    tpu.wait_dma2 semaphore(%arg11 : memref<!tpu.dma_semaphore, #tpu.memory_space<semaphore_mem>>) src(%dma_wait3A_90 : memref<40x32xf32, #tpu.memory_space<vmem>>) dst(%dma_wait3A_86 : memref<40x32xf32, #tpu.memory_space<hbm>>)
    return
  }
}

module attributes {stable_mosaic.version = 14 : i64} {
  func.func @_prep_body(%arg0: i32, %arg1: i32, %arg2: memref<1x544x256xf32, #tpu.memory_space<vmem>>, %arg3: memref<1x544x256xf32, #tpu.memory_space<vmem>>, %arg4: memref<1x544x8xf32, #tpu.memory_space<vmem>>, %arg5: memref<256x256xf32, #tpu.memory_space<vmem>>, %arg6: memref<1x256xf32, #tpu.memory_space<vmem>>, %arg7: memref<256x256xf32, #tpu.memory_space<vmem>>, %arg8: memref<1x256xf32, #tpu.memory_space<vmem>>, %arg9: memref<256x128xf32, #tpu.memory_space<vmem>>, %arg10: memref<1x128xf32, #tpu.memory_space<vmem>>, %arg11: memref<1x544x256xbf16, #tpu.memory_space<vmem>>, %arg12: memref<1x544x512xi32, #tpu.memory_space<vmem>>, %arg13: memref<1x544x512xf32, #tpu.memory_space<vmem>>) attributes {dimension_semantics = [#tpu.dimension_semantics<arbitrary>, #tpu.dimension_semantics<arbitrary>], iteration_bounds = array<i64: 2, 10>, scalar_prefetch = 0 : i64, scratch_operands = 0 : i64, tpu.core_type = #tpu.core_type<tc>, window_params = [{transform_indices = @transform_0, window_bounds = array<i64: 1, 544, 256>}, {transform_indices = @transform_1, window_bounds = array<i64: 1, 544, 256>}, {transform_indices = @transform_2, window_bounds = array<i64: 1, 544, 8>}, {pipeline_mode = #tpu.pipeline_mode<synchronous>, transform_indices = @transform_3, window_bounds = array<i64: 256, 256>}, {pipeline_mode = #tpu.pipeline_mode<synchronous>, transform_indices = @transform_4, window_bounds = array<i64: 1, 256>}, {pipeline_mode = #tpu.pipeline_mode<synchronous>, transform_indices = @transform_5, window_bounds = array<i64: 256, 256>}, {pipeline_mode = #tpu.pipeline_mode<synchronous>, transform_indices = @transform_6, window_bounds = array<i64: 1, 256>}, {pipeline_mode = #tpu.pipeline_mode<synchronous>, transform_indices = @transform_7, window_bounds = array<i64: 256, 128>}, {pipeline_mode = #tpu.pipeline_mode<synchronous>, transform_indices = @transform_8, window_bounds = array<i64: 1, 128>}, {transform_indices = @transform_9, window_bounds = array<i64: 1, 544, 256>}, {transform_indices = @transform_10, window_bounds = array<i64: 1, 544, 512>}, {transform_indices = @transform_11, window_bounds = array<i64: 1, 544, 512>}]} {
    %get3A = arith.constant 0 : index
    %get3A_0 = arith.constant 0 : index
    %get3A_1 = arith.constant 0 : index
    %get3A_2 = vector.load %arg2[%get3A, %get3A_0, %get3A_1] : memref<1x544x256xf32, #tpu.memory_space<vmem>>, vector<1x544x256xf32>
    %get3A_3 = vector.shape_cast %get3A_2 : vector<1x544x256xf32> to vector<544x256xf32>
    %get3A_4 = arith.constant 0 : index
    %get3A_5 = arith.constant 0 : index
    %get3A_6 = arith.constant 0 : index
    %get3A_7 = vector.load %arg3[%get3A_4, %get3A_5, %get3A_6] : memref<1x544x256xf32, #tpu.memory_space<vmem>>, vector<1x544x256xf32>
    %get3A_8 = vector.shape_cast %get3A_7 : vector<1x544x256xf32> to vector<544x256xf32>
    %get3A_9 = arith.constant 0 : index
    %get3A_10 = arith.constant 0 : index
    %get3A_11 = vector.load %arg5[%get3A_9, %get3A_10] : memref<256x256xf32, #tpu.memory_space<vmem>>, vector<256x256xf32>
    %dot_general3A = arith.constant dense<0.000000e+00> : vector<544x256xf32>
    %dot_general3A_12 = tpu.matmul %get3A_8, %get3A_11, %dot_general3A {dimension_numbers = #tpu.dot_dimension_numbers<[1], [0], [0], [1], [0, 0, 1, 1], [], []>, transpose_lhs_hint = false} : vector<544x256xf32>, vector<256x256xf32>, vector<544x256xf32> -> vector<544x256xf32>
    %get3A_13 = arith.constant 0 : index
    %get3A_14 = arith.constant 0 : index
    %get3A_15 = vector.load %arg6[%get3A_13, %get3A_14] : memref<1x256xf32, #tpu.memory_space<vmem>>, vector<1x256xf32>
    %add3A = vector.broadcast %get3A_15 : vector<1x256xf32> to vector<544x256xf32>
    %add3A_16 = arith.addf %dot_general3A_12, %add3A : vector<544x256xf32>
    %convert_element_type3A = arith.truncf %add3A_16 : vector<544x256xf32> to vector<544x256xbf16>
    %swap3A = arith.constant 0 : index
    %swap3A_17 = arith.constant 0 : index
    %swap3A_18 = arith.constant 0 : index
    %swap3A_19 = vector.load %arg11[%swap3A, %swap3A_17, %swap3A_18] : memref<1x544x256xbf16, #tpu.memory_space<vmem>>, vector<1x544x256xbf16>
    %swap3A_20 = vector.shape_cast %swap3A_19 : vector<1x544x256xbf16> to vector<544x256xbf16>
    %swap3A_21 = vector.shape_cast %convert_element_type3A : vector<544x256xbf16> to vector<1x544x256xbf16>
    tpu.vector_store %arg11[%swap3A, %swap3A_17, %swap3A_18], %swap3A_21 {strides = array<i32>} : memref<1x544x256xbf16, #tpu.memory_space<vmem>>, vector<1x544x256xbf16>,
    %get3A_22 = arith.constant 0 : index
    %get3A_23 = arith.constant 0 : index
    %get3A_24 = vector.load %arg7[%get3A_22, %get3A_23] : memref<256x256xf32, #tpu.memory_space<vmem>>, vector<256x256xf32>
    %dot_general3A_25 = arith.constant dense<0.000000e+00> : vector<544x256xf32>
    %dot_general3A_26 = tpu.matmul %get3A_3, %get3A_24, %dot_general3A_25 {dimension_numbers = #tpu.dot_dimension_numbers<[1], [0], [0], [1], [0, 0, 1, 1], [], []>, transpose_lhs_hint = false} : vector<544x256xf32>, vector<256x256xf32>, vector<544x256xf32> -> vector<544x256xf32>
    %get3A_27 = arith.constant 0 : index
    %get3A_28 = arith.constant 0 : index
    %get3A_29 = vector.load %arg8[%get3A_27, %get3A_28] : memref<1x256xf32, #tpu.memory_space<vmem>>, vector<1x256xf32>
    %add3A_30 = vector.broadcast %get3A_29 : vector<1x256xf32> to vector<544x256xf32>
    %add3A_31 = arith.addf %dot_general3A_26, %add3A_30 : vector<544x256xf32>
    %slice3A = vector.extract_strided_slice %add3A_31 {offsets = [0, 0], sizes = [544, 128], strides = [1, 1]} : vector<544x256xf32> to vector<544x128xf32>
    %slice3A_32 = vector.extract_strided_slice %add3A_31 {offsets = [0, 128], sizes = [544, 128], strides = [1, 1]} : vector<544x256xf32> to vector<544x128xf32>
    %get3A_33 = arith.constant 0 : index
    %get3A_34 = arith.constant 0 : index
    %get3A_35 = vector.load %arg9[%get3A_33, %get3A_34] : memref<256x128xf32, #tpu.memory_space<vmem>>, vector<256x128xf32>
    %dot_general3A_36 = arith.constant dense<0.000000e+00> : vector<544x128xf32>
    %dot_general3A_37 = tpu.matmul %get3A_3, %get3A_35, %dot_general3A_36 {dimension_numbers = #tpu.dot_dimension_numbers<[1], [0], [0], [1], [0, 0, 1, 1], [], []>, transpose_lhs_hint = false} : vector<544x256xf32>, vector<256x128xf32>, vector<544x128xf32> -> vector<544x128xf32>
    %get3A_38 = arith.constant 0 : index
    %get3A_39 = arith.constant 0 : index
    %get3A_40 = vector.load %arg10[%get3A_38, %get3A_39] : memref<1x128xf32, #tpu.memory_space<vmem>>, vector<1x128xf32>
    %add3A_41 = vector.broadcast %get3A_40 : vector<1x128xf32> to vector<544x128xf32>
    %add3A_42 = arith.addf %dot_general3A_37, %add3A_41 : vector<544x128xf32>
    %reshape3A = vector.shape_cast %add3A_42 : vector<544x128xf32> to vector<544x8x16xf32>
    %reduce_max3A = arith.constant dense<0xFF800000> : vector<544x8xf32>
    %reduce_max3A_43 = vector.multi_reduction <maximumf>, %reshape3A, %reduce_max3A [2] : vector<544x8x16xf32> to vector<544x8xf32>
    %broadcast_in_dim3A = vector.shape_cast %reduce_max3A_43 : vector<544x8xf32> to vector<544x8x1xf32>
    %sub3A = vector.broadcast %broadcast_in_dim3A : vector<544x8x1xf32> to vector<544x8x16xf32>
    %sub3A_44 = arith.subf %reshape3A, %sub3A : vector<544x8x16xf32>
    %exp3A = math.exp %sub3A_44 : vector<544x8x16xf32>
    %reduce_sum3A = arith.constant dense<0.000000e+00> : vector<544x8xf32>
    %reduce_sum3A_45 = vector.multi_reduction <add>, %exp3A, %reduce_sum3A [2] : vector<544x8x16xf32> to vector<544x8xf32>
    %broadcast_in_dim3A_46 = vector.shape_cast %reduce_sum3A_45 : vector<544x8xf32> to vector<544x8x1xf32>
    %div3A = vector.broadcast %broadcast_in_dim3A_46 : vector<544x8x1xf32> to vector<544x8x16xf32>
    %div3A_47 = arith.divf %exp3A, %div3A : vector<544x8x16xf32>
    %reshape3A_48 = vector.shape_cast %div3A_47 : vector<544x8x16xf32> to vector<544x128xf32>
    %iota3A = tpu.iota {dimensions = array<i32: 1>} : vector<1x128xi32>
    %jit3A = arith.constant 4 : i32
    %div3A_49 = vector.broadcast %jit3A : i32 to vector<1x128xi32>
    %div3A_50 = arith.divsi %iota3A, %div3A_49 : vector<1x128xi32>
    %sign3A = arith.constant 0 : i32
    %sign3A_51 = vector.broadcast %sign3A : i32 to vector<1x128xi32>
    %sign3A_52 = arith.cmpi sgt, %iota3A, %sign3A_51 : vector<1x128xi32>
    %sign3A_53 = arith.extui %sign3A_52 : vector<1x128xi1> to vector<1x128xi32>
    %sign3A_54 = arith.constant 0 : i32
    %sign3A_55 = vector.broadcast %sign3A_54 : i32 to vector<1x128xi32>
    %sign3A_56 = arith.cmpi slt, %iota3A, %sign3A_55 : vector<1x128xi32>
    %sign3A_57 = arith.extui %sign3A_56 : vector<1x128xi1> to vector<1x128xi32>
    %sign3A_58 = arith.subi %sign3A_53, %sign3A_57 : vector<1x128xi32>
    %sign3A_59 = arith.constant 0 : i32
    %sign3A_60 = arith.cmpi sgt, %jit3A, %sign3A_59 : i32
    %sign3A_61 = arith.extui %sign3A_60 : i1 to i32
    %sign3A_62 = arith.constant 0 : i32
    %sign3A_63 = arith.cmpi slt, %jit3A, %sign3A_62 : i32
    %sign3A_64 = arith.extui %sign3A_63 : i1 to i32
    %sign3A_65 = arith.subi %sign3A_61, %sign3A_64 : i32
    %ne3A = vector.broadcast %sign3A_65 : i32 to vector<1x128xi32>
    %ne3A_66 = arith.cmpi ne, %sign3A_58, %ne3A : vector<1x128xi32>
    %rem3A = vector.broadcast %jit3A : i32 to vector<1x128xi32>
    %rem3A_67 = arith.remsi %iota3A, %rem3A : vector<1x128xi32>
    %ne3A_68 = arith.constant 0 : i32
    %ne3A_69 = vector.broadcast %ne3A_68 : i32 to vector<1x128xi32>
    %ne3A_70 = arith.cmpi ne, %rem3A_67, %ne3A_69 : vector<1x128xi32>
    %and3A = arith.andi %ne3A_66, %ne3A_70 : vector<1x128xi1>
    %sub3A_71 = arith.constant 1 : i32
    %sub3A_72 = vector.broadcast %sub3A_71 : i32 to vector<1x128xi32>
    %sub3A_73 = arith.subi %div3A_50, %sub3A_72 : vector<1x128xi32>
    %select_n3A = arith.select %and3A, %sub3A_73, %div3A_50 : vector<1x128xi1>, vector<1x128xi32>
    %jit3A_74 = arith.constant 4 : i32
    %eq3A = arith.constant 0 : i32
    %eq3A_75 = arith.cmpi eq, %jit3A_74, %eq3A : i32
    %jit3A_76 = arith.constant 1 : i32
    %select_n3A_77 = arith.select %eq3A_75, %jit3A_76, %jit3A_74 : i32
    %rem3A_78 = vector.broadcast %select_n3A_77 : i32 to vector<1x128xi32>
    %rem3A_79 = arith.remsi %select_n3A, %rem3A_78 : vector<1x128xi32>
    %ne3A_80 = arith.constant 0 : i32
    %ne3A_81 = vector.broadcast %ne3A_80 : i32 to vector<1x128xi32>
    %ne3A_82 = arith.cmpi ne, %rem3A_79, %ne3A_81 : vector<1x128xi32>
    %lt3A = arith.constant 0 : i32
    %lt3A_83 = vector.broadcast %lt3A : i32 to vector<1x128xi32>
    %lt3A_84 = arith.cmpi slt, %rem3A_79, %lt3A_83 : vector<1x128xi32>
    %lt3A_85 = arith.constant 0 : i32
    %lt3A_86 = arith.cmpi slt, %select_n3A_77, %lt3A_85 : i32
    %ne3A_87 = vector.broadcast %lt3A_86 : i1 to vector<1x128xi1>
    %ne3A_88 = vector.broadcast %ne3A_87 : vector<1x128xi1> to vector<1x128xi1>
    %ne3A_89 = arith.xori %lt3A_84, %ne3A_88 : vector<1x128xi1>
    %and3A_90 = arith.andi %ne3A_89, %ne3A_82 : vector<1x128xi1>
    %add3A_91 = vector.broadcast %select_n3A_77 : i32 to vector<1x128xi32>
    %add3A_92 = arith.addi %rem3A_79, %add3A_91 : vector<1x128xi32>
    %select_n3A_93 = arith.select %and3A_90, %add3A_92, %rem3A_79 : vector<1x128xi1>, vector<1x128xi32>
    %jit3A_94 = arith.constant 16 : i32
    %div3A_95 = vector.broadcast %jit3A_94 : i32 to vector<1x128xi32>
    %div3A_96 = arith.divsi %iota3A, %div3A_95 : vector<1x128xi32>
    %sign3A_97 = arith.constant 0 : i32
    %sign3A_98 = vector.broadcast %sign3A_97 : i32 to vector<1x128xi32>
    %sign3A_99 = arith.cmpi sgt, %iota3A, %sign3A_98 : vector<1x128xi32>
    %sign3A_100 = arith.extui %sign3A_99 : vector<1x128xi1> to vector<1x128xi32>
    %sign3A_101 = arith.constant 0 : i32
    %sign3A_102 = vector.broadcast %sign3A_101 : i32 to vector<1x128xi32>
    %sign3A_103 = arith.cmpi slt, %iota3A, %sign3A_102 : vector<1x128xi32>
    %sign3A_104 = arith.extui %sign3A_103 : vector<1x128xi1> to vector<1x128xi32>
    %sign3A_105 = arith.subi %sign3A_100, %sign3A_104 : vector<1x128xi32>
    %sign3A_106 = arith.constant 0 : i32
    %sign3A_107 = arith.cmpi sgt, %jit3A_94, %sign3A_106 : i32
    %sign3A_108 = arith.extui %sign3A_107 : i1 to i32
    %sign3A_109 = arith.constant 0 : i32
    %sign3A_110 = arith.cmpi slt, %jit3A_94, %sign3A_109 : i32
    %sign3A_111 = arith.extui %sign3A_110 : i1 to i32
    %sign3A_112 = arith.subi %sign3A_108, %sign3A_111 : i32
    %ne3A_113 = vector.broadcast %sign3A_112 : i32 to vector<1x128xi32>
    %ne3A_114 = arith.cmpi ne, %sign3A_105, %ne3A_113 : vector<1x128xi32>
    %rem3A_115 = vector.broadcast %jit3A_94 : i32 to vector<1x128xi32>
    %rem3A_116 = arith.remsi %iota3A, %rem3A_115 : vector<1x128xi32>
    %ne3A_117 = arith.constant 0 : i32
    %ne3A_118 = vector.broadcast %ne3A_117 : i32 to vector<1x128xi32>
    %ne3A_119 = arith.cmpi ne, %rem3A_116, %ne3A_118 : vector<1x128xi32>
    %and3A_120 = arith.andi %ne3A_114, %ne3A_119 : vector<1x128xi1>
    %sub3A_121 = arith.constant 1 : i32
    %sub3A_122 = vector.broadcast %sub3A_121 : i32 to vector<1x128xi32>
    %sub3A_123 = arith.subi %div3A_96, %sub3A_122 : vector<1x128xi32>
    %select_n3A_124 = arith.select %and3A_120, %sub3A_123, %div3A_96 : vector<1x128xi1>, vector<1x128xi32>
    %shift_right_arithmetic3A = arith.constant 64 : i32
    %shift_right_arithmetic3A_125 = vector.broadcast %shift_right_arithmetic3A : i32 to vector<1x128xi32>
    %shift_right_arithmetic3A_126 = arith.shrsi %shift_right_arithmetic3A_125, %select_n3A_93 : vector<1x128xi32>
    %convert_element_type3A_127 = arith.sitofp %shift_right_arithmetic3A_126 : vector<1x128xi32> to vector<1x128xf32>
    %eq3A_128 = arith.constant 0 : i32
    %eq3A_129 = vector.broadcast %eq3A_128 : i32 to vector<1x128xi32>
    %eq3A_130 = arith.cmpi eq, %select_n3A_93, %eq3A_129 : vector<1x128xi32>
    %eq3A_131 = arith.constant 1 : i32
    %eq3A_132 = vector.broadcast %eq3A_131 : i32 to vector<1x128xi32>
    %eq3A_133 = arith.cmpi eq, %select_n3A_93, %eq3A_132 : vector<1x128xi32>
    %eq3A_134 = arith.constant 2 : i32
    %eq3A_135 = vector.broadcast %eq3A_134 : i32 to vector<1x128xi32>
    %eq3A_136 = arith.cmpi eq, %select_n3A_93, %eq3A_135 : vector<1x128xi32>
    %jit3A_137 = arith.constant 5120 : i32
    %jit3A_138 = arith.constant 5376 : i32
    %broadcast_in_dim3A_139 = vector.broadcast %jit3A_137 : i32 to vector<1x128xi32>
    %broadcast_in_dim3A_140 = vector.broadcast %jit3A_138 : i32 to vector<1x128xi32>
    %select_n3A_141 = arith.select %eq3A_136, %broadcast_in_dim3A_139, %broadcast_in_dim3A_140 : vector<1x128xi1>, vector<1x128xi32>
    %jit3A_142 = arith.constant 4096 : i32
    %broadcast_in_dim3A_143 = vector.broadcast %jit3A_142 : i32 to vector<1x128xi32>
    %select_n3A_144 = arith.select %eq3A_133, %broadcast_in_dim3A_143, %select_n3A_141 : vector<1x128xi1>, vector<1x128xi32>
    %jit3A_145 = arith.constant 0 : i32
    %broadcast_in_dim3A_146 = vector.broadcast %jit3A_145 : i32 to vector<1x128xi32>
    %select_n3A_147 = arith.select %eq3A_130, %broadcast_in_dim3A_146, %select_n3A_144 : vector<1x128xi1>, vector<1x128xi32>
    %iota3A_148 = tpu.iota {dimensions = array<i32: 0>} : vector<8x128xi32>
    %iota3A_149 = tpu.iota {dimensions = array<i32: 1>} : vector<8x128xi32>
    %jit3A_150 = arith.constant 4 : i32
    %div3A_151 = vector.broadcast %jit3A_150 : i32 to vector<8x128xi32>
    %div3A_152 = arith.divsi %iota3A_149, %div3A_151 : vector<8x128xi32>
    %sign3A_153 = arith.constant 0 : i32
    %sign3A_154 = vector.broadcast %sign3A_153 : i32 to vector<8x128xi32>
    %sign3A_155 = arith.cmpi sgt, %iota3A_149, %sign3A_154 : vector<8x128xi32>
    %sign3A_156 = arith.extui %sign3A_155 : vector<8x128xi1> to vector<8x128xi32>
    %sign3A_157 = arith.constant 0 : i32
    %sign3A_158 = vector.broadcast %sign3A_157 : i32 to vector<8x128xi32>
    %sign3A_159 = arith.cmpi slt, %iota3A_149, %sign3A_158 : vector<8x128xi32>
    %sign3A_160 = arith.extui %sign3A_159 : vector<8x128xi1> to vector<8x128xi32>
    %sign3A_161 = arith.subi %sign3A_156, %sign3A_160 : vector<8x128xi32>
    %sign3A_162 = arith.constant 0 : i32
    %sign3A_163 = arith.cmpi sgt, %jit3A_150, %sign3A_162 : i32
    %sign3A_164 = arith.extui %sign3A_163 : i1 to i32
    %sign3A_165 = arith.constant 0 : i32
    %sign3A_166 = arith.cmpi slt, %jit3A_150, %sign3A_165 : i32
    %sign3A_167 = arith.extui %sign3A_166 : i1 to i32
    %sign3A_168 = arith.subi %sign3A_164, %sign3A_167 : i32
    %ne3A_169 = vector.broadcast %sign3A_168 : i32 to vector<8x128xi32>
    %ne3A_170 = arith.cmpi ne, %sign3A_161, %ne3A_169 : vector<8x128xi32>
    %rem3A_171 = vector.broadcast %jit3A_150 : i32 to vector<8x128xi32>
    %rem3A_172 = arith.remsi %iota3A_149, %rem3A_171 : vector<8x128xi32>
    %ne3A_173 = arith.constant 0 : i32
    %ne3A_174 = vector.broadcast %ne3A_173 : i32 to vector<8x128xi32>
    %ne3A_175 = arith.cmpi ne, %rem3A_172, %ne3A_174 : vector<8x128xi32>
    %and3A_176 = arith.andi %ne3A_170, %ne3A_175 : vector<8x128xi1>
    %sub3A_177 = arith.constant 1 : i32
    %sub3A_178 = vector.broadcast %sub3A_177 : i32 to vector<8x128xi32>
    %sub3A_179 = arith.subi %div3A_152, %sub3A_178 : vector<8x128xi32>
    %select_n3A_180 = arith.select %and3A_176, %sub3A_179, %div3A_152 : vector<8x128xi1>, vector<8x128xi32>
    %jit3A_181 = arith.constant 4 : i32
    %eq3A_182 = arith.constant 0 : i32
    %eq3A_183 = arith.cmpi eq, %jit3A_181, %eq3A_182 : i32
    %jit3A_184 = arith.constant 1 : i32
    %select_n3A_185 = arith.select %eq3A_183, %jit3A_184, %jit3A_181 : i32
    %rem3A_186 = vector.broadcast %select_n3A_185 : i32 to vector<8x128xi32>
    %rem3A_187 = arith.remsi %select_n3A_180, %rem3A_186 : vector<8x128xi32>
    %ne3A_188 = arith.constant 0 : i32
    %ne3A_189 = vector.broadcast %ne3A_188 : i32 to vector<8x128xi32>
    %ne3A_190 = arith.cmpi ne, %rem3A_187, %ne3A_189 : vector<8x128xi32>
    %lt3A_191 = arith.constant 0 : i32
    %lt3A_192 = vector.broadcast %lt3A_191 : i32 to vector<8x128xi32>
    %lt3A_193 = arith.cmpi slt, %rem3A_187, %lt3A_192 : vector<8x128xi32>
    %lt3A_194 = arith.constant 0 : i32
    %lt3A_195 = arith.cmpi slt, %select_n3A_185, %lt3A_194 : i32
    %ne3A_196 = vector.broadcast %lt3A_195 : i1 to vector<8x128xi1>
    %ne3A_197 = vector.broadcast %ne3A_196 : vector<8x128xi1> to vector<8x128xi1>
    %ne3A_198 = arith.xori %lt3A_193, %ne3A_197 : vector<8x128xi1>
    %and3A_199 = arith.andi %ne3A_198, %ne3A_190 : vector<8x128xi1>
    %add3A_200 = vector.broadcast %select_n3A_185 : i32 to vector<8x128xi32>
    %add3A_201 = arith.addi %rem3A_187, %add3A_200 : vector<8x128xi32>
    %select_n3A_202 = arith.select %and3A_199, %add3A_201, %rem3A_187 : vector<8x128xi1>, vector<8x128xi32>
    %mul3A = arith.constant 2 : i32
    %mul3A_203 = vector.broadcast %mul3A : i32 to vector<8x128xi32>
    %mul3A_204 = arith.muli %mul3A_203, %select_n3A_202 : vector<8x128xi32>
    %eq3A_205 = arith.cmpi eq, %iota3A_148, %mul3A_204 : vector<8x128xi32>
    %convert_element_type3A_206 = arith.extui %eq3A_205 : vector<8x128xi1> to vector<8x128xi32>
    %convert_element_type3A_207 = arith.sitofp %convert_element_type3A_206 : vector<8x128xi32> to vector<8x128xf32>
    %mul3A_208 = arith.constant 2 : i32
    %mul3A_209 = vector.broadcast %mul3A_208 : i32 to vector<8x128xi32>
    %mul3A_210 = arith.muli %mul3A_209, %select_n3A_202 : vector<8x128xi32>
    %add3A_211 = arith.constant 1 : i32
    %add3A_212 = vector.broadcast %add3A_211 : i32 to vector<8x128xi32>
    %add3A_213 = arith.addi %mul3A_210, %add3A_212 : vector<8x128xi32>
    %eq3A_214 = arith.cmpi eq, %iota3A_148, %add3A_213 : vector<8x128xi32>
    %convert_element_type3A_215 = arith.extui %eq3A_214 : vector<8x128xi1> to vector<8x128xi32>
    %convert_element_type3A_216 = arith.sitofp %convert_element_type3A_215 : vector<8x128xi32> to vector<8x128xf32>
    %get3A_217 = arith.constant 0 : index
    %get3A_218 = arith.constant 0 : index
    %get3A_219 = arith.constant 0 : index
    %get3A_220 = vector.load %arg4[%get3A_217, %get3A_218, %get3A_219] : memref<1x544x8xf32, #tpu.memory_space<vmem>>, vector<1x544x8xf32>
    %get3A_221 = vector.shape_cast %get3A_220 : vector<1x544x8xf32> to vector<544x8xf32>
    %dot_general3A_222 = arith.constant dense<0.000000e+00> : vector<544x128xf32>
    %dot_general3A_223 = tpu.matmul %get3A_221, %convert_element_type3A_207, %dot_general3A_222 {dimension_numbers = #tpu.dot_dimension_numbers<[1], [0], [0], [1], [0, 0, 1, 1], [], []>, precision = #tpu.contract_precision<fp32>, transpose_lhs_hint = false} : vector<544x8xf32>, vector<8x128xf32>, vector<544x128xf32> -> vector<544x128xf32>
    %dot_general3A_224 = arith.constant dense<0.000000e+00> : vector<544x128xf32>
    %dot_general3A_225 = tpu.matmul %get3A_221, %convert_element_type3A_216, %dot_general3A_224 {dimension_numbers = #tpu.dot_dimension_numbers<[1], [0], [0], [1], [0, 0, 1, 1], [], []>, precision = #tpu.contract_precision<fp32>, transpose_lhs_hint = false} : vector<544x8xf32>, vector<8x128xf32>, vector<544x128xf32> -> vector<544x128xf32>
    %mul3A_226 = vector.broadcast %convert_element_type3A_127 : vector<1x128xf32> to vector<544x128xf32>
    %mul3A_227 = arith.mulf %dot_general3A_223, %mul3A_226 : vector<544x128xf32>
    %add3A_228 = arith.addf %mul3A_227, %slice3A : vector<544x128xf32>
    %sub3A_229 = arith.constant 5.000000e-01 : f32
    %sub3A_230 = vector.broadcast %sub3A_229 : f32 to vector<544x128xf32>
    %sub3A_231 = arith.subf %add3A_228, %sub3A_230 : vector<544x128xf32>
    %mul3A_232 = vector.broadcast %convert_element_type3A_127 : vector<1x128xf32> to vector<544x128xf32>
    %mul3A_233 = arith.mulf %dot_general3A_225, %mul3A_232 : vector<544x128xf32>
    %add3A_234 = arith.addf %mul3A_233, %slice3A_32 : vector<544x128xf32>
    %sub3A_235 = arith.constant 5.000000e-01 : f32
    %sub3A_236 = vector.broadcast %sub3A_235 : f32 to vector<544x128xf32>
    %sub3A_237 = arith.subf %add3A_234, %sub3A_236 : vector<544x128xf32>
    %floor3A = math.floor %sub3A_231 : vector<544x128xf32>
    %floor3A_238 = math.floor %sub3A_237 : vector<544x128xf32>
    %sub3A_239 = arith.subf %sub3A_231, %floor3A : vector<544x128xf32>
    %sub3A_240 = arith.subf %sub3A_237, %floor3A_238 : vector<544x128xf32>
    %add3A_241 = arith.constant 0.000000e+00 : f32
    %add3A_242 = vector.broadcast %add3A_241 : f32 to vector<544x128xf32>
    %add3A_243 = arith.addf %floor3A, %add3A_242 : vector<544x128xf32>
    %add3A_244 = arith.constant 0.000000e+00 : f32
    %add3A_245 = vector.broadcast %add3A_244 : f32 to vector<544x128xf32>
    %add3A_246 = arith.addf %floor3A_238, %add3A_245 : vector<544x128xf32>
    %sub3A_247 = arith.constant 1.000000e+00 : f32
    %sub3A_248 = vector.broadcast %sub3A_247 : f32 to vector<544x128xf32>
    %sub3A_249 = arith.subf %sub3A_248, %sub3A_239 : vector<544x128xf32>
    %sub3A_250 = arith.constant 1.000000e+00 : f32
    %sub3A_251 = vector.broadcast %sub3A_250 : f32 to vector<544x128xf32>
    %sub3A_252 = arith.subf %sub3A_251, %sub3A_240 : vector<544x128xf32>
    %ge3A = arith.constant 0.000000e+00 : f32
    %ge3A_253 = vector.broadcast %ge3A : f32 to vector<544x128xf32>
    %ge3A_254 = arith.cmpf oge, %add3A_243, %ge3A_253 : vector<544x128xf32>
    %sub3A_255 = arith.constant 1.000000e+00 : f32
    %sub3A_256 = vector.broadcast %sub3A_255 : f32 to vector<1x128xf32>
    %sub3A_257 = arith.subf %convert_element_type3A_127, %sub3A_256 : vector<1x128xf32>
    %le3A = vector.broadcast %sub3A_257 : vector<1x128xf32> to vector<544x128xf32>
    %le3A_258 = arith.cmpf ole, %add3A_243, %le3A : vector<544x128xf32>
    %and3A_259 = arith.andi %ge3A_254, %le3A_258 : vector<544x128xi1>
    %ge3A_260 = arith.constant 0.000000e+00 : f32
    %ge3A_261 = vector.broadcast %ge3A_260 : f32 to vector<544x128xf32>
    %ge3A_262 = arith.cmpf oge, %add3A_246, %ge3A_261 : vector<544x128xf32>
    %and3A_263 = arith.andi %and3A_259, %ge3A_262 : vector<544x128xi1>
    %sub3A_264 = arith.constant 1.000000e+00 : f32
    %sub3A_265 = vector.broadcast %sub3A_264 : f32 to vector<1x128xf32>
    %sub3A_266 = arith.subf %convert_element_type3A_127, %sub3A_265 : vector<1x128xf32>
    %le3A_267 = vector.broadcast %sub3A_266 : vector<1x128xf32> to vector<544x128xf32>
    %le3A_268 = arith.cmpf ole, %add3A_246, %le3A_267 : vector<544x128xf32>
    %and3A_269 = arith.andi %and3A_263, %le3A_268 : vector<544x128xi1>
    %mul3A_270 = arith.mulf %reshape3A_48, %sub3A_249 : vector<544x128xf32>
    %mul3A_271 = arith.mulf %mul3A_270, %sub3A_252 : vector<544x128xf32>
    %jit3A_272 = arith.constant 1.000000e+00 : f32
    %jit3A_273 = arith.constant 0.000000e+00 : f32
    %broadcast_in_dim3A_274 = vector.broadcast %jit3A_272 : f32 to vector<544x128xf32>
    %broadcast_in_dim3A_275 = vector.broadcast %jit3A_273 : f32 to vector<544x128xf32>
    %select_n3A_276 = arith.select %and3A_269, %broadcast_in_dim3A_274, %broadcast_in_dim3A_275 : vector<544x128xi1>, vector<544x128xf32>
    %mul3A_277 = arith.mulf %mul3A_271, %select_n3A_276 : vector<544x128xf32>
    %sub3A_278 = arith.constant 1.000000e+00 : f32
    %sub3A_279 = vector.broadcast %sub3A_278 : f32 to vector<1x128xf32>
    %sub3A_280 = arith.subf %convert_element_type3A_127, %sub3A_279 : vector<1x128xf32>
    %jit3A_281 = arith.constant 0.000000e+00 : f32
    %max3A = vector.broadcast %jit3A_281 : f32 to vector<544x128xf32>
    %max3A_282 = arith.maximumf %max3A, %add3A_243 : vector<544x128xf32>
    %min3A = vector.broadcast %sub3A_280 : vector<1x128xf32> to vector<544x128xf32>
    %min3A_283 = arith.minimumf %min3A, %max3A_282 : vector<544x128xf32>
    %convert_element_type3A_284 = arith.fptosi %min3A_283 : vector<544x128xf32> to vector<544x128xi32>
    %sub3A_285 = arith.constant 1.000000e+00 : f32
    %sub3A_286 = vector.broadcast %sub3A_285 : f32 to vector<1x128xf32>
    %sub3A_287 = arith.subf %convert_element_type3A_127, %sub3A_286 : vector<1x128xf32>
    %jit3A_288 = arith.constant 0.000000e+00 : f32
    %max3A_289 = vector.broadcast %jit3A_288 : f32 to vector<544x128xf32>
    %max3A_290 = arith.maximumf %max3A_289, %add3A_246 : vector<544x128xf32>
    %min3A_291 = vector.broadcast %sub3A_287 : vector<1x128xf32> to vector<544x128xf32>
    %min3A_292 = arith.minimumf %min3A_291, %max3A_290 : vector<544x128xf32>
    %convert_element_type3A_293 = arith.fptosi %min3A_292 : vector<544x128xf32> to vector<544x128xi32>
    %mul3A_294 = arith.constant 5440 : i32
    %mul3A_295 = arith.muli %arg0, %mul3A_294 : i32
    %add3A_296 = vector.broadcast %mul3A_295 : i32 to vector<1x128xi32>
    %add3A_297 = arith.addi %add3A_296, %select_n3A_147 : vector<1x128xi32>
    %mul3A_298 = vector.broadcast %shift_right_arithmetic3A_126 : vector<1x128xi32> to vector<544x128xi32>
    %mul3A_299 = arith.muli %convert_element_type3A_293, %mul3A_298 : vector<544x128xi32>
    %add3A_300 = vector.broadcast %add3A_297 : vector<1x128xi32> to vector<544x128xi32>
    %add3A_301 = arith.addi %add3A_300, %mul3A_299 : vector<544x128xi32>
    %add3A_302 = arith.addi %add3A_301, %convert_element_type3A_284 : vector<544x128xi32>
    %mul3A_303 = arith.constant 8 : i32
    %mul3A_304 = vector.broadcast %mul3A_303 : i32 to vector<544x128xi32>
    %mul3A_305 = arith.muli %add3A_302, %mul3A_304 : vector<544x128xi32>
    %add3A_306 = vector.broadcast %select_n3A_124 : vector<1x128xi32> to vector<544x128xi32>
    %add3A_307 = arith.addi %mul3A_305, %add3A_306 : vector<544x128xi32>
    %add3A_308 = arith.constant 1.000000e+00 : f32
    %add3A_309 = vector.broadcast %add3A_308 : f32 to vector<544x128xf32>
    %add3A_310 = arith.addf %floor3A, %add3A_309 : vector<544x128xf32>
    %add3A_311 = arith.constant 0.000000e+00 : f32
    %add3A_312 = vector.broadcast %add3A_311 : f32 to vector<544x128xf32>
    %add3A_313 = arith.addf %floor3A_238, %add3A_312 : vector<544x128xf32>
    %sub3A_314 = arith.constant 1.000000e+00 : f32
    %sub3A_315 = vector.broadcast %sub3A_314 : f32 to vector<544x128xf32>
    %sub3A_316 = arith.subf %sub3A_315, %sub3A_240 : vector<544x128xf32>
    %ge3A_317 = arith.constant 0.000000e+00 : f32
    %ge3A_318 = vector.broadcast %ge3A_317 : f32 to vector<544x128xf32>
    %ge3A_319 = arith.cmpf oge, %add3A_310, %ge3A_318 : vector<544x128xf32>
    %sub3A_320 = arith.constant 1.000000e+00 : f32
    %sub3A_321 = vector.broadcast %sub3A_320 : f32 to vector<1x128xf32>
    %sub3A_322 = arith.subf %convert_element_type3A_127, %sub3A_321 : vector<1x128xf32>
    %le3A_323 = vector.broadcast %sub3A_322 : vector<1x128xf32> to vector<544x128xf32>
    %le3A_324 = arith.cmpf ole, %add3A_310, %le3A_323 : vector<544x128xf32>
    %and3A_325 = arith.andi %ge3A_319, %le3A_324 : vector<544x128xi1>
    %ge3A_326 = arith.constant 0.000000e+00 : f32
    %ge3A_327 = vector.broadcast %ge3A_326 : f32 to vector<544x128xf32>
    %ge3A_328 = arith.cmpf oge, %add3A_313, %ge3A_327 : vector<544x128xf32>
    %and3A_329 = arith.andi %and3A_325, %ge3A_328 : vector<544x128xi1>
    %sub3A_330 = arith.constant 1.000000e+00 : f32
    %sub3A_331 = vector.broadcast %sub3A_330 : f32 to vector<1x128xf32>
    %sub3A_332 = arith.subf %convert_element_type3A_127, %sub3A_331 : vector<1x128xf32>
    %le3A_333 = vector.broadcast %sub3A_332 : vector<1x128xf32> to vector<544x128xf32>
    %le3A_334 = arith.cmpf ole, %add3A_313, %le3A_333 : vector<544x128xf32>
    %and3A_335 = arith.andi %and3A_329, %le3A_334 : vector<544x128xi1>
    %mul3A_336 = arith.mulf %reshape3A_48, %sub3A_239 : vector<544x128xf32>
    %mul3A_337 = arith.mulf %mul3A_336, %sub3A_316 : vector<544x128xf32>
    %jit3A_338 = arith.constant 1.000000e+00 : f32
    %jit3A_339 = arith.constant 0.000000e+00 : f32
    %broadcast_in_dim3A_340 = vector.broadcast %jit3A_338 : f32 to vector<544x128xf32>
    %broadcast_in_dim3A_341 = vector.broadcast %jit3A_339 : f32 to vector<544x128xf32>
    %select_n3A_342 = arith.select %and3A_335, %broadcast_in_dim3A_340, %broadcast_in_dim3A_341 : vector<544x128xi1>, vector<544x128xf32>
    %mul3A_343 = arith.mulf %mul3A_337, %select_n3A_342 : vector<544x128xf32>
    %sub3A_344 = arith.constant 1.000000e+00 : f32
    %sub3A_345 = vector.broadcast %sub3A_344 : f32 to vector<1x128xf32>
    %sub3A_346 = arith.subf %convert_element_type3A_127, %sub3A_345 : vector<1x128xf32>
    %jit3A_347 = arith.constant 0.000000e+00 : f32
    %max3A_348 = vector.broadcast %jit3A_347 : f32 to vector<544x128xf32>
    %max3A_349 = arith.maximumf %max3A_348, %add3A_310 : vector<544x128xf32>
    %min3A_350 = vector.broadcast %sub3A_346 : vector<1x128xf32> to vector<544x128xf32>
    %min3A_351 = arith.minimumf %min3A_350, %max3A_349 : vector<544x128xf32>
    %convert_element_type3A_352 = arith.fptosi %min3A_351 : vector<544x128xf32> to vector<544x128xi32>
    %sub3A_353 = arith.constant 1.000000e+00 : f32
    %sub3A_354 = vector.broadcast %sub3A_353 : f32 to vector<1x128xf32>
    %sub3A_355 = arith.subf %convert_element_type3A_127, %sub3A_354 : vector<1x128xf32>
    %jit3A_356 = arith.constant 0.000000e+00 : f32
    %max3A_357 = vector.broadcast %jit3A_356 : f32 to vector<544x128xf32>
    %max3A_358 = arith.maximumf %max3A_357, %add3A_313 : vector<544x128xf32>
    %min3A_359 = vector.broadcast %sub3A_355 : vector<1x128xf32> to vector<544x128xf32>
    %min3A_360 = arith.minimumf %min3A_359, %max3A_358 : vector<544x128xf32>
    %convert_element_type3A_361 = arith.fptosi %min3A_360 : vector<544x128xf32> to vector<544x128xi32>
    %mul3A_362 = arith.constant 5440 : i32
    %mul3A_363 = arith.muli %arg0, %mul3A_362 : i32
    %add3A_364 = vector.broadcast %mul3A_363 : i32 to vector<1x128xi32>
    %add3A_365 = arith.addi %add3A_364, %select_n3A_147 : vector<1x128xi32>
    %mul3A_366 = vector.broadcast %shift_right_arithmetic3A_126 : vector<1x128xi32> to vector<544x128xi32>
    %mul3A_367 = arith.muli %convert_element_type3A_361, %mul3A_366 : vector<544x128xi32>
    %add3A_368 = vector.broadcast %add3A_365 : vector<1x128xi32> to vector<544x128xi32>
    %add3A_369 = arith.addi %add3A_368, %mul3A_367 : vector<544x128xi32>
    %add3A_370 = arith.addi %add3A_369, %convert_element_type3A_352 : vector<544x128xi32>
    %mul3A_371 = arith.constant 8 : i32
    %mul3A_372 = vector.broadcast %mul3A_371 : i32 to vector<544x128xi32>
    %mul3A_373 = arith.muli %add3A_370, %mul3A_372 : vector<544x128xi32>
    %add3A_374 = vector.broadcast %select_n3A_124 : vector<1x128xi32> to vector<544x128xi32>
    %add3A_375 = arith.addi %mul3A_373, %add3A_374 : vector<544x128xi32>
    %add3A_376 = arith.constant 0.000000e+00 : f32
    %add3A_377 = vector.broadcast %add3A_376 : f32 to vector<544x128xf32>
    %add3A_378 = arith.addf %floor3A, %add3A_377 : vector<544x128xf32>
    %add3A_379 = arith.constant 1.000000e+00 : f32
    %add3A_380 = vector.broadcast %add3A_379 : f32 to vector<544x128xf32>
    %add3A_381 = arith.addf %floor3A_238, %add3A_380 : vector<544x128xf32>
    %sub3A_382 = arith.constant 1.000000e+00 : f32
    %sub3A_383 = vector.broadcast %sub3A_382 : f32 to vector<544x128xf32>
    %sub3A_384 = arith.subf %sub3A_383, %sub3A_239 : vector<544x128xf32>
    %ge3A_385 = arith.constant 0.000000e+00 : f32
    %ge3A_386 = vector.broadcast %ge3A_385 : f32 to vector<544x128xf32>
    %ge3A_387 = arith.cmpf oge, %add3A_378, %ge3A_386 : vector<544x128xf32>
    %sub3A_388 = arith.constant 1.000000e+00 : f32
    %sub3A_389 = vector.broadcast %sub3A_388 : f32 to vector<1x128xf32>
    %sub3A_390 = arith.subf %convert_element_type3A_127, %sub3A_389 : vector<1x128xf32>
    %le3A_391 = vector.broadcast %sub3A_390 : vector<1x128xf32> to vector<544x128xf32>
    %le3A_392 = arith.cmpf ole, %add3A_378, %le3A_391 : vector<544x128xf32>
    %and3A_393 = arith.andi %ge3A_387, %le3A_392 : vector<544x128xi1>
    %ge3A_394 = arith.constant 0.000000e+00 : f32
    %ge3A_395 = vector.broadcast %ge3A_394 : f32 to vector<544x128xf32>
    %ge3A_396 = arith.cmpf oge, %add3A_381, %ge3A_395 : vector<544x128xf32>
    %and3A_397 = arith.andi %and3A_393, %ge3A_396 : vector<544x128xi1>
    %sub3A_398 = arith.constant 1.000000e+00 : f32
    %sub3A_399 = vector.broadcast %sub3A_398 : f32 to vector<1x128xf32>
    %sub3A_400 = arith.subf %convert_element_type3A_127, %sub3A_399 : vector<1x128xf32>
    %le3A_401 = vector.broadcast %sub3A_400 : vector<1x128xf32> to vector<544x128xf32>
    %le3A_402 = arith.cmpf ole, %add3A_381, %le3A_401 : vector<544x128xf32>
    %and3A_403 = arith.andi %and3A_397, %le3A_402 : vector<544x128xi1>
    %mul3A_404 = arith.mulf %reshape3A_48, %sub3A_384 : vector<544x128xf32>
    %mul3A_405 = arith.mulf %mul3A_404, %sub3A_240 : vector<544x128xf32>
    %jit3A_406 = arith.constant 1.000000e+00 : f32
    %jit3A_407 = arith.constant 0.000000e+00 : f32
    %broadcast_in_dim3A_408 = vector.broadcast %jit3A_406 : f32 to vector<544x128xf32>
    %broadcast_in_dim3A_409 = vector.broadcast %jit3A_407 : f32 to vector<544x128xf32>
    %select_n3A_410 = arith.select %and3A_403, %broadcast_in_dim3A_408, %broadcast_in_dim3A_409 : vector<544x128xi1>, vector<544x128xf32>
    %mul3A_411 = arith.mulf %mul3A_405, %select_n3A_410 : vector<544x128xf32>
    %sub3A_412 = arith.constant 1.000000e+00 : f32
    %sub3A_413 = vector.broadcast %sub3A_412 : f32 to vector<1x128xf32>
    %sub3A_414 = arith.subf %convert_element_type3A_127, %sub3A_413 : vector<1x128xf32>
    %jit3A_415 = arith.constant 0.000000e+00 : f32
    %max3A_416 = vector.broadcast %jit3A_415 : f32 to vector<544x128xf32>
    %max3A_417 = arith.maximumf %max3A_416, %add3A_378 : vector<544x128xf32>
    %min3A_418 = vector.broadcast %sub3A_414 : vector<1x128xf32> to vector<544x128xf32>
    %min3A_419 = arith.minimumf %min3A_418, %max3A_417 : vector<544x128xf32>
    %convert_element_type3A_420 = arith.fptosi %min3A_419 : vector<544x128xf32> to vector<544x128xi32>
    %sub3A_421 = arith.constant 1.000000e+00 : f32
    %sub3A_422 = vector.broadcast %sub3A_421 : f32 to vector<1x128xf32>
    %sub3A_423 = arith.subf %convert_element_type3A_127, %sub3A_422 : vector<1x128xf32>
    %jit3A_424 = arith.constant 0.000000e+00 : f32
    %max3A_425 = vector.broadcast %jit3A_424 : f32 to vector<544x128xf32>
    %max3A_426 = arith.maximumf %max3A_425, %add3A_381 : vector<544x128xf32>
    %min3A_427 = vector.broadcast %sub3A_423 : vector<1x128xf32> to vector<544x128xf32>
    %min3A_428 = arith.minimumf %min3A_427, %max3A_426 : vector<544x128xf32>
    %convert_element_type3A_429 = arith.fptosi %min3A_428 : vector<544x128xf32> to vector<544x128xi32>
    %mul3A_430 = arith.constant 5440 : i32
    %mul3A_431 = arith.muli %arg0, %mul3A_430 : i32
    %add3A_432 = vector.broadcast %mul3A_431 : i32 to vector<1x128xi32>
    %add3A_433 = arith.addi %add3A_432, %select_n3A_147 : vector<1x128xi32>
    %mul3A_434 = vector.broadcast %shift_right_arithmetic3A_126 : vector<1x128xi32> to vector<544x128xi32>
    %mul3A_435 = arith.muli %convert_element_type3A_429, %mul3A_434 : vector<544x128xi32>
    %add3A_436 = vector.broadcast %add3A_433 : vector<1x128xi32> to vector<544x128xi32>
    %add3A_437 = arith.addi %add3A_436, %mul3A_435 : vector<544x128xi32>
    %add3A_438 = arith.addi %add3A_437, %convert_element_type3A_420 : vector<544x128xi32>
    %mul3A_439 = arith.constant 8 : i32
    %mul3A_440 = vector.broadcast %mul3A_439 : i32 to vector<544x128xi32>
    %mul3A_441 = arith.muli %add3A_438, %mul3A_440 : vector<544x128xi32>
    %add3A_442 = vector.broadcast %select_n3A_124 : vector<1x128xi32> to vector<544x128xi32>
    %add3A_443 = arith.addi %mul3A_441, %add3A_442 : vector<544x128xi32>
    %add3A_444 = arith.constant 1.000000e+00 : f32
    %add3A_445 = vector.broadcast %add3A_444 : f32 to vector<544x128xf32>
    %add3A_446 = arith.addf %floor3A, %add3A_445 : vector<544x128xf32>
    %add3A_447 = arith.constant 1.000000e+00 : f32
    %add3A_448 = vector.broadcast %add3A_447 : f32 to vector<544x128xf32>
    %add3A_449 = arith.addf %floor3A_238, %add3A_448 : vector<544x128xf32>
    %ge3A_450 = arith.constant 0.000000e+00 : f32
    %ge3A_451 = vector.broadcast %ge3A_450 : f32 to vector<544x128xf32>
    %ge3A_452 = arith.cmpf oge, %add3A_446, %ge3A_451 : vector<544x128xf32>
    %sub3A_453 = arith.constant 1.000000e+00 : f32
    %sub3A_454 = vector.broadcast %sub3A_453 : f32 to vector<1x128xf32>
    %sub3A_455 = arith.subf %convert_element_type3A_127, %sub3A_454 : vector<1x128xf32>
    %le3A_456 = vector.broadcast %sub3A_455 : vector<1x128xf32> to vector<544x128xf32>
    %le3A_457 = arith.cmpf ole, %add3A_446, %le3A_456 : vector<544x128xf32>
    %and3A_458 = arith.andi %ge3A_452, %le3A_457 : vector<544x128xi1>
    %ge3A_459 = arith.constant 0.000000e+00 : f32
    %ge3A_460 = vector.broadcast %ge3A_459 : f32 to vector<544x128xf32>
    %ge3A_461 = arith.cmpf oge, %add3A_449, %ge3A_460 : vector<544x128xf32>
    %and3A_462 = arith.andi %and3A_458, %ge3A_461 : vector<544x128xi1>
    %sub3A_463 = arith.constant 1.000000e+00 : f32
    %sub3A_464 = vector.broadcast %sub3A_463 : f32 to vector<1x128xf32>
    %sub3A_465 = arith.subf %convert_element_type3A_127, %sub3A_464 : vector<1x128xf32>
    %le3A_466 = vector.broadcast %sub3A_465 : vector<1x128xf32> to vector<544x128xf32>
    %le3A_467 = arith.cmpf ole, %add3A_449, %le3A_466 : vector<544x128xf32>
    %and3A_468 = arith.andi %and3A_462, %le3A_467 : vector<544x128xi1>
    %mul3A_469 = arith.mulf %reshape3A_48, %sub3A_239 : vector<544x128xf32>
    %mul3A_470 = arith.mulf %mul3A_469, %sub3A_240 : vector<544x128xf32>
    %jit3A_471 = arith.constant 1.000000e+00 : f32
    %jit3A_472 = arith.constant 0.000000e+00 : f32
    %broadcast_in_dim3A_473 = vector.broadcast %jit3A_471 : f32 to vector<544x128xf32>
    %broadcast_in_dim3A_474 = vector.broadcast %jit3A_472 : f32 to vector<544x128xf32>
    %select_n3A_475 = arith.select %and3A_468, %broadcast_in_dim3A_473, %broadcast_in_dim3A_474 : vector<544x128xi1>, vector<544x128xf32>
    %mul3A_476 = arith.mulf %mul3A_470, %select_n3A_475 : vector<544x128xf32>
    %sub3A_477 = arith.constant 1.000000e+00 : f32
    %sub3A_478 = vector.broadcast %sub3A_477 : f32 to vector<1x128xf32>
    %sub3A_479 = arith.subf %convert_element_type3A_127, %sub3A_478 : vector<1x128xf32>
    %jit3A_480 = arith.constant 0.000000e+00 : f32
    %max3A_481 = vector.broadcast %jit3A_480 : f32 to vector<544x128xf32>
    %max3A_482 = arith.maximumf %max3A_481, %add3A_446 : vector<544x128xf32>
    %min3A_483 = vector.broadcast %sub3A_479 : vector<1x128xf32> to vector<544x128xf32>
    %min3A_484 = arith.minimumf %min3A_483, %max3A_482 : vector<544x128xf32>
    %convert_element_type3A_485 = arith.fptosi %min3A_484 : vector<544x128xf32> to vector<544x128xi32>
    %sub3A_486 = arith.constant 1.000000e+00 : f32
    %sub3A_487 = vector.broadcast %sub3A_486 : f32 to vector<1x128xf32>
    %sub3A_488 = arith.subf %convert_element_type3A_127, %sub3A_487 : vector<1x128xf32>
    %jit3A_489 = arith.constant 0.000000e+00 : f32
    %max3A_490 = vector.broadcast %jit3A_489 : f32 to vector<544x128xf32>
    %max3A_491 = arith.maximumf %max3A_490, %add3A_449 : vector<544x128xf32>
    %min3A_492 = vector.broadcast %sub3A_488 : vector<1x128xf32> to vector<544x128xf32>
    %min3A_493 = arith.minimumf %min3A_492, %max3A_491 : vector<544x128xf32>
    %convert_element_type3A_494 = arith.fptosi %min3A_493 : vector<544x128xf32> to vector<544x128xi32>
    %mul3A_495 = arith.constant 5440 : i32
    %mul3A_496 = arith.muli %arg0, %mul3A_495 : i32
    %add3A_497 = vector.broadcast %mul3A_496 : i32 to vector<1x128xi32>
    %add3A_498 = arith.addi %add3A_497, %select_n3A_147 : vector<1x128xi32>
    %mul3A_499 = vector.broadcast %shift_right_arithmetic3A_126 : vector<1x128xi32> to vector<544x128xi32>
    %mul3A_500 = arith.muli %convert_element_type3A_494, %mul3A_499 : vector<544x128xi32>
    %add3A_501 = vector.broadcast %add3A_498 : vector<1x128xi32> to vector<544x128xi32>
    %add3A_502 = arith.addi %add3A_501, %mul3A_500 : vector<544x128xi32>
    %add3A_503 = arith.addi %add3A_502, %convert_element_type3A_485 : vector<544x128xi32>
    %mul3A_504 = arith.constant 8 : i32
    %mul3A_505 = vector.broadcast %mul3A_504 : i32 to vector<544x128xi32>
    %mul3A_506 = arith.muli %add3A_503, %mul3A_505 : vector<544x128xi32>
    %add3A_507 = vector.broadcast %select_n3A_124 : vector<1x128xi32> to vector<544x128xi32>
    %add3A_508 = arith.addi %mul3A_506, %add3A_507 : vector<544x128xi32>
    %concatenate3A = tpu.concatenate %add3A_307, %add3A_375, %add3A_443, %add3A_508 in 1 : vector<544x128xi32>, vector<544x128xi32>, vector<544x128xi32>, vector<544x128xi32> -> vector<544x512xi32>
    %swap3A_509 = arith.constant 0 : index
    %swap3A_510 = arith.constant 0 : index
    %swap3A_511 = arith.constant 0 : index
    %swap3A_512 = vector.load %arg12[%swap3A_509, %swap3A_510, %swap3A_511] : memref<1x544x512xi32, #tpu.memory_space<vmem>>, vector<1x544x512xi32>
    %swap3A_513 = vector.shape_cast %swap3A_512 : vector<1x544x512xi32> to vector<544x512xi32>
    %swap3A_514 = vector.shape_cast %concatenate3A : vector<544x512xi32> to vector<1x544x512xi32>
    tpu.vector_store %arg12[%swap3A_509, %swap3A_510, %swap3A_511], %swap3A_514 {strides = array<i32>} : memref<1x544x512xi32, #tpu.memory_space<vmem>>, vector<1x544x512xi32>,
    %concatenate3A_515 = tpu.concatenate %mul3A_277, %mul3A_343, %mul3A_411, %mul3A_476 in 1 : vector<544x128xf32>, vector<544x128xf32>, vector<544x128xf32>, vector<544x128xf32> -> vector<544x512xf32>
    %swap3A_516 = arith.constant 0 : index
    %swap3A_517 = arith.constant 0 : index
    %swap3A_518 = arith.constant 0 : index
    %swap3A_519 = vector.load %arg13[%swap3A_516, %swap3A_517, %swap3A_518] : memref<1x544x512xf32, #tpu.memory_space<vmem>>, vector<1x544x512xf32>
    %swap3A_520 = vector.shape_cast %swap3A_519 : vector<1x544x512xf32> to vector<544x512xf32>
    %swap3A_521 = vector.shape_cast %concatenate3A_515 : vector<544x512xf32> to vector<1x544x512xf32>
    tpu.vector_store %arg13[%swap3A_516, %swap3A_517, %swap3A_518], %swap3A_521 {strides = array<i32>} : memref<1x544x512xf32, #tpu.memory_space<vmem>>, vector<1x544x512xf32>,
    return
  }
  func.func @transform_0(%arg0: i32, %arg1: i32) -> (i32, i32, i32) {
    %c0_i32 = arith.constant 0 : i32
    %c0_i32_0 = arith.constant 0 : i32
    return %arg0, %arg1, %c0_i32 : i32, i32, i32
  }
  func.func @transform_1(%arg0: i32, %arg1: i32) -> (i32, i32, i32) {
    %c0_i32 = arith.constant 0 : i32
    %c0_i32_0 = arith.constant 0 : i32
    return %arg0, %arg1, %c0_i32 : i32, i32, i32
  }
  func.func @transform_2(%arg0: i32, %arg1: i32) -> (i32, i32, i32) {
    %c0_i32 = arith.constant 0 : i32
    %c0_i32_0 = arith.constant 0 : i32
    return %arg0, %arg1, %c0_i32 : i32, i32, i32
  }
  func.func @transform_3(%arg0: i32, %arg1: i32) -> (i32, i32) {
    %c0_i32 = arith.constant 0 : i32
    %c0_i32_0 = arith.constant 0 : i32
    %c0_i32_1 = arith.constant 0 : i32
    return %c0_i32, %c0_i32_0 : i32, i32
  }
  func.func @transform_4(%arg0: i32, %arg1: i32) -> (i32, i32) {
    %c0_i32 = arith.constant 0 : i32
    %c0_i32_0 = arith.constant 0 : i32
    %c0_i32_1 = arith.constant 0 : i32
    return %c0_i32, %c0_i32_0 : i32, i32
  }
  func.func @transform_5(%arg0: i32, %arg1: i32) -> (i32, i32) {
    %c0_i32 = arith.constant 0 : i32
    %c0_i32_0 = arith.constant 0 : i32
    %c0_i32_1 = arith.constant 0 : i32
    return %c0_i32, %c0_i32_0 : i32, i32
  }
  func.func @transform_6(%arg0: i32, %arg1: i32) -> (i32, i32) {
    %c0_i32 = arith.constant 0 : i32
    %c0_i32_0 = arith.constant 0 : i32
    %c0_i32_1 = arith.constant 0 : i32
    return %c0_i32, %c0_i32_0 : i32, i32
  }
  func.func @transform_7(%arg0: i32, %arg1: i32) -> (i32, i32) {
    %c0_i32 = arith.constant 0 : i32
    %c0_i32_0 = arith.constant 0 : i32
    %c0_i32_1 = arith.constant 0 : i32
    return %c0_i32, %c0_i32_0 : i32, i32
  }
  func.func @transform_8(%arg0: i32, %arg1: i32) -> (i32, i32) {
    %c0_i32 = arith.constant 0 : i32
    %c0_i32_0 = arith.constant 0 : i32
    %c0_i32_1 = arith.constant 0 : i32
    return %c0_i32, %c0_i32_0 : i32, i32
  }
  func.func @transform_9(%arg0: i32, %arg1: i32) -> (i32, i32, i32) {
    %c0_i32 = arith.constant 0 : i32
    %c0_i32_0 = arith.constant 0 : i32
    return %arg0, %arg1, %c0_i32 : i32, i32, i32
  }
  func.func @transform_10(%arg0: i32, %arg1: i32) -> (i32, i32, i32) {
    %c0_i32 = arith.constant 0 : i32
    %c0_i32_0 = arith.constant 0 : i32
    return %arg0, %arg1, %c0_i32 : i32, i32, i32
  }
  func.func @transform_11(%arg0: i32, %arg1: i32) -> (i32, i32, i32) {
    %c0_i32 = arith.constant 0 : i32
    %c0_i32_0 = arith.constant 0 : i32
    return %arg0, %arg1, %c0_i32 : i32, i32, i32
  }
}

module attributes {stable_mosaic.version = 14 : i64} {
  func.func @_proj_body(%arg0: i32, %arg1: memref<544x256xf32, #tpu.memory_space<vmem>>, %arg2: memref<256x256xf32, #tpu.memory_space<vmem>>, %arg3: memref<1x256xf32, #tpu.memory_space<vmem>>, %arg4: memref<544x256xf32, #tpu.memory_space<vmem>>) attributes {dimension_semantics = [#tpu.dimension_semantics<arbitrary>], iteration_bounds = array<i64: 20>, scalar_prefetch = 0 : i64, scratch_operands = 0 : i64, tpu.core_type = #tpu.core_type<tc>, window_params = [{transform_indices = @transform_0, window_bounds = array<i64: 544, 256>}, {pipeline_mode = #tpu.pipeline_mode<synchronous>, transform_indices = @transform_1, window_bounds = array<i64: 256, 256>}, {pipeline_mode = #tpu.pipeline_mode<synchronous>, transform_indices = @transform_2, window_bounds = array<i64: 1, 256>}, {transform_indices = @transform_3, window_bounds = array<i64: 544, 256>}]} {
    %get3A = arith.constant 0 : index
    %get3A_0 = arith.constant 0 : index
    %get3A_1 = vector.load %arg1[%get3A, %get3A_0] : memref<544x256xf32, #tpu.memory_space<vmem>>, vector<544x256xf32>
    %get3A_2 = arith.constant 0 : index
    %get3A_3 = arith.constant 0 : index
    %get3A_4 = vector.load %arg2[%get3A_2, %get3A_3] : memref<256x256xf32, #tpu.memory_space<vmem>>, vector<256x256xf32>
    %dot_general3A = arith.constant dense<0.000000e+00> : vector<544x256xf32>
    %dot_general3A_5 = tpu.matmul %get3A_1, %get3A_4, %dot_general3A {dimension_numbers = #tpu.dot_dimension_numbers<[1], [0], [0], [1], [0, 0, 1, 1], [], []>, transpose_lhs_hint = false} : vector<544x256xf32>, vector<256x256xf32>, vector<544x256xf32> -> vector<544x256xf32>
    %get3A_6 = arith.constant 0 : index
    %get3A_7 = arith.constant 0 : index
    %get3A_8 = vector.load %arg3[%get3A_6, %get3A_7] : memref<1x256xf32, #tpu.memory_space<vmem>>, vector<1x256xf32>
    %add3A = vector.broadcast %get3A_8 : vector<1x256xf32> to vector<544x256xf32>
    %add3A_9 = arith.addf %dot_general3A_5, %add3A : vector<544x256xf32>
    %swap3A = arith.constant 0 : index
    %swap3A_10 = arith.constant 0 : index
    %swap3A_11 = vector.load %arg4[%swap3A, %swap3A_10] : memref<544x256xf32, #tpu.memory_space<vmem>>, vector<544x256xf32>
    tpu.vector_store %arg4[%swap3A, %swap3A_10], %add3A_9 {strides = array<i32>} : memref<544x256xf32, #tpu.memory_space<vmem>>, vector<544x256xf32>,
    return
  }
  func.func @transform_0(%arg0: i32) -> (i32, i32) {
    %c0_i32 = arith.constant 0 : i32
    %c0_i32_0 = arith.constant 0 : i32
    return %arg0, %c0_i32 : i32, i32
  }
  func.func @transform_1(%arg0: i32) -> (i32, i32) {
    %c0_i32 = arith.constant 0 : i32
    %c0_i32_0 = arith.constant 0 : i32
    %c0_i32_1 = arith.constant 0 : i32
    return %c0_i32, %c0_i32_0 : i32, i32
  }
  func.func @transform_2(%arg0: i32) -> (i32, i32) {
    %c0_i32 = arith.constant 0 : i32
    %c0_i32_0 = arith.constant 0 : i32
    %c0_i32_1 = arith.constant 0 : i32
    return %c0_i32, %c0_i32_0 : i32, i32
  }
  func.func @transform_3(%arg0: i32) -> (i32, i32) {
    %c0_i32 = arith.constant 0 : i32
    %c0_i32_0 = arith.constant 0 : i32
    return %arg0, %c0_i32 : i32, i32
  }
}

</mosaic_0001>

<sc_bundles>
// kernel: kernel.5.cloned.1.call-start
scs
__scs_entry_jumppad:
0x0: {  	(pc) =	sbr.rel $0x88, $3  }
0x1: {  	(tag) =	ssettag $0x0;
	lr =	simm.s32 $0x1  }
0x2: {  	[smem:$0x3F96] =	sst lr;
	_ =	strace $0xD0000000  }
0x3: {  	_ = 	snop  }
0x4: {  	_ = 	snop  }
0x5: {  	_ = 	snop  }
0x6: {  	_ = 	snop  }
0x7: {  	_ = 	snop  }
__scs_overlays_trampoline_lowered:
0x8: {  	[smem:$0x3FA5] =	sst s0  }
0x9: {  	[smem:$0x3FA6] =	sst s1  }
0xa: {  	[smem:$0x3FA7] =	sst s2  }
0xb: {  	[smem:$0x3FA8] =	sst s3  }
0xc: {  	[smem:$0x3FA9] =	sst s4  }
0xd: {  	[smem:$0x3FAA] =	sst s5  }
0xe: {  	[smem:$0x3FAB] =	sst s6  }
0xf: {  	[smem:$0x3FAC] =	sst s7  }
0x10: {  	[smem:$0x3FAD] =	sst s8  }
0x11: {  	[smem:$0x3FAE] =	sst s9;
	s0 =	simm.s32 @!p0 $0x0  }
0x12: {  	s1 =	sld [smem:$0x3F94];
	s0 =	simm.s32 @p0 $0x1  }
0x13: {  	[smem:$0x3FAF] =	sst s0;
	s0 =	simm.s32 @!p1 $0x0  }
0x14: {  	s2 =	sld [smem:$0x3F93];
	s0 =	simm.s32 @p1 $0x1  }
0x15: {  	[smem:$0x3FB0] =	sst s0;
	s0 =	simm.s32 @!p2 $0x0  }
0x16: {  	s3 =	sld [smem:$0x3FDB];
	s0 =	simm.s32 @p2 $0x1  }
0x17: {  	s4 =	simm.s32 $0x1BF5;
	[smem:$0x3FB2] =	sst s0  }
0x18: {  	s0 =	sld [smem:$0x3F95];
	_ =	swait.ge [sflag:s4], $0x0  }
0x19: {  	s7 =	sld [smem:$0x3F96]  }
0x1a: {  	s8 =	sadd.s32 $0xFFFFE003, lr  }
0x1b: {  	s9 =	sadd.s32 $0xFFFFFEF7, lr;
	s5 =	simm.s32 $0xFFFFFFFF;
	p2 =	slt.u32 s8, $0xFFFFF086  }
0x1c: {  	p1 =	slt.u32 s9, $0xF7A;
	s5 =	simm.s32 @!p2 $0x0  }
0x1d: {  	s5 =	simm.s32 @p1 $0x1;
	p0 =	seq.s32 s7, s2  }
0x1e: {  	s7 =	smul.u32 @!p0 $0xF7A, s2;
	p2 =	seq.s32 @!p0 s5, $0x0  }
0x1f: {  	s9 =	smul.u32 $0xF7A, s1;
	s8 =	simm.s32 @!p0 $0x1BF5;
	p2 =	por !p2, p0  }
0x20: {  	[sflag:s8] =	ssyncset.s32 @!p0 $0xFFFFF086;
	s6 =	sadd.s32 @!p0 s3, s7;
	s7 =	simm.s32 @!p0 $0x108  }
0x21: {  	s3 =	sadd.s32 s3, s9;
	s6 =	sadd.s32 @!p0 $0x88, s6;
	s7 =	simm.s32 @p2 $0x1082  }
0x22: {  	[simem:s7], [sflag:s8] =	dma.local @!p0 [hbm:s6], $0xF7A  }
0x23: {  	s9 =	sor.u32 $0xD0000000, s2;
	s6 =	simm.s32 $0x108;
	_ =	swait.ge @!p0 [sflag:s8], $0x0  }
0x24: {  	s3 =	sadd.s32 $0x88, s3;
	s6 =	simm.s32 @!p1 $0x1082;
	[sflag:s4] =	ssyncset.s32 $0xFFFFF086  }
0x25: {  	[simem:s6], [sflag:s4] =	dma.local [hbm:s3], $0xF7A  }
0x26: {  	[smem:$0x3F96] =	sst s1;
	(tag) =	ssettag s2;
	_ =	strace s9  }
0x27: {  	s1 =	sld [smem:$0x3FA6]  }
0x28: {  	s2 =	sld [smem:$0x3FA7]  }
0x29: {  	s4 =	sld [smem:$0x3FA9]  }
0x2a: {  	p0 =	seq.s32 s5, $0x0;
	s5 =	sld [smem:$0x3FAA]  }
0x2b: {  	s6 =	sld [smem:$0x3FAB]  }
0x2c: {  	s7 =	sld [smem:$0x3FAC]  }
0x2d: {  	s3 =	simm.s32 $0x108;
	s8 =	sld [smem:$0x3FAD]  }
0x2e: {  	s3 =	simm.s32 @!p0 $0x1082;
	s9 =	sld [smem:$0x3FAE]  }
0x2f: {  	lr =	sadd.s32 s0, s3;
	s0 =	sld [smem:$0x3FA5]  }
0x30: {  	s3 =	sld [smem:$0x3FA8]  }
0x31: {  	[smem:$0x3FB1] =	sst s10  }
0x32: {  	s10 =	sld [smem:$0x3FAF];
	_ =	sdelay $0x3  }
0x33: {  	p0 =	seq.s32 s10, $0x1;
	s10 =	sld [smem:$0x3FB1];
	_ =	sdelay $0x3  }
0x34: {  	[smem:$0x3FB1] =	sst s10  }
0x35: {  	s10 =	sld [smem:$0x3FB0];
	_ =	sdelay $0x3  }
0x36: {  	p1 =	seq.s32 s10, $0x1;
	s10 =	sld [smem:$0x3FB1];
	_ =	sdelay $0x3  }
0x37: {  	[smem:$0x3FB1] =	sst s10  }
0x38: {  	s10 =	sld [smem:$0x3FB2]  }
0x39: {  	_ = 	snop;
	(pc) =	sbr.ind lr, $3  }
0x3a: {  	_ = 	snop  }
0x3b: {  	_ = 	snop  }
0x3c: {  	p2 =	seq.s32 s10, $0x1;
	s10 =	sld [smem:$0x3FB1]  }
0x3d: {  	_ =	shalt  }
0x3e: {  	_ =	shalt  }
0x3f: {  	_ =	shalt  }
0x40: {  	_ =	shalt  }
0x41: {  	_ =	shalt  }
0x42: {  	_ =	shalt  }
0x43: {  	_ =	shalt  }
0x44: {  	_ =	shalt  }
0x45: {  	_ =	shalt  }
0x46: {  	_ =	shalt  }
0x47: {  	_ =	shalt  }
0x48: {  	_ =	shalt  }
0x49: {  	_ =	shalt  }
0x4a: {  	_ =	shalt  }
0x4b: {  	_ =	shalt  }
0x4c: {  	_ =	shalt  }
0x4d: {  	_ =	shalt  }
0x4e: {  	_ =	shalt  }
0x4f: {  	_ =	shalt  }
0x50: {  	_ =	shalt  }
0x51: {  	_ =	shalt  }
0x52: {  	_ =	shalt  }
0x53: {  	_ =	shalt  }
0x54: {  	_ =	shalt  }
0x55: {  	_ =	shalt  }
0x56: {  	_ =	shalt  }
0x57: {  	_ =	shalt  }
0x58: {  	_ =	shalt  }
0x59: {  	_ =	shalt  }
0x5a: {  	_ =	shalt  }
0x5b: {  	_ =	shalt  }
0x5c: {  	_ =	shalt  }
0x5d: {  	_ =	shalt  }
0x5e: {  	_ =	shalt  }
0x5f: {  	_ =	shalt  }
0x60: {  	_ =	shalt  }
0x61: {  	_ =	shalt  }
0x62: {  	_ =	shalt  }
0x63: {  	_ =	shalt  }
0x64: {  	_ =	shalt  }
0x65: {  	_ =	shalt  }
0x66: {  	_ =	shalt  }
0x67: {  	_ =	shalt  }
0x68: {  	_ =	shalt  }
0x69: {  	_ =	shalt  }
0x6a: {  	_ =	shalt  }
0x6b: {  	_ =	shalt  }
0x6c: {  	_ =	shalt  }
0x6d: {  	_ =	shalt  }
0x6e: {  	_ =	shalt  }
0x6f: {  	_ =	shalt  }
0x70: {  	_ =	shalt  }
0x71: {  	_ =	shalt  }
0x72: {  	_ =	shalt  }
0x73: {  	_ =	shalt  }
0x74: {  	_ =	shalt  }
0x75: {  	_ =	shalt  }
0x76: {  	_ =	shalt  }
0x77: {  	_ =	shalt  }
0x78: {  	_ =	shalt  }
0x79: {  	_ =	shalt  }
0x7a: {  	_ =	shalt  }
0x7b: {  	_ =	shalt  }
0x7c: {  	_ =	shalt  }
0x7d: {  	_ =	shalt  }
0x7e: {  	_ =	shalt  }
0x7f: {  	_ =	shalt  }
0x80: {  	_ =	shalt  }
0x81: {  	_ =	shalt  }
0x82: {  	_ =	shalt  }
0x83: {  	_ =	shalt  }
0x84: {  	_ =	shalt  }
0x85: {  	_ =	shalt  }
0x86: {  	_ =	shalt  }
0x87: {  	_ =	shalt  }
.Lfunc_end0:
.L_simem_size_0:
called_computation_lowered:
.L_overlay_start_0:
0x88: {  	s2 =	sld [smem:$0x3FD9]  }
0x89: {  	s3 =	sld [smem:$0x3FFE];
	_ =	sdelay $0x1  }
0x8a: {  	s1 =	srdreg.scid  }
0x8b: {  	s0 =	sand.u32 $0x1, s1  }
0x8c: {  	s17 =	sshll.u32 s0, $0xA;
	s2 =	sadd.s32 s3, s2  }
0x8d: {  	s2 =	sadd.s32 s2, s17  }
0x8e: {  	[smem:$0x3FBD] =	sst s2  }
0x8f: {  	_ = 	snop  }
0x90: {  	s2 =	sld [smem:$0x3FD0];
	(tm) =	ssettm $0x1  }
0x91: {  	s18 =	sld [smem:$0x3FFB];
	_ =	sdelay $0x3  }
0x92: {  	_ =	strace s18  }
0x93: {  	s3 =	sld [smem:$0x3FFC];
	_ =	sdelay $0x3  }
0x94: {  	_ =	strace s3  }
0x95: {  	s3 =	sld [smem:$0x3FFD];
	_ =	sdelay $0x3  }
0x96: {  	_ =	strace s3  }
0x97: {  	_ =	strace $0x8FFFFFFF  }
0x98: {  	s19 =	sld [smem:$0x3FDB];
	_ =	sdelay $0x1  }
0x99: {  	s4 =	simm.s32 $_scs_section_size  }
0x9a: {  	s5 =	simm.s32 $_size__tile_overlayer_lowered;
	s6 =	simm.s32 $_tile_overlayer_lowered  }
0x9b: {  	s22 =	simm.s32 $0x1BFF;
	s21 =	sshll.u32 s6, $0x1;
	s3 =	sadd.s32 s4, s19  }
0x9c: {  	s7 =	simm.s32 $0x0;
	s20 =	sshll.u32 s5, $0x1;
	s5 =	sadd.s32 s21, s3  }
0x9d: {  	[timem:s7], [sflag:s22] =	dma.local [hbm:s5], s20  }
0x9e: {  	_ =	swait.ge [sflag:s22], s20  }
0x9f: {  	s4 =	ssub.s32 $0x0, s20;
	[sflag:s22] =	ssyncset.done $0x0  }
0xa0: {  	[sflag:s22] =	ssyncadd.s32 s4;
	_ =	sdelay $0x1  }
0xa1: {  	s23 =	simm.s32 $0x1B8B  }
0xa2: {  	_ =	swait.ge [sflag:s23], $0x1  }
0xa3: {  	[sflag:s23] =	ssyncset.done $0x0  }
0xa4: {  	s25 =	simm.s32 $0x1B8E;
	s24 =	sld [smem:$0x3FFE];
	[sflag:s23] =	ssyncadd.s32 $0xFFFFFFFF  }
0xa5: {  	s26 =	simm.s32 $execute0_lowered;
	[smem:$0x3FD2] =	sst s25  }
0xa6: {  	s5 =	sshll.u32 s26, $0x1;
	_ =	strace $0x80000046;
	[dreg:$0x1] =	wrdreg $0xFFFFFFFF  }
0xa7: {  	s28 =	simm.s32 $_size_execute0_lowered;
	s3 =	sadd.s32 s3, s5;
	[dreg:$0x0] =	wrdreg $0x0  }
0xa8: {  	s5 =	sshll.u32 s28, $0x1;
	[dreg:$0x2] =	wrdreg s3  }
0xa9: {  	[dreg:$0x3] =	wrdreg s5  }
0xaa: {  	[dreg:$0x4] =	wrdreg $0xC0  }
0xab: {  	_ =	task [dreg:s7], $0x5FFFF  }
0xac: {  	[dreg:$0x1] =	wrdreg $0xFFFFFFFF  }
0xad: {  	[dreg:$0x0] =	wrdreg $0x60  }
0xae: {  	[dreg:$0x2] =	wrdreg s24  }
0xaf: {  	[dreg:$0x3] =	wrdreg s2  }
0xb0: {  	[dreg:$0x4] =	wrdreg $0x9  }
0xb1: {  	_ =	task.clear_ibuf [dreg:s7], $0x5FFFF;
	_ =	strace $0x90000046  }
0xb2: {  	s29 =	simm.s32 $0x9;
	_ =	strace $0x80000048  }
0xb3: {  	_ =	swait.ge [sflag:s29], $0x1  }
0xb4: {  	[sflag:s29] =	ssyncadd.s32 $0xFFFFFFFF  }
0xb5: {  	_ =	strace $0x90000048  }
0xb6: {  	_ =	sfence  }
0xb7: {  	s30 =	sld [smem:$0x0];
	_ =	sdelay $0x2  }
0xb8: {  	s31 =	sshll.u32 s1, $0xD;
	s1 =	sshrl.u32 s1, $0x2  }
0xb9: {  	s3 =	sand.u32 $0x4000, s31;
	s1 =	sadd.s32 s1, s30  }
0xba: {  	s0 =	sor.u32 s3, s0;
	s1 =	sshll.u32 s1, $0x11  }
0xbb: {  	s0 =	sor.u32 s1, s0  }
0xbc: {  	s0 =	sadd.s32 $0x8F2B, s0  }
0xbd: {  	[sflag:s0] =	ssyncadd.remote.s32 $0x1  }
0xbe: {  	_ =	sfence.sel $0xFFFF  }
0xbf: {  	[dreg:$0x0] =	wrdreg $0xFFFFFFFF;
	(pc) =	sbr.abs _section_cstart, $3  }
0xc0: {  	[dreg:$0x1] =	wrdreg $0xFFFFFFFF  }
0xc1: {  	_ =	task.clear_ibuf [dreg:s7], $0x2FFFF;
	_ =	strace $0x9FFFFFFF  }
0xc2: {  	(tm) =	ssettm $0x7FFFFFFF  }
0xc3: {  	_ =	shalt  }
tec
execute0_lowered:
.L_overlay_start_1:
0x0: {  	(tag) =	ssettag $0x1  }
0x1: {  	s2 =	rddreg [dreg:$0x0]  }
0x2: {  	s3 =	rddreg [dreg:$0x1];
	s0 =	srdreg.scid  }
0x3: {  	s1 =	stileid.u32;
	s4 =	simm.s32 $0x0;
	s13 =	simm.s32 $0x4  }
0x4: {  	s15 =	simm.s32 $0x600;
	s18 =	simm.s32 $0x8800;
	s19 =	simm.s32 $0xA00  }
0x5: {  	s20 =	simm.s32 $0x1E00;
	s21 =	simm.s32 $0x1;
	s22 =	simm.s32 $0x2  }
0x6: {  	s23 =	simm.s32 $0x0;
	s0 =	sand.u32 $0x1, s0;
	s1 =	sshll.u32 s1, $0x1  }
0x7: {  	[smem:$0x7FF] =	sst s4;
	s5 =	sadd.s32 $0xAA000, s2;
	s1 =	sor.u32 s0, s1  }
0x8: {  	s6 =	sadd.s32 $0x154000, s2;
	s0 =	ssub.s32 $0x2, s0;
	s7 =	smul.u32 $0x2A800, s1  }
0x9: {  	_ =	strace $0x80000047;
	s8 =	sshrl.u32 s0, $0x1;
	s9 =	smul.u32 $0x5500, s1  }
0xa: {  	s0 =	ssub.s32 s0, s8;
	s10 =	sshrl.u32 s7, $0x3;
	s7 =	smul.u32 $0x154, s1  }
0xb: {  	s8 =	sadd.s32 s2, s9;
	s9 =	sadd.s32 s6, s9;
	s31 =	sadd.s32 $0x140, s10  }
0xc: {  	s12 =	smax.u32 s0, $0x1;
	s10 =	sadd.s32 s2, s31;
	s11 =	sadd.s32 s6, s31  }
.LBB2_1:
0xd: {  	[tilespmem:s4], [sflag:$0x4] =	stream.linear.gather [hbm4b:s8+s4], $0xA00, $0x38;
	[tilespmem:$0x17200] =	vst v63  }
0xe: {  	_ =	swait.ge [sflag:s13], $0xA00  }
0xf: {  	[sflag:s13] =	ssyncset.done $0x0  }
0x10: {  	s0 =	simm.s32 $0x1400;
	[sflag:s13] =	ssyncadd.s32 $0xFFFFF600  }
0x11: {  	[tilespmem:s0], [sflag:$0x4] =	stream.linear.gather [hbm4b:s9+s4], $0xA00, $0x38;
	[tilespmem:$0x17200] =	vst v63  }
0x12: {  	_ =	swait.ge [sflag:s13], $0xA00  }
0x13: {  	[sflag:s13] =	ssyncset.done $0x0  }
0x14: {  	s30 =	simm.s32 $0x2800;
	[sflag:s13] =	ssyncadd.s32 $0xFFFFF600  }
0x15: {  	[tilespmem:s30], [sflag:$0x1] =	stream.indirect.gather [hbm4b:s5+s15], $0x10, s4, s15, $0xb8;
	[tilespmem:$0x17200] =	vst v63  }
0x16: {  	s31 =	simm.s32 $0x400  }
0x17: {  	[tilespmem:s18], [sflag:$0x1] =	stream.indirect.gather [hbm4b:s5+s31], $0x10, s15, s31, $0xb8;
	[tilespmem:$0x17200] =	vst v63  }
0x18: {  	_ = 	snop  }
0x19: {  	[tilespmem:s19], [sflag:$0x3] =	stream.linear.gather [hbm4b:s10+s4], $0xA00, $0x38;
	[tilespmem:$0x17200] =	vst v63  }
0x1a: {  	p0 =	por $0x0, $0x0;
	s24 =	simm.s32 $0x0  }
0x1b: {  	[tilespmem:s20], [sflag:$0x3] =	stream.linear.gather [hbm4b:s11+s4], $0xA00, $0x38;
	[tilespmem:$0x17200] =	vst v63  }
.LBB2_2:
0x1c: {  	p2 =	seq.s32 s24, $0x43  }
0x1d: {  	s1 =	simm.s32 @!p2 $0x3  }
0x1e: {  	_ =	swait.ge @!p2 [sflag:s1], $0xA00  }
0x1f: {  	s0 =	sand.u32 $0x1, s24;
	[sflag:s1] =	ssyncset.done @!p2 $0x0  }
0x20: {  	s17 =	smul.u32 $0x5, s24;
	s14 =	sxor.u32 @!p2 $0x1, s0;
	[sflag:s1] =	ssyncadd.s32 @!p2 $0xFFFFF600  }
0x21: {  	p1 =	sgt.u32 s24, $0x41;
	s16 =	smul.u32 @!p2 $0x28000, s14;
	_ =	swait.ge @!p2 [sflag:s1], $0xA00  }
0x22: {  	s25 =	simm.s32 @!p2 $0x600;
	s14 =	smul.u32 @!p2 $0x2800, s14;
	[sflag:s1] =	ssyncset.done @!p2 $0x0  }
0x23: {  	s26 =	simm.s32 @!p1 $0x0;
	[sflag:s1] =	ssyncadd.s32 @!p2 $0xFFFFF600;
	s1 =	sshrl.u32 @!p2 s16, $0x2  }
0x24: {  	s29 =	smul.u32 $0x28000, s0;
	s14 =	sshrl.u32 @!p2 s14, $0x2;
	s16 =	sadd.s32 @!p2 $0x2800, s1  }
0x25: {  	[tilespmem:s16], [sflag:$0x1] =	stream.indirect.gather @!p2 [hbm4b:s5+s25], $0x10, s14, s25, $0xb8;
	[tilespmem:$0x17200] =	vst v63  }
0x26: {  	s28 =	sadd.s32 s7, s17;
	s1 =	sadd.s32 @!p2 $0x8800, s1;
	s16 =	sadd.s32 $0x2, s24  }
0x27: {  	s14 =	sadd.s32 @!p2 $0x600, s14;
	s25 =	simm.s32 @!p2 $0x400;
	s16 =	smul.u32 @!p1 $0x5, s16  }
0x28: {  	[tilespmem:s1], [sflag:$0x1] =	stream.indirect.gather @!p2 [hbm4b:s5+s25], $0x10, s14, s25, $0xb8;
	[tilespmem:$0x17200] =	vst v63  }
0x29: {  	s1 =	smul.u32 $0x2800, s0;
	p2 =	slt.u32 @!p1 s24, $0x2;
	s14 =	sadd.s32 @!p1 s7, s16  }
0x2a: {  	s0 =	smul.u32 $0x1400, s0;
	_ =	swait.ge [sflag:s21], $0x6000;
	s14 =	sshll.u32 @!p1 s14, $0x6  }
0x2b: {  	s24 =	sadd.s32 $0x1, s24;
	[sflag:s21] =	ssyncset.done $0x0;
	s25 =	sand.u32 @!p1 $0x1FFFFFC0, s14  }
0x2c: {  	[sflag:s21] =	ssyncadd.s32 $0xFFFFA000;
	s14 =	sshrl.u32 @!p1 s1, $0x2;
	s16 =	sadd.s32 @!p1 s2, s25  }
0x2d: {  	[tilespmem:s14], [sflag:$0x3] =	stream.linear.gather @!p1 [hbm4b:s16+s26], $0xA00, $0x38;
	[tilespmem:$0x17200] =	vst v63  }
0x2e: {  	p2 =	por p1, !p2;
	s0 =	sshrl.u32 s0, $0x2;
	s14 =	simm.s32 $0x1  }
0x2f: {  	s1 =	sshrl.u32 s1, $0x2;
	s30 =	sor.u32 $0x16800, s0;
	s14 =	simm.s32 @!p0 $0x0  }
0x30: {  	s0 =	simm.s32 $0x0;
	s16 =	sshrl.u32 s29, $0x2;
	s14 =	smul.u32 $0x1400, s14  }
0x31: {  	s29 =	sadd.s32 $0x1400, s1;
	s1 =	simm.s32 $0x0;
	_ =	swait.ge @p2 [sflag:s22], $0x500  }
0x32: {  	s17 =	sadd.s32 $0x2800, s16;
	[sflag:s22] =	ssyncset.done @p2 $0x0;
	s14 =	sshrl.u32 s14, $0x2  }
0x33: {  	v0 =	vmov s17;
	[sflag:s22] =	ssyncadd.s32 @p2 $0xFFFFFB00;
	s26 =	sadd.s32 $0x16B10, s14;
	s31 =	sor.u32 $0x16810, s14  }
.LBB2_3:
0x34: {  	s14 =	sand.u32 $0x600, s1  }
0x35: {  	s17 =	sand.u32 $0x70, s0;
	s16 =	sadd.s32 s14, s29  }
0x36: {  	s14 =	sor.u32 s17, s14;
	s16 =	sadd.s32 s17, s16  }
0x37: {  	s14 =	sshll.u32 s14, $0x4;
	v2 =	vld [tilespmem:s16+$0x0]  }
0x38: {  	v1 =	vld.idx.msk [tilespmem:v0+s14+$0x0 ss:$0x1], $0xffff;
	_ =	sdelay $0x1  }
0x39: {  	v3 =	vld.idx.msk [tilespmem:v0+s14+$0x10 ss:$0x1], $0xffff;
	_ =	sdelay $0x1  }
0x3a: {  	v6 =	vld.idx.msk [tilespmem:v0+s14+$0x20 ss:$0x1], $0xffff;
	v4 =	vbroadcast v2, $0x0  }
0x3b: {  	v5 =	vunpack.i.l.bf16.f32 v1;
	v1 =	vunpack.i.u.bf16.f32 v1  }
0x3c: {  	v7 =	vbroadcast v2, $0x1;
	v1 =	vmul.f32 v1, v4  }
0x3d: {  	v8 =	vld.idx.msk [tilespmem:v0+s14+$0x30 ss:$0x1], $0xffff;
	v47 =	vunpack.i.l.bf16.f32 v3;
	v3 =	vunpack.i.u.bf16.f32 v3  }
0x3e: {  	v9 =	vbroadcast v2, $0x2;
	v3 =	vmul.f32 v3, v7;
	v1 =	vadd.f32 $0.0e+00, v1  }
0x3f: {  	v49 =	vld.idx.msk [tilespmem:v0+s14+$0x40 ss:$0x1], $0xffff;
	v48 =	vunpack.i.l.bf16.f32 v6;
	v6 =	vunpack.i.u.bf16.f32 v6  }
0x40: {  	v1 =	vadd.f32 v3, v1;
	v3 =	vmul.f32 v6, v9  }
0x41: {  	v10 =	vbroadcast v2, $0x3  }
0x42: {  	v51 =	vld.idx.msk [tilespmem:v0+s14+$0x50 ss:$0x1], $0xffff;
	v1 =	vadd.f32 v3, v1;
	v3 =	vunpack.i.u.bf16.f32 v8  }
0x43: {  	v55 =	vld.idx.msk [tilespmem:v0+s14+$0x60 ss:$0x1], $0xffff;
	v53 =	vbroadcast v2, $0x4;
	v3 =	vmul.f32 v3, v10  }
0x44: {  	v5 =	vmul.f32 v5, v4;
	v4 =	vmul.f32 v47, v7;
	v7 =	vunpack.i.u.bf16.f32 v49  }
0x45: {  	v58 =	vld.idx.msk [tilespmem:v0+s14+$0x70 ss:$0x1], $0xffff;
	v1 =	vadd.f32 v3, v1;
	v3 =	vmul.f32 v7, v53  }
0x46: {  	v62 =	vld.idx.msk [tilespmem:v0+s14+$0x80 ss:$0x1], $0xffff;
	v50 =	vunpack.i.l.bf16.f32 v8;
	v54 =	vunpack.i.l.bf16.f32 v49;
	v56 =	vbroadcast v2, $0x5  }
0x47: {  	v57 =	vunpack.i.l.bf16.f32 v51;
	v1 =	vadd.f32 v3, v1;
	v3 =	vunpack.i.u.bf16.f32 v51  }
0x48: {  	v13 =	vld.idx.msk [tilespmem:v0+s14+$0x90 ss:$0x1], $0xffff;
	v60 =	vbroadcast v2, $0x6;
	v61 =	vunpack.i.l.bf16.f32 v55;
	v3 =	vmul.f32 v3, v56  }
0x49: {  	v63 =	vbroadcast v2, $0x7;
	v5 =	vadd.f32 $0.0e+00, v5;
	v8 =	vunpack.i.u.bf16.f32 v55  }
0x4a: {  	v12 =	vunpack.i.l.bf16.f32 v58;
	v1 =	vadd.f32 v3, v1;
	v3 =	vmul.f32 v8, v60  }
0x4b: {  	v17 =	vld.idx.msk [tilespmem:v0+s14+$0xA0 ss:$0x1], $0xffff;
	v15 =	vbroadcast v2, $0x8;
	v16 =	vunpack.i.l.bf16.f32 v62;
	v4 =	vadd.f32 v4, v5  }
0x4c: {  	v5 =	vmul.f32 v48, v9;
	v1 =	vadd.f32 v3, v1;
	v3 =	vunpack.i.u.bf16.f32 v58  }
0x4d: {  	v18 =	vbroadcast v2, $0x9;
	v19 =	vunpack.i.l.bf16.f32 v13;
	v3 =	vmul.f32 v3, v63  }
0x4e: {  	v20 =	vld.idx.msk [tilespmem:v0+s14+$0xB0 ss:$0x1], $0xffff;
	v52 =	vmul.f32 v50, v10;
	v9 =	vunpack.i.u.bf16.f32 v62;
	v4 =	vadd.f32 v5, v4  }
0x4f: {  	v22 =	vbroadcast v2, $0xA;
	v1 =	vadd.f32 v3, v1;
	v3 =	vmul.f32 v9, v15  }
0x50: {  	v24 =	vld.idx.msk [tilespmem:v0+s14+$0xC0 ss:$0x1], $0xffff;
	v23 =	vunpack.i.l.bf16.f32 v17;
	v5 =	vmul.f32 v54, v53;
	v4 =	vadd.f32 v52, v4  }
0x51: {  	v25 =	vbroadcast v2, $0xB;
	v1 =	vadd.f32 v3, v1;
	v3 =	vunpack.i.u.bf16.f32 v13  }
0x52: {  	v27 =	vld.idx.msk [tilespmem:v0+s14+$0xD0 ss:$0x1], $0xffff;
	v59 =	vmul.f32 v57, v56;
	v4 =	vadd.f32 v5, v4;
	v3 =	vmul.f32 v3, v18  }
0x53: {  	v26 =	vunpack.i.l.bf16.f32 v20;
	v7 =	vunpack.i.u.bf16.f32 v17;
	v5 =	vmul.f32 v61, v60  }
0x54: {  	v4 =	vadd.f32 v59, v4;
	v1 =	vadd.f32 v3, v1;
	v3 =	vmul.f32 v7, v22  }
0x55: {  	v29 =	vbroadcast v2, $0xC;
	v30 =	vunpack.i.l.bf16.f32 v24;
	v14 =	vmul.f32 v12, v63  }
0x56: {  	v34 =	vld.idx.msk [tilespmem:v0+s14+$0xF0 ss:$0x1], $0xffff;
	v4 =	vadd.f32 v5, v4;
	v1 =	vadd.f32 v3, v1;
	v3 =	vunpack.i.u.bf16.f32 v20  }
0x57: {  	v32 =	vbroadcast v2, $0xD;
	v36 =	vunpack.i.u.bf16.f32 v27;
	v3 =	vmul.f32 v3, v25  }
0x58: {  	v31 =	vld.idx.msk [tilespmem:v0+s14+$0xE0 ss:$0x1], $0xffff;
	v5 =	vmul.f32 v16, v15;
	v8 =	vunpack.i.u.bf16.f32 v24;
	v4 =	vadd.f32 v14, v4  }
0x59: {  	v37 =	vbroadcast v2, $0xE;
	v1 =	vadd.f32 v3, v1;
	v3 =	vmul.f32 v8, v29  }
0x5a: {  	v2 =	vbroadcast v2, $0xF;
	v21 =	vmul.f32 v19, v18;
	v4 =	vadd.f32 v5, v4  }
0x5b: {  	v42 =	vunpack.i.l.bf16.f32 v34;
	v45 =	vunpack.i.u.bf16.f32 v34;
	v3 =	vadd.f32 v3, v1;
	v1 =	vld [tilespmem:s16+$0x80]  }
0x5c: {  	v40 =	vld.idx.msk [tilespmem:v0+s14+$0x800 ss:$0x1], $0xffff;
	v38 =	vmul.f32 v36, v32;
	v5 =	vmul.f32 v23, v22;
	v4 =	vadd.f32 v21, v4  }
0x5d: {  	v28 =	vmul.f32 v26, v25;
	v44 =	vmul.f32 v42, v2;
	v9 =	vunpack.i.u.bf16.f32 v31  }
0x5e: {  	v41 =	vmul.f32 v9, v37;
	v4 =	vadd.f32 v5, v4;
	v3 =	vadd.f32 v38, v3  }
0x5f: {  	v43 =	vld.idx.msk [tilespmem:v0+s14+$0x810 ss:$0x1], $0xffff;
	v33 =	vunpack.i.l.bf16.f32 v27;
	v2 =	vmul.f32 v45, v2;
	v5 =	vmul.f32 v30, v29  }
0x60: {  	v4 =	vadd.f32 v28, v4;
	v3 =	vadd.f32 v41, v3;
	v46 =	vbroadcast v1, $0x0  }
0x61: {  	v39 =	vunpack.i.l.bf16.f32 v31;
	v35 =	vmul.f32 v33, v32;
	v49 =	vunpack.i.u.bf16.f32 v40;
	v48 =	vld.idx.msk [tilespmem:v0+s14+$0x820 ss:$0x1], $0xffff  }
0x62: {  	v4 =	vadd.f32 v5, v4;
	v2 =	vadd.f32 v2, v3;
	v3 =	vmul.f32 v49, v46  }
0x63: {  	v6 =	vmul.f32 v39, v37;
	v50 =	vbroadcast v1, $0x1  }
0x64: {  	v52 =	vld.idx.msk [tilespmem:v0+s14+$0x830 ss:$0x1], $0xffff;
	v4 =	vadd.f32 v35, v4;
	v2 =	vadd.f32 v3, v2;
	v3 =	vunpack.i.u.bf16.f32 v43  }
0x65: {  	v56 =	vld.idx.msk [tilespmem:v0+s14+$0x840 ss:$0x1], $0xffff;
	v54 =	vbroadcast v1, $0x2;
	v3 =	vmul.f32 v3, v50  }
0x66: {  	v59 =	vld.idx.msk [tilespmem:v0+s14+$0x850 ss:$0x1], $0xffff;
	v4 =	vadd.f32 v6, v4;
	v6 =	vunpack.i.u.bf16.f32 v48  }
0x67: {  	v63 =	vld.idx.msk [tilespmem:v0+s14+$0x860 ss:$0x1], $0xffff;
	v2 =	vadd.f32 v3, v2;
	v3 =	vmul.f32 v6, v54  }
0x68: {  	v47 =	vunpack.i.l.bf16.f32 v40;
	v21 =	vld.idx.msk [tilespmem:v0+s14+$0x890 ss:$0x1], $0xffff;
	v57 =	vbroadcast v1, $0x3  }
0x69: {  	v55 =	vunpack.i.l.bf16.f32 v48;
	v2 =	vadd.f32 v3, v2;
	v3 =	vunpack.i.u.bf16.f32 v52  }
0x6a: {  	v51 =	vunpack.i.l.bf16.f32 v43;
	v61 =	vbroadcast v1, $0x4;
	v3 =	vmul.f32 v3, v57  }
0x6b: {  	v58 =	vunpack.i.l.bf16.f32 v52;
	v14 =	vld.idx.msk [tilespmem:v0+s14+$0x870 ss:$0x1], $0xffff;
	v62 =	vunpack.i.l.bf16.f32 v56;
	v9 =	vunpack.i.u.bf16.f32 v56  }
0x6c: {  	v13 =	vunpack.i.l.bf16.f32 v59;
	v2 =	vadd.f32 v3, v2;
	v3 =	vmul.f32 v9, v61  }
0x6d: {  	v17 =	vunpack.i.l.bf16.f32 v63;
	v18 =	vld.idx.msk [tilespmem:v0+s14+$0x880 ss:$0x1], $0xffff;
	v27 =	vunpack.i.l.bf16.f32 v21;
	v12 =	vbroadcast v1, $0x5  }
0x6e: {  	v16 =	vbroadcast v1, $0x6;
	v2 =	vadd.f32 v3, v2;
	v3 =	vunpack.i.u.bf16.f32 v59  }
0x6f: {  	v4 =	vadd.f32 v44, v4;
	v5 =	vmul.f32 v47, v46;
	v3 =	vmul.f32 v3, v12  }
0x70: {  	v28 =	vld.idx.msk [tilespmem:v0+s14+$0x8B0 ss:$0x1], $0xffff;
	v20 =	vunpack.i.l.bf16.f32 v14;
	v8 =	vunpack.i.u.bf16.f32 v63;
	v53 =	vmul.f32 v51, v50  }
0x71: {  	v25 =	vld.idx.msk [tilespmem:v0+s14+$0x8A0 ss:$0x1], $0xffff;
	v4 =	vadd.f32 v5, v4;
	v2 =	vadd.f32 v3, v2;
	v3 =	vmul.f32 v8, v16  }
0x72: {  	v24 =	vunpack.i.l.bf16.f32 v18;
	v19 =	vbroadcast v1, $0x7;
	v5 =	vmul.f32 v55, v54  }
0x73: {  	v4 =	vadd.f32 v53, v4;
	v2 =	vadd.f32 v3, v2;
	v3 =	vunpack.i.u.bf16.f32 v14  }
0x74: {  	v7 =	vunpack.i.u.bf16.f32 v18;
	v23 =	vbroadcast v1, $0x8;
	v3 =	vmul.f32 v3, v19  }
0x75: {  	v34 =	vunpack.i.l.bf16.f32 v28;
	v60 =	vmul.f32 v58, v57;
	v4 =	vadd.f32 v5, v4  }
0x76: {  	v31 =	vunpack.i.l.bf16.f32 v25;
	v2 =	vadd.f32 v3, v2;
	v3 =	vmul.f32 v7, v23  }
0x77: {  	v32 =	vld.idx.msk [tilespmem:v0+s14+$0x8C0 ss:$0x1], $0xffff;
	v26 =	vbroadcast v1, $0x9;
	v5 =	vmul.f32 v62, v61;
	v4 =	vadd.f32 v60, v4  }
0x78: {  	v30 =	vbroadcast v1, $0xA;
	v2 =	vadd.f32 v3, v2;
	v3 =	vunpack.i.u.bf16.f32 v21  }
0x79: {  	v35 =	vld.idx.msk [tilespmem:v0+s14+$0x8D0 ss:$0x1], $0xffff;
	v15 =	vmul.f32 v13, v12;
	v4 =	vadd.f32 v5, v4;
	v3 =	vmul.f32 v3, v26  }
0x7a: {  	v33 =	vbroadcast v1, $0xB;
	v5 =	vmul.f32 v17, v16;
	v9 =	vunpack.i.u.bf16.f32 v25  }
0x7b: {  	v4 =	vadd.f32 v15, v4;
	v2 =	vadd.f32 v3, v2;
	v3 =	vmul.f32 v9, v30  }
0x7c: {  	v38 =	vunpack.i.l.bf16.f32 v32;
	v37 =	vbroadcast v1, $0xC;
	v22 =	vmul.f32 v20, v19  }
0x7d: {  	v4 =	vadd.f32 v5, v4;
	v2 =	vadd.f32 v3, v2;
	v3 =	vunpack.i.u.bf16.f32 v28  }
0x7e: {  	v42 =	vld.idx.msk [tilespmem:v0+s14+$0x8F0 ss:$0x1], $0xffff;
	v44 =	vunpack.i.u.bf16.f32 v35;
	v40 =	vbroadcast v1, $0xD;
	v3 =	vmul.f32 v3, v33  }
0x7f: {  	v39 =	vld.idx.msk [tilespmem:v0+s14+$0x8E0 ss:$0x1], $0xffff;
	v5 =	vmul.f32 v24, v23;
	v8 =	vunpack.i.u.bf16.f32 v32;
	v4 =	vadd.f32 v22, v4  }
0x80: {  	v45 =	vbroadcast v1, $0xE;
	v2 =	vadd.f32 v3, v2;
	v3 =	vmul.f32 v8, v37  }
0x81: {  	v1 =	vbroadcast v1, $0xF;
	v29 =	vmul.f32 v27, v26;
	v4 =	vadd.f32 v5, v4  }
0x82: {  	v36 =	vmul.f32 v34, v33;
	v46 =	vmul.f32 v44, v40;
	v3 =	vadd.f32 v3, v2;
	v2 =	vld [tilespmem:s16+$0x100]  }
0x83: {  	v48 =	vld.idx.msk [tilespmem:v0+s14+$0x1000 ss:$0x1], $0xffff;
	v50 =	vunpack.i.l.bf16.f32 v42;
	v5 =	vmul.f32 v31, v30;
	v4 =	vadd.f32 v29, v4  }
0x84: {  	v53 =	vunpack.i.u.bf16.f32 v42;
	v52 =	vmul.f32 v50, v1;
	v7 =	vunpack.i.u.bf16.f32 v39  }
0x85: {  	v49 =	vmul.f32 v7, v45;
	v4 =	vadd.f32 v5, v4;
	v3 =	vadd.f32 v46, v3  }
0x86: {  	v41 =	vunpack.i.l.bf16.f32 v35;
	v51 =	vld.idx.msk [tilespmem:v0+s14+$0x1010 ss:$0x1], $0xffff;
	v1 =	vmul.f32 v53, v1;
	v5 =	vmul.f32 v38, v37  }
0x87: {  	v4 =	vadd.f32 v36, v4;
	v3 =	vadd.f32 v49, v3;
	v54 =	vbroadcast v2, $0x0  }
0x88: {  	v56 =	vld.idx.msk [tilespmem:v0+s14+$0x1020 ss:$0x1], $0xffff;
	v47 =	vunpack.i.l.bf16.f32 v39;
	v43 =	vmul.f32 v41, v40;
	v57 =	vunpack.i.u.bf16.f32 v48  }
0x89: {  	v60 =	vld.idx.msk [tilespmem:v0+s14+$0x1030 ss:$0x1], $0xffff;
	v4 =	vadd.f32 v5, v4;
	v1 =	vadd.f32 v1, v3;
	v3 =	vmul.f32 v57, v54  }
0x8a: {  	v6 =	vmul.f32 v47, v45;
	v15 =	vld.idx.msk [tilespmem:v0+s14+$0x1050 ss:$0x1], $0xffff;
	v58 =	vbroadcast v2, $0x1  }
0x8b: {  	v12 =	vld.idx.msk [tilespmem:v0+s14+$0x1040 ss:$0x1], $0xffff;
	v4 =	vadd.f32 v43, v4;
	v1 =	vadd.f32 v3, v1;
	v3 =	vunpack.i.u.bf16.f32 v51  }
0x8c: {  	v22 =	vld.idx.msk [tilespmem:v0+s14+$0x1070 ss:$0x1], $0xffff;
	v62 =	vbroadcast v2, $0x2;
	v3 =	vmul.f32 v3, v58  }
0x8d: {  	v19 =	vld.idx.msk [tilespmem:v0+s14+$0x1060 ss:$0x1], $0xffff;
	v4 =	vadd.f32 v6, v4;
	v6 =	vunpack.i.u.bf16.f32 v56  }
0x8e: {  	v63 =	vunpack.i.l.bf16.f32 v56;
	v29 =	vld.idx.msk [tilespmem:v0+s14+$0x1090 ss:$0x1], $0xffff;
	v1 =	vadd.f32 v3, v1;
	v3 =	vmul.f32 v6, v62  }
0x8f: {  	v55 =	vunpack.i.l.bf16.f32 v48;
	v59 =	vunpack.i.l.bf16.f32 v51;
	v26 =	vld.idx.msk [tilespmem:v0+s14+$0x1080 ss:$0x1], $0xffff;
	v13 =	vbroadcast v2, $0x3  }
0x90: {  	v14 =	vunpack.i.l.bf16.f32 v60;
	v1 =	vadd.f32 v3, v1;
	v3 =	vunpack.i.u.bf16.f32 v60  }
0x91: {  	v18 =	vunpack.i.l.bf16.f32 v12;
	v17 =	vbroadcast v2, $0x4;
	v3 =	vmul.f32 v3, v13  }
0x92: {  	v21 =	vunpack.i.l.bf16.f32 v15;
	v25 =	vunpack.i.l.bf16.f32 v19;
	v9 =	vunpack.i.u.bf16.f32 v12  }
0x93: {  	v35 =	vunpack.i.l.bf16.f32 v29;
	v1 =	vadd.f32 v3, v1;
	v3 =	vmul.f32 v9, v17  }
0x94: {  	v36 =	vld.idx.msk [tilespmem:v0+s14+$0x10B0 ss:$0x1], $0xffff;
	v28 =	vunpack.i.l.bf16.f32 v22;
	v32 =	vunpack.i.l.bf16.f32 v26;
	v20 =	vbroadcast v2, $0x5  }
0x95: {  	v24 =	vbroadcast v2, $0x6;
	v1 =	vadd.f32 v3, v1;
	v3 =	vunpack.i.u.bf16.f32 v15  }
0x96: {  	v12 =	vld.idx.msk [tilespmem:v0+s14+$0x1820 ss:$0x1], $0xffff;
	v4 =	vadd.f32 v52, v4;
	v5 =	vmul.f32 v55, v54;
	v3 =	vmul.f32 v3, v20  }
0x97: {  	v33 =	vld.idx.msk [tilespmem:v0+s14+$0x10A0 ss:$0x1], $0xffff;
	v7 =	vunpack.i.u.bf16.f32 v26;
	v8 =	vunpack.i.u.bf16.f32 v19;
	v61 =	vmul.f32 v59, v58  }
0x98: {  	v43 =	vld.idx.msk [tilespmem:v0+s14+$0x10D0 ss:$0x1], $0xffff;
	v4 =	vadd.f32 v5, v4;
	v1 =	vadd.f32 v3, v1;
	v3 =	vmul.f32 v8, v24  }
0x99: {  	v42 =	vunpack.i.l.bf16.f32 v36;
	v27 =	vbroadcast v2, $0x7;
	v5 =	vmul.f32 v63, v62  }
0x9a: {  	v4 =	vadd.f32 v61, v4;
	v1 =	vadd.f32 v3, v1;
	v3 =	vunpack.i.u.bf16.f32 v22  }
0x9b: {  	v19 =	vunpack.i.l.bf16.f32 v12;
	v31 =	vbroadcast v2, $0x8;
	v3 =	vmul.f32 v3, v27  }
0x9c: {  	v39 =	vunpack.i.l.bf16.f32 v33;
	v16 =	vmul.f32 v14, v13;
	v4 =	vadd.f32 v5, v4  }
0x9d: {  	v52 =	vunpack.i.u.bf16.f32 v43;
	v1 =	vadd.f32 v3, v1;
	v3 =	vmul.f32 v7, v31  }
0x9e: {  	v40 =	vld.idx.msk [tilespmem:v0+s14+$0x10C0 ss:$0x1], $0xffff;
	v34 =	vbroadcast v2, $0x9;
	v5 =	vmul.f32 v18, v17;
	v4 =	vadd.f32 v16, v4  }
0x9f: {  	v38 =	vbroadcast v2, $0xA;
	v1 =	vadd.f32 v3, v1;
	v3 =	vunpack.i.u.bf16.f32 v29  }
0xa0: {  	v23 =	vmul.f32 v21, v20;
	v4 =	vadd.f32 v5, v4;
	v3 =	vmul.f32 v3, v34  }
0xa1: {  	v41 =	vbroadcast v2, $0xB;
	v5 =	vmul.f32 v25, v24;
	v9 =	vunpack.i.u.bf16.f32 v33  }
0xa2: {  	v4 =	vadd.f32 v23, v4;
	v1 =	vadd.f32 v3, v1;
	v3 =	vmul.f32 v9, v38  }
0xa3: {  	v46 =	vunpack.i.l.bf16.f32 v40;
	v45 =	vbroadcast v2, $0xC;
	v30 =	vmul.f32 v28, v27  }
0xa4: {  	v4 =	vadd.f32 v5, v4;
	v1 =	vadd.f32 v3, v1;
	v3 =	vunpack.i.u.bf16.f32 v36  }
0xa5: {  	v50 =	vld.idx.msk [tilespmem:v0+s14+$0x10F0 ss:$0x1], $0xffff;
	v49 =	vunpack.i.l.bf16.f32 v43;
	v48 =	vbroadcast v2, $0xD;
	v3 =	vmul.f32 v3, v41  }
0xa6: {  	v47 =	vld.idx.msk [tilespmem:v0+s14+$0x10E0 ss:$0x1], $0xffff;
	v5 =	vmul.f32 v32, v31;
	v8 =	vunpack.i.u.bf16.f32 v40;
	v4 =	vadd.f32 v30, v4  }
0xa7: {  	v53 =	vbroadcast v2, $0xE;
	v1 =	vadd.f32 v3, v1;
	v3 =	vmul.f32 v8, v45  }
0xa8: {  	v2 =	vbroadcast v2, $0xF;
	v37 =	vmul.f32 v35, v34;
	v4 =	vadd.f32 v5, v4  }
0xa9: {  	v44 =	vmul.f32 v42, v41;
	v54 =	vmul.f32 v52, v48;
	v3 =	vadd.f32 v3, v1;
	v1 =	vld [tilespmem:s16+$0x180]  }
0xaa: {  	v56 =	vld.idx.msk [tilespmem:v0+s14+$0x1800 ss:$0x1], $0xffff;
	v58 =	vunpack.i.l.bf16.f32 v50;
	v5 =	vmul.f32 v39, v38;
	v4 =	vadd.f32 v37, v4  }
0xab: {  	v61 =	vunpack.i.u.bf16.f32 v50;
	v60 =	vmul.f32 v58, v2;
	v7 =	vunpack.i.u.bf16.f32 v47  }
0xac: {  	v59 =	vld.idx.msk [tilespmem:v0+s14+$0x1810 ss:$0x1], $0xffff;
	v57 =	vmul.f32 v7, v53;
	v4 =	vadd.f32 v5, v4;
	v3 =	vadd.f32 v54, v3  }
0xad: {  	v55 =	vunpack.i.l.bf16.f32 v47;
	v2 =	vmul.f32 v61, v2;
	v5 =	vmul.f32 v46, v45  }
0xae: {  	v16 =	vld.idx.msk [tilespmem:v0+s14+$0x1830 ss:$0x1], $0xffff;
	v4 =	vadd.f32 v44, v4;
	v3 =	vadd.f32 v57, v3;
	v62 =	vbroadcast v1, $0x0  }
0xaf: {  	v51 =	vmul.f32 v49, v48;
	v63 =	vunpack.i.l.bf16.f32 v56;
	v13 =	vunpack.i.u.bf16.f32 v56;
	v20 =	vld.idx.msk [tilespmem:v0+s14+$0x1840 ss:$0x1], $0xffff  }
0xb0: {  	v23 =	vld.idx.msk [tilespmem:v0+s14+$0x1850 ss:$0x1], $0xffff;
	v4 =	vadd.f32 v5, v4;
	v2 =	vadd.f32 v2, v3;
	v3 =	vmul.f32 v13, v62  }
0xb1: {  	v6 =	vmul.f32 v55, v53;
	v15 =	vunpack.i.l.bf16.f32 v59;
	v14 =	vbroadcast v1, $0x1  }
0xb2: {  	v4 =	vadd.f32 v51, v4;
	v2 =	vadd.f32 v3, v2;
	v3 =	vunpack.i.u.bf16.f32 v59  }
0xb3: {  	v22 =	vunpack.i.l.bf16.f32 v16;
	v18 =	vbroadcast v1, $0x2;
	v3 =	vmul.f32 v3, v14  }
0xb4: {  	v26 =	vunpack.i.l.bf16.f32 v20;
	v27 =	vld.idx.msk [tilespmem:v0+s14+$0x1860 ss:$0x1], $0xffff;
	v4 =	vadd.f32 v6, v4;
	v6 =	vunpack.i.u.bf16.f32 v12  }
0xb5: {  	v29 =	vunpack.i.l.bf16.f32 v23;
	v2 =	vadd.f32 v3, v2;
	v3 =	vmul.f32 v6, v18  }
0xb6: {  	v37 =	vld.idx.msk [tilespmem:v0+s14+$0x1890 ss:$0x1], $0xffff;
	v4 =	vadd.f32 v60, v4;
	v21 =	vbroadcast v1, $0x3;
	v5 =	vmul.f32 v63, v62  }
0xb7: {  	v25 =	vbroadcast v1, $0x4;
	v2 =	vadd.f32 v3, v2;
	v3 =	vunpack.i.u.bf16.f32 v16  }
0xb8: {  	v30 =	vld.idx.msk [tilespmem:v0+s14+$0x1870 ss:$0x1], $0xffff;
	v17 =	vmul.f32 v15, v14;
	v4 =	vadd.f32 v5, v4;
	v3 =	vmul.f32 v3, v21  }
0xb9: {  	v33 =	vunpack.i.l.bf16.f32 v27;
	v9 =	vunpack.i.u.bf16.f32 v20;
	v5 =	vmul.f32 v19, v18  }
0xba: {  	v34 =	vld.idx.msk [tilespmem:v0+s14+$0x1880 ss:$0x1], $0xffff;
	v4 =	vadd.f32 v17, v4;
	v2 =	vadd.f32 v3, v2;
	v3 =	vmul.f32 v9, v25  }
0xbb: {  	v43 =	vunpack.i.l.bf16.f32 v37;
	v28 =	vbroadcast v1, $0x5;
	v24 =	vmul.f32 v22, v21  }
0xbc: {  	v4 =	vadd.f32 v5, v4;
	v2 =	vadd.f32 v3, v2;
	v3 =	vunpack.i.u.bf16.f32 v23  }
0xbd: {  	v36 =	vunpack.i.l.bf16.f32 v30;
	v32 =	vbroadcast v1, $0x6;
	v3 =	vmul.f32 v3, v28  }
0xbe: {  	v44 =	vld.idx.msk [tilespmem:v0+s14+$0x18B0 ss:$0x1], $0xffff;
	v8 =	vunpack.i.u.bf16.f32 v27;
	v5 =	vmul.f32 v26, v25;
	v4 =	vadd.f32 v24, v4  }
0xbf: {  	v40 =	vunpack.i.l.bf16.f32 v34;
	v2 =	vadd.f32 v3, v2;
	v3 =	vmul.f32 v8, v32  }
0xc0: {  	v41 =	vld.idx.msk [tilespmem:v0+s14+$0x18A0 ss:$0x1], $0xffff;
	v35 =	vbroadcast v1, $0x7;
	v31 =	vmul.f32 v29, v28;
	v4 =	vadd.f32 v5, v4  }
0xc1: {  	v39 =	vbroadcast v1, $0x8;
	v2 =	vadd.f32 v3, v2;
	v3 =	vunpack.i.u.bf16.f32 v30  }
0xc2: {  	v48 =	vld.idx.msk [tilespmem:v0+s14+$0x18C0 ss:$0x1], $0xffff;
	v5 =	vmul.f32 v33, v32;
	v4 =	vadd.f32 v31, v4;
	v3 =	vmul.f32 v3, v35  }
0xc3: {  	v7 =	vunpack.i.u.bf16.f32 v34;
	v50 =	vunpack.i.l.bf16.f32 v44;
	v38 =	vmul.f32 v36, v35  }
0xc4: {  	v51 =	vld.idx.msk [tilespmem:v0+s14+$0x18D0 ss:$0x1], $0xffff;
	v4 =	vadd.f32 v5, v4;
	v2 =	vadd.f32 v3, v2;
	v3 =	vmul.f32 v7, v39  }
0xc5: {  	v47 =	vunpack.i.l.bf16.f32 v41;
	v42 =	vbroadcast v1, $0x9;
	v5 =	vmul.f32 v40, v39  }
0xc6: {  	v4 =	vadd.f32 v38, v4;
	v2 =	vadd.f32 v3, v2;
	v3 =	vunpack.i.u.bf16.f32 v37  }
0xc7: {  	v54 =	vunpack.i.l.bf16.f32 v48;
	v46 =	vbroadcast v1, $0xA;
	v3 =	vmul.f32 v3, v42  }
0xc8: {  	v45 =	vmul.f32 v43, v42;
	v9 =	vunpack.i.u.bf16.f32 v41;
	v4 =	vadd.f32 v5, v4  }
0xc9: {  	v57 =	vunpack.i.l.bf16.f32 v51;
	v2 =	vadd.f32 v3, v2;
	v3 =	vmul.f32 v9, v46  }
0xca: {  	v49 =	vbroadcast v1, $0xB;
	v5 =	vmul.f32 v47, v46;
	v4 =	vadd.f32 v45, v4  }
0xcb: {  	v53 =	vbroadcast v1, $0xC;
	v2 =	vadd.f32 v3, v2;
	v3 =	vunpack.i.u.bf16.f32 v44  }
0xcc: {  	v55 =	vld.idx.msk [tilespmem:v0+s14+$0x18E0 ss:$0x1], $0xffff;
	v52 =	vmul.f32 v50, v49;
	v4 =	vadd.f32 v5, v4;
	v3 =	vmul.f32 v3, v49  }
0xcd: {  	v56 =	vbroadcast v1, $0xD;
	v8 =	vunpack.i.u.bf16.f32 v48;
	v5 =	vmul.f32 v54, v53  }
0xce: {  	v58 =	vld.idx.msk [tilespmem:v0+s14+$0x18F0 ss:$0x1], $0xffff;
	v4 =	vadd.f32 v52, v4;
	v2 =	vadd.f32 v3, v2;
	v3 =	vmul.f32 v8, v53  }
0xcf: {  	v60 =	vbroadcast v1, $0xE;
	v59 =	vmul.f32 v57, v56  }
0xd0: {  	v4 =	vadd.f32 v5, v4;
	v2 =	vadd.f32 v3, v2;
	v3 =	vunpack.i.u.bf16.f32 v51  }
0xd1: {  	v61 =	vunpack.i.l.bf16.f32 v55;
	v1 =	vbroadcast v1, $0xF;
	v3 =	vmul.f32 v3, v56  }
0xd2: {  	v7 =	vunpack.i.u.bf16.f32 v55;
	v5 =	vmul.f32 v61, v60;
	v4 =	vadd.f32 v59, v4  }
0xd3: {  	v62 =	vunpack.i.l.bf16.f32 v58;
	v2 =	vadd.f32 v3, v2;
	v3 =	vmul.f32 v7, v60  }
0xd4: {  	p2 =	sne.s32 s1, $0x5C0;
	v63 =	vunpack.i.u.bf16.f32 v58;
	v6 =	vmul.f32 v62, v1;
	v4 =	vadd.f32 v5, v4  }
.Ltmp0:
0xd5: {  	v1 =	vmul.f32 v63, v1;
	v2 =	vadd.f32 v3, v2;
	(pc) =	sbr.rel @p2 .LBB2_3-.Ltmp0, $4  }
0xd6: {  	v3 =	vadd.f32 v6, v4  }
0xd7: {  	v1 =	vadd.f32 v1, v2  }
0xd8: {  	[tilespmem:s31+$0xFFFFFFF0] =	vst v3  }
0xd9: {  	s0 =	sadd.s32 $0x10, s0;
	s1 =	sadd.s32 $0x40, s1;
	[tilespmem:s31+$0x0] =	vst v1;
	s31 =	sadd.s32 $0x20, s31  }
0xda: {  	_ =	swait.ge [sflag:s21], $0x4000  }
0xdb: {  	[sflag:s21] =	ssyncset.done $0x0  }
0xdc: {  	s0 =	simm.s32 $0x600;
	s1 =	simm.s32 $0x180;
	[sflag:s21] =	ssyncadd.s32 $0xFFFFC000  }
.LBB2_5:
0xdd: {  	s14 =	sand.u32 $0xE00, s0  }
0xde: {  	s17 =	sand.u32 $0x70, s1;
	s16 =	sadd.s32 s14, s29  }
0xdf: {  	s14 =	sor.u32 s17, s14;
	s16 =	sadd.s32 s17, s16  }
0xe0: {  	s14 =	sshll.u32 s14, $0x4;
	v2 =	vld [tilespmem:s16+$0x0]  }
0xe1: {  	v1 =	vld.idx.msk [tilespmem:v0+s14+$0x0 ss:$0x1], $0xffff;
	_ =	sdelay $0x1  }
0xe2: {  	v3 =	vld.idx.msk [tilespmem:v0+s14+$0x10 ss:$0x1], $0xffff;
	_ =	sdelay $0x1  }
0xe3: {  	v6 =	vld.idx.msk [tilespmem:v0+s14+$0x20 ss:$0x1], $0xffff;
	v4 =	vbroadcast v2, $0x0  }
0xe4: {  	v5 =	vunpack.i.l.bf16.f32 v1;
	v1 =	vunpack.i.u.bf16.f32 v1  }
0xe5: {  	v7 =	vbroadcast v2, $0x1;
	v1 =	vmul.f32 v1, v4  }
0xe6: {  	v8 =	vld.idx.msk [tilespmem:v0+s14+$0x30 ss:$0x1], $0xffff;
	v47 =	vunpack.i.l.bf16.f32 v3;
	v3 =	vunpack.i.u.bf16.f32 v3  }
0xe7: {  	v9 =	vbroadcast v2, $0x2;
	v3 =	vmul.f32 v3, v7;
	v1 =	vadd.f32 $0.0e+00, v1  }
0xe8: {  	v49 =	vld.idx.msk [tilespmem:v0+s14+$0x40 ss:$0x1], $0xffff;
	v48 =	vunpack.i.l.bf16.f32 v6;
	v6 =	vunpack.i.u.bf16.f32 v6  }
0xe9: {  	v1 =	vadd.f32 v3, v1;
	v3 =	vmul.f32 v6, v9  }
0xea: {  	v10 =	vbroadcast v2, $0x3  }
0xeb: {  	v51 =	vld.idx.msk [tilespmem:v0+s14+$0x50 ss:$0x1], $0xffff;
	v1 =	vadd.f32 v3, v1;
	v3 =	vunpack.i.u.bf16.f32 v8  }
0xec: {  	v55 =	vld.idx.msk [tilespmem:v0+s14+$0x60 ss:$0x1], $0xffff;
	v53 =	vbroadcast v2, $0x4;
	v3 =	vmul.f32 v3, v10  }
0xed: {  	v5 =	vmul.f32 v5, v4;
	v4 =	vmul.f32 v47, v7;
	v7 =	vunpack.i.u.bf16.f32 v49  }
0xee: {  	v58 =	vld.idx.msk [tilespmem:v0+s14+$0x70 ss:$0x1], $0xffff;
	v1 =	vadd.f32 v3, v1;
	v3 =	vmul.f32 v7, v53  }
0xef: {  	v62 =	vld.idx.msk [tilespmem:v0+s14+$0x80 ss:$0x1], $0xffff;
	v50 =	vunpack.i.l.bf16.f32 v8;
	v54 =	vunpack.i.l.bf16.f32 v49;
	v56 =	vbroadcast v2, $0x5  }
0xf0: {  	v57 =	vunpack.i.l.bf16.f32 v51;
	v1 =	vadd.f32 v3, v1;
	v3 =	vunpack.i.u.bf16.f32 v51  }
0xf1: {  	v13 =	vld.idx.msk [tilespmem:v0+s14+$0x90 ss:$0x1], $0xffff;
	v60 =	vbroadcast v2, $0x6;
	v61 =	vunpack.i.l.bf16.f32 v55;
	v3 =	vmul.f32 v3, v56  }
0xf2: {  	v63 =	vbroadcast v2, $0x7;
	v5 =	vadd.f32 $0.0e+00, v5;
	v8 =	vunpack.i.u.bf16.f32 v55  }
0xf3: {  	v12 =	vunpack.i.l.bf16.f32 v58;
	v1 =	vadd.f32 v3, v1;
	v3 =	vmul.f32 v8, v60  }
0xf4: {  	v17 =	vld.idx.msk [tilespmem:v0+s14+$0xA0 ss:$0x1], $0xffff;
	v15 =	vbroadcast v2, $0x8;
	v16 =	vunpack.i.l.bf16.f32 v62;
	v4 =	vadd.f32 v4, v5  }
0xf5: {  	v5 =	vmul.f32 v48, v9;
	v1 =	vadd.f32 v3, v1;
	v3 =	vunpack.i.u.bf16.f32 v58  }
0xf6: {  	v18 =	vbroadcast v2, $0x9;
	v19 =	vunpack.i.l.bf16.f32 v13;
	v3 =	vmul.f32 v3, v63  }
0xf7: {  	v20 =	vld.idx.msk [tilespmem:v0+s14+$0xB0 ss:$0x1], $0xffff;
	v52 =	vmul.f32 v50, v10;
	v9 =	vunpack.i.u.bf16.f32 v62;
	v4 =	vadd.f32 v5, v4  }
0xf8: {  	v22 =	vbroadcast v2, $0xA;
	v1 =	vadd.f32 v3, v1;
	v3 =	vmul.f32 v9, v15  }
0xf9: {  	v24 =	vld.idx.msk [tilespmem:v0+s14+$0xC0 ss:$0x1], $0xffff;
	v23 =	vunpack.i.l.bf16.f32 v17;
	v5 =	vmul.f32 v54, v53;
	v4 =	vadd.f32 v52, v4  }
0xfa: {  	v25 =	vbroadcast v2, $0xB;
	v1 =	vadd.f32 v3, v1;
	v3 =	vunpack.i.u.bf16.f32 v13  }
0xfb: {  	v27 =	vld.idx.msk [tilespmem:v0+s14+$0xD0 ss:$0x1], $0xffff;
	v59 =	vmul.f32 v57, v56;
	v4 =	vadd.f32 v5, v4;
	v3 =	vmul.f32 v3, v18  }
0xfc: {  	v26 =	vunpack.i.l.bf16.f32 v20;
	v7 =	vunpack.i.u.bf16.f32 v17;
	v5 =	vmul.f32 v61, v60  }
0xfd: {  	v4 =	vadd.f32 v59, v4;
	v1 =	vadd.f32 v3, v1;
	v3 =	vmul.f32 v7, v22  }
0xfe: {  	v29 =	vbroadcast v2, $0xC;
	v30 =	vunpack.i.l.bf16.f32 v24;
	v14 =	vmul.f32 v12, v63  }
0xff: {  	v34 =	vld.idx.msk [tilespmem:v0+s14+$0xF0 ss:$0x1], $0xffff;
	v4 =	vadd.f32 v5, v4;
	v1 =	vadd.f32 v3, v1;
	v3 =	vunpack.i.u.bf16.f32 v20  }
0x100: {  	v32 =	vbroadcast v2, $0xD;
	v36 =	vunpack.i.u.bf16.f32 v27;
	v3 =	vmul.f32 v3, v25  }
0x101: {  	v31 =	vld.idx.msk [tilespmem:v0+s14+$0xE0 ss:$0x1], $0xffff;
	v5 =	vmul.f32 v16, v15;
	v8 =	vunpack.i.u.bf16.f32 v24;
	v4 =	vadd.f32 v14, v4  }
0x102: {  	v37 =	vbroadcast v2, $0xE;
	v1 =	vadd.f32 v3, v1;
	v3 =	vmul.f32 v8, v29  }
0x103: {  	v2 =	vbroadcast v2, $0xF;
	v21 =	vmul.f32 v19, v18;
	v4 =	vadd.f32 v5, v4  }
0x104: {  	v42 =	vunpack.i.l.bf16.f32 v34;
	v45 =	vunpack.i.u.bf16.f32 v34;
	v3 =	vadd.f32 v3, v1;
	v1 =	vld [tilespmem:s16+$0x80]  }
0x105: {  	v40 =	vld.idx.msk [tilespmem:v0+s14+$0x800 ss:$0x1], $0xffff;
	v38 =	vmul.f32 v36, v32;
	v5 =	vmul.f32 v23, v22;
	v4 =	vadd.f32 v21, v4  }
0x106: {  	v28 =	vmul.f32 v26, v25;
	v44 =	vmul.f32 v42, v2;
	v9 =	vunpack.i.u.bf16.f32 v31  }
0x107: {  	v41 =	vmul.f32 v9, v37;
	v4 =	vadd.f32 v5, v4;
	v3 =	vadd.f32 v38, v3  }
0x108: {  	v43 =	vld.idx.msk [tilespmem:v0+s14+$0x810 ss:$0x1], $0xffff;
	v33 =	vunpack.i.l.bf16.f32 v27;
	v2 =	vmul.f32 v45, v2;
	v5 =	vmul.f32 v30, v29  }
0x109: {  	v4 =	vadd.f32 v28, v4;
	v3 =	vadd.f32 v41, v3;
	v46 =	vbroadcast v1, $0x0  }
0x10a: {  	v39 =	vunpack.i.l.bf16.f32 v31;
	v35 =	vmul.f32 v33, v32;
	v49 =	vunpack.i.u.bf16.f32 v40;
	v48 =	vld.idx.msk [tilespmem:v0+s14+$0x820 ss:$0x1], $0xffff  }
0x10b: {  	v4 =	vadd.f32 v5, v4;
	v2 =	vadd.f32 v2, v3;
	v3 =	vmul.f32 v49, v46  }
0x10c: {  	v6 =	vmul.f32 v39, v37;
	v50 =	vbroadcast v1, $0x1  }
0x10d: {  	v52 =	vld.idx.msk [tilespmem:v0+s14+$0x830 ss:$0x1], $0xffff;
	v4 =	vadd.f32 v35, v4;
	v2 =	vadd.f32 v3, v2;
	v3 =	vunpack.i.u.bf16.f32 v43  }
0x10e: {  	v56 =	vld.idx.msk [tilespmem:v0+s14+$0x840 ss:$0x1], $0xffff;
	v54 =	vbroadcast v1, $0x2;
	v3 =	vmul.f32 v3, v50  }
0x10f: {  	v59 =	vld.idx.msk [tilespmem:v0+s14+$0x850 ss:$0x1], $0xffff;
	v4 =	vadd.f32 v6, v4;
	v6 =	vunpack.i.u.bf16.f32 v48  }
0x110: {  	v63 =	vld.idx.msk [tilespmem:v0+s14+$0x860 ss:$0x1], $0xffff;
	v2 =	vadd.f32 v3, v2;
	v3 =	vmul.f32 v6, v54  }
0x111: {  	v47 =	vunpack.i.l.bf16.f32 v40;
	v21 =	vld.idx.msk [tilespmem:v0+s14+$0x890 ss:$0x1], $0xffff;
	v57 =	vbroadcast v1, $0x3  }
0x112: {  	v55 =	vunpack.i.l.bf16.f32 v48;
	v2 =	vadd.f32 v3, v2;
	v3 =	vunpack.i.u.bf16.f32 v52  }
0x113: {  	v51 =	vunpack.i.l.bf16.f32 v43;
	v61 =	vbroadcast v1, $0x4;
	v3 =	vmul.f32 v3, v57  }
0x114: {  	v58 =	vunpack.i.l.bf16.f32 v52;
	v14 =	vld.idx.msk [tilespmem:v0+s14+$0x870 ss:$0x1], $0xffff;
	v62 =	vunpack.i.l.bf16.f32 v56;
	v9 =	vunpack.i.u.bf16.f32 v56  }
0x115: {  	v13 =	vunpack.i.l.bf16.f32 v59;
	v2 =	vadd.f32 v3, v2;
	v3 =	vmul.f32 v9, v61  }
0x116: {  	v17 =	vunpack.i.l.bf16.f32 v63;
	v18 =	vld.idx.msk [tilespmem:v0+s14+$0x880 ss:$0x1], $0xffff;
	v27 =	vunpack.i.l.bf16.f32 v21;
	v12 =	vbroadcast v1, $0x5  }
0x117: {  	v16 =	vbroadcast v1, $0x6;
	v2 =	vadd.f32 v3, v2;
	v3 =	vunpack.i.u.bf16.f32 v59  }
0x118: {  	v4 =	vadd.f32 v44, v4;
	v5 =	vmul.f32 v47, v46;
	v3 =	vmul.f32 v3, v12  }
0x119: {  	v28 =	vld.idx.msk [tilespmem:v0+s14+$0x8B0 ss:$0x1], $0xffff;
	v20 =	vunpack.i.l.bf16.f32 v14;
	v8 =	vunpack.i.u.bf16.f32 v63;
	v53 =	vmul.f32 v51, v50  }
0x11a: {  	v25 =	vld.idx.msk [tilespmem:v0+s14+$0x8A0 ss:$0x1], $0xffff;
	v4 =	vadd.f32 v5, v4;
	v2 =	vadd.f32 v3, v2;
	v3 =	vmul.f32 v8, v16  }
0x11b: {  	v24 =	vunpack.i.l.bf16.f32 v18;
	v19 =	vbroadcast v1, $0x7;
	v5 =	vmul.f32 v55, v54  }
0x11c: {  	v4 =	vadd.f32 v53, v4;
	v2 =	vadd.f32 v3, v2;
	v3 =	vunpack.i.u.bf16.f32 v14  }
0x11d: {  	v7 =	vunpack.i.u.bf16.f32 v18;
	v23 =	vbroadcast v1, $0x8;
	v3 =	vmul.f32 v3, v19  }
0x11e: {  	v34 =	vunpack.i.l.bf16.f32 v28;
	v60 =	vmul.f32 v58, v57;
	v4 =	vadd.f32 v5, v4  }
0x11f: {  	v31 =	vunpack.i.l.bf16.f32 v25;
	v2 =	vadd.f32 v3, v2;
	v3 =	vmul.f32 v7, v23  }
0x120: {  	v32 =	vld.idx.msk [tilespmem:v0+s14+$0x8C0 ss:$0x1], $0xffff;
	v26 =	vbroadcast v1, $0x9;
	v5 =	vmul.f32 v62, v61;
	v4 =	vadd.f32 v60, v4  }
0x121: {  	v30 =	vbroadcast v1, $0xA;
	v2 =	vadd.f32 v3, v2;
	v3 =	vunpack.i.u.bf16.f32 v21  }
0x122: {  	v35 =	vld.idx.msk [tilespmem:v0+s14+$0x8D0 ss:$0x1], $0xffff;
	v15 =	vmul.f32 v13, v12;
	v4 =	vadd.f32 v5, v4;
	v3 =	vmul.f32 v3, v26  }
0x123: {  	v33 =	vbroadcast v1, $0xB;
	v5 =	vmul.f32 v17, v16;
	v9 =	vunpack.i.u.bf16.f32 v25  }
0x124: {  	v4 =	vadd.f32 v15, v4;
	v2 =	vadd.f32 v3, v2;
	v3 =	vmul.f32 v9, v30  }
0x125: {  	v38 =	vunpack.i.l.bf16.f32 v32;
	v37 =	vbroadcast v1, $0xC;
	v22 =	vmul.f32 v20, v19  }
0x126: {  	v4 =	vadd.f32 v5, v4;
	v2 =	vadd.f32 v3, v2;
	v3 =	vunpack.i.u.bf16.f32 v28  }
0x127: {  	v42 =	vld.idx.msk [tilespmem:v0+s14+$0x8F0 ss:$0x1], $0xffff;
	v44 =	vunpack.i.u.bf16.f32 v35;
	v40 =	vbroadcast v1, $0xD;
	v3 =	vmul.f32 v3, v33  }
0x128: {  	v39 =	vld.idx.msk [tilespmem:v0+s14+$0x8E0 ss:$0x1], $0xffff;
	v5 =	vmul.f32 v24, v23;
	v8 =	vunpack.i.u.bf16.f32 v32;
	v4 =	vadd.f32 v22, v4  }
0x129: {  	v45 =	vbroadcast v1, $0xE;
	v2 =	vadd.f32 v3, v2;
	v3 =	vmul.f32 v8, v37  }
0x12a: {  	v1 =	vbroadcast v1, $0xF;
	v29 =	vmul.f32 v27, v26;
	v4 =	vadd.f32 v5, v4  }
0x12b: {  	v36 =	vmul.f32 v34, v33;
	v46 =	vmul.f32 v44, v40;
	v3 =	vadd.f32 v3, v2;
	v2 =	vld [tilespmem:s16+$0x100]  }
0x12c: {  	v48 =	vld.idx.msk [tilespmem:v0+s14+$0x1000 ss:$0x1], $0xffff;
	v50 =	vunpack.i.l.bf16.f32 v42;
	v5 =	vmul.f32 v31, v30;
	v4 =	vadd.f32 v29, v4  }
0x12d: {  	v53 =	vunpack.i.u.bf16.f32 v42;
	v52 =	vmul.f32 v50, v1;
	v7 =	vunpack.i.u.bf16.f32 v39  }
0x12e: {  	v49 =	vmul.f32 v7, v45;
	v4 =	vadd.f32 v5, v4;
	v3 =	vadd.f32 v46, v3  }
0x12f: {  	v41 =	vunpack.i.l.bf16.f32 v35;
	v51 =	vld.idx.msk [tilespmem:v0+s14+$0x1010 ss:$0x1], $0xffff;
	v1 =	vmul.f32 v53, v1;
	v5 =	vmul.f32 v38, v37  }
0x130: {  	v4 =	vadd.f32 v36, v4;
	v3 =	vadd.f32 v49, v3;
	v54 =	vbroadcast v2, $0x0  }
0x131: {  	v56 =	vld.idx.msk [tilespmem:v0+s14+$0x1020 ss:$0x1], $0xffff;
	v47 =	vunpack.i.l.bf16.f32 v39;
	v43 =	vmul.f32 v41, v40;
	v57 =	vunpack.i.u.bf16.f32 v48  }
0x132: {  	v60 =	vld.idx.msk [tilespmem:v0+s14+$0x1030 ss:$0x1], $0xffff;
	v4 =	vadd.f32 v5, v4;
	v1 =	vadd.f32 v1, v3;
	v3 =	vmul.f32 v57, v54  }
0x133: {  	v6 =	vmul.f32 v47, v45;
	v15 =	vld.idx.msk [tilespmem:v0+s14+$0x1050 ss:$0x1], $0xffff;
	v58 =	vbroadcast v2, $0x1  }
0x134: {  	v12 =	vld.idx.msk [tilespmem:v0+s14+$0x1040 ss:$0x1], $0xffff;
	v4 =	vadd.f32 v43, v4;
	v1 =	vadd.f32 v3, v1;
	v3 =	vunpack.i.u.bf16.f32 v51  }
0x135: {  	v22 =	vld.idx.msk [tilespmem:v0+s14+$0x1070 ss:$0x1], $0xffff;
	v62 =	vbroadcast v2, $0x2;
	v3 =	vmul.f32 v3, v58  }
0x136: {  	v19 =	vld.idx.msk [tilespmem:v0+s14+$0x1060 ss:$0x1], $0xffff;
	v4 =	vadd.f32 v6, v4;
	v6 =	vunpack.i.u.bf16.f32 v56  }
0x137: {  	v63 =	vunpack.i.l.bf16.f32 v56;
	v29 =	vld.idx.msk [tilespmem:v0+s14+$0x1090 ss:$0x1], $0xffff;
	v1 =	vadd.f32 v3, v1;
	v3 =	vmul.f32 v6, v62  }
0x138: {  	v55 =	vunpack.i.l.bf16.f32 v48;
	v59 =	vunpack.i.l.bf16.f32 v51;
	v26 =	vld.idx.msk [tilespmem:v0+s14+$0x1080 ss:$0x1], $0xffff;
	v13 =	vbroadcast v2, $0x3  }
0x139: {  	v14 =	vunpack.i.l.bf16.f32 v60;
	v1 =	vadd.f32 v3, v1;
	v3 =	vunpack.i.u.bf16.f32 v60  }
0x13a: {  	v18 =	vunpack.i.l.bf16.f32 v12;
	v17 =	vbroadcast v2, $0x4;
	v3 =	vmul.f32 v3, v13  }
0x13b: {  	v21 =	vunpack.i.l.bf16.f32 v15;
	v25 =	vunpack.i.l.bf16.f32 v19;
	v9 =	vunpack.i.u.bf16.f32 v12  }
0x13c: {  	v35 =	vunpack.i.l.bf16.f32 v29;
	v1 =	vadd.f32 v3, v1;
	v3 =	vmul.f32 v9, v17  }
0x13d: {  	v36 =	vld.idx.msk [tilespmem:v0+s14+$0x10B0 ss:$0x1], $0xffff;
	v28 =	vunpack.i.l.bf16.f32 v22;
	v32 =	vunpack.i.l.bf16.f32 v26;
	v20 =	vbroadcast v2, $0x5  }
0x13e: {  	v24 =	vbroadcast v2, $0x6;
	v1 =	vadd.f32 v3, v1;
	v3 =	vunpack.i.u.bf16.f32 v15  }
0x13f: {  	v12 =	vld.idx.msk [tilespmem:v0+s14+$0x1820 ss:$0x1], $0xffff;
	v4 =	vadd.f32 v52, v4;
	v5 =	vmul.f32 v55, v54;
	v3 =	vmul.f32 v3, v20  }
0x140: {  	v33 =	vld.idx.msk [tilespmem:v0+s14+$0x10A0 ss:$0x1], $0xffff;
	v7 =	vunpack.i.u.bf16.f32 v26;
	v8 =	vunpack.i.u.bf16.f32 v19;
	v61 =	vmul.f32 v59, v58  }
0x141: {  	v43 =	vld.idx.msk [tilespmem:v0+s14+$0x10D0 ss:$0x1], $0xffff;
	v4 =	vadd.f32 v5, v4;
	v1 =	vadd.f32 v3, v1;
	v3 =	vmul.f32 v8, v24  }
0x142: {  	v42 =	vunpack.i.l.bf16.f32 v36;
	v27 =	vbroadcast v2, $0x7;
	v5 =	vmul.f32 v63, v62  }
0x143: {  	v4 =	vadd.f32 v61, v4;
	v1 =	vadd.f32 v3, v1;
	v3 =	vunpack.i.u.bf16.f32 v22  }
0x144: {  	v19 =	vunpack.i.l.bf16.f32 v12;
	v31 =	vbroadcast v2, $0x8;
	v3 =	vmul.f32 v3, v27  }
0x145: {  	v39 =	vunpack.i.l.bf16.f32 v33;
	v16 =	vmul.f32 v14, v13;
	v4 =	vadd.f32 v5, v4  }
0x146: {  	v52 =	vunpack.i.u.bf16.f32 v43;
	v1 =	vadd.f32 v3, v1;
	v3 =	vmul.f32 v7, v31  }
0x147: {  	v40 =	vld.idx.msk [tilespmem:v0+s14+$0x10C0 ss:$0x1], $0xffff;
	v34 =	vbroadcast v2, $0x9;
	v5 =	vmul.f32 v18, v17;
	v4 =	vadd.f32 v16, v4  }
0x148: {  	v38 =	vbroadcast v2, $0xA;
	v1 =	vadd.f32 v3, v1;
	v3 =	vunpack.i.u.bf16.f32 v29  }
0x149: {  	v23 =	vmul.f32 v21, v20;
	v4 =	vadd.f32 v5, v4;
	v3 =	vmul.f32 v3, v34  }
0x14a: {  	v41 =	vbroadcast v2, $0xB;
	v5 =	vmul.f32 v25, v24;
	v9 =	vunpack.i.u.bf16.f32 v33  }
0x14b: {  	v4 =	vadd.f32 v23, v4;
	v1 =	vadd.f32 v3, v1;
	v3 =	vmul.f32 v9, v38  }
0x14c: {  	v46 =	vunpack.i.l.bf16.f32 v40;
	v45 =	vbroadcast v2, $0xC;
	v30 =	vmul.f32 v28, v27  }
0x14d: {  	v4 =	vadd.f32 v5, v4;
	v1 =	vadd.f32 v3, v1;
	v3 =	vunpack.i.u.bf16.f32 v36  }
0x14e: {  	v50 =	vld.idx.msk [tilespmem:v0+s14+$0x10F0 ss:$0x1], $0xffff;
	v49 =	vunpack.i.l.bf16.f32 v43;
	v48 =	vbroadcast v2, $0xD;
	v3 =	vmul.f32 v3, v41  }
0x14f: {  	v47 =	vld.idx.msk [tilespmem:v0+s14+$0x10E0 ss:$0x1], $0xffff;
	v5 =	vmul.f32 v32, v31;
	v8 =	vunpack.i.u.bf16.f32 v40;
	v4 =	vadd.f32 v30, v4  }
0x150: {  	v53 =	vbroadcast v2, $0xE;
	v1 =	vadd.f32 v3, v1;
	v3 =	vmul.f32 v8, v45  }
0x151: {  	v2 =	vbroadcast v2, $0xF;
	v37 =	vmul.f32 v35, v34;
	v4 =	vadd.f32 v5, v4  }
0x152: {  	v44 =	vmul.f32 v42, v41;
	v54 =	vmul.f32 v52, v48;
	v3 =	vadd.f32 v3, v1;
	v1 =	vld [tilespmem:s16+$0x180]  }
0x153: {  	v56 =	vld.idx.msk [tilespmem:v0+s14+$0x1800 ss:$0x1], $0xffff;
	v58 =	vunpack.i.l.bf16.f32 v50;
	v5 =	vmul.f32 v39, v38;
	v4 =	vadd.f32 v37, v4  }
0x154: {  	v61 =	vunpack.i.u.bf16.f32 v50;
	v60 =	vmul.f32 v58, v2;
	v7 =	vunpack.i.u.bf16.f32 v47  }
0x155: {  	v59 =	vld.idx.msk [tilespmem:v0+s14+$0x1810 ss:$0x1], $0xffff;
	v57 =	vmul.f32 v7, v53;
	v4 =	vadd.f32 v5, v4;
	v3 =	vadd.f32 v54, v3  }
0x156: {  	v55 =	vunpack.i.l.bf16.f32 v47;
	v2 =	vmul.f32 v61, v2;
	v5 =	vmul.f32 v46, v45  }
0x157: {  	v16 =	vld.idx.msk [tilespmem:v0+s14+$0x1830 ss:$0x1], $0xffff;
	v4 =	vadd.f32 v44, v4;
	v3 =	vadd.f32 v57, v3;
	v62 =	vbroadcast v1, $0x0  }
0x158: {  	v51 =	vmul.f32 v49, v48;
	v63 =	vunpack.i.l.bf16.f32 v56;
	v13 =	vunpack.i.u.bf16.f32 v56;
	v20 =	vld.idx.msk [tilespmem:v0+s14+$0x1840 ss:$0x1], $0xffff  }
0x159: {  	v23 =	vld.idx.msk [tilespmem:v0+s14+$0x1850 ss:$0x1], $0xffff;
	v4 =	vadd.f32 v5, v4;
	v2 =	vadd.f32 v2, v3;
	v3 =	vmul.f32 v13, v62  }
0x15a: {  	v6 =	vmul.f32 v55, v53;
	v15 =	vunpack.i.l.bf16.f32 v59;
	v14 =	vbroadcast v1, $0x1  }
0x15b: {  	v4 =	vadd.f32 v51, v4;
	v2 =	vadd.f32 v3, v2;
	v3 =	vunpack.i.u.bf16.f32 v59  }
0x15c: {  	v22 =	vunpack.i.l.bf16.f32 v16;
	v18 =	vbroadcast v1, $0x2;
	v3 =	vmul.f32 v3, v14  }
0x15d: {  	v26 =	vunpack.i.l.bf16.f32 v20;
	v27 =	vld.idx.msk [tilespmem:v0+s14+$0x1860 ss:$0x1], $0xffff;
	v4 =	vadd.f32 v6, v4;
	v6 =	vunpack.i.u.bf16.f32 v12  }
0x15e: {  	v29 =	vunpack.i.l.bf16.f32 v23;
	v2 =	vadd.f32 v3, v2;
	v3 =	vmul.f32 v6, v18  }
0x15f: {  	v37 =	vld.idx.msk [tilespmem:v0+s14+$0x1890 ss:$0x1], $0xffff;
	v4 =	vadd.f32 v60, v4;
	v21 =	vbroadcast v1, $0x3;
	v5 =	vmul.f32 v63, v62  }
0x160: {  	v25 =	vbroadcast v1, $0x4;
	v2 =	vadd.f32 v3, v2;
	v3 =	vunpack.i.u.bf16.f32 v16  }
0x161: {  	v30 =	vld.idx.msk [tilespmem:v0+s14+$0x1870 ss:$0x1], $0xffff;
	v17 =	vmul.f32 v15, v14;
	v4 =	vadd.f32 v5, v4;
	v3 =	vmul.f32 v3, v21  }
0x162: {  	v33 =	vunpack.i.l.bf16.f32 v27;
	v9 =	vunpack.i.u.bf16.f32 v20;
	v5 =	vmul.f32 v19, v18  }
0x163: {  	v34 =	vld.idx.msk [tilespmem:v0+s14+$0x1880 ss:$0x1], $0xffff;
	v4 =	vadd.f32 v17, v4;
	v2 =	vadd.f32 v3, v2;
	v3 =	vmul.f32 v9, v25  }
0x164: {  	v43 =	vunpack.i.l.bf16.f32 v37;
	v28 =	vbroadcast v1, $0x5;
	v24 =	vmul.f32 v22, v21  }
0x165: {  	v4 =	vadd.f32 v5, v4;
	v2 =	vadd.f32 v3, v2;
	v3 =	vunpack.i.u.bf16.f32 v23  }
0x166: {  	v36 =	vunpack.i.l.bf16.f32 v30;
	v32 =	vbroadcast v1, $0x6;
	v3 =	vmul.f32 v3, v28  }
0x167: {  	v44 =	vld.idx.msk [tilespmem:v0+s14+$0x18B0 ss:$0x1], $0xffff;
	v8 =	vunpack.i.u.bf16.f32 v27;
	v5 =	vmul.f32 v26, v25;
	v4 =	vadd.f32 v24, v4  }
0x168: {  	v40 =	vunpack.i.l.bf16.f32 v34;
	v2 =	vadd.f32 v3, v2;
	v3 =	vmul.f32 v8, v32  }
0x169: {  	v41 =	vld.idx.msk [tilespmem:v0+s14+$0x18A0 ss:$0x1], $0xffff;
	v35 =	vbroadcast v1, $0x7;
	v31 =	vmul.f32 v29, v28;
	v4 =	vadd.f32 v5, v4  }
0x16a: {  	v39 =	vbroadcast v1, $0x8;
	v2 =	vadd.f32 v3, v2;
	v3 =	vunpack.i.u.bf16.f32 v30  }
0x16b: {  	v48 =	vld.idx.msk [tilespmem:v0+s14+$0x18C0 ss:$0x1], $0xffff;
	v5 =	vmul.f32 v33, v32;
	v4 =	vadd.f32 v31, v4;
	v3 =	vmul.f32 v3, v35  }
0x16c: {  	v7 =	vunpack.i.u.bf16.f32 v34;
	v50 =	vunpack.i.l.bf16.f32 v44;
	v38 =	vmul.f32 v36, v35  }
0x16d: {  	v51 =	vld.idx.msk [tilespmem:v0+s14+$0x18D0 ss:$0x1], $0xffff;
	v4 =	vadd.f32 v5, v4;
	v2 =	vadd.f32 v3, v2;
	v3 =	vmul.f32 v7, v39  }
0x16e: {  	v47 =	vunpack.i.l.bf16.f32 v41;
	v42 =	vbroadcast v1, $0x9;
	v5 =	vmul.f32 v40, v39  }
0x16f: {  	v4 =	vadd.f32 v38, v4;
	v2 =	vadd.f32 v3, v2;
	v3 =	vunpack.i.u.bf16.f32 v37  }
0x170: {  	v54 =	vunpack.i.l.bf16.f32 v48;
	v46 =	vbroadcast v1, $0xA;
	v3 =	vmul.f32 v3, v42  }
0x171: {  	v45 =	vmul.f32 v43, v42;
	v9 =	vunpack.i.u.bf16.f32 v41;
	v4 =	vadd.f32 v5, v4  }
0x172: {  	v57 =	vunpack.i.l.bf16.f32 v51;
	v2 =	vadd.f32 v3, v2;
	v3 =	vmul.f32 v9, v46  }
0x173: {  	v49 =	vbroadcast v1, $0xB;
	v5 =	vmul.f32 v47, v46;
	v4 =	vadd.f32 v45, v4  }
0x174: {  	v53 =	vbroadcast v1, $0xC;
	v2 =	vadd.f32 v3, v2;
	v3 =	vunpack.i.u.bf16.f32 v44  }
0x175: {  	v55 =	vld.idx.msk [tilespmem:v0+s14+$0x18E0 ss:$0x1], $0xffff;
	v52 =	vmul.f32 v50, v49;
	v4 =	vadd.f32 v5, v4;
	v3 =	vmul.f32 v3, v49  }
0x176: {  	v56 =	vbroadcast v1, $0xD;
	v8 =	vunpack.i.u.bf16.f32 v48;
	v5 =	vmul.f32 v54, v53  }
0x177: {  	v58 =	vld.idx.msk [tilespmem:v0+s14+$0x18F0 ss:$0x1], $0xffff;
	v4 =	vadd.f32 v52, v4;
	v2 =	vadd.f32 v3, v2;
	v3 =	vmul.f32 v8, v53  }
0x178: {  	v60 =	vbroadcast v1, $0xE;
	v59 =	vmul.f32 v57, v56  }
0x179: {  	v4 =	vadd.f32 v5, v4;
	v2 =	vadd.f32 v3, v2;
	v3 =	vunpack.i.u.bf16.f32 v51  }
0x17a: {  	v61 =	vunpack.i.l.bf16.f32 v55;
	v1 =	vbroadcast v1, $0xF;
	v3 =	vmul.f32 v3, v56  }
0x17b: {  	v7 =	vunpack.i.u.bf16.f32 v55;
	v5 =	vmul.f32 v61, v60;
	v4 =	vadd.f32 v59, v4  }
0x17c: {  	v62 =	vunpack.i.l.bf16.f32 v58;
	v2 =	vadd.f32 v3, v2;
	v3 =	vmul.f32 v7, v60  }
0x17d: {  	p2 =	sne.s32 s0, $0x9C0;
	v63 =	vunpack.i.u.bf16.f32 v58;
	v6 =	vmul.f32 v62, v1;
	v4 =	vadd.f32 v5, v4  }
.Ltmp1:
0x17e: {  	v1 =	vmul.f32 v63, v1;
	v2 =	vadd.f32 v3, v2;
	(pc) =	sbr.rel @p2 .LBB2_5-.Ltmp1, $4  }
0x17f: {  	v3 =	vadd.f32 v6, v4  }
0x180: {  	v1 =	vadd.f32 v1, v2  }
0x181: {  	[tilespmem:s26+$0xFFFFFFF0] =	vst v3  }
0x182: {  	s1 =	sadd.s32 $0x10, s1;
	s0 =	sadd.s32 $0x40, s0;
	[tilespmem:s26+$0x0] =	vst v1;
	s26 =	sadd.s32 $0x20, s26  }
0x183: {  	s0 =	sshll.u32 s28, $0x5  }
0x184: {  	s0 =	sadd.s32 s3, s0  }
0x185: {  	[hbm4b:s0+s4] =	stream.linear.scatter [tilespmem:s30], [sflag:$0x2], $0x500, $0x38;
	[tilespmem:$0x17200] =	vst v63  }
0x186: {  	s1 =	simm.s32 @!p1 $0x0;
	s0 =	sadd.s32 @!p1 s6, s25  }
0x187: {  	[tilespmem:s29], [sflag:$0x3] =	stream.linear.gather @!p1 [hbm4b:s0+s1], $0xA00, $0x38;
	[tilespmem:$0x17200] =	vst v63  }
0x188: {  	p1 =	sne.s32 s24, $0x44  }
.Ltmp2:
0x189: {  	_ = 	snop;
	(pc) =	sbr.rel @p1 .LBB2_2-.Ltmp2, $2  }
0x18a: {  	_ =	sdelay $0x2  }
0x18b: {  	p0 =	por !p0, !p0  }
0x18c: {  	s23 =	sadd.s32 $0x1, s23  }
0x18d: {  	_ =	swait.ge [sflag:s22], $0x500;
	p0 =	sne.s32 s23, s12  }
.Ltmp3:
0x18e: {  	[sflag:s22] =	ssyncset.done $0x0;
	(pc) =	sbr.rel @p0 .LBB2_1-.Ltmp3, $4  }
0x18f: {  	[sflag:s22] =	ssyncadd.s32 $0xFFFFFB00  }
0x190: {  	_ =	swait.ge [sflag:s22], $0x500  }
0x191: {  	[sflag:s22] =	ssyncset.done $0x0  }
0x192: {  	[sflag:s22] =	ssyncadd.s32 $0xFFFFFB00  }
0x193: {  	_ =	sfence.sel $0x180000  }
0x194: {  	[bflag:$0x0] =	sbarrier.arrive $0xFFFF  }
0x195: {  	_ =	strace $0x90000047  }
0x196: {  	s0 =	stileid.u32;
	[bflag:$0x2] =	sbarrier.arrive $0xFFFF  }
0x197: {  	p0 =	sne.s32 s0, $0x0;
	s0 =	rddreg [dreg:$0x2]  }
0x198: {  	s0 =	sadd.s32 @!p0 $0x100000, s0  }
0x199: {  	[sflag:s0] =	ssyncadd.tile.s32 @!p0 $0x1;
	_ =	shalt  }
.Lfunc_end2:
_tile_overlayer_lowered:
.L_overlay_start_2:
0x19a: {  	(tag) =	ssettag $0x2  }
0x19b: {  	s0 =	rddreg [dreg:$0x0];
	s2 =	stileid.u32  }
0x19c: {  	s1 =	rddreg [dreg:$0x1];
	p0 =	sne.s32 s2, $0x0  }
0x19d: {  	s3 =	rddreg [dreg:$0x2];
	[bflag:$0x3] =	sbarrier.arrive $0xFFFF;
	s2 =	simm.s32 @!p0 $0x1C04  }
0x19e: {  	[timem:s3], [sflag:s2] =	dma.local @!p0 [hbm:s0], s1  }
0x19f: {  	s0 =	simm.s32 @!p0 $0x4  }
0x1a0: {  	_ =	swait.ge @!p0 [sflag:s0], s1  }
0x1a1: {  	s1 =	ssub.s32 @!p0 $0x0, s1;
	[sflag:s0] =	ssyncset.done @!p0 $0x0  }
0x1a2: {  	[sflag:s0] =	ssyncadd.s32 @!p0 s1  }
0x1a3: {  	[bflag:$0x3] =	sbarrier.arrive $0xFFFF  }
0x1a4: {  	_ =	shalt  }

</sc_bundles>
